<compile_context>
chip_gen: v7x
topology: tpu7x:2x2x1
jax: 0.10.2.dev20260603
libtpu: 0.0.44.dev20260713+nightly
codegen_flags: <defaults>
</compile_context>

<pallas_src>
import functools

import numpy as np
import jax
import jax.numpy as jnp
from jax import lax
from jax.experimental import pallas as pl
from jax.experimental.pallas import tpu as pltpu
from jax.experimental.pallas import tpu_sc as plsc

_NB = 9
_H = 512
_W = 512
_CELL = 128
_NCELL = 16
_PX = _CELL * _CELL
_TANS = tuple(float(np.tan(np.radians(-70.0 + 20.0 * k))) for k in range(8))


def _conv_mag_bin_kernel(x_ref, out_ref):
    for s in range(x_ref.shape[0]):
        _conv_mag_bin_one(x_ref, out_ref, s)


def _conv_mag_bin_one(x_ref, out_ref, s):
    img = x_ref[s]
    H, W = img.shape
    zrow = jnp.zeros((1, W), jnp.float32)
    zcol = jnp.zeros((H, 1), jnp.float32)

    def sd(a):
        return jnp.concatenate([zrow, a[:-1, :]], axis=0)

    def su(a):
        return jnp.concatenate([a[1:, :], zrow], axis=0)

    def sr(a):
        return jnp.concatenate([zcol, a[:, :-1]], axis=1)

    def sl(a):
        return jnp.concatenate([a[:, 1:], zcol], axis=1)

    lap = sd(img) + su(img) + sr(img) + sl(img) - 4.0 * img
    a = sl(lap)
    b = sr(lap)
    m = a - b
    n = a + b + 2.0 * lap
    gx = sd(m) + 2.0 * m + su(m)
    gy = su(n) - sd(n)

    mag = jnp.sqrt(gx * gx + gy * gy + 1e-8)
    t = gy / gx
    t0, t1, t2, t3, t4, t5, t6, t7 = _TANS
    b3 = t >= t3
    bm2 = t >= jnp.where(b3, t5, t1)
    thr1 = jnp.where(b3, jnp.where(bm2, t6, t4), jnp.where(bm2, t2, t0))
    bm1 = t >= thr1
    cnt = (jnp.where(b3, 4, 0) + jnp.where(bm2, 2, 0)
           + jnp.where(bm1, 1, 0) + jnp.where(t >= t7, 1, 0))

    packed = ((mag * 16384.0 + 0.5).astype(jnp.int32) << 4) | cnt
    for r in range(4):
        for c in range(4):
            out_ref[s * _NCELL + r * 4 + c] = packed[
                r * _CELL:(r + 1) * _CELL, c * _CELL:(c + 1) * _CELL]


def _sc_hist_body(nc, ncpw, packed_hbm, out_hbm, buf0, buf1, acc, sem0, sem1):
    w = lax.axis_index("s") * nc + lax.axis_index("c")
    lanes = lax.iota(jnp.int32, 16)
    base = w * ncpw
    bufs = (buf0, buf1)
    sems = (sem0, sem1)

    pltpu.async_copy(packed_hbm.at[base], buf0, sem0)
    pltpu.async_copy(packed_hbm.at[base + 1], buf1, sem1)

    def pair_body(p, carry):
        for b in range(2):
            i = 2 * p + b
            f = base + i
            buf = bufs[b]
            pltpu.make_async_copy(packed_hbm.at[0], buf, sems[b]).wait()
            for bb in range(_NB):
                acc[pl.ds(bb * 16, 16)] = jnp.zeros((16,), jnp.float32)

            def row_body(r, c2, buf=buf):
                vs = []
                for rr in range(2):
                    for g in range(8):
                        vs.append(buf[2 * r + rr, pl.ds(g * 16, 16)])
                idxs = [((v & 15) << 4) | lanes for v in vs]
                vals = [(v >> 4).astype(jnp.float32) for v in vs]
                for idx, val in zip(idxs, vals):
                    plsc.addupdate_scatter(acc, [idx], val)
                return c2

            lax.fori_loop(0, _CELL // 2, row_body, 0)
            pltpu.sync_copy(acc, out_hbm.at[f])

            @pl.when(i + 2 < ncpw)
            def _():
                pltpu.async_copy(packed_hbm.at[f + 2], buf, sems[b])
        return carry

    lax.fori_loop(0, ncpw // 2, pair_body, 0)


def _collapse_norm_kernel(h_ref, out_ref):
    x = h_ref[...]
    ii = lax.broadcasted_iota(jnp.int32, (144, _NB), 0)
    bb = lax.broadcasted_iota(jnp.int32, (144, _NB), 1)
    w = jnp.where((ii // 16) == bb, 1.0 / 16384.0, 0.0).astype(jnp.float32)
    h2 = jnp.dot(x, w, preferred_element_type=jnp.float32)
    h2 = h2.reshape(64, _NCELL, _NB)
    lvl1 = []
    for base in (0, 2, 8, 10):
        lvl1.append(h2[:, base:base + 1] + h2[:, base + 1:base + 2]
                    + h2[:, base + 4:base + 5] + h2[:, base + 5:base + 6])
    lvl0 = lvl1[0] + lvl1[1] + lvl1[2] + lvl1[3]
    h = jnp.concatenate([lvl0] + lvl1 + [h2], axis=1)
    s = jnp.sum(h, axis=-1, keepdims=True)
    h1 = h / (s + 1e-8)
    nrm = jnp.sqrt(jnp.sum(h1 * h1, axis=-1, keepdims=True))
    hn = h1 / jnp.maximum(nrm, 1e-12)
    hp = jnp.concatenate(
        [hn[..., (b + 4) % _NB:(b + 4) % _NB + 1] for b in range(_NB)],
        axis=-1)
    l0 = hp[:, 0:1, :].reshape(4, 16, _NB)
    l1 = hp[:, 1:5, :].reshape(4, 64, _NB)
    l2 = hp[:, 5:21, :].reshape(4, 256, _NB)
    out_ref[:, 0] = jnp.concatenate([l0, l1, l2], axis=1)


def _sc_hist(packed_flat):
    info = plsc.get_sparse_core_info()
    nworkers = info.num_cores * info.num_subcores
    rows = packed_flat.shape[0]
    mesh = plsc.VectorSubcoreMesh(core_axis_name="c", subcore_axis_name="s")
    fn = pl.kernel(
        functools.partial(_sc_hist_body, info.num_cores, rows // nworkers),
        out_type=jax.ShapeDtypeStruct((rows, 144), jnp.float32),
        mesh=mesh,
        scratch_types=[
            pltpu.VMEM((_CELL, _CELL), jnp.int32),
            pltpu.VMEM((_CELL, _CELL), jnp.int32),
            pltpu.VMEM((144,), jnp.float32),
            pltpu.SemaphoreType.DMA,
            pltpu.SemaphoreType.DMA,
        ],
        compiler_params=pltpu.CompilerParams(needs_layout_passes=False),
    )
    return fn(packed_flat)


def kernel(x, lap_k, sx_k, sy_k):
    B, C, H, W = x.shape
    bc = B * C
    xr = x.reshape(bc, H, W)
    sizes = (20, 20, 20, 4)
    base = 0
    hs = []
    for sz in sizes:
        packed = pl.pallas_call(
            _conv_mag_bin_kernel,
            grid=(sz,),
            in_specs=[pl.BlockSpec((1, H, W),
                                   lambda i, base=base: (base + i, 0, 0))],
            out_specs=pl.BlockSpec((_NCELL, _CELL, _CELL),
                                   lambda i: (i, 0, 0)),
            out_shape=jax.ShapeDtypeStruct((sz * _NCELL, _CELL, _CELL),
                                           jnp.int32),
        )(xr)
        hs.append(_sc_hist(packed))
        base += sz
    hist144 = jnp.concatenate(hs, axis=0)
    return pl.pallas_call(
        _collapse_norm_kernel,
        out_shape=jax.ShapeDtypeStruct((B, 1, 336, _NB), jnp.float32),
    )(hist144)

# --- scband reference (transcript-rebuilt; emitter-appended) ---
"""Pipeline reference for scband-phoglayer-60636348285742 (READ-ONLY COPY).

The authoritative reference and input builder live on the scoring server;
editing this copy changes nothing except your own understanding.
"""

import jax, jax.numpy as jnp
import numpy as np

NUM_BINS = 9
LEVELS = 3
IN_CHANNELS = 16


def _kernels():
    lap = jnp.array([[0.0, 1.0, 0.0], [1.0, -4.0, 1.0], [0.0, 1.0, 0.0]], dtype=jnp.float32).reshape(1, 1, 3, 3)
    sx = jnp.array([[-1.0, 0.0, 1.0], [-2.0, 0.0, 2.0], [-1.0, 0.0, 1.0]], dtype=jnp.float32).reshape(1, 1, 3, 3)
    sy = jnp.array([[-1.0, -2.0, -1.0], [0.0, 0.0, 0.0], [1.0, 2.0, 1.0]], dtype=jnp.float32).reshape(1, 1, 3, 3)
    tile = lambda k: jnp.tile(k, (IN_CHANNELS, 1, 1, 1))
    return tile(lap), tile(sx), tile(sy)


def _dwconv(x, k):
    return jax.lax.conv_general_dilated(
        x, k, window_strides=(1, 1), padding=((1, 1), (1, 1)),
        dimension_numbers=('NCHW', 'OIHW', 'NCHW'),
        feature_group_count=x.shape[1])


def setup_inputs(seed: int = 0) -> dict:
    key = jax.random.key(seed)
    x = jax.random.normal(key, (4, 16, 512, 512), dtype=jnp.float32)
    lap_k, sx_k, sy_k = _kernels()
    return {'x': x, 'lap_k': lap_k, 'sx_k': sx_k, 'sy_k': sy_k}


def reference(x, lap_k, sx_k, sy_k):
    B, C, H, W = x.shape
    eps = 1e-08
    levels = min(LEVELS, int(np.log2(min(H, W))))
    lap = _dwconv(x, lap_k)
    gx = _dwconv(lap, sx_k)
    gy = _dwconv(lap, sy_k)
    mag = jnp.sqrt(gx * gx + gy * gy + eps)
    ang = jnp.arctan2(gy, gx) * (180.0 / np.pi)
    ang = jnp.remainder(ang, 180.0)
    bin_size = 180.0 / float(NUM_BINS)
    bins = jnp.floor((ang + 0.5 * bin_size) / bin_size).astype(jnp.int32) % NUM_BINS
    BC = B * C
    mag_bc = mag.reshape(BC, H * W)
    bins_bc = bins.reshape(BC, H * W)
    all_hist = []
    row_ids = jnp.arange(BC)[:, None]
    for lvl in range(levels):
        cells_side = 2 ** lvl
        cell_h = H // cells_side
        cell_w = W // cells_side
        Wc = W // cell_w
        rows = jnp.arange(H) // cell_h
        cols = jnp.arange(W) // cell_w
        cell_id = (rows[:, None] * Wc + cols[None, :]).astype(jnp.int32).reshape(-1)
        num_cells = cells_side * cells_side
        idx = cell_id[None, :] * NUM_BINS + bins_bc
        hist_flat = jnp.zeros((BC, num_cells * NUM_BINS), dtype=mag_bc.dtype).at[row_ids, idx].add(mag_bc)
        hist = hist_flat.reshape(BC, num_cells, NUM_BINS)
        hist = hist / (jnp.sum(hist, axis=-1, keepdims=True) + eps)
        n = jnp.sqrt(jnp.sum(hist * hist, axis=-1, keepdims=True))
        hist = hist / jnp.maximum(n, 1e-12)
        all_hist.append(hist.reshape(B, C, num_cells, NUM_BINS).reshape(B, C * num_cells, NUM_BINS))
    out = jnp.concatenate(all_hist, axis=1)[:, None, :, :]
    return out

if __name__ == "__main__":
    import jax
    _d = setup_inputs()
    print(jax.jit(kernel)(*tuple(_d.values())))

</pallas_src>

<mosaic_0001>
#map = affine_map<(d0, d1) -> (0, 0, 0)>
#map1 = affine_map<(d0, d1) -> (0, 0)>
module attributes {stable_mosaic.version = 14 : i64} {
  func.func @_sc_hist_body(%arg0: i32, %arg1: i32, %arg2: memref<320x128x128xi32, #tpu.memory_space<hbm>>, %arg3: memref<320x144xf32, #tpu.memory_space<hbm>>, %arg4: memref<128x128xi32, #tpu.memory_space<vmem>>, %arg5: memref<128x128xi32, #tpu.memory_space<vmem>>, %arg6: memref<144xf32, #tpu.memory_space<vmem>>, %arg7: memref<!tpu.dma_semaphore, #tpu.memory_space<semaphore_mem>>, %arg8: memref<!tpu.dma_semaphore, #tpu.memory_space<semaphore_mem>>) attributes {dimension_semantics = [#tpu.dimension_semantics<core_parallel>, #tpu.dimension_semantics<subcore_parallel>], iteration_bounds = array<i64: 2, 16>, scalar_prefetch = 0 : i64, scratch_operands = 5 : i64, tpu.core_type = #tpu.core_type<sc_vector_subcore>, window_params = [{transform_indices = #map}, {transform_indices = #map1}]} {
    %mul3A = arith.constant 2 : i32
    %mul3A_0 = arith.muli %arg1, %mul3A : i32
    %add3A = arith.addi %mul3A_0, %arg0 : i32
    %iota3A = tpu.iota {dimensions = array<i32: 0>} : vector<16xi32>
    %mul3A_1 = arith.constant 10 : i32
    %mul3A_2 = arith.muli %add3A, %mul3A_1 : i32
    %dma_start3A = arith.constant 0 : i32
    %dma_start3A_3 = arith.constant 0 : i32
    %dma_start3A_4 = tpu.memref_slice %arg2[%mul3A_2, %dma_start3A, %dma_start3A_3] : memref<320x128x128xi32, #tpu.memory_space<hbm>> -> memref<1x128x128xi32, #tpu.memory_space<hbm>>
    %dma_start3A_5 = tpu.memref_squeeze %dma_start3A_4 : memref<1x128x128xi32, #tpu.memory_space<hbm>> -> memref<128x128xi32, #tpu.memory_space<hbm>>
    %dma_start3A_6 = arith.constant 0 : i32
    %dma_start3A_7 = arith.constant 0 : i32
    %dma_start3A_8 = tpu.memref_slice %arg2[%mul3A_2, %dma_start3A_6, %dma_start3A_7] : memref<320x128x128xi32, #tpu.memory_space<hbm>> -> memref<1x128x128xi32, #tpu.memory_space<hbm>>
    %dma_start3A_9 = tpu.memref_squeeze %dma_start3A_8 : memref<1x128x128xi32, #tpu.memory_space<hbm>> -> memref<128x128xi32, #tpu.memory_space<hbm>>
    tpu.enqueue_dma source(%dma_start3A_9 : memref<128x128xi32, #tpu.memory_space<hbm>>) target(%arg4 : memref<128x128xi32, #tpu.memory_space<vmem>>) target_semaphore(%arg7 : memref<!tpu.dma_semaphore, #tpu.memory_space<semaphore_mem>>)
    %add3A_10 = arith.constant 1 : i32
    %add3A_11 = arith.addi %mul3A_2, %add3A_10 : i32
    %dma_start3A_12 = arith.constant 0 : i32
    %dma_start3A_13 = arith.constant 0 : i32
    %dma_start3A_14 = tpu.memref_slice %arg2[%add3A_11, %dma_start3A_12, %dma_start3A_13] : memref<320x128x128xi32, #tpu.memory_space<hbm>> -> memref<1x128x128xi32, #tpu.memory_space<hbm>>
    %dma_start3A_15 = tpu.memref_squeeze %dma_start3A_14 : memref<1x128x128xi32, #tpu.memory_space<hbm>> -> memref<128x128xi32, #tpu.memory_space<hbm>>
    %dma_start3A_16 = arith.constant 0 : i32
    %dma_start3A_17 = arith.constant 0 : i32
    %dma_start3A_18 = tpu.memref_slice %arg2[%add3A_11, %dma_start3A_16, %dma_start3A_17] : memref<320x128x128xi32, #tpu.memory_space<hbm>> -> memref<1x128x128xi32, #tpu.memory_space<hbm>>
    %dma_start3A_19 = tpu.memref_squeeze %dma_start3A_18 : memref<1x128x128xi32, #tpu.memory_space<hbm>> -> memref<128x128xi32, #tpu.memory_space<hbm>>
    tpu.enqueue_dma source(%dma_start3A_19 : memref<128x128xi32, #tpu.memory_space<hbm>>) target(%arg5 : memref<128x128xi32, #tpu.memory_space<vmem>>) target_semaphore(%arg8 : memref<!tpu.dma_semaphore, #tpu.memory_space<semaphore_mem>>)
    %scan3A = arith.constant 0 : i32
    %scan3A_20 = arith.constant 0 : i32
    %scan3A_21 = arith.constant 5 : i32
    %scan3A_22 = arith.addi %scan3A_20, %scan3A_21 : i32
    %scan3A_23 = arith.constant 1 : i32
    scf.for %scan3A_25 = %scan3A_20 to %scan3A_22 step %scan3A_23  : i32 {
      %mul3A_26 = arith.constant 2 : i32
      %mul3A_27 = arith.muli %mul3A_26, %scan3A_25 : i32
      %add3A_28 = arith.constant 0 : i32
      %add3A_29 = arith.addi %mul3A_27, %add3A_28 : i32
      %add3A_30 = arith.addi %mul3A_2, %add3A_29 : i32
      %dma_wait3A = arith.constant 0 : i32
      %dma_wait3A_31 = arith.constant 0 : i32
      %dma_wait3A_32 = arith.constant 0 : i32
      %dma_wait3A_33 = tpu.memref_slice %arg2[%dma_wait3A, %dma_wait3A_31, %dma_wait3A_32] : memref<320x128x128xi32, #tpu.memory_space<hbm>> -> memref<1x128x128xi32, #tpu.memory_space<hbm>>
      %dma_wait3A_34 = tpu.memref_squeeze %dma_wait3A_33 : memref<1x128x128xi32, #tpu.memory_space<hbm>> -> memref<128x128xi32, #tpu.memory_space<hbm>>
      %dma_wait3A_35 = arith.constant 0 : i32
      %dma_wait3A_36 = arith.constant 0 : i32
      %dma_wait3A_37 = tpu.memref_slice %arg2[%dma_wait3A, %dma_wait3A_35, %dma_wait3A_36] : memref<320x128x128xi32, #tpu.memory_space<hbm>> -> memref<1x128x128xi32, #tpu.memory_space<hbm>>
      %dma_wait3A_38 = tpu.memref_squeeze %dma_wait3A_37 : memref<1x128x128xi32, #tpu.memory_space<hbm>> -> memref<128x128xi32, #tpu.memory_space<hbm>>
      tpu.wait_dma2 semaphore(%arg7 : memref<!tpu.dma_semaphore, #tpu.memory_space<semaphore_mem>>) src(%dma_wait3A_38 : memref<128x128xi32, #tpu.memory_space<hbm>>) dst(%arg4 : memref<128x128xi32, #tpu.memory_space<vmem>>)
      %broadcast_in_dim3A = arith.constant 0.000000e+00 : f32
      %broadcast_in_dim3A_39 = vector.broadcast %broadcast_in_dim3A : f32 to vector<16xf32>
      %swap3A = arith.constant 0 : index
      %swap3A_40 = tpu.vector_load %arg6[%swap3A] {strides = array<i32>} : memref<144xf32, #tpu.memory_space<vmem>>, vector<16xf32>,
      tpu.vector_store %arg6[%swap3A], %broadcast_in_dim3A_39 {strides = array<i32>} : memref<144xf32, #tpu.memory_space<vmem>>, vector<16xf32>,
      %broadcast_in_dim3A_41 = arith.constant 0.000000e+00 : f32
      %broadcast_in_dim3A_42 = vector.broadcast %broadcast_in_dim3A_41 : f32 to vector<16xf32>
      %swap3A_43 = arith.constant 16 : index
      %swap3A_44 = tpu.vector_load %arg6[%swap3A_43] {strides = array<i32>} : memref<144xf32, #tpu.memory_space<vmem>>, vector<16xf32>,
      tpu.vector_store %arg6[%swap3A_43], %broadcast_in_dim3A_42 {strides = array<i32>} : memref<144xf32, #tpu.memory_space<vmem>>, vector<16xf32>,
      %broadcast_in_dim3A_45 = arith.constant 0.000000e+00 : f32
      %broadcast_in_dim3A_46 = vector.broadcast %broadcast_in_dim3A_45 : f32 to vector<16xf32>
      %swap3A_47 = arith.constant 32 : index
      %swap3A_48 = tpu.vector_load %arg6[%swap3A_47] {strides = array<i32>} : memref<144xf32, #tpu.memory_space<vmem>>, vector<16xf32>,
      tpu.vector_store %arg6[%swap3A_47], %broadcast_in_dim3A_46 {strides = array<i32>} : memref<144xf32, #tpu.memory_space<vmem>>, vector<16xf32>,
      %broadcast_in_dim3A_49 = arith.constant 0.000000e+00 : f32
      %broadcast_in_dim3A_50 = vector.broadcast %broadcast_in_dim3A_49 : f32 to vector<16xf32>
      %swap3A_51 = arith.constant 48 : index
      %swap3A_52 = tpu.vector_load %arg6[%swap3A_51] {strides = array<i32>} : memref<144xf32, #tpu.memory_space<vmem>>, vector<16xf32>,
      tpu.vector_store %arg6[%swap3A_51], %broadcast_in_dim3A_50 {strides = array<i32>} : memref<144xf32, #tpu.memory_space<vmem>>, vector<16xf32>,
      %broadcast_in_dim3A_53 = arith.constant 0.000000e+00 : f32
      %broadcast_in_dim3A_54 = vector.broadcast %broadcast_in_dim3A_53 : f32 to vector<16xf32>
      %swap3A_55 = arith.constant 64 : index
      %swap3A_56 = tpu.vector_load %arg6[%swap3A_55] {strides = array<i32>} : memref<144xf32, #tpu.memory_space<vmem>>, vector<16xf32>,
      tpu.vector_store %arg6[%swap3A_55], %broadcast_in_dim3A_54 {strides = array<i32>} : memref<144xf32, #tpu.memory_space<vmem>>, vector<16xf32>,
      %broadcast_in_dim3A_57 = arith.constant 0.000000e+00 : f32
      %broadcast_in_dim3A_58 = vector.broadcast %broadcast_in_dim3A_57 : f32 to vector<16xf32>
      %swap3A_59 = arith.constant 80 : index
      %swap3A_60 = tpu.vector_load %arg6[%swap3A_59] {strides = array<i32>} : memref<144xf32, #tpu.memory_space<vmem>>, vector<16xf32>,
      tpu.vector_store %arg6[%swap3A_59], %broadcast_in_dim3A_58 {strides = array<i32>} : memref<144xf32, #tpu.memory_space<vmem>>, vector<16xf32>,
      %broadcast_in_dim3A_61 = arith.constant 0.000000e+00 : f32
      %broadcast_in_dim3A_62 = vector.broadcast %broadcast_in_dim3A_61 : f32 to vector<16xf32>
      %swap3A_63 = arith.constant 96 : index
      %swap3A_64 = tpu.vector_load %arg6[%swap3A_63] {strides = array<i32>} : memref<144xf32, #tpu.memory_space<vmem>>, vector<16xf32>,
      tpu.vector_store %arg6[%swap3A_63], %broadcast_in_dim3A_62 {strides = array<i32>} : memref<144xf32, #tpu.memory_space<vmem>>, vector<16xf32>,
      %broadcast_in_dim3A_65 = arith.constant 0.000000e+00 : f32
      %broadcast_in_dim3A_66 = vector.broadcast %broadcast_in_dim3A_65 : f32 to vector<16xf32>
      %swap3A_67 = arith.constant 112 : index
      %swap3A_68 = tpu.vector_load %arg6[%swap3A_67] {strides = array<i32>} : memref<144xf32, #tpu.memory_space<vmem>>, vector<16xf32>,
      tpu.vector_store %arg6[%swap3A_67], %broadcast_in_dim3A_66 {strides = array<i32>} : memref<144xf32, #tpu.memory_space<vmem>>, vector<16xf32>,
      %broadcast_in_dim3A_69 = arith.constant 0.000000e+00 : f32
      %broadcast_in_dim3A_70 = vector.broadcast %broadcast_in_dim3A_69 : f32 to vector<16xf32>
      %swap3A_71 = arith.constant 128 : index
      %swap3A_72 = tpu.vector_load %arg6[%swap3A_71] {strides = array<i32>} : memref<144xf32, #tpu.memory_space<vmem>>, vector<16xf32>,
      tpu.vector_store %arg6[%swap3A_71], %broadcast_in_dim3A_70 {strides = array<i32>} : memref<144xf32, #tpu.memory_space<vmem>>, vector<16xf32>,
      %scan3A_73 = arith.constant 0 : i32
      %scan3A_74 = arith.constant 0 : i32
      %scan3A_75 = arith.constant 64 : i32
      %scan3A_76 = arith.addi %scan3A_74, %scan3A_75 : i32
      %scan3A_77 = arith.constant 1 : i32
      scf.for %scan3A_146 = %scan3A_74 to %scan3A_76 step %scan3A_77  : i32 {
        %mul3A_147 = arith.constant 2 : i32
        %mul3A_148 = arith.muli %mul3A_147, %scan3A_146 : i32
        %add3A_149 = arith.constant 0 : i32
        %add3A_150 = arith.addi %mul3A_148, %add3A_149 : i32
        %get3A = arith.index_cast %add3A_150 : i32 to index
        %get3A_151 = arith.constant 0 : index
        %get3A_152 = tpu.vector_load %arg4[%get3A, %get3A_151] {strides = array<i32>} : memref<128x128xi32, #tpu.memory_space<vmem>>, vector<16xi32>,
        %mul3A_153 = arith.constant 2 : i32
        %mul3A_154 = arith.muli %mul3A_153, %scan3A_146 : i32
        %add3A_155 = arith.constant 0 : i32
        %add3A_156 = arith.addi %mul3A_154, %add3A_155 : i32
        %get3A_157 = arith.index_cast %add3A_156 : i32 to index
        %get3A_158 = arith.constant 16 : index
        %get3A_159 = tpu.vector_load %arg4[%get3A_157, %get3A_158] {strides = array<i32>} : memref<128x128xi32, #tpu.memory_space<vmem>>, vector<16xi32>,
        %mul3A_160 = arith.constant 2 : i32
        %mul3A_161 = arith.muli %mul3A_160, %scan3A_146 : i32
        %add3A_162 = arith.constant 0 : i32
        %add3A_163 = arith.addi %mul3A_161, %add3A_162 : i32
        %get3A_164 = arith.index_cast %add3A_163 : i32 to index
        %get3A_165 = arith.constant 32 : index
        %get3A_166 = tpu.vector_load %arg4[%get3A_164, %get3A_165] {strides = array<i32>} : memref<128x128xi32, #tpu.memory_space<vmem>>, vector<16xi32>,
        %mul3A_167 = arith.constant 2 : i32
        %mul3A_168 = arith.muli %mul3A_167, %scan3A_146 : i32
        %add3A_169 = arith.constant 0 : i32
        %add3A_170 = arith.addi %mul3A_168, %add3A_169 : i32
        %get3A_171 = arith.index_cast %add3A_170 : i32 to index
        %get3A_172 = arith.constant 48 : index
        %get3A_173 = tpu.vector_load %arg4[%get3A_171, %get3A_172] {strides = array<i32>} : memref<128x128xi32, #tpu.memory_space<vmem>>, vector<16xi32>,
        %mul3A_174 = arith.constant 2 : i32
        %mul3A_175 = arith.muli %mul3A_174, %scan3A_146 : i32
        %add3A_176 = arith.constant 0 : i32
        %add3A_177 = arith.addi %mul3A_175, %add3A_176 : i32
        %get3A_178 = arith.index_cast %add3A_177 : i32 to index
        %get3A_179 = arith.constant 64 : index
        %get3A_180 = tpu.vector_load %arg4[%get3A_178, %get3A_179] {strides = array<i32>} : memref<128x128xi32, #tpu.memory_space<vmem>>, vector<16xi32>,
        %mul3A_181 = arith.constant 2 : i32
        %mul3A_182 = arith.muli %mul3A_181, %scan3A_146 : i32
        %add3A_183 = arith.constant 0 : i32
        %add3A_184 = arith.addi %mul3A_182, %add3A_183 : i32
        %get3A_185 = arith.index_cast %add3A_184 : i32 to index
        %get3A_186 = arith.constant 80 : index
        %get3A_187 = tpu.vector_load %arg4[%get3A_185, %get3A_186] {strides = array<i32>} : memref<128x128xi32, #tpu.memory_space<vmem>>, vector<16xi32>,
        %mul3A_188 = arith.constant 2 : i32
        %mul3A_189 = arith.muli %mul3A_188, %scan3A_146 : i32
        %add3A_190 = arith.constant 0 : i32
        %add3A_191 = arith.addi %mul3A_189, %add3A_190 : i32
        %get3A_192 = arith.index_cast %add3A_191 : i32 to index
        %get3A_193 = arith.constant 96 : index
        %get3A_194 = tpu.vector_load %arg4[%get3A_192, %get3A_193] {strides = array<i32>} : memref<128x128xi32, #tpu.memory_space<vmem>>, vector<16xi32>,
        %mul3A_195 = arith.constant 2 : i32
        %mul3A_196 = arith.muli %mul3A_195, %scan3A_146 : i32
        %add3A_197 = arith.constant 0 : i32
        %add3A_198 = arith.addi %mul3A_196, %add3A_197 : i32
        %get3A_199 = arith.index_cast %add3A_198 : i32 to index
        %get3A_200 = arith.constant 112 : index
        %get3A_201 = tpu.vector_load %arg4[%get3A_199, %get3A_200] {strides = array<i32>} : memref<128x128xi32, #tpu.memory_space<vmem>>, vector<16xi32>,
        %mul3A_202 = arith.constant 2 : i32
        %mul3A_203 = arith.muli %mul3A_202, %scan3A_146 : i32
        %add3A_204 = arith.constant 1 : i32
        %add3A_205 = arith.addi %mul3A_203, %add3A_204 : i32
        %get3A_206 = arith.index_cast %add3A_205 : i32 to index
        %get3A_207 = arith.constant 0 : index
        %get3A_208 = tpu.vector_load %arg4[%get3A_206, %get3A_207] {strides = array<i32>} : memref<128x128xi32, #tpu.memory_space<vmem>>, vector<16xi32>,
        %mul3A_209 = arith.constant 2 : i32
        %mul3A_210 = arith.muli %mul3A_209, %scan3A_146 : i32
        %add3A_211 = arith.constant 1 : i32
        %add3A_212 = arith.addi %mul3A_210, %add3A_211 : i32
        %get3A_213 = arith.index_cast %add3A_212 : i32 to index
        %get3A_214 = arith.constant 16 : index
        %get3A_215 = tpu.vector_load %arg4[%get3A_213, %get3A_214] {strides = array<i32>} : memref<128x128xi32, #tpu.memory_space<vmem>>, vector<16xi32>,
        %mul3A_216 = arith.constant 2 : i32
        %mul3A_217 = arith.muli %mul3A_216, %scan3A_146 : i32
        %add3A_218 = arith.constant 1 : i32
        %add3A_219 = arith.addi %mul3A_217, %add3A_218 : i32
        %get3A_220 = arith.index_cast %add3A_219 : i32 to index
        %get3A_221 = arith.constant 32 : index
        %get3A_222 = tpu.vector_load %arg4[%get3A_220, %get3A_221] {strides = array<i32>} : memref<128x128xi32, #tpu.memory_space<vmem>>, vector<16xi32>,
        %mul3A_223 = arith.constant 2 : i32
        %mul3A_224 = arith.muli %mul3A_223, %scan3A_146 : i32
        %add3A_225 = arith.constant 1 : i32
        %add3A_226 = arith.addi %mul3A_224, %add3A_225 : i32
        %get3A_227 = arith.index_cast %add3A_226 : i32 to index
        %get3A_228 = arith.constant 48 : index
        %get3A_229 = tpu.vector_load %arg4[%get3A_227, %get3A_228] {strides = array<i32>} : memref<128x128xi32, #tpu.memory_space<vmem>>, vector<16xi32>,
        %mul3A_230 = arith.constant 2 : i32
        %mul3A_231 = arith.muli %mul3A_230, %scan3A_146 : i32
        %add3A_232 = arith.constant 1 : i32
        %add3A_233 = arith.addi %mul3A_231, %add3A_232 : i32
        %get3A_234 = arith.index_cast %add3A_233 : i32 to index
        %get3A_235 = arith.constant 64 : index
        %get3A_236 = tpu.vector_load %arg4[%get3A_234, %get3A_235] {strides = array<i32>} : memref<128x128xi32, #tpu.memory_space<vmem>>, vector<16xi32>,
        %mul3A_237 = arith.constant 2 : i32
        %mul3A_238 = arith.muli %mul3A_237, %scan3A_146 : i32
        %add3A_239 = arith.constant 1 : i32
        %add3A_240 = arith.addi %mul3A_238, %add3A_239 : i32
        %get3A_241 = arith.index_cast %add3A_240 : i32 to index
        %get3A_242 = arith.constant 80 : index
        %get3A_243 = tpu.vector_load %arg4[%get3A_241, %get3A_242] {strides = array<i32>} : memref<128x128xi32, #tpu.memory_space<vmem>>, vector<16xi32>,
        %mul3A_244 = arith.constant 2 : i32
        %mul3A_245 = arith.muli %mul3A_244, %scan3A_146 : i32
        %add3A_246 = arith.constant 1 : i32
        %add3A_247 = arith.addi %mul3A_245, %add3A_246 : i32
        %get3A_248 = arith.index_cast %add3A_247 : i32 to index
        %get3A_249 = arith.constant 96 : index
        %get3A_250 = tpu.vector_load %arg4[%get3A_248, %get3A_249] {strides = array<i32>} : memref<128x128xi32, #tpu.memory_space<vmem>>, vector<16xi32>,
        %mul3A_251 = arith.constant 2 : i32
        %mul3A_252 = arith.muli %mul3A_251, %scan3A_146 : i32
        %add3A_253 = arith.constant 1 : i32
        %add3A_254 = arith.addi %mul3A_252, %add3A_253 : i32
        %get3A_255 = arith.index_cast %add3A_254 : i32 to index
        %get3A_256 = arith.constant 112 : index
        %get3A_257 = tpu.vector_load %arg4[%get3A_255, %get3A_256] {strides = array<i32>} : memref<128x128xi32, #tpu.memory_space<vmem>>, vector<16xi32>,
        %and3A = arith.constant 15 : i32
        %and3A_258 = vector.broadcast %and3A : i32 to vector<16xi32>
        %and3A_259 = arith.andi %get3A_152, %and3A_258 : vector<16xi32>
        %shift_left3A = arith.constant 4 : i32
        %shift_left3A_260 = vector.broadcast %shift_left3A : i32 to vector<16xi32>
        %shift_left3A_261 = arith.shli %and3A_259, %shift_left3A_260 : vector<16xi32>
        %or3A = arith.ori %shift_left3A_261, %iota3A : vector<16xi32>
        %and3A_262 = arith.constant 15 : i32
        %and3A_263 = vector.broadcast %and3A_262 : i32 to vector<16xi32>
        %and3A_264 = arith.andi %get3A_159, %and3A_263 : vector<16xi32>
        %shift_left3A_265 = arith.constant 4 : i32
        %shift_left3A_266 = vector.broadcast %shift_left3A_265 : i32 to vector<16xi32>
        %shift_left3A_267 = arith.shli %and3A_264, %shift_left3A_266 : vector<16xi32>
        %or3A_268 = arith.ori %shift_left3A_267, %iota3A : vector<16xi32>
        %and3A_269 = arith.constant 15 : i32
        %and3A_270 = vector.broadcast %and3A_269 : i32 to vector<16xi32>
        %and3A_271 = arith.andi %get3A_166, %and3A_270 : vector<16xi32>
        %shift_left3A_272 = arith.constant 4 : i32
        %shift_left3A_273 = vector.broadcast %shift_left3A_272 : i32 to vector<16xi32>
        %shift_left3A_274 = arith.shli %and3A_271, %shift_left3A_273 : vector<16xi32>
        %or3A_275 = arith.ori %shift_left3A_274, %iota3A : vector<16xi32>
        %and3A_276 = arith.constant 15 : i32
        %and3A_277 = vector.broadcast %and3A_276 : i32 to vector<16xi32>
        %and3A_278 = arith.andi %get3A_173, %and3A_277 : vector<16xi32>
        %shift_left3A_279 = arith.constant 4 : i32
        %shift_left3A_280 = vector.broadcast %shift_left3A_279 : i32 to vector<16xi32>
        %shift_left3A_281 = arith.shli %and3A_278, %shift_left3A_280 : vector<16xi32>
        %or3A_282 = arith.ori %shift_left3A_281, %iota3A : vector<16xi32>
        %and3A_283 = arith.constant 15 : i32
        %and3A_284 = vector.broadcast %and3A_283 : i32 to vector<16xi32>
        %and3A_285 = arith.andi %get3A_180, %and3A_284 : vector<16xi32>
        %shift_left3A_286 = arith.constant 4 : i32
        %shift_left3A_287 = vector.broadcast %shift_left3A_286 : i32 to vector<16xi32>
        %shift_left3A_288 = arith.shli %and3A_285, %shift_left3A_287 : vector<16xi32>
        %or3A_289 = arith.ori %shift_left3A_288, %iota3A : vector<16xi32>
        %and3A_290 = arith.constant 15 : i32
        %and3A_291 = vector.broadcast %and3A_290 : i32 to vector<16xi32>
        %and3A_292 = arith.andi %get3A_187, %and3A_291 : vector<16xi32>
        %shift_left3A_293 = arith.constant 4 : i32
        %shift_left3A_294 = vector.broadcast %shift_left3A_293 : i32 to vector<16xi32>
        %shift_left3A_295 = arith.shli %and3A_292, %shift_left3A_294 : vector<16xi32>
        %or3A_296 = arith.ori %shift_left3A_295, %iota3A : vector<16xi32>
        %and3A_297 = arith.constant 15 : i32
        %and3A_298 = vector.broadcast %and3A_297 : i32 to vector<16xi32>
        %and3A_299 = arith.andi %get3A_194, %and3A_298 : vector<16xi32>
        %shift_left3A_300 = arith.constant 4 : i32
        %shift_left3A_301 = vector.broadcast %shift_left3A_300 : i32 to vector<16xi32>
        %shift_left3A_302 = arith.shli %and3A_299, %shift_left3A_301 : vector<16xi32>
        %or3A_303 = arith.ori %shift_left3A_302, %iota3A : vector<16xi32>
        %and3A_304 = arith.constant 15 : i32
        %and3A_305 = vector.broadcast %and3A_304 : i32 to vector<16xi32>
        %and3A_306 = arith.andi %get3A_201, %and3A_305 : vector<16xi32>
        %shift_left3A_307 = arith.constant 4 : i32
        %shift_left3A_308 = vector.broadcast %shift_left3A_307 : i32 to vector<16xi32>
        %shift_left3A_309 = arith.shli %and3A_306, %shift_left3A_308 : vector<16xi32>
        %or3A_310 = arith.ori %shift_left3A_309, %iota3A : vector<16xi32>
        %and3A_311 = arith.constant 15 : i32
        %and3A_312 = vector.broadcast %and3A_311 : i32 to vector<16xi32>
        %and3A_313 = arith.andi %get3A_208, %and3A_312 : vector<16xi32>
        %shift_left3A_314 = arith.constant 4 : i32
        %shift_left3A_315 = vector.broadcast %shift_left3A_314 : i32 to vector<16xi32>
        %shift_left3A_316 = arith.shli %and3A_313, %shift_left3A_315 : vector<16xi32>
        %or3A_317 = arith.ori %shift_left3A_316, %iota3A : vector<16xi32>
        %and3A_318 = arith.constant 15 : i32
        %and3A_319 = vector.broadcast %and3A_318 : i32 to vector<16xi32>
        %and3A_320 = arith.andi %get3A_215, %and3A_319 : vector<16xi32>
        %shift_left3A_321 = arith.constant 4 : i32
        %shift_left3A_322 = vector.broadcast %shift_left3A_321 : i32 to vector<16xi32>
        %shift_left3A_323 = arith.shli %and3A_320, %shift_left3A_322 : vector<16xi32>
        %or3A_324 = arith.ori %shift_left3A_323, %iota3A : vector<16xi32>
        %and3A_325 = arith.constant 15 : i32
        %and3A_326 = vector.broadcast %and3A_325 : i32 to vector<16xi32>
        %and3A_327 = arith.andi %get3A_222, %and3A_326 : vector<16xi32>
        %shift_left3A_328 = arith.constant 4 : i32
        %shift_left3A_329 = vector.broadcast %shift_left3A_328 : i32 to vector<16xi32>
        %shift_left3A_330 = arith.shli %and3A_327, %shift_left3A_329 : vector<16xi32>
        %or3A_331 = arith.ori %shift_left3A_330, %iota3A : vector<16xi32>
        %and3A_332 = arith.constant 15 : i32
        %and3A_333 = vector.broadcast %and3A_332 : i32 to vector<16xi32>
        %and3A_334 = arith.andi %get3A_229, %and3A_333 : vector<16xi32>
        %shift_left3A_335 = arith.constant 4 : i32
        %shift_left3A_336 = vector.broadcast %shift_left3A_335 : i32 to vector<16xi32>
        %shift_left3A_337 = arith.shli %and3A_334, %shift_left3A_336 : vector<16xi32>
        %or3A_338 = arith.ori %shift_left3A_337, %iota3A : vector<16xi32>
        %and3A_339 = arith.constant 15 : i32
        %and3A_340 = vector.broadcast %and3A_339 : i32 to vector<16xi32>
        %and3A_341 = arith.andi %get3A_236, %and3A_340 : vector<16xi32>
        %shift_left3A_342 = arith.constant 4 : i32
        %shift_left3A_343 = vector.broadcast %shift_left3A_342 : i32 to vector<16xi32>
        %shift_left3A_344 = arith.shli %and3A_341, %shift_left3A_343 : vector<16xi32>
        %or3A_345 = arith.ori %shift_left3A_344, %iota3A : vector<16xi32>
        %and3A_346 = arith.constant 15 : i32
        %and3A_347 = vector.broadcast %and3A_346 : i32 to vector<16xi32>
        %and3A_348 = arith.andi %get3A_243, %and3A_347 : vector<16xi32>
        %shift_left3A_349 = arith.constant 4 : i32
        %shift_left3A_350 = vector.broadcast %shift_left3A_349 : i32 to vector<16xi32>
        %shift_left3A_351 = arith.shli %and3A_348, %shift_left3A_350 : vector<16xi32>
        %or3A_352 = arith.ori %shift_left3A_351, %iota3A : vector<16xi32>
        %and3A_353 = arith.constant 15 : i32
        %and3A_354 = vector.broadcast %and3A_353 : i32 to vector<16xi32>
        %and3A_355 = arith.andi %get3A_250, %and3A_354 : vector<16xi32>
        %shift_left3A_356 = arith.constant 4 : i32
        %shift_left3A_357 = vector.broadcast %shift_left3A_356 : i32 to vector<16xi32>
        %shift_left3A_358 = arith.shli %and3A_355, %shift_left3A_357 : vector<16xi32>
        %or3A_359 = arith.ori %shift_left3A_358, %iota3A : vector<16xi32>
        %and3A_360 = arith.constant 15 : i32
        %and3A_361 = vector.broadcast %and3A_360 : i32 to vector<16xi32>
        %and3A_362 = arith.andi %get3A_257, %and3A_361 : vector<16xi32>
        %shift_left3A_363 = arith.constant 4 : i32
        %shift_left3A_364 = vector.broadcast %shift_left3A_363 : i32 to vector<16xi32>
        %shift_left3A_365 = arith.shli %and3A_362, %shift_left3A_364 : vector<16xi32>
        %or3A_366 = arith.ori %shift_left3A_365, %iota3A : vector<16xi32>
        %shift_right_arithmetic3A = arith.constant 4 : i32
        %shift_right_arithmetic3A_367 = vector.broadcast %shift_right_arithmetic3A : i32 to vector<16xi32>
        %shift_right_arithmetic3A_368 = arith.shrsi %get3A_152, %shift_right_arithmetic3A_367 : vector<16xi32>
        %convert_element_type3A_369 = arith.sitofp %shift_right_arithmetic3A_368 : vector<16xi32> to vector<16xf32>
        %shift_right_arithmetic3A_370 = arith.constant 4 : i32
        %shift_right_arithmetic3A_371 = vector.broadcast %shift_right_arithmetic3A_370 : i32 to vector<16xi32>
        %shift_right_arithmetic3A_372 = arith.shrsi %get3A_159, %shift_right_arithmetic3A_371 : vector<16xi32>
        %convert_element_type3A_373 = arith.sitofp %shift_right_arithmetic3A_372 : vector<16xi32> to vector<16xf32>
        %shift_right_arithmetic3A_374 = arith.constant 4 : i32
        %shift_right_arithmetic3A_375 = vector.broadcast %shift_right_arithmetic3A_374 : i32 to vector<16xi32>
        %shift_right_arithmetic3A_376 = arith.shrsi %get3A_166, %shift_right_arithmetic3A_375 : vector<16xi32>
        %convert_element_type3A_377 = arith.sitofp %shift_right_arithmetic3A_376 : vector<16xi32> to vector<16xf32>
        %shift_right_arithmetic3A_378 = arith.constant 4 : i32
        %shift_right_arithmetic3A_379 = vector.broadcast %shift_right_arithmetic3A_378 : i32 to vector<16xi32>
        %shift_right_arithmetic3A_380 = arith.shrsi %get3A_173, %shift_right_arithmetic3A_379 : vector<16xi32>
        %convert_element_type3A_381 = arith.sitofp %shift_right_arithmetic3A_380 : vector<16xi32> to vector<16xf32>
        %shift_right_arithmetic3A_382 = arith.constant 4 : i32
        %shift_right_arithmetic3A_383 = vector.broadcast %shift_right_arithmetic3A_382 : i32 to vector<16xi32>
        %shift_right_arithmetic3A_384 = arith.shrsi %get3A_180, %shift_right_arithmetic3A_383 : vector<16xi32>
        %convert_element_type3A_385 = arith.sitofp %shift_right_arithmetic3A_384 : vector<16xi32> to vector<16xf32>
        %shift_right_arithmetic3A_386 = arith.constant 4 : i32
        %shift_right_arithmetic3A_387 = vector.broadcast %shift_right_arithmetic3A_386 : i32 to vector<16xi32>
        %shift_right_arithmetic3A_388 = arith.shrsi %get3A_187, %shift_right_arithmetic3A_387 : vector<16xi32>
        %convert_element_type3A_389 = arith.sitofp %shift_right_arithmetic3A_388 : vector<16xi32> to vector<16xf32>
        %shift_right_arithmetic3A_390 = arith.constant 4 : i32
        %shift_right_arithmetic3A_391 = vector.broadcast %shift_right_arithmetic3A_390 : i32 to vector<16xi32>
        %shift_right_arithmetic3A_392 = arith.shrsi %get3A_194, %shift_right_arithmetic3A_391 : vector<16xi32>
        %convert_element_type3A_393 = arith.sitofp %shift_right_arithmetic3A_392 : vector<16xi32> to vector<16xf32>
        %shift_right_arithmetic3A_394 = arith.constant 4 : i32
        %shift_right_arithmetic3A_395 = vector.broadcast %shift_right_arithmetic3A_394 : i32 to vector<16xi32>
        %shift_right_arithmetic3A_396 = arith.shrsi %get3A_201, %shift_right_arithmetic3A_395 : vector<16xi32>
        %convert_element_type3A_397 = arith.sitofp %shift_right_arithmetic3A_396 : vector<16xi32> to vector<16xf32>
        %shift_right_arithmetic3A_398 = arith.constant 4 : i32
        %shift_right_arithmetic3A_399 = vector.broadcast %shift_right_arithmetic3A_398 : i32 to vector<16xi32>
        %shift_right_arithmetic3A_400 = arith.shrsi %get3A_208, %shift_right_arithmetic3A_399 : vector<16xi32>
        %convert_element_type3A_401 = arith.sitofp %shift_right_arithmetic3A_400 : vector<16xi32> to vector<16xf32>
        %shift_right_arithmetic3A_402 = arith.constant 4 : i32
        %shift_right_arithmetic3A_403 = vector.broadcast %shift_right_arithmetic3A_402 : i32 to vector<16xi32>
        %shift_right_arithmetic3A_404 = arith.shrsi %get3A_215, %shift_right_arithmetic3A_403 : vector<16xi32>
        %convert_element_type3A_405 = arith.sitofp %shift_right_arithmetic3A_404 : vector<16xi32> to vector<16xf32>
        %shift_right_arithmetic3A_406 = arith.constant 4 : i32
        %shift_right_arithmetic3A_407 = vector.broadcast %shift_right_arithmetic3A_406 : i32 to vector<16xi32>
        %shift_right_arithmetic3A_408 = arith.shrsi %get3A_222, %shift_right_arithmetic3A_407 : vector<16xi32>
        %convert_element_type3A_409 = arith.sitofp %shift_right_arithmetic3A_408 : vector<16xi32> to vector<16xf32>
        %shift_right_arithmetic3A_410 = arith.constant 4 : i32
        %shift_right_arithmetic3A_411 = vector.broadcast %shift_right_arithmetic3A_410 : i32 to vector<16xi32>
        %shift_right_arithmetic3A_412 = arith.shrsi %get3A_229, %shift_right_arithmetic3A_411 : vector<16xi32>
        %convert_element_type3A_413 = arith.sitofp %shift_right_arithmetic3A_412 : vector<16xi32> to vector<16xf32>
        %shift_right_arithmetic3A_414 = arith.constant 4 : i32
        %shift_right_arithmetic3A_415 = vector.broadcast %shift_right_arithmetic3A_414 : i32 to vector<16xi32>
        %shift_right_arithmetic3A_416 = arith.shrsi %get3A_236, %shift_right_arithmetic3A_415 : vector<16xi32>
        %convert_element_type3A_417 = arith.sitofp %shift_right_arithmetic3A_416 : vector<16xi32> to vector<16xf32>
        %shift_right_arithmetic3A_418 = arith.constant 4 : i32
        %shift_right_arithmetic3A_419 = vector.broadcast %shift_right_arithmetic3A_418 : i32 to vector<16xi32>
        %shift_right_arithmetic3A_420 = arith.shrsi %get3A_243, %shift_right_arithmetic3A_419 : vector<16xi32>
        %convert_element_type3A_421 = arith.sitofp %shift_right_arithmetic3A_420 : vector<16xi32> to vector<16xf32>
        %shift_right_arithmetic3A_422 = arith.constant 4 : i32
        %shift_right_arithmetic3A_423 = vector.broadcast %shift_right_arithmetic3A_422 : i32 to vector<16xi32>
        %shift_right_arithmetic3A_424 = arith.shrsi %get3A_250, %shift_right_arithmetic3A_423 : vector<16xi32>
        %convert_element_type3A_425 = arith.sitofp %shift_right_arithmetic3A_424 : vector<16xi32> to vector<16xf32>
        %shift_right_arithmetic3A_426 = arith.constant 4 : i32
        %shift_right_arithmetic3A_427 = vector.broadcast %shift_right_arithmetic3A_426 : i32 to vector<16xi32>
        %shift_right_arithmetic3A_428 = arith.shrsi %get3A_257, %shift_right_arithmetic3A_427 : vector<16xi32>
        %convert_element_type3A_429 = arith.sitofp %shift_right_arithmetic3A_428 : vector<16xi32> to vector<16xf32>
        tpu.vector_store_idx %arg6[%or3A], %convert_element_type3A_369 {add = true} : memref<144xf32, #tpu.memory_space<vmem>>[vector<16xi32>], vector<16xf32>,
        tpu.vector_store_idx %arg6[%or3A_268], %convert_element_type3A_373 {add = true} : memref<144xf32, #tpu.memory_space<vmem>>[vector<16xi32>], vector<16xf32>,
        tpu.vector_store_idx %arg6[%or3A_275], %convert_element_type3A_377 {add = true} : memref<144xf32, #tpu.memory_space<vmem>>[vector<16xi32>], vector<16xf32>,
        tpu.vector_store_idx %arg6[%or3A_282], %convert_element_type3A_381 {add = true} : memref<144xf32, #tpu.memory_space<vmem>>[vector<16xi32>], vector<16xf32>,
        tpu.vector_store_idx %arg6[%or3A_289], %convert_element_type3A_385 {add = true} : memref<144xf32, #tpu.memory_space<vmem>>[vector<16xi32>], vector<16xf32>,
        tpu.vector_store_idx %arg6[%or3A_296], %convert_element_type3A_389 {add = true} : memref<144xf32, #tpu.memory_space<vmem>>[vector<16xi32>], vector<16xf32>,
        tpu.vector_store_idx %arg6[%or3A_303], %convert_element_type3A_393 {add = true} : memref<144xf32, #tpu.memory_space<vmem>>[vector<16xi32>], vector<16xf32>,
        tpu.vector_store_idx %arg6[%or3A_310], %convert_element_type3A_397 {add = true} : memref<144xf32, #tpu.memory_space<vmem>>[vector<16xi32>], vector<16xf32>,
        tpu.vector_store_idx %arg6[%or3A_317], %convert_element_type3A_401 {add = true} : memref<144xf32, #tpu.memory_space<vmem>>[vector<16xi32>], vector<16xf32>,
        tpu.vector_store_idx %arg6[%or3A_324], %convert_element_type3A_405 {add = true} : memref<144xf32, #tpu.memory_space<vmem>>[vector<16xi32>], vector<16xf32>,
        tpu.vector_store_idx %arg6[%or3A_331], %convert_element_type3A_409 {add = true} : memref<144xf32, #tpu.memory_space<vmem>>[vector<16xi32>], vector<16xf32>,
        tpu.vector_store_idx %arg6[%or3A_338], %convert_element_type3A_413 {add = true} : memref<144xf32, #tpu.memory_space<vmem>>[vector<16xi32>], vector<16xf32>,
        tpu.vector_store_idx %arg6[%or3A_345], %convert_element_type3A_417 {add = true} : memref<144xf32, #tpu.memory_space<vmem>>[vector<16xi32>], vector<16xf32>,
        tpu.vector_store_idx %arg6[%or3A_352], %convert_element_type3A_421 {add = true} : memref<144xf32, #tpu.memory_space<vmem>>[vector<16xi32>], vector<16xf32>,
        tpu.vector_store_idx %arg6[%or3A_359], %convert_element_type3A_425 {add = true} : memref<144xf32, #tpu.memory_space<vmem>>[vector<16xi32>], vector<16xf32>,
        tpu.vector_store_idx %arg6[%or3A_366], %convert_element_type3A_429 {add = true} : memref<144xf32, #tpu.memory_space<vmem>>[vector<16xi32>], vector<16xf32>,
      }
      %scan3A_78 = arith.constant 64 : i32
      "tpu.region"() ({
        %run_scoped3A = tpu.sem_alloc : memref<!tpu.dma_semaphore, #tpu.memory_space<semaphore_mem>>
        %dma_start3A_146 = arith.constant 0 : i32
        %dma_start3A_147 = tpu.memref_slice %arg3[%add3A_30, %dma_start3A_146] : memref<320x144xf32, #tpu.memory_space<hbm>> -> memref<1x144xf32, #tpu.memory_space<hbm>>
        %dma_start3A_148 = tpu.memref_squeeze %dma_start3A_147 : memref<1x144xf32, #tpu.memory_space<hbm>> -> memref<144xf32, #tpu.memory_space<hbm>>
        %dma_start3A_149 = arith.constant 0 : i32
        %dma_start3A_150 = tpu.memref_slice %arg3[%add3A_30, %dma_start3A_149] : memref<320x144xf32, #tpu.memory_space<hbm>> -> memref<1x144xf32, #tpu.memory_space<hbm>>
        %dma_start3A_151 = tpu.memref_squeeze %dma_start3A_150 : memref<1x144xf32, #tpu.memory_space<hbm>> -> memref<144xf32, #tpu.memory_space<hbm>>
        tpu.enqueue_dma source(%arg6 : memref<144xf32, #tpu.memory_space<vmem>>) target(%dma_start3A_151 : memref<144xf32, #tpu.memory_space<hbm>>) target_semaphore(%run_scoped3A : memref<!tpu.dma_semaphore, #tpu.memory_space<semaphore_mem>>)
        %dma_wait3A_152 = arith.constant 0 : i32
        %dma_wait3A_153 = tpu.memref_slice %arg3[%add3A_30, %dma_wait3A_152] : memref<320x144xf32, #tpu.memory_space<hbm>> -> memref<1x144xf32, #tpu.memory_space<hbm>>
        %dma_wait3A_154 = tpu.memref_squeeze %dma_wait3A_153 : memref<1x144xf32, #tpu.memory_space<hbm>> -> memref<144xf32, #tpu.memory_space<hbm>>
        %dma_wait3A_155 = arith.constant 0 : i32
        %dma_wait3A_156 = tpu.memref_slice %arg3[%add3A_30, %dma_wait3A_155] : memref<320x144xf32, #tpu.memory_space<hbm>> -> memref<1x144xf32, #tpu.memory_space<hbm>>
        %dma_wait3A_157 = tpu.memref_squeeze %dma_wait3A_156 : memref<1x144xf32, #tpu.memory_space<hbm>> -> memref<144xf32, #tpu.memory_space<hbm>>
        tpu.wait_dma2 semaphore(%run_scoped3A : memref<!tpu.dma_semaphore, #tpu.memory_space<semaphore_mem>>) src(%arg6 : memref<144xf32, #tpu.memory_space<vmem>>) dst(%dma_wait3A_157 : memref<144xf32, #tpu.memory_space<hbm>>)
        tpu.yield
      }) : () -> ()
      %add3A_79 = arith.constant 2 : i32
      %add3A_80 = arith.addi %add3A_29, %add3A_79 : i32
      %lt3A = arith.constant 10 : i32
      %lt3A_81 = arith.cmpi slt, %add3A_80, %lt3A : i32
      %convert_element_type3A = arith.extui %lt3A_81 : i1 to i32
      %cond3A = arith.constant 0 : i32
      %cond3A_82 = arith.cmpi ne, %convert_element_type3A, %cond3A : i32
      scf.if %cond3A_82 {
        %add3A_146 = arith.constant 2 : i32
        %add3A_147 = arith.addi %add3A_30, %add3A_146 : i32
        %dma_start3A_148 = arith.constant 0 : i32
        %dma_start3A_149 = arith.constant 0 : i32
        %dma_start3A_150 = tpu.memref_slice %arg2[%add3A_147, %dma_start3A_148, %dma_start3A_149] : memref<320x128x128xi32, #tpu.memory_space<hbm>> -> memref<1x128x128xi32, #tpu.memory_space<hbm>>
        %dma_start3A_151 = tpu.memref_squeeze %dma_start3A_150 : memref<1x128x128xi32, #tpu.memory_space<hbm>> -> memref<128x128xi32, #tpu.memory_space<hbm>>
        %dma_start3A_152 = arith.constant 0 : i32
        %dma_start3A_153 = arith.constant 0 : i32
        %dma_start3A_154 = tpu.memref_slice %arg2[%add3A_147, %dma_start3A_152, %dma_start3A_153] : memref<320x128x128xi32, #tpu.memory_space<hbm>> -> memref<1x128x128xi32, #tpu.memory_space<hbm>>
        %dma_start3A_155 = tpu.memref_squeeze %dma_start3A_154 : memref<1x128x128xi32, #tpu.memory_space<hbm>> -> memref<128x128xi32, #tpu.memory_space<hbm>>
        tpu.enqueue_dma source(%dma_start3A_155 : memref<128x128xi32, #tpu.memory_space<hbm>>) target(%arg4 : memref<128x128xi32, #tpu.memory_space<vmem>>) target_semaphore(%arg7 : memref<!tpu.dma_semaphore, #tpu.memory_space<semaphore_mem>>)
      } else {
      }
      %mul3A_83 = arith.constant 2 : i32
      %mul3A_84 = arith.muli %mul3A_83, %scan3A_25 : i32
      %add3A_85 = arith.constant 1 : i32
      %add3A_86 = arith.addi %mul3A_84, %add3A_85 : i32
      %add3A_87 = arith.addi %mul3A_2, %add3A_86 : i32
      %dma_wait3A_88 = arith.constant 0 : i32
      %dma_wait3A_89 = arith.constant 0 : i32
      %dma_wait3A_90 = arith.constant 0 : i32
      %dma_wait3A_91 = tpu.memref_slice %arg2[%dma_wait3A_88, %dma_wait3A_89, %dma_wait3A_90] : memref<320x128x128xi32, #tpu.memory_space<hbm>> -> memref<1x128x128xi32, #tpu.memory_space<hbm>>
      %dma_wait3A_92 = tpu.memref_squeeze %dma_wait3A_91 : memref<1x128x128xi32, #tpu.memory_space<hbm>> -> memref<128x128xi32, #tpu.memory_space<hbm>>
      %dma_wait3A_93 = arith.constant 0 : i32
      %dma_wait3A_94 = arith.constant 0 : i32
      %dma_wait3A_95 = tpu.memref_slice %arg2[%dma_wait3A_88, %dma_wait3A_93, %dma_wait3A_94] : memref<320x128x128xi32, #tpu.memory_space<hbm>> -> memref<1x128x128xi32, #tpu.memory_space<hbm>>
      %dma_wait3A_96 = tpu.memref_squeeze %dma_wait3A_95 : memref<1x128x128xi32, #tpu.memory_space<hbm>> -> memref<128x128xi32, #tpu.memory_space<hbm>>
      tpu.wait_dma2 semaphore(%arg8 : memref<!tpu.dma_semaphore, #tpu.memory_space<semaphore_mem>>) src(%dma_wait3A_96 : memref<128x128xi32, #tpu.memory_space<hbm>>) dst(%arg5 : memref<128x128xi32, #tpu.memory_space<vmem>>)
      %broadcast_in_dim3A_97 = arith.constant 0.000000e+00 : f32
      %broadcast_in_dim3A_98 = vector.broadcast %broadcast_in_dim3A_97 : f32 to vector<16xf32>
      %swap3A_99 = arith.constant 0 : index
      %swap3A_100 = tpu.vector_load %arg6[%swap3A_99] {strides = array<i32>} : memref<144xf32, #tpu.memory_space<vmem>>, vector<16xf32>,
      tpu.vector_store %arg6[%swap3A_99], %broadcast_in_dim3A_98 {strides = array<i32>} : memref<144xf32, #tpu.memory_space<vmem>>, vector<16xf32>,
      %broadcast_in_dim3A_101 = arith.constant 0.000000e+00 : f32
      %broadcast_in_dim3A_102 = vector.broadcast %broadcast_in_dim3A_101 : f32 to vector<16xf32>
      %swap3A_103 = arith.constant 16 : index
      %swap3A_104 = tpu.vector_load %arg6[%swap3A_103] {strides = array<i32>} : memref<144xf32, #tpu.memory_space<vmem>>, vector<16xf32>,
      tpu.vector_store %arg6[%swap3A_103], %broadcast_in_dim3A_102 {strides = array<i32>} : memref<144xf32, #tpu.memory_space<vmem>>, vector<16xf32>,
      %broadcast_in_dim3A_105 = arith.constant 0.000000e+00 : f32
      %broadcast_in_dim3A_106 = vector.broadcast %broadcast_in_dim3A_105 : f32 to vector<16xf32>
      %swap3A_107 = arith.constant 32 : index
      %swap3A_108 = tpu.vector_load %arg6[%swap3A_107] {strides = array<i32>} : memref<144xf32, #tpu.memory_space<vmem>>, vector<16xf32>,
      tpu.vector_store %arg6[%swap3A_107], %broadcast_in_dim3A_106 {strides = array<i32>} : memref<144xf32, #tpu.memory_space<vmem>>, vector<16xf32>,
      %broadcast_in_dim3A_109 = arith.constant 0.000000e+00 : f32
      %broadcast_in_dim3A_110 = vector.broadcast %broadcast_in_dim3A_109 : f32 to vector<16xf32>
      %swap3A_111 = arith.constant 48 : index
      %swap3A_112 = tpu.vector_load %arg6[%swap3A_111] {strides = array<i32>} : memref<144xf32, #tpu.memory_space<vmem>>, vector<16xf32>,
      tpu.vector_store %arg6[%swap3A_111], %broadcast_in_dim3A_110 {strides = array<i32>} : memref<144xf32, #tpu.memory_space<vmem>>, vector<16xf32>,
      %broadcast_in_dim3A_113 = arith.constant 0.000000e+00 : f32
      %broadcast_in_dim3A_114 = vector.broadcast %broadcast_in_dim3A_113 : f32 to vector<16xf32>
      %swap3A_115 = arith.constant 64 : index
      %swap3A_116 = tpu.vector_load %arg6[%swap3A_115] {strides = array<i32>} : memref<144xf32, #tpu.memory_space<vmem>>, vector<16xf32>,
      tpu.vector_store %arg6[%swap3A_115], %broadcast_in_dim3A_114 {strides = array<i32>} : memref<144xf32, #tpu.memory_space<vmem>>, vector<16xf32>,
      %broadcast_in_dim3A_117 = arith.constant 0.000000e+00 : f32
      %broadcast_in_dim3A_118 = vector.broadcast %broadcast_in_dim3A_117 : f32 to vector<16xf32>
      %swap3A_119 = arith.constant 80 : index
      %swap3A_120 = tpu.vector_load %arg6[%swap3A_119] {strides = array<i32>} : memref<144xf32, #tpu.memory_space<vmem>>, vector<16xf32>,
      tpu.vector_store %arg6[%swap3A_119], %broadcast_in_dim3A_118 {strides = array<i32>} : memref<144xf32, #tpu.memory_space<vmem>>, vector<16xf32>,
      %broadcast_in_dim3A_121 = arith.constant 0.000000e+00 : f32
      %broadcast_in_dim3A_122 = vector.broadcast %broadcast_in_dim3A_121 : f32 to vector<16xf32>
      %swap3A_123 = arith.constant 96 : index
      %swap3A_124 = tpu.vector_load %arg6[%swap3A_123] {strides = array<i32>} : memref<144xf32, #tpu.memory_space<vmem>>, vector<16xf32>,
      tpu.vector_store %arg6[%swap3A_123], %broadcast_in_dim3A_122 {strides = array<i32>} : memref<144xf32, #tpu.memory_space<vmem>>, vector<16xf32>,
      %broadcast_in_dim3A_125 = arith.constant 0.000000e+00 : f32
      %broadcast_in_dim3A_126 = vector.broadcast %broadcast_in_dim3A_125 : f32 to vector<16xf32>
      %swap3A_127 = arith.constant 112 : index
      %swap3A_128 = tpu.vector_load %arg6[%swap3A_127] {strides = array<i32>} : memref<144xf32, #tpu.memory_space<vmem>>, vector<16xf32>,
      tpu.vector_store %arg6[%swap3A_127], %broadcast_in_dim3A_126 {strides = array<i32>} : memref<144xf32, #tpu.memory_space<vmem>>, vector<16xf32>,
      %broadcast_in_dim3A_129 = arith.constant 0.000000e+00 : f32
      %broadcast_in_dim3A_130 = vector.broadcast %broadcast_in_dim3A_129 : f32 to vector<16xf32>
      %swap3A_131 = arith.constant 128 : index
      %swap3A_132 = tpu.vector_load %arg6[%swap3A_131] {strides = array<i32>} : memref<144xf32, #tpu.memory_space<vmem>>, vector<16xf32>,
      tpu.vector_store %arg6[%swap3A_131], %broadcast_in_dim3A_130 {strides = array<i32>} : memref<144xf32, #tpu.memory_space<vmem>>, vector<16xf32>,
      %scan3A_133 = arith.constant 0 : i32
      %scan3A_134 = arith.constant 0 : i32
      %scan3A_135 = arith.constant 64 : i32
      %scan3A_136 = arith.addi %scan3A_134, %scan3A_135 : i32
      %scan3A_137 = arith.constant 1 : i32
      scf.for %scan3A_146 = %scan3A_134 to %scan3A_136 step %scan3A_137  : i32 {
        %mul3A_147 = arith.constant 2 : i32
        %mul3A_148 = arith.muli %mul3A_147, %scan3A_146 : i32
        %add3A_149 = arith.constant 0 : i32
        %add3A_150 = arith.addi %mul3A_148, %add3A_149 : i32
        %get3A = arith.index_cast %add3A_150 : i32 to index
        %get3A_151 = arith.constant 0 : index
        %get3A_152 = tpu.vector_load %arg5[%get3A, %get3A_151] {strides = array<i32>} : memref<128x128xi32, #tpu.memory_space<vmem>>, vector<16xi32>,
        %mul3A_153 = arith.constant 2 : i32
        %mul3A_154 = arith.muli %mul3A_153, %scan3A_146 : i32
        %add3A_155 = arith.constant 0 : i32
        %add3A_156 = arith.addi %mul3A_154, %add3A_155 : i32
        %get3A_157 = arith.index_cast %add3A_156 : i32 to index
        %get3A_158 = arith.constant 16 : index
        %get3A_159 = tpu.vector_load %arg5[%get3A_157, %get3A_158] {strides = array<i32>} : memref<128x128xi32, #tpu.memory_space<vmem>>, vector<16xi32>,
        %mul3A_160 = arith.constant 2 : i32
        %mul3A_161 = arith.muli %mul3A_160, %scan3A_146 : i32
        %add3A_162 = arith.constant 0 : i32
        %add3A_163 = arith.addi %mul3A_161, %add3A_162 : i32
        %get3A_164 = arith.index_cast %add3A_163 : i32 to index
        %get3A_165 = arith.constant 32 : index
        %get3A_166 = tpu.vector_load %arg5[%get3A_164, %get3A_165] {strides = array<i32>} : memref<128x128xi32, #tpu.memory_space<vmem>>, vector<16xi32>,
        %mul3A_167 = arith.constant 2 : i32
        %mul3A_168 = arith.muli %mul3A_167, %scan3A_146 : i32
        %add3A_169 = arith.constant 0 : i32
        %add3A_170 = arith.addi %mul3A_168, %add3A_169 : i32
        %get3A_171 = arith.index_cast %add3A_170 : i32 to index
        %get3A_172 = arith.constant 48 : index
        %get3A_173 = tpu.vector_load %arg5[%get3A_171, %get3A_172] {strides = array<i32>} : memref<128x128xi32, #tpu.memory_space<vmem>>, vector<16xi32>,
        %mul3A_174 = arith.constant 2 : i32
        %mul3A_175 = arith.muli %mul3A_174, %scan3A_146 : i32
        %add3A_176 = arith.constant 0 : i32
        %add3A_177 = arith.addi %mul3A_175, %add3A_176 : i32
        %get3A_178 = arith.index_cast %add3A_177 : i32 to index
        %get3A_179 = arith.constant 64 : index
        %get3A_180 = tpu.vector_load %arg5[%get3A_178, %get3A_179] {strides = array<i32>} : memref<128x128xi32, #tpu.memory_space<vmem>>, vector<16xi32>,
        %mul3A_181 = arith.constant 2 : i32
        %mul3A_182 = arith.muli %mul3A_181, %scan3A_146 : i32
        %add3A_183 = arith.constant 0 : i32
        %add3A_184 = arith.addi %mul3A_182, %add3A_183 : i32
        %get3A_185 = arith.index_cast %add3A_184 : i32 to index
        %get3A_186 = arith.constant 80 : index
        %get3A_187 = tpu.vector_load %arg5[%get3A_185, %get3A_186] {strides = array<i32>} : memref<128x128xi32, #tpu.memory_space<vmem>>, vector<16xi32>,
        %mul3A_188 = arith.constant 2 : i32
        %mul3A_189 = arith.muli %mul3A_188, %scan3A_146 : i32
        %add3A_190 = arith.constant 0 : i32
        %add3A_191 = arith.addi %mul3A_189, %add3A_190 : i32
        %get3A_192 = arith.index_cast %add3A_191 : i32 to index
        %get3A_193 = arith.constant 96 : index
        %get3A_194 = tpu.vector_load %arg5[%get3A_192, %get3A_193] {strides = array<i32>} : memref<128x128xi32, #tpu.memory_space<vmem>>, vector<16xi32>,
        %mul3A_195 = arith.constant 2 : i32
        %mul3A_196 = arith.muli %mul3A_195, %scan3A_146 : i32
        %add3A_197 = arith.constant 0 : i32
        %add3A_198 = arith.addi %mul3A_196, %add3A_197 : i32
        %get3A_199 = arith.index_cast %add3A_198 : i32 to index
        %get3A_200 = arith.constant 112 : index
        %get3A_201 = tpu.vector_load %arg5[%get3A_199, %get3A_200] {strides = array<i32>} : memref<128x128xi32, #tpu.memory_space<vmem>>, vector<16xi32>,
        %mul3A_202 = arith.constant 2 : i32
        %mul3A_203 = arith.muli %mul3A_202, %scan3A_146 : i32
        %add3A_204 = arith.constant 1 : i32
        %add3A_205 = arith.addi %mul3A_203, %add3A_204 : i32
        %get3A_206 = arith.index_cast %add3A_205 : i32 to index
        %get3A_207 = arith.constant 0 : index
        %get3A_208 = tpu.vector_load %arg5[%get3A_206, %get3A_207] {strides = array<i32>} : memref<128x128xi32, #tpu.memory_space<vmem>>, vector<16xi32>,
        %mul3A_209 = arith.constant 2 : i32
        %mul3A_210 = arith.muli %mul3A_209, %scan3A_146 : i32
        %add3A_211 = arith.constant 1 : i32
        %add3A_212 = arith.addi %mul3A_210, %add3A_211 : i32
        %get3A_213 = arith.index_cast %add3A_212 : i32 to index
        %get3A_214 = arith.constant 16 : index
        %get3A_215 = tpu.vector_load %arg5[%get3A_213, %get3A_214] {strides = array<i32>} : memref<128x128xi32, #tpu.memory_space<vmem>>, vector<16xi32>,
        %mul3A_216 = arith.constant 2 : i32
        %mul3A_217 = arith.muli %mul3A_216, %scan3A_146 : i32
        %add3A_218 = arith.constant 1 : i32
        %add3A_219 = arith.addi %mul3A_217, %add3A_218 : i32
        %get3A_220 = arith.index_cast %add3A_219 : i32 to index
        %get3A_221 = arith.constant 32 : index
        %get3A_222 = tpu.vector_load %arg5[%get3A_220, %get3A_221] {strides = array<i32>} : memref<128x128xi32, #tpu.memory_space<vmem>>, vector<16xi32>,
        %mul3A_223 = arith.constant 2 : i32
        %mul3A_224 = arith.muli %mul3A_223, %scan3A_146 : i32
        %add3A_225 = arith.constant 1 : i32
        %add3A_226 = arith.addi %mul3A_224, %add3A_225 : i32
        %get3A_227 = arith.index_cast %add3A_226 : i32 to index
        %get3A_228 = arith.constant 48 : index
        %get3A_229 = tpu.vector_load %arg5[%get3A_227, %get3A_228] {strides = array<i32>} : memref<128x128xi32, #tpu.memory_space<vmem>>, vector<16xi32>,
        %mul3A_230 = arith.constant 2 : i32
        %mul3A_231 = arith.muli %mul3A_230, %scan3A_146 : i32
        %add3A_232 = arith.constant 1 : i32
        %add3A_233 = arith.addi %mul3A_231, %add3A_232 : i32
        %get3A_234 = arith.index_cast %add3A_233 : i32 to index
        %get3A_235 = arith.constant 64 : index
        %get3A_236 = tpu.vector_load %arg5[%get3A_234, %get3A_235] {strides = array<i32>} : memref<128x128xi32, #tpu.memory_space<vmem>>, vector<16xi32>,
        %mul3A_237 = arith.constant 2 : i32
        %mul3A_238 = arith.muli %mul3A_237, %scan3A_146 : i32
        %add3A_239 = arith.constant 1 : i32
        %add3A_240 = arith.addi %mul3A_238, %add3A_239 : i32
        %get3A_241 = arith.index_cast %add3A_240 : i32 to index
        %get3A_242 = arith.constant 80 : index
        %get3A_243 = tpu.vector_load %arg5[%get3A_241, %get3A_242] {strides = array<i32>} : memref<128x128xi32, #tpu.memory_space<vmem>>, vector<16xi32>,
        %mul3A_244 = arith.constant 2 : i32
        %mul3A_245 = arith.muli %mul3A_244, %scan3A_146 : i32
        %add3A_246 = arith.constant 1 : i32
        %add3A_247 = arith.addi %mul3A_245, %add3A_246 : i32
        %get3A_248 = arith.index_cast %add3A_247 : i32 to index
        %get3A_249 = arith.constant 96 : index
        %get3A_250 = tpu.vector_load %arg5[%get3A_248, %get3A_249] {strides = array<i32>} : memref<128x128xi32, #tpu.memory_space<vmem>>, vector<16xi32>,
        %mul3A_251 = arith.constant 2 : i32
        %mul3A_252 = arith.muli %mul3A_251, %scan3A_146 : i32
        %add3A_253 = arith.constant 1 : i32
        %add3A_254 = arith.addi %mul3A_252, %add3A_253 : i32
        %get3A_255 = arith.index_cast %add3A_254 : i32 to index
        %get3A_256 = arith.constant 112 : index
        %get3A_257 = tpu.vector_load %arg5[%get3A_255, %get3A_256] {strides = array<i32>} : memref<128x128xi32, #tpu.memory_space<vmem>>, vector<16xi32>,
        %and3A = arith.constant 15 : i32
        %and3A_258 = vector.broadcast %and3A : i32 to vector<16xi32>
        %and3A_259 = arith.andi %get3A_152, %and3A_258 : vector<16xi32>
        %shift_left3A = arith.constant 4 : i32
        %shift_left3A_260 = vector.broadcast %shift_left3A : i32 to vector<16xi32>
        %shift_left3A_261 = arith.shli %and3A_259, %shift_left3A_260 : vector<16xi32>
        %or3A = arith.ori %shift_left3A_261, %iota3A : vector<16xi32>
        %and3A_262 = arith.constant 15 : i32
        %and3A_263 = vector.broadcast %and3A_262 : i32 to vector<16xi32>
        %and3A_264 = arith.andi %get3A_159, %and3A_263 : vector<16xi32>
        %shift_left3A_265 = arith.constant 4 : i32
        %shift_left3A_266 = vector.broadcast %shift_left3A_265 : i32 to vector<16xi32>
        %shift_left3A_267 = arith.shli %and3A_264, %shift_left3A_266 : vector<16xi32>
        %or3A_268 = arith.ori %shift_left3A_267, %iota3A : vector<16xi32>
        %and3A_269 = arith.constant 15 : i32
        %and3A_270 = vector.broadcast %and3A_269 : i32 to vector<16xi32>
        %and3A_271 = arith.andi %get3A_166, %and3A_270 : vector<16xi32>
        %shift_left3A_272 = arith.constant 4 : i32
        %shift_left3A_273 = vector.broadcast %shift_left3A_272 : i32 to vector<16xi32>
        %shift_left3A_274 = arith.shli %and3A_271, %shift_left3A_273 : vector<16xi32>
        %or3A_275 = arith.ori %shift_left3A_274, %iota3A : vector<16xi32>
        %and3A_276 = arith.constant 15 : i32
        %and3A_277 = vector.broadcast %and3A_276 : i32 to vector<16xi32>
        %and3A_278 = arith.andi %get3A_173, %and3A_277 : vector<16xi32>
        %shift_left3A_279 = arith.constant 4 : i32
        %shift_left3A_280 = vector.broadcast %shift_left3A_279 : i32 to vector<16xi32>
        %shift_left3A_281 = arith.shli %and3A_278, %shift_left3A_280 : vector<16xi32>
        %or3A_282 = arith.ori %shift_left3A_281, %iota3A : vector<16xi32>
        %and3A_283 = arith.constant 15 : i32
        %and3A_284 = vector.broadcast %and3A_283 : i32 to vector<16xi32>
        %and3A_285 = arith.andi %get3A_180, %and3A_284 : vector<16xi32>
        %shift_left3A_286 = arith.constant 4 : i32
        %shift_left3A_287 = vector.broadcast %shift_left3A_286 : i32 to vector<16xi32>
        %shift_left3A_288 = arith.shli %and3A_285, %shift_left3A_287 : vector<16xi32>
        %or3A_289 = arith.ori %shift_left3A_288, %iota3A : vector<16xi32>
        %and3A_290 = arith.constant 15 : i32
        %and3A_291 = vector.broadcast %and3A_290 : i32 to vector<16xi32>
        %and3A_292 = arith.andi %get3A_187, %and3A_291 : vector<16xi32>
        %shift_left3A_293 = arith.constant 4 : i32
        %shift_left3A_294 = vector.broadcast %shift_left3A_293 : i32 to vector<16xi32>
        %shift_left3A_295 = arith.shli %and3A_292, %shift_left3A_294 : vector<16xi32>
        %or3A_296 = arith.ori %shift_left3A_295, %iota3A : vector<16xi32>
        %and3A_297 = arith.constant 15 : i32
        %and3A_298 = vector.broadcast %and3A_297 : i32 to vector<16xi32>
        %and3A_299 = arith.andi %get3A_194, %and3A_298 : vector<16xi32>
        %shift_left3A_300 = arith.constant 4 : i32
        %shift_left3A_301 = vector.broadcast %shift_left3A_300 : i32 to vector<16xi32>
        %shift_left3A_302 = arith.shli %and3A_299, %shift_left3A_301 : vector<16xi32>
        %or3A_303 = arith.ori %shift_left3A_302, %iota3A : vector<16xi32>
        %and3A_304 = arith.constant 15 : i32
        %and3A_305 = vector.broadcast %and3A_304 : i32 to vector<16xi32>
        %and3A_306 = arith.andi %get3A_201, %and3A_305 : vector<16xi32>
        %shift_left3A_307 = arith.constant 4 : i32
        %shift_left3A_308 = vector.broadcast %shift_left3A_307 : i32 to vector<16xi32>
        %shift_left3A_309 = arith.shli %and3A_306, %shift_left3A_308 : vector<16xi32>
        %or3A_310 = arith.ori %shift_left3A_309, %iota3A : vector<16xi32>
        %and3A_311 = arith.constant 15 : i32
        %and3A_312 = vector.broadcast %and3A_311 : i32 to vector<16xi32>
        %and3A_313 = arith.andi %get3A_208, %and3A_312 : vector<16xi32>
        %shift_left3A_314 = arith.constant 4 : i32
        %shift_left3A_315 = vector.broadcast %shift_left3A_314 : i32 to vector<16xi32>
        %shift_left3A_316 = arith.shli %and3A_313, %shift_left3A_315 : vector<16xi32>
        %or3A_317 = arith.ori %shift_left3A_316, %iota3A : vector<16xi32>
        %and3A_318 = arith.constant 15 : i32
        %and3A_319 = vector.broadcast %and3A_318 : i32 to vector<16xi32>
        %and3A_320 = arith.andi %get3A_215, %and3A_319 : vector<16xi32>
        %shift_left3A_321 = arith.constant 4 : i32
        %shift_left3A_322 = vector.broadcast %shift_left3A_321 : i32 to vector<16xi32>
        %shift_left3A_323 = arith.shli %and3A_320, %shift_left3A_322 : vector<16xi32>
        %or3A_324 = arith.ori %shift_left3A_323, %iota3A : vector<16xi32>
        %and3A_325 = arith.constant 15 : i32
        %and3A_326 = vector.broadcast %and3A_325 : i32 to vector<16xi32>
        %and3A_327 = arith.andi %get3A_222, %and3A_326 : vector<16xi32>
        %shift_left3A_328 = arith.constant 4 : i32
        %shift_left3A_329 = vector.broadcast %shift_left3A_328 : i32 to vector<16xi32>
        %shift_left3A_330 = arith.shli %and3A_327, %shift_left3A_329 : vector<16xi32>
        %or3A_331 = arith.ori %shift_left3A_330, %iota3A : vector<16xi32>
        %and3A_332 = arith.constant 15 : i32
        %and3A_333 = vector.broadcast %and3A_332 : i32 to vector<16xi32>
        %and3A_334 = arith.andi %get3A_229, %and3A_333 : vector<16xi32>
        %shift_left3A_335 = arith.constant 4 : i32
        %shift_left3A_336 = vector.broadcast %shift_left3A_335 : i32 to vector<16xi32>
        %shift_left3A_337 = arith.shli %and3A_334, %shift_left3A_336 : vector<16xi32>
        %or3A_338 = arith.ori %shift_left3A_337, %iota3A : vector<16xi32>
        %and3A_339 = arith.constant 15 : i32
        %and3A_340 = vector.broadcast %and3A_339 : i32 to vector<16xi32>
        %and3A_341 = arith.andi %get3A_236, %and3A_340 : vector<16xi32>
        %shift_left3A_342 = arith.constant 4 : i32
        %shift_left3A_343 = vector.broadcast %shift_left3A_342 : i32 to vector<16xi32>
        %shift_left3A_344 = arith.shli %and3A_341, %shift_left3A_343 : vector<16xi32>
        %or3A_345 = arith.ori %shift_left3A_344, %iota3A : vector<16xi32>
        %and3A_346 = arith.constant 15 : i32
        %and3A_347 = vector.broadcast %and3A_346 : i32 to vector<16xi32>
        %and3A_348 = arith.andi %get3A_243, %and3A_347 : vector<16xi32>
        %shift_left3A_349 = arith.constant 4 : i32
        %shift_left3A_350 = vector.broadcast %shift_left3A_349 : i32 to vector<16xi32>
        %shift_left3A_351 = arith.shli %and3A_348, %shift_left3A_350 : vector<16xi32>
        %or3A_352 = arith.ori %shift_left3A_351, %iota3A : vector<16xi32>
        %and3A_353 = arith.constant 15 : i32
        %and3A_354 = vector.broadcast %and3A_353 : i32 to vector<16xi32>
        %and3A_355 = arith.andi %get3A_250, %and3A_354 : vector<16xi32>
        %shift_left3A_356 = arith.constant 4 : i32
        %shift_left3A_357 = vector.broadcast %shift_left3A_356 : i32 to vector<16xi32>
        %shift_left3A_358 = arith.shli %and3A_355, %shift_left3A_357 : vector<16xi32>
        %or3A_359 = arith.ori %shift_left3A_358, %iota3A : vector<16xi32>
        %and3A_360 = arith.constant 15 : i32
        %and3A_361 = vector.broadcast %and3A_360 : i32 to vector<16xi32>
        %and3A_362 = arith.andi %get3A_257, %and3A_361 : vector<16xi32>
        %shift_left3A_363 = arith.constant 4 : i32
        %shift_left3A_364 = vector.broadcast %shift_left3A_363 : i32 to vector<16xi32>
        %shift_left3A_365 = arith.shli %and3A_362, %shift_left3A_364 : vector<16xi32>
        %or3A_366 = arith.ori %shift_left3A_365, %iota3A : vector<16xi32>
        %shift_right_arithmetic3A = arith.constant 4 : i32
        %shift_right_arithmetic3A_367 = vector.broadcast %shift_right_arithmetic3A : i32 to vector<16xi32>
        %shift_right_arithmetic3A_368 = arith.shrsi %get3A_152, %shift_right_arithmetic3A_367 : vector<16xi32>
        %convert_element_type3A_369 = arith.sitofp %shift_right_arithmetic3A_368 : vector<16xi32> to vector<16xf32>
        %shift_right_arithmetic3A_370 = arith.constant 4 : i32
        %shift_right_arithmetic3A_371 = vector.broadcast %shift_right_arithmetic3A_370 : i32 to vector<16xi32>
        %shift_right_arithmetic3A_372 = arith.shrsi %get3A_159, %shift_right_arithmetic3A_371 : vector<16xi32>
        %convert_element_type3A_373 = arith.sitofp %shift_right_arithmetic3A_372 : vector<16xi32> to vector<16xf32>
        %shift_right_arithmetic3A_374 = arith.constant 4 : i32
        %shift_right_arithmetic3A_375 = vector.broadcast %shift_right_arithmetic3A_374 : i32 to vector<16xi32>
        %shift_right_arithmetic3A_376 = arith.shrsi %get3A_166, %shift_right_arithmetic3A_375 : vector<16xi32>
        %convert_element_type3A_377 = arith.sitofp %shift_right_arithmetic3A_376 : vector<16xi32> to vector<16xf32>
        %shift_right_arithmetic3A_378 = arith.constant 4 : i32
        %shift_right_arithmetic3A_379 = vector.broadcast %shift_right_arithmetic3A_378 : i32 to vector<16xi32>
        %shift_right_arithmetic3A_380 = arith.shrsi %get3A_173, %shift_right_arithmetic3A_379 : vector<16xi32>
        %convert_element_type3A_381 = arith.sitofp %shift_right_arithmetic3A_380 : vector<16xi32> to vector<16xf32>
        %shift_right_arithmetic3A_382 = arith.constant 4 : i32
        %shift_right_arithmetic3A_383 = vector.broadcast %shift_right_arithmetic3A_382 : i32 to vector<16xi32>
        %shift_right_arithmetic3A_384 = arith.shrsi %get3A_180, %shift_right_arithmetic3A_383 : vector<16xi32>
        %convert_element_type3A_385 = arith.sitofp %shift_right_arithmetic3A_384 : vector<16xi32> to vector<16xf32>
        %shift_right_arithmetic3A_386 = arith.constant 4 : i32
        %shift_right_arithmetic3A_387 = vector.broadcast %shift_right_arithmetic3A_386 : i32 to vector<16xi32>
        %shift_right_arithmetic3A_388 = arith.shrsi %get3A_187, %shift_right_arithmetic3A_387 : vector<16xi32>
        %convert_element_type3A_389 = arith.sitofp %shift_right_arithmetic3A_388 : vector<16xi32> to vector<16xf32>
        %shift_right_arithmetic3A_390 = arith.constant 4 : i32
        %shift_right_arithmetic3A_391 = vector.broadcast %shift_right_arithmetic3A_390 : i32 to vector<16xi32>
        %shift_right_arithmetic3A_392 = arith.shrsi %get3A_194, %shift_right_arithmetic3A_391 : vector<16xi32>
        %convert_element_type3A_393 = arith.sitofp %shift_right_arithmetic3A_392 : vector<16xi32> to vector<16xf32>
        %shift_right_arithmetic3A_394 = arith.constant 4 : i32
        %shift_right_arithmetic3A_395 = vector.broadcast %shift_right_arithmetic3A_394 : i32 to vector<16xi32>
        %shift_right_arithmetic3A_396 = arith.shrsi %get3A_201, %shift_right_arithmetic3A_395 : vector<16xi32>
        %convert_element_type3A_397 = arith.sitofp %shift_right_arithmetic3A_396 : vector<16xi32> to vector<16xf32>
        %shift_right_arithmetic3A_398 = arith.constant 4 : i32
        %shift_right_arithmetic3A_399 = vector.broadcast %shift_right_arithmetic3A_398 : i32 to vector<16xi32>
        %shift_right_arithmetic3A_400 = arith.shrsi %get3A_208, %shift_right_arithmetic3A_399 : vector<16xi32>
        %convert_element_type3A_401 = arith.sitofp %shift_right_arithmetic3A_400 : vector<16xi32> to vector<16xf32>
        %shift_right_arithmetic3A_402 = arith.constant 4 : i32
        %shift_right_arithmetic3A_403 = vector.broadcast %shift_right_arithmetic3A_402 : i32 to vector<16xi32>
        %shift_right_arithmetic3A_404 = arith.shrsi %get3A_215, %shift_right_arithmetic3A_403 : vector<16xi32>
        %convert_element_type3A_405 = arith.sitofp %shift_right_arithmetic3A_404 : vector<16xi32> to vector<16xf32>
        %shift_right_arithmetic3A_406 = arith.constant 4 : i32
        %shift_right_arithmetic3A_407 = vector.broadcast %shift_right_arithmetic3A_406 : i32 to vector<16xi32>
        %shift_right_arithmetic3A_408 = arith.shrsi %get3A_222, %shift_right_arithmetic3A_407 : vector<16xi32>
        %convert_element_type3A_409 = arith.sitofp %shift_right_arithmetic3A_408 : vector<16xi32> to vector<16xf32>
        %shift_right_arithmetic3A_410 = arith.constant 4 : i32
        %shift_right_arithmetic3A_411 = vector.broadcast %shift_right_arithmetic3A_410 : i32 to vector<16xi32>
        %shift_right_arithmetic3A_412 = arith.shrsi %get3A_229, %shift_right_arithmetic3A_411 : vector<16xi32>
        %convert_element_type3A_413 = arith.sitofp %shift_right_arithmetic3A_412 : vector<16xi32> to vector<16xf32>
        %shift_right_arithmetic3A_414 = arith.constant 4 : i32
        %shift_right_arithmetic3A_415 = vector.broadcast %shift_right_arithmetic3A_414 : i32 to vector<16xi32>
        %shift_right_arithmetic3A_416 = arith.shrsi %get3A_236, %shift_right_arithmetic3A_415 : vector<16xi32>
        %convert_element_type3A_417 = arith.sitofp %shift_right_arithmetic3A_416 : vector<16xi32> to vector<16xf32>
        %shift_right_arithmetic3A_418 = arith.constant 4 : i32
        %shift_right_arithmetic3A_419 = vector.broadcast %shift_right_arithmetic3A_418 : i32 to vector<16xi32>
        %shift_right_arithmetic3A_420 = arith.shrsi %get3A_243, %shift_right_arithmetic3A_419 : vector<16xi32>
        %convert_element_type3A_421 = arith.sitofp %shift_right_arithmetic3A_420 : vector<16xi32> to vector<16xf32>
        %shift_right_arithmetic3A_422 = arith.constant 4 : i32
        %shift_right_arithmetic3A_423 = vector.broadcast %shift_right_arithmetic3A_422 : i32 to vector<16xi32>
        %shift_right_arithmetic3A_424 = arith.shrsi %get3A_250, %shift_right_arithmetic3A_423 : vector<16xi32>
        %convert_element_type3A_425 = arith.sitofp %shift_right_arithmetic3A_424 : vector<16xi32> to vector<16xf32>
        %shift_right_arithmetic3A_426 = arith.constant 4 : i32
        %shift_right_arithmetic3A_427 = vector.broadcast %shift_right_arithmetic3A_426 : i32 to vector<16xi32>
        %shift_right_arithmetic3A_428 = arith.shrsi %get3A_257, %shift_right_arithmetic3A_427 : vector<16xi32>
        %convert_element_type3A_429 = arith.sitofp %shift_right_arithmetic3A_428 : vector<16xi32> to vector<16xf32>
        tpu.vector_store_idx %arg6[%or3A], %convert_element_type3A_369 {add = true} : memref<144xf32, #tpu.memory_space<vmem>>[vector<16xi32>], vector<16xf32>,
        tpu.vector_store_idx %arg6[%or3A_268], %convert_element_type3A_373 {add = true} : memref<144xf32, #tpu.memory_space<vmem>>[vector<16xi32>], vector<16xf32>,
        tpu.vector_store_idx %arg6[%or3A_275], %convert_element_type3A_377 {add = true} : memref<144xf32, #tpu.memory_space<vmem>>[vector<16xi32>], vector<16xf32>,
        tpu.vector_store_idx %arg6[%or3A_282], %convert_element_type3A_381 {add = true} : memref<144xf32, #tpu.memory_space<vmem>>[vector<16xi32>], vector<16xf32>,
        tpu.vector_store_idx %arg6[%or3A_289], %convert_element_type3A_385 {add = true} : memref<144xf32, #tpu.memory_space<vmem>>[vector<16xi32>], vector<16xf32>,
        tpu.vector_store_idx %arg6[%or3A_296], %convert_element_type3A_389 {add = true} : memref<144xf32, #tpu.memory_space<vmem>>[vector<16xi32>], vector<16xf32>,
        tpu.vector_store_idx %arg6[%or3A_303], %convert_element_type3A_393 {add = true} : memref<144xf32, #tpu.memory_space<vmem>>[vector<16xi32>], vector<16xf32>,
        tpu.vector_store_idx %arg6[%or3A_310], %convert_element_type3A_397 {add = true} : memref<144xf32, #tpu.memory_space<vmem>>[vector<16xi32>], vector<16xf32>,
        tpu.vector_store_idx %arg6[%or3A_317], %convert_element_type3A_401 {add = true} : memref<144xf32, #tpu.memory_space<vmem>>[vector<16xi32>], vector<16xf32>,
        tpu.vector_store_idx %arg6[%or3A_324], %convert_element_type3A_405 {add = true} : memref<144xf32, #tpu.memory_space<vmem>>[vector<16xi32>], vector<16xf32>,
        tpu.vector_store_idx %arg6[%or3A_331], %convert_element_type3A_409 {add = true} : memref<144xf32, #tpu.memory_space<vmem>>[vector<16xi32>], vector<16xf32>,
        tpu.vector_store_idx %arg6[%or3A_338], %convert_element_type3A_413 {add = true} : memref<144xf32, #tpu.memory_space<vmem>>[vector<16xi32>], vector<16xf32>,
        tpu.vector_store_idx %arg6[%or3A_345], %convert_element_type3A_417 {add = true} : memref<144xf32, #tpu.memory_space<vmem>>[vector<16xi32>], vector<16xf32>,
        tpu.vector_store_idx %arg6[%or3A_352], %convert_element_type3A_421 {add = true} : memref<144xf32, #tpu.memory_space<vmem>>[vector<16xi32>], vector<16xf32>,
        tpu.vector_store_idx %arg6[%or3A_359], %convert_element_type3A_425 {add = true} : memref<144xf32, #tpu.memory_space<vmem>>[vector<16xi32>], vector<16xf32>,
        tpu.vector_store_idx %arg6[%or3A_366], %convert_element_type3A_429 {add = true} : memref<144xf32, #tpu.memory_space<vmem>>[vector<16xi32>], vector<16xf32>,
      }
      %scan3A_138 = arith.constant 64 : i32
      "tpu.region"() ({
        %run_scoped3A = tpu.sem_alloc : memref<!tpu.dma_semaphore, #tpu.memory_space<semaphore_mem>>
        %dma_start3A_146 = arith.constant 0 : i32
        %dma_start3A_147 = tpu.memref_slice %arg3[%add3A_87, %dma_start3A_146] : memref<320x144xf32, #tpu.memory_space<hbm>> -> memref<1x144xf32, #tpu.memory_space<hbm>>
        %dma_start3A_148 = tpu.memref_squeeze %dma_start3A_147 : memref<1x144xf32, #tpu.memory_space<hbm>> -> memref<144xf32, #tpu.memory_space<hbm>>
        %dma_start3A_149 = arith.constant 0 : i32
        %dma_start3A_150 = tpu.memref_slice %arg3[%add3A_87, %dma_start3A_149] : memref<320x144xf32, #tpu.memory_space<hbm>> -> memref<1x144xf32, #tpu.memory_space<hbm>>
        %dma_start3A_151 = tpu.memref_squeeze %dma_start3A_150 : memref<1x144xf32, #tpu.memory_space<hbm>> -> memref<144xf32, #tpu.memory_space<hbm>>
        tpu.enqueue_dma source(%arg6 : memref<144xf32, #tpu.memory_space<vmem>>) target(%dma_start3A_151 : memref<144xf32, #tpu.memory_space<hbm>>) target_semaphore(%run_scoped3A : memref<!tpu.dma_semaphore, #tpu.memory_space<semaphore_mem>>)
        %dma_wait3A_152 = arith.constant 0 : i32
        %dma_wait3A_153 = tpu.memref_slice %arg3[%add3A_87, %dma_wait3A_152] : memref<320x144xf32, #tpu.memory_space<hbm>> -> memref<1x144xf32, #tpu.memory_space<hbm>>
        %dma_wait3A_154 = tpu.memref_squeeze %dma_wait3A_153 : memref<1x144xf32, #tpu.memory_space<hbm>> -> memref<144xf32, #tpu.memory_space<hbm>>
        %dma_wait3A_155 = arith.constant 0 : i32
        %dma_wait3A_156 = tpu.memref_slice %arg3[%add3A_87, %dma_wait3A_155] : memref<320x144xf32, #tpu.memory_space<hbm>> -> memref<1x144xf32, #tpu.memory_space<hbm>>
        %dma_wait3A_157 = tpu.memref_squeeze %dma_wait3A_156 : memref<1x144xf32, #tpu.memory_space<hbm>> -> memref<144xf32, #tpu.memory_space<hbm>>
        tpu.wait_dma2 semaphore(%run_scoped3A : memref<!tpu.dma_semaphore, #tpu.memory_space<semaphore_mem>>) src(%arg6 : memref<144xf32, #tpu.memory_space<vmem>>) dst(%dma_wait3A_157 : memref<144xf32, #tpu.memory_space<hbm>>)
        tpu.yield
      }) : () -> ()
      %add3A_139 = arith.constant 2 : i32
      %add3A_140 = arith.addi %add3A_86, %add3A_139 : i32
      %lt3A_141 = arith.constant 10 : i32
      %lt3A_142 = arith.cmpi slt, %add3A_140, %lt3A_141 : i32
      %convert_element_type3A_143 = arith.extui %lt3A_142 : i1 to i32
      %cond3A_144 = arith.constant 0 : i32
      %cond3A_145 = arith.cmpi ne, %convert_element_type3A_143, %cond3A_144 : i32
      scf.if %cond3A_145 {
        %add3A_146 = arith.constant 2 : i32
        %add3A_147 = arith.addi %add3A_87, %add3A_146 : i32
        %dma_start3A_148 = arith.constant 0 : i32
        %dma_start3A_149 = arith.constant 0 : i32
        %dma_start3A_150 = tpu.memref_slice %arg2[%add3A_147, %dma_start3A_148, %dma_start3A_149] : memref<320x128x128xi32, #tpu.memory_space<hbm>> -> memref<1x128x128xi32, #tpu.memory_space<hbm>>
        %dma_start3A_151 = tpu.memref_squeeze %dma_start3A_150 : memref<1x128x128xi32, #tpu.memory_space<hbm>> -> memref<128x128xi32, #tpu.memory_space<hbm>>
        %dma_start3A_152 = arith.constant 0 : i32
        %dma_start3A_153 = arith.constant 0 : i32
        %dma_start3A_154 = tpu.memref_slice %arg2[%add3A_147, %dma_start3A_152, %dma_start3A_153] : memref<320x128x128xi32, #tpu.memory_space<hbm>> -> memref<1x128x128xi32, #tpu.memory_space<hbm>>
        %dma_start3A_155 = tpu.memref_squeeze %dma_start3A_154 : memref<1x128x128xi32, #tpu.memory_space<hbm>> -> memref<128x128xi32, #tpu.memory_space<hbm>>
        tpu.enqueue_dma source(%dma_start3A_155 : memref<128x128xi32, #tpu.memory_space<hbm>>) target(%arg5 : memref<128x128xi32, #tpu.memory_space<vmem>>) target_semaphore(%arg8 : memref<!tpu.dma_semaphore, #tpu.memory_space<semaphore_mem>>)
      } else {
      }
    }
    %scan3A_24 = arith.constant 5 : i32
    return
  }
}

#map = affine_map<(d0, d1) -> (0, 0, 0)>
#map1 = affine_map<(d0, d1) -> (0, 0)>
module attributes {stable_mosaic.version = 14 : i64} {
  func.func @_sc_hist_body(%arg0: i32, %arg1: i32, %arg2: memref<320x128x128xi32, #tpu.memory_space<hbm>>, %arg3: memref<320x144xf32, #tpu.memory_space<hbm>>, %arg4: memref<128x128xi32, #tpu.memory_space<vmem>>, %arg5: memref<128x128xi32, #tpu.memory_space<vmem>>, %arg6: memref<144xf32, #tpu.memory_space<vmem>>, %arg7: memref<!tpu.dma_semaphore, #tpu.memory_space<semaphore_mem>>, %arg8: memref<!tpu.dma_semaphore, #tpu.memory_space<semaphore_mem>>) attributes {dimension_semantics = [#tpu.dimension_semantics<core_parallel>, #tpu.dimension_semantics<subcore_parallel>], iteration_bounds = array<i64: 2, 16>, scalar_prefetch = 0 : i64, scratch_operands = 5 : i64, tpu.core_type = #tpu.core_type<sc_vector_subcore>, window_params = [{transform_indices = #map}, {transform_indices = #map1}]} {
    %mul3A = arith.constant 2 : i32
    %mul3A_0 = arith.muli %arg1, %mul3A : i32
    %add3A = arith.addi %mul3A_0, %arg0 : i32
    %iota3A = tpu.iota {dimensions = array<i32: 0>} : vector<16xi32>
    %mul3A_1 = arith.constant 10 : i32
    %mul3A_2 = arith.muli %add3A, %mul3A_1 : i32
    %dma_start3A = arith.constant 0 : i32
    %dma_start3A_3 = arith.constant 0 : i32
    %dma_start3A_4 = tpu.memref_slice %arg2[%mul3A_2, %dma_start3A, %dma_start3A_3] : memref<320x128x128xi32, #tpu.memory_space<hbm>> -> memref<1x128x128xi32, #tpu.memory_space<hbm>>
    %dma_start3A_5 = tpu.memref_squeeze %dma_start3A_4 : memref<1x128x128xi32, #tpu.memory_space<hbm>> -> memref<128x128xi32, #tpu.memory_space<hbm>>
    %dma_start3A_6 = arith.constant 0 : i32
    %dma_start3A_7 = arith.constant 0 : i32
    %dma_start3A_8 = tpu.memref_slice %arg2[%mul3A_2, %dma_start3A_6, %dma_start3A_7] : memref<320x128x128xi32, #tpu.memory_space<hbm>> -> memref<1x128x128xi32, #tpu.memory_space<hbm>>
    %dma_start3A_9 = tpu.memref_squeeze %dma_start3A_8 : memref<1x128x128xi32, #tpu.memory_space<hbm>> -> memref<128x128xi32, #tpu.memory_space<hbm>>
    tpu.enqueue_dma source(%dma_start3A_9 : memref<128x128xi32, #tpu.memory_space<hbm>>) target(%arg4 : memref<128x128xi32, #tpu.memory_space<vmem>>) target_semaphore(%arg7 : memref<!tpu.dma_semaphore, #tpu.memory_space<semaphore_mem>>)
    %add3A_10 = arith.constant 1 : i32
    %add3A_11 = arith.addi %mul3A_2, %add3A_10 : i32
    %dma_start3A_12 = arith.constant 0 : i32
    %dma_start3A_13 = arith.constant 0 : i32
    %dma_start3A_14 = tpu.memref_slice %arg2[%add3A_11, %dma_start3A_12, %dma_start3A_13] : memref<320x128x128xi32, #tpu.memory_space<hbm>> -> memref<1x128x128xi32, #tpu.memory_space<hbm>>
    %dma_start3A_15 = tpu.memref_squeeze %dma_start3A_14 : memref<1x128x128xi32, #tpu.memory_space<hbm>> -> memref<128x128xi32, #tpu.memory_space<hbm>>
    %dma_start3A_16 = arith.constant 0 : i32
    %dma_start3A_17 = arith.constant 0 : i32
    %dma_start3A_18 = tpu.memref_slice %arg2[%add3A_11, %dma_start3A_16, %dma_start3A_17] : memref<320x128x128xi32, #tpu.memory_space<hbm>> -> memref<1x128x128xi32, #tpu.memory_space<hbm>>
    %dma_start3A_19 = tpu.memref_squeeze %dma_start3A_18 : memref<1x128x128xi32, #tpu.memory_space<hbm>> -> memref<128x128xi32, #tpu.memory_space<hbm>>
    tpu.enqueue_dma source(%dma_start3A_19 : memref<128x128xi32, #tpu.memory_space<hbm>>) target(%arg5 : memref<128x128xi32, #tpu.memory_space<vmem>>) target_semaphore(%arg8 : memref<!tpu.dma_semaphore, #tpu.memory_space<semaphore_mem>>)
    %scan3A = arith.constant 0 : i32
    %scan3A_20 = arith.constant 0 : i32
    %scan3A_21 = arith.constant 5 : i32
    %scan3A_22 = arith.addi %scan3A_20, %scan3A_21 : i32
    %scan3A_23 = arith.constant 1 : i32
    scf.for %scan3A_25 = %scan3A_20 to %scan3A_22 step %scan3A_23  : i32 {
      %mul3A_26 = arith.constant 2 : i32
      %mul3A_27 = arith.muli %mul3A_26, %scan3A_25 : i32
      %add3A_28 = arith.constant 0 : i32
      %add3A_29 = arith.addi %mul3A_27, %add3A_28 : i32
      %add3A_30 = arith.addi %mul3A_2, %add3A_29 : i32
      %dma_wait3A = arith.constant 0 : i32
      %dma_wait3A_31 = arith.constant 0 : i32
      %dma_wait3A_32 = arith.constant 0 : i32
      %dma_wait3A_33 = tpu.memref_slice %arg2[%dma_wait3A, %dma_wait3A_31, %dma_wait3A_32] : memref<320x128x128xi32, #tpu.memory_space<hbm>> -> memref<1x128x128xi32, #tpu.memory_space<hbm>>
      %dma_wait3A_34 = tpu.memref_squeeze %dma_wait3A_33 : memref<1x128x128xi32, #tpu.memory_space<hbm>> -> memref<128x128xi32, #tpu.memory_space<hbm>>
      %dma_wait3A_35 = arith.constant 0 : i32
      %dma_wait3A_36 = arith.constant 0 : i32
      %dma_wait3A_37 = tpu.memref_slice %arg2[%dma_wait3A, %dma_wait3A_35, %dma_wait3A_36] : memref<320x128x128xi32, #tpu.memory_space<hbm>> -> memref<1x128x128xi32, #tpu.memory_space<hbm>>
      %dma_wait3A_38 = tpu.memref_squeeze %dma_wait3A_37 : memref<1x128x128xi32, #tpu.memory_space<hbm>> -> memref<128x128xi32, #tpu.memory_space<hbm>>
      tpu.wait_dma2 semaphore(%arg7 : memref<!tpu.dma_semaphore, #tpu.memory_space<semaphore_mem>>) src(%dma_wait3A_38 : memref<128x128xi32, #tpu.memory_space<hbm>>) dst(%arg4 : memref<128x128xi32, #tpu.memory_space<vmem>>)
      %broadcast_in_dim3A = arith.constant 0.000000e+00 : f32
      %broadcast_in_dim3A_39 = vector.broadcast %broadcast_in_dim3A : f32 to vector<16xf32>
      %swap3A = arith.constant 0 : index
      %swap3A_40 = tpu.vector_load %arg6[%swap3A] {strides = array<i32>} : memref<144xf32, #tpu.memory_space<vmem>>, vector<16xf32>,
      tpu.vector_store %arg6[%swap3A], %broadcast_in_dim3A_39 {strides = array<i32>} : memref<144xf32, #tpu.memory_space<vmem>>, vector<16xf32>,
      %broadcast_in_dim3A_41 = arith.constant 0.000000e+00 : f32
      %broadcast_in_dim3A_42 = vector.broadcast %broadcast_in_dim3A_41 : f32 to vector<16xf32>
      %swap3A_43 = arith.constant 16 : index
      %swap3A_44 = tpu.vector_load %arg6[%swap3A_43] {strides = array<i32>} : memref<144xf32, #tpu.memory_space<vmem>>, vector<16xf32>,
      tpu.vector_store %arg6[%swap3A_43], %broadcast_in_dim3A_42 {strides = array<i32>} : memref<144xf32, #tpu.memory_space<vmem>>, vector<16xf32>,
      %broadcast_in_dim3A_45 = arith.constant 0.000000e+00 : f32
      %broadcast_in_dim3A_46 = vector.broadcast %broadcast_in_dim3A_45 : f32 to vector<16xf32>
      %swap3A_47 = arith.constant 32 : index
      %swap3A_48 = tpu.vector_load %arg6[%swap3A_47] {strides = array<i32>} : memref<144xf32, #tpu.memory_space<vmem>>, vector<16xf32>,
      tpu.vector_store %arg6[%swap3A_47], %broadcast_in_dim3A_46 {strides = array<i32>} : memref<144xf32, #tpu.memory_space<vmem>>, vector<16xf32>,
      %broadcast_in_dim3A_49 = arith.constant 0.000000e+00 : f32
      %broadcast_in_dim3A_50 = vector.broadcast %broadcast_in_dim3A_49 : f32 to vector<16xf32>
      %swap3A_51 = arith.constant 48 : index
      %swap3A_52 = tpu.vector_load %arg6[%swap3A_51] {strides = array<i32>} : memref<144xf32, #tpu.memory_space<vmem>>, vector<16xf32>,
      tpu.vector_store %arg6[%swap3A_51], %broadcast_in_dim3A_50 {strides = array<i32>} : memref<144xf32, #tpu.memory_space<vmem>>, vector<16xf32>,
      %broadcast_in_dim3A_53 = arith.constant 0.000000e+00 : f32
      %broadcast_in_dim3A_54 = vector.broadcast %broadcast_in_dim3A_53 : f32 to vector<16xf32>
      %swap3A_55 = arith.constant 64 : index
      %swap3A_56 = tpu.vector_load %arg6[%swap3A_55] {strides = array<i32>} : memref<144xf32, #tpu.memory_space<vmem>>, vector<16xf32>,
      tpu.vector_store %arg6[%swap3A_55], %broadcast_in_dim3A_54 {strides = array<i32>} : memref<144xf32, #tpu.memory_space<vmem>>, vector<16xf32>,
      %broadcast_in_dim3A_57 = arith.constant 0.000000e+00 : f32
      %broadcast_in_dim3A_58 = vector.broadcast %broadcast_in_dim3A_57 : f32 to vector<16xf32>
      %swap3A_59 = arith.constant 80 : index
      %swap3A_60 = tpu.vector_load %arg6[%swap3A_59] {strides = array<i32>} : memref<144xf32, #tpu.memory_space<vmem>>, vector<16xf32>,
      tpu.vector_store %arg6[%swap3A_59], %broadcast_in_dim3A_58 {strides = array<i32>} : memref<144xf32, #tpu.memory_space<vmem>>, vector<16xf32>,
      %broadcast_in_dim3A_61 = arith.constant 0.000000e+00 : f32
      %broadcast_in_dim3A_62 = vector.broadcast %broadcast_in_dim3A_61 : f32 to vector<16xf32>
      %swap3A_63 = arith.constant 96 : index
      %swap3A_64 = tpu.vector_load %arg6[%swap3A_63] {strides = array<i32>} : memref<144xf32, #tpu.memory_space<vmem>>, vector<16xf32>,
      tpu.vector_store %arg6[%swap3A_63], %broadcast_in_dim3A_62 {strides = array<i32>} : memref<144xf32, #tpu.memory_space<vmem>>, vector<16xf32>,
      %broadcast_in_dim3A_65 = arith.constant 0.000000e+00 : f32
      %broadcast_in_dim3A_66 = vector.broadcast %broadcast_in_dim3A_65 : f32 to vector<16xf32>
      %swap3A_67 = arith.constant 112 : index
      %swap3A_68 = tpu.vector_load %arg6[%swap3A_67] {strides = array<i32>} : memref<144xf32, #tpu.memory_space<vmem>>, vector<16xf32>,
      tpu.vector_store %arg6[%swap3A_67], %broadcast_in_dim3A_66 {strides = array<i32>} : memref<144xf32, #tpu.memory_space<vmem>>, vector<16xf32>,
      %broadcast_in_dim3A_69 = arith.constant 0.000000e+00 : f32
      %broadcast_in_dim3A_70 = vector.broadcast %broadcast_in_dim3A_69 : f32 to vector<16xf32>
      %swap3A_71 = arith.constant 128 : index
      %swap3A_72 = tpu.vector_load %arg6[%swap3A_71] {strides = array<i32>} : memref<144xf32, #tpu.memory_space<vmem>>, vector<16xf32>,
      tpu.vector_store %arg6[%swap3A_71], %broadcast_in_dim3A_70 {strides = array<i32>} : memref<144xf32, #tpu.memory_space<vmem>>, vector<16xf32>,
      %scan3A_73 = arith.constant 0 : i32
      %scan3A_74 = arith.constant 0 : i32
      %scan3A_75 = arith.constant 64 : i32
      %scan3A_76 = arith.addi %scan3A_74, %scan3A_75 : i32
      %scan3A_77 = arith.constant 1 : i32
      scf.for %scan3A_146 = %scan3A_74 to %scan3A_76 step %scan3A_77  : i32 {
        %mul3A_147 = arith.constant 2 : i32
        %mul3A_148 = arith.muli %mul3A_147, %scan3A_146 : i32
        %add3A_149 = arith.constant 0 : i32
        %add3A_150 = arith.addi %mul3A_148, %add3A_149 : i32
        %get3A = arith.index_cast %add3A_150 : i32 to index
        %get3A_151 = arith.constant 0 : index
        %get3A_152 = tpu.vector_load %arg4[%get3A, %get3A_151] {strides = array<i32>} : memref<128x128xi32, #tpu.memory_space<vmem>>, vector<16xi32>,
        %mul3A_153 = arith.constant 2 : i32
        %mul3A_154 = arith.muli %mul3A_153, %scan3A_146 : i32
        %add3A_155 = arith.constant 0 : i32
        %add3A_156 = arith.addi %mul3A_154, %add3A_155 : i32
        %get3A_157 = arith.index_cast %add3A_156 : i32 to index
        %get3A_158 = arith.constant 16 : index
        %get3A_159 = tpu.vector_load %arg4[%get3A_157, %get3A_158] {strides = array<i32>} : memref<128x128xi32, #tpu.memory_space<vmem>>, vector<16xi32>,
        %mul3A_160 = arith.constant 2 : i32
        %mul3A_161 = arith.muli %mul3A_160, %scan3A_146 : i32
        %add3A_162 = arith.constant 0 : i32
        %add3A_163 = arith.addi %mul3A_161, %add3A_162 : i32
        %get3A_164 = arith.index_cast %add3A_163 : i32 to index
        %get3A_165 = arith.constant 32 : index
        %get3A_166 = tpu.vector_load %arg4[%get3A_164, %get3A_165] {strides = array<i32>} : memref<128x128xi32, #tpu.memory_space<vmem>>, vector<16xi32>,
        %mul3A_167 = arith.constant 2 : i32
        %mul3A_168 = arith.muli %mul3A_167, %scan3A_146 : i32
        %add3A_169 = arith.constant 0 : i32
        %add3A_170 = arith.addi %mul3A_168, %add3A_169 : i32
        %get3A_171 = arith.index_cast %add3A_170 : i32 to index
        %get3A_172 = arith.constant 48 : index
        %get3A_173 = tpu.vector_load %arg4[%get3A_171, %get3A_172] {strides = array<i32>} : memref<128x128xi32, #tpu.memory_space<vmem>>, vector<16xi32>,
        %mul3A_174 = arith.constant 2 : i32
        %mul3A_175 = arith.muli %mul3A_174, %scan3A_146 : i32
        %add3A_176 = arith.constant 0 : i32
        %add3A_177 = arith.addi %mul3A_175, %add3A_176 : i32
        %get3A_178 = arith.index_cast %add3A_177 : i32 to index
        %get3A_179 = arith.constant 64 : index
        %get3A_180 = tpu.vector_load %arg4[%get3A_178, %get3A_179] {strides = array<i32>} : memref<128x128xi32, #tpu.memory_space<vmem>>, vector<16xi32>,
        %mul3A_181 = arith.constant 2 : i32
        %mul3A_182 = arith.muli %mul3A_181, %scan3A_146 : i32
        %add3A_183 = arith.constant 0 : i32
        %add3A_184 = arith.addi %mul3A_182, %add3A_183 : i32
        %get3A_185 = arith.index_cast %add3A_184 : i32 to index
        %get3A_186 = arith.constant 80 : index
        %get3A_187 = tpu.vector_load %arg4[%get3A_185, %get3A_186] {strides = array<i32>} : memref<128x128xi32, #tpu.memory_space<vmem>>, vector<16xi32>,
        %mul3A_188 = arith.constant 2 : i32
        %mul3A_189 = arith.muli %mul3A_188, %scan3A_146 : i32
        %add3A_190 = arith.constant 0 : i32
        %add3A_191 = arith.addi %mul3A_189, %add3A_190 : i32
        %get3A_192 = arith.index_cast %add3A_191 : i32 to index
        %get3A_193 = arith.constant 96 : index
        %get3A_194 = tpu.vector_load %arg4[%get3A_192, %get3A_193] {strides = array<i32>} : memref<128x128xi32, #tpu.memory_space<vmem>>, vector<16xi32>,
        %mul3A_195 = arith.constant 2 : i32
        %mul3A_196 = arith.muli %mul3A_195, %scan3A_146 : i32
        %add3A_197 = arith.constant 0 : i32
        %add3A_198 = arith.addi %mul3A_196, %add3A_197 : i32
        %get3A_199 = arith.index_cast %add3A_198 : i32 to index
        %get3A_200 = arith.constant 112 : index
        %get3A_201 = tpu.vector_load %arg4[%get3A_199, %get3A_200] {strides = array<i32>} : memref<128x128xi32, #tpu.memory_space<vmem>>, vector<16xi32>,
        %mul3A_202 = arith.constant 2 : i32
        %mul3A_203 = arith.muli %mul3A_202, %scan3A_146 : i32
        %add3A_204 = arith.constant 1 : i32
        %add3A_205 = arith.addi %mul3A_203, %add3A_204 : i32
        %get3A_206 = arith.index_cast %add3A_205 : i32 to index
        %get3A_207 = arith.constant 0 : index
        %get3A_208 = tpu.vector_load %arg4[%get3A_206, %get3A_207] {strides = array<i32>} : memref<128x128xi32, #tpu.memory_space<vmem>>, vector<16xi32>,
        %mul3A_209 = arith.constant 2 : i32
        %mul3A_210 = arith.muli %mul3A_209, %scan3A_146 : i32
        %add3A_211 = arith.constant 1 : i32
        %add3A_212 = arith.addi %mul3A_210, %add3A_211 : i32
        %get3A_213 = arith.index_cast %add3A_212 : i32 to index
        %get3A_214 = arith.constant 16 : index
        %get3A_215 = tpu.vector_load %arg4[%get3A_213, %get3A_214] {strides = array<i32>} : memref<128x128xi32, #tpu.memory_space<vmem>>, vector<16xi32>,
        %mul3A_216 = arith.constant 2 : i32
        %mul3A_217 = arith.muli %mul3A_216, %scan3A_146 : i32
        %add3A_218 = arith.constant 1 : i32
        %add3A_219 = arith.addi %mul3A_217, %add3A_218 : i32
        %get3A_220 = arith.index_cast %add3A_219 : i32 to index
        %get3A_221 = arith.constant 32 : index
        %get3A_222 = tpu.vector_load %arg4[%get3A_220, %get3A_221] {strides = array<i32>} : memref<128x128xi32, #tpu.memory_space<vmem>>, vector<16xi32>,
        %mul3A_223 = arith.constant 2 : i32
        %mul3A_224 = arith.muli %mul3A_223, %scan3A_146 : i32
        %add3A_225 = arith.constant 1 : i32
        %add3A_226 = arith.addi %mul3A_224, %add3A_225 : i32
        %get3A_227 = arith.index_cast %add3A_226 : i32 to index
        %get3A_228 = arith.constant 48 : index
        %get3A_229 = tpu.vector_load %arg4[%get3A_227, %get3A_228] {strides = array<i32>} : memref<128x128xi32, #tpu.memory_space<vmem>>, vector<16xi32>,
        %mul3A_230 = arith.constant 2 : i32
        %mul3A_231 = arith.muli %mul3A_230, %scan3A_146 : i32
        %add3A_232 = arith.constant 1 : i32
        %add3A_233 = arith.addi %mul3A_231, %add3A_232 : i32
        %get3A_234 = arith.index_cast %add3A_233 : i32 to index
        %get3A_235 = arith.constant 64 : index
        %get3A_236 = tpu.vector_load %arg4[%get3A_234, %get3A_235] {strides = array<i32>} : memref<128x128xi32, #tpu.memory_space<vmem>>, vector<16xi32>,
        %mul3A_237 = arith.constant 2 : i32
        %mul3A_238 = arith.muli %mul3A_237, %scan3A_146 : i32
        %add3A_239 = arith.constant 1 : i32
        %add3A_240 = arith.addi %mul3A_238, %add3A_239 : i32
        %get3A_241 = arith.index_cast %add3A_240 : i32 to index
        %get3A_242 = arith.constant 80 : index
        %get3A_243 = tpu.vector_load %arg4[%get3A_241, %get3A_242] {strides = array<i32>} : memref<128x128xi32, #tpu.memory_space<vmem>>, vector<16xi32>,
        %mul3A_244 = arith.constant 2 : i32
        %mul3A_245 = arith.muli %mul3A_244, %scan3A_146 : i32
        %add3A_246 = arith.constant 1 : i32
        %add3A_247 = arith.addi %mul3A_245, %add3A_246 : i32
        %get3A_248 = arith.index_cast %add3A_247 : i32 to index
        %get3A_249 = arith.constant 96 : index
        %get3A_250 = tpu.vector_load %arg4[%get3A_248, %get3A_249] {strides = array<i32>} : memref<128x128xi32, #tpu.memory_space<vmem>>, vector<16xi32>,
        %mul3A_251 = arith.constant 2 : i32
        %mul3A_252 = arith.muli %mul3A_251, %scan3A_146 : i32
        %add3A_253 = arith.constant 1 : i32
        %add3A_254 = arith.addi %mul3A_252, %add3A_253 : i32
        %get3A_255 = arith.index_cast %add3A_254 : i32 to index
        %get3A_256 = arith.constant 112 : index
        %get3A_257 = tpu.vector_load %arg4[%get3A_255, %get3A_256] {strides = array<i32>} : memref<128x128xi32, #tpu.memory_space<vmem>>, vector<16xi32>,
        %and3A = arith.constant 15 : i32
        %and3A_258 = vector.broadcast %and3A : i32 to vector<16xi32>
        %and3A_259 = arith.andi %get3A_152, %and3A_258 : vector<16xi32>
        %shift_left3A = arith.constant 4 : i32
        %shift_left3A_260 = vector.broadcast %shift_left3A : i32 to vector<16xi32>
        %shift_left3A_261 = arith.shli %and3A_259, %shift_left3A_260 : vector<16xi32>
        %or3A = arith.ori %shift_left3A_261, %iota3A : vector<16xi32>
        %and3A_262 = arith.constant 15 : i32
        %and3A_263 = vector.broadcast %and3A_262 : i32 to vector<16xi32>
        %and3A_264 = arith.andi %get3A_159, %and3A_263 : vector<16xi32>
        %shift_left3A_265 = arith.constant 4 : i32
        %shift_left3A_266 = vector.broadcast %shift_left3A_265 : i32 to vector<16xi32>
        %shift_left3A_267 = arith.shli %and3A_264, %shift_left3A_266 : vector<16xi32>
        %or3A_268 = arith.ori %shift_left3A_267, %iota3A : vector<16xi32>
        %and3A_269 = arith.constant 15 : i32
        %and3A_270 = vector.broadcast %and3A_269 : i32 to vector<16xi32>
        %and3A_271 = arith.andi %get3A_166, %and3A_270 : vector<16xi32>
        %shift_left3A_272 = arith.constant 4 : i32
        %shift_left3A_273 = vector.broadcast %shift_left3A_272 : i32 to vector<16xi32>
        %shift_left3A_274 = arith.shli %and3A_271, %shift_left3A_273 : vector<16xi32>
        %or3A_275 = arith.ori %shift_left3A_274, %iota3A : vector<16xi32>
        %and3A_276 = arith.constant 15 : i32
        %and3A_277 = vector.broadcast %and3A_276 : i32 to vector<16xi32>
        %and3A_278 = arith.andi %get3A_173, %and3A_277 : vector<16xi32>
        %shift_left3A_279 = arith.constant 4 : i32
        %shift_left3A_280 = vector.broadcast %shift_left3A_279 : i32 to vector<16xi32>
        %shift_left3A_281 = arith.shli %and3A_278, %shift_left3A_280 : vector<16xi32>
        %or3A_282 = arith.ori %shift_left3A_281, %iota3A : vector<16xi32>
        %and3A_283 = arith.constant 15 : i32
        %and3A_284 = vector.broadcast %and3A_283 : i32 to vector<16xi32>
        %and3A_285 = arith.andi %get3A_180, %and3A_284 : vector<16xi32>
        %shift_left3A_286 = arith.constant 4 : i32
        %shift_left3A_287 = vector.broadcast %shift_left3A_286 : i32 to vector<16xi32>
        %shift_left3A_288 = arith.shli %and3A_285, %shift_left3A_287 : vector<16xi32>
        %or3A_289 = arith.ori %shift_left3A_288, %iota3A : vector<16xi32>
        %and3A_290 = arith.constant 15 : i32
        %and3A_291 = vector.broadcast %and3A_290 : i32 to vector<16xi32>
        %and3A_292 = arith.andi %get3A_187, %and3A_291 : vector<16xi32>
        %shift_left3A_293 = arith.constant 4 : i32
        %shift_left3A_294 = vector.broadcast %shift_left3A_293 : i32 to vector<16xi32>
        %shift_left3A_295 = arith.shli %and3A_292, %shift_left3A_294 : vector<16xi32>
        %or3A_296 = arith.ori %shift_left3A_295, %iota3A : vector<16xi32>
        %and3A_297 = arith.constant 15 : i32
        %and3A_298 = vector.broadcast %and3A_297 : i32 to vector<16xi32>
        %and3A_299 = arith.andi %get3A_194, %and3A_298 : vector<16xi32>
        %shift_left3A_300 = arith.constant 4 : i32
        %shift_left3A_301 = vector.broadcast %shift_left3A_300 : i32 to vector<16xi32>
        %shift_left3A_302 = arith.shli %and3A_299, %shift_left3A_301 : vector<16xi32>
        %or3A_303 = arith.ori %shift_left3A_302, %iota3A : vector<16xi32>
        %and3A_304 = arith.constant 15 : i32
        %and3A_305 = vector.broadcast %and3A_304 : i32 to vector<16xi32>
        %and3A_306 = arith.andi %get3A_201, %and3A_305 : vector<16xi32>
        %shift_left3A_307 = arith.constant 4 : i32
        %shift_left3A_308 = vector.broadcast %shift_left3A_307 : i32 to vector<16xi32>
        %shift_left3A_309 = arith.shli %and3A_306, %shift_left3A_308 : vector<16xi32>
        %or3A_310 = arith.ori %shift_left3A_309, %iota3A : vector<16xi32>
        %and3A_311 = arith.constant 15 : i32
        %and3A_312 = vector.broadcast %and3A_311 : i32 to vector<16xi32>
        %and3A_313 = arith.andi %get3A_208, %and3A_312 : vector<16xi32>
        %shift_left3A_314 = arith.constant 4 : i32
        %shift_left3A_315 = vector.broadcast %shift_left3A_314 : i32 to vector<16xi32>
        %shift_left3A_316 = arith.shli %and3A_313, %shift_left3A_315 : vector<16xi32>
        %or3A_317 = arith.ori %shift_left3A_316, %iota3A : vector<16xi32>
        %and3A_318 = arith.constant 15 : i32
        %and3A_319 = vector.broadcast %and3A_318 : i32 to vector<16xi32>
        %and3A_320 = arith.andi %get3A_215, %and3A_319 : vector<16xi32>
        %shift_left3A_321 = arith.constant 4 : i32
        %shift_left3A_322 = vector.broadcast %shift_left3A_321 : i32 to vector<16xi32>
        %shift_left3A_323 = arith.shli %and3A_320, %shift_left3A_322 : vector<16xi32>
        %or3A_324 = arith.ori %shift_left3A_323, %iota3A : vector<16xi32>
        %and3A_325 = arith.constant 15 : i32
        %and3A_326 = vector.broadcast %and3A_325 : i32 to vector<16xi32>
        %and3A_327 = arith.andi %get3A_222, %and3A_326 : vector<16xi32>
        %shift_left3A_328 = arith.constant 4 : i32
        %shift_left3A_329 = vector.broadcast %shift_left3A_328 : i32 to vector<16xi32>
        %shift_left3A_330 = arith.shli %and3A_327, %shift_left3A_329 : vector<16xi32>
        %or3A_331 = arith.ori %shift_left3A_330, %iota3A : vector<16xi32>
        %and3A_332 = arith.constant 15 : i32
        %and3A_333 = vector.broadcast %and3A_332 : i32 to vector<16xi32>
        %and3A_334 = arith.andi %get3A_229, %and3A_333 : vector<16xi32>
        %shift_left3A_335 = arith.constant 4 : i32
        %shift_left3A_336 = vector.broadcast %shift_left3A_335 : i32 to vector<16xi32>
        %shift_left3A_337 = arith.shli %and3A_334, %shift_left3A_336 : vector<16xi32>
        %or3A_338 = arith.ori %shift_left3A_337, %iota3A : vector<16xi32>
        %and3A_339 = arith.constant 15 : i32
        %and3A_340 = vector.broadcast %and3A_339 : i32 to vector<16xi32>
        %and3A_341 = arith.andi %get3A_236, %and3A_340 : vector<16xi32>
        %shift_left3A_342 = arith.constant 4 : i32
        %shift_left3A_343 = vector.broadcast %shift_left3A_342 : i32 to vector<16xi32>
        %shift_left3A_344 = arith.shli %and3A_341, %shift_left3A_343 : vector<16xi32>
        %or3A_345 = arith.ori %shift_left3A_344, %iota3A : vector<16xi32>
        %and3A_346 = arith.constant 15 : i32
        %and3A_347 = vector.broadcast %and3A_346 : i32 to vector<16xi32>
        %and3A_348 = arith.andi %get3A_243, %and3A_347 : vector<16xi32>
        %shift_left3A_349 = arith.constant 4 : i32
        %shift_left3A_350 = vector.broadcast %shift_left3A_349 : i32 to vector<16xi32>
        %shift_left3A_351 = arith.shli %and3A_348, %shift_left3A_350 : vector<16xi32>
        %or3A_352 = arith.ori %shift_left3A_351, %iota3A : vector<16xi32>
        %and3A_353 = arith.constant 15 : i32
        %and3A_354 = vector.broadcast %and3A_353 : i32 to vector<16xi32>
        %and3A_355 = arith.andi %get3A_250, %and3A_354 : vector<16xi32>
        %shift_left3A_356 = arith.constant 4 : i32
        %shift_left3A_357 = vector.broadcast %shift_left3A_356 : i32 to vector<16xi32>
        %shift_left3A_358 = arith.shli %and3A_355, %shift_left3A_357 : vector<16xi32>
        %or3A_359 = arith.ori %shift_left3A_358, %iota3A : vector<16xi32>
        %and3A_360 = arith.constant 15 : i32
        %and3A_361 = vector.broadcast %and3A_360 : i32 to vector<16xi32>
        %and3A_362 = arith.andi %get3A_257, %and3A_361 : vector<16xi32>
        %shift_left3A_363 = arith.constant 4 : i32
        %shift_left3A_364 = vector.broadcast %shift_left3A_363 : i32 to vector<16xi32>
        %shift_left3A_365 = arith.shli %and3A_362, %shift_left3A_364 : vector<16xi32>
        %or3A_366 = arith.ori %shift_left3A_365, %iota3A : vector<16xi32>
        %shift_right_arithmetic3A = arith.constant 4 : i32
        %shift_right_arithmetic3A_367 = vector.broadcast %shift_right_arithmetic3A : i32 to vector<16xi32>
        %shift_right_arithmetic3A_368 = arith.shrsi %get3A_152, %shift_right_arithmetic3A_367 : vector<16xi32>
        %convert_element_type3A_369 = arith.sitofp %shift_right_arithmetic3A_368 : vector<16xi32> to vector<16xf32>
        %shift_right_arithmetic3A_370 = arith.constant 4 : i32
        %shift_right_arithmetic3A_371 = vector.broadcast %shift_right_arithmetic3A_370 : i32 to vector<16xi32>
        %shift_right_arithmetic3A_372 = arith.shrsi %get3A_159, %shift_right_arithmetic3A_371 : vector<16xi32>
        %convert_element_type3A_373 = arith.sitofp %shift_right_arithmetic3A_372 : vector<16xi32> to vector<16xf32>
        %shift_right_arithmetic3A_374 = arith.constant 4 : i32
        %shift_right_arithmetic3A_375 = vector.broadcast %shift_right_arithmetic3A_374 : i32 to vector<16xi32>
        %shift_right_arithmetic3A_376 = arith.shrsi %get3A_166, %shift_right_arithmetic3A_375 : vector<16xi32>
        %convert_element_type3A_377 = arith.sitofp %shift_right_arithmetic3A_376 : vector<16xi32> to vector<16xf32>
        %shift_right_arithmetic3A_378 = arith.constant 4 : i32
        %shift_right_arithmetic3A_379 = vector.broadcast %shift_right_arithmetic3A_378 : i32 to vector<16xi32>
        %shift_right_arithmetic3A_380 = arith.shrsi %get3A_173, %shift_right_arithmetic3A_379 : vector<16xi32>
        %convert_element_type3A_381 = arith.sitofp %shift_right_arithmetic3A_380 : vector<16xi32> to vector<16xf32>
        %shift_right_arithmetic3A_382 = arith.constant 4 : i32
        %shift_right_arithmetic3A_383 = vector.broadcast %shift_right_arithmetic3A_382 : i32 to vector<16xi32>
        %shift_right_arithmetic3A_384 = arith.shrsi %get3A_180, %shift_right_arithmetic3A_383 : vector<16xi32>
        %convert_element_type3A_385 = arith.sitofp %shift_right_arithmetic3A_384 : vector<16xi32> to vector<16xf32>
        %shift_right_arithmetic3A_386 = arith.constant 4 : i32
        %shift_right_arithmetic3A_387 = vector.broadcast %shift_right_arithmetic3A_386 : i32 to vector<16xi32>
        %shift_right_arithmetic3A_388 = arith.shrsi %get3A_187, %shift_right_arithmetic3A_387 : vector<16xi32>
        %convert_element_type3A_389 = arith.sitofp %shift_right_arithmetic3A_388 : vector<16xi32> to vector<16xf32>
        %shift_right_arithmetic3A_390 = arith.constant 4 : i32
        %shift_right_arithmetic3A_391 = vector.broadcast %shift_right_arithmetic3A_390 : i32 to vector<16xi32>
        %shift_right_arithmetic3A_392 = arith.shrsi %get3A_194, %shift_right_arithmetic3A_391 : vector<16xi32>
        %convert_element_type3A_393 = arith.sitofp %shift_right_arithmetic3A_392 : vector<16xi32> to vector<16xf32>
        %shift_right_arithmetic3A_394 = arith.constant 4 : i32
        %shift_right_arithmetic3A_395 = vector.broadcast %shift_right_arithmetic3A_394 : i32 to vector<16xi32>
        %shift_right_arithmetic3A_396 = arith.shrsi %get3A_201, %shift_right_arithmetic3A_395 : vector<16xi32>
        %convert_element_type3A_397 = arith.sitofp %shift_right_arithmetic3A_396 : vector<16xi32> to vector<16xf32>
        %shift_right_arithmetic3A_398 = arith.constant 4 : i32
        %shift_right_arithmetic3A_399 = vector.broadcast %shift_right_arithmetic3A_398 : i32 to vector<16xi32>
        %shift_right_arithmetic3A_400 = arith.shrsi %get3A_208, %shift_right_arithmetic3A_399 : vector<16xi32>
        %convert_element_type3A_401 = arith.sitofp %shift_right_arithmetic3A_400 : vector<16xi32> to vector<16xf32>
        %shift_right_arithmetic3A_402 = arith.constant 4 : i32
        %shift_right_arithmetic3A_403 = vector.broadcast %shift_right_arithmetic3A_402 : i32 to vector<16xi32>
        %shift_right_arithmetic3A_404 = arith.shrsi %get3A_215, %shift_right_arithmetic3A_403 : vector<16xi32>
        %convert_element_type3A_405 = arith.sitofp %shift_right_arithmetic3A_404 : vector<16xi32> to vector<16xf32>
        %shift_right_arithmetic3A_406 = arith.constant 4 : i32
        %shift_right_arithmetic3A_407 = vector.broadcast %shift_right_arithmetic3A_406 : i32 to vector<16xi32>
        %shift_right_arithmetic3A_408 = arith.shrsi %get3A_222, %shift_right_arithmetic3A_407 : vector<16xi32>
        %convert_element_type3A_409 = arith.sitofp %shift_right_arithmetic3A_408 : vector<16xi32> to vector<16xf32>
        %shift_right_arithmetic3A_410 = arith.constant 4 : i32
        %shift_right_arithmetic3A_411 = vector.broadcast %shift_right_arithmetic3A_410 : i32 to vector<16xi32>
        %shift_right_arithmetic3A_412 = arith.shrsi %get3A_229, %shift_right_arithmetic3A_411 : vector<16xi32>
        %convert_element_type3A_413 = arith.sitofp %shift_right_arithmetic3A_412 : vector<16xi32> to vector<16xf32>
        %shift_right_arithmetic3A_414 = arith.constant 4 : i32
        %shift_right_arithmetic3A_415 = vector.broadcast %shift_right_arithmetic3A_414 : i32 to vector<16xi32>
        %shift_right_arithmetic3A_416 = arith.shrsi %get3A_236, %shift_right_arithmetic3A_415 : vector<16xi32>
        %convert_element_type3A_417 = arith.sitofp %shift_right_arithmetic3A_416 : vector<16xi32> to vector<16xf32>
        %shift_right_arithmetic3A_418 = arith.constant 4 : i32
        %shift_right_arithmetic3A_419 = vector.broadcast %shift_right_arithmetic3A_418 : i32 to vector<16xi32>
        %shift_right_arithmetic3A_420 = arith.shrsi %get3A_243, %shift_right_arithmetic3A_419 : vector<16xi32>
        %convert_element_type3A_421 = arith.sitofp %shift_right_arithmetic3A_420 : vector<16xi32> to vector<16xf32>
        %shift_right_arithmetic3A_422 = arith.constant 4 : i32
        %shift_right_arithmetic3A_423 = vector.broadcast %shift_right_arithmetic3A_422 : i32 to vector<16xi32>
        %shift_right_arithmetic3A_424 = arith.shrsi %get3A_250, %shift_right_arithmetic3A_423 : vector<16xi32>
        %convert_element_type3A_425 = arith.sitofp %shift_right_arithmetic3A_424 : vector<16xi32> to vector<16xf32>
        %shift_right_arithmetic3A_426 = arith.constant 4 : i32
        %shift_right_arithmetic3A_427 = vector.broadcast %shift_right_arithmetic3A_426 : i32 to vector<16xi32>
        %shift_right_arithmetic3A_428 = arith.shrsi %get3A_257, %shift_right_arithmetic3A_427 : vector<16xi32>
        %convert_element_type3A_429 = arith.sitofp %shift_right_arithmetic3A_428 : vector<16xi32> to vector<16xf32>
        tpu.vector_store_idx %arg6[%or3A], %convert_element_type3A_369 {add = true} : memref<144xf32, #tpu.memory_space<vmem>>[vector<16xi32>], vector<16xf32>,
        tpu.vector_store_idx %arg6[%or3A_268], %convert_element_type3A_373 {add = true} : memref<144xf32, #tpu.memory_space<vmem>>[vector<16xi32>], vector<16xf32>,
        tpu.vector_store_idx %arg6[%or3A_275], %convert_element_type3A_377 {add = true} : memref<144xf32, #tpu.memory_space<vmem>>[vector<16xi32>], vector<16xf32>,
        tpu.vector_store_idx %arg6[%or3A_282], %convert_element_type3A_381 {add = true} : memref<144xf32, #tpu.memory_space<vmem>>[vector<16xi32>], vector<16xf32>,
        tpu.vector_store_idx %arg6[%or3A_289], %convert_element_type3A_385 {add = true} : memref<144xf32, #tpu.memory_space<vmem>>[vector<16xi32>], vector<16xf32>,
        tpu.vector_store_idx %arg6[%or3A_296], %convert_element_type3A_389 {add = true} : memref<144xf32, #tpu.memory_space<vmem>>[vector<16xi32>], vector<16xf32>,
        tpu.vector_store_idx %arg6[%or3A_303], %convert_element_type3A_393 {add = true} : memref<144xf32, #tpu.memory_space<vmem>>[vector<16xi32>], vector<16xf32>,
        tpu.vector_store_idx %arg6[%or3A_310], %convert_element_type3A_397 {add = true} : memref<144xf32, #tpu.memory_space<vmem>>[vector<16xi32>], vector<16xf32>,
        tpu.vector_store_idx %arg6[%or3A_317], %convert_element_type3A_401 {add = true} : memref<144xf32, #tpu.memory_space<vmem>>[vector<16xi32>], vector<16xf32>,
        tpu.vector_store_idx %arg6[%or3A_324], %convert_element_type3A_405 {add = true} : memref<144xf32, #tpu.memory_space<vmem>>[vector<16xi32>], vector<16xf32>,
        tpu.vector_store_idx %arg6[%or3A_331], %convert_element_type3A_409 {add = true} : memref<144xf32, #tpu.memory_space<vmem>>[vector<16xi32>], vector<16xf32>,
        tpu.vector_store_idx %arg6[%or3A_338], %convert_element_type3A_413 {add = true} : memref<144xf32, #tpu.memory_space<vmem>>[vector<16xi32>], vector<16xf32>,
        tpu.vector_store_idx %arg6[%or3A_345], %convert_element_type3A_417 {add = true} : memref<144xf32, #tpu.memory_space<vmem>>[vector<16xi32>], vector<16xf32>,
        tpu.vector_store_idx %arg6[%or3A_352], %convert_element_type3A_421 {add = true} : memref<144xf32, #tpu.memory_space<vmem>>[vector<16xi32>], vector<16xf32>,
        tpu.vector_store_idx %arg6[%or3A_359], %convert_element_type3A_425 {add = true} : memref<144xf32, #tpu.memory_space<vmem>>[vector<16xi32>], vector<16xf32>,
        tpu.vector_store_idx %arg6[%or3A_366], %convert_element_type3A_429 {add = true} : memref<144xf32, #tpu.memory_space<vmem>>[vector<16xi32>], vector<16xf32>,
      }
      %scan3A_78 = arith.constant 64 : i32
      "tpu.region"() ({
        %run_scoped3A = tpu.sem_alloc : memref<!tpu.dma_semaphore, #tpu.memory_space<semaphore_mem>>
        %dma_start3A_146 = arith.constant 0 : i32
        %dma_start3A_147 = tpu.memref_slice %arg3[%add3A_30, %dma_start3A_146] : memref<320x144xf32, #tpu.memory_space<hbm>> -> memref<1x144xf32, #tpu.memory_space<hbm>>
        %dma_start3A_148 = tpu.memref_squeeze %dma_start3A_147 : memref<1x144xf32, #tpu.memory_space<hbm>> -> memref<144xf32, #tpu.memory_space<hbm>>
        %dma_start3A_149 = arith.constant 0 : i32
        %dma_start3A_150 = tpu.memref_slice %arg3[%add3A_30, %dma_start3A_149] : memref<320x144xf32, #tpu.memory_space<hbm>> -> memref<1x144xf32, #tpu.memory_space<hbm>>
        %dma_start3A_151 = tpu.memref_squeeze %dma_start3A_150 : memref<1x144xf32, #tpu.memory_space<hbm>> -> memref<144xf32, #tpu.memory_space<hbm>>
        tpu.enqueue_dma source(%arg6 : memref<144xf32, #tpu.memory_space<vmem>>) target(%dma_start3A_151 : memref<144xf32, #tpu.memory_space<hbm>>) target_semaphore(%run_scoped3A : memref<!tpu.dma_semaphore, #tpu.memory_space<semaphore_mem>>)
        %dma_wait3A_152 = arith.constant 0 : i32
        %dma_wait3A_153 = tpu.memref_slice %arg3[%add3A_30, %dma_wait3A_152] : memref<320x144xf32, #tpu.memory_space<hbm>> -> memref<1x144xf32, #tpu.memory_space<hbm>>
        %dma_wait3A_154 = tpu.memref_squeeze %dma_wait3A_153 : memref<1x144xf32, #tpu.memory_space<hbm>> -> memref<144xf32, #tpu.memory_space<hbm>>
        %dma_wait3A_155 = arith.constant 0 : i32
        %dma_wait3A_156 = tpu.memref_slice %arg3[%add3A_30, %dma_wait3A_155] : memref<320x144xf32, #tpu.memory_space<hbm>> -> memref<1x144xf32, #tpu.memory_space<hbm>>
        %dma_wait3A_157 = tpu.memref_squeeze %dma_wait3A_156 : memref<1x144xf32, #tpu.memory_space<hbm>> -> memref<144xf32, #tpu.memory_space<hbm>>
        tpu.wait_dma2 semaphore(%run_scoped3A : memref<!tpu.dma_semaphore, #tpu.memory_space<semaphore_mem>>) src(%arg6 : memref<144xf32, #tpu.memory_space<vmem>>) dst(%dma_wait3A_157 : memref<144xf32, #tpu.memory_space<hbm>>)
        tpu.yield
      }) : () -> ()
      %add3A_79 = arith.constant 2 : i32
      %add3A_80 = arith.addi %add3A_29, %add3A_79 : i32
      %lt3A = arith.constant 10 : i32
      %lt3A_81 = arith.cmpi slt, %add3A_80, %lt3A : i32
      %convert_element_type3A = arith.extui %lt3A_81 : i1 to i32
      %cond3A = arith.constant 0 : i32
      %cond3A_82 = arith.cmpi ne, %convert_element_type3A, %cond3A : i32
      scf.if %cond3A_82 {
        %add3A_146 = arith.constant 2 : i32
        %add3A_147 = arith.addi %add3A_30, %add3A_146 : i32
        %dma_start3A_148 = arith.constant 0 : i32
        %dma_start3A_149 = arith.constant 0 : i32
        %dma_start3A_150 = tpu.memref_slice %arg2[%add3A_147, %dma_start3A_148, %dma_start3A_149] : memref<320x128x128xi32, #tpu.memory_space<hbm>> -> memref<1x128x128xi32, #tpu.memory_space<hbm>>
        %dma_start3A_151 = tpu.memref_squeeze %dma_start3A_150 : memref<1x128x128xi32, #tpu.memory_space<hbm>> -> memref<128x128xi32, #tpu.memory_space<hbm>>
        %dma_start3A_152 = arith.constant 0 : i32
        %dma_start3A_153 = arith.constant 0 : i32
        %dma_start3A_154 = tpu.memref_slice %arg2[%add3A_147, %dma_start3A_152, %dma_start3A_153] : memref<320x128x128xi32, #tpu.memory_space<hbm>> -> memref<1x128x128xi32, #tpu.memory_space<hbm>>
        %dma_start3A_155 = tpu.memref_squeeze %dma_start3A_154 : memref<1x128x128xi32, #tpu.memory_space<hbm>> -> memref<128x128xi32, #tpu.memory_space<hbm>>
        tpu.enqueue_dma source(%dma_start3A_155 : memref<128x128xi32, #tpu.memory_space<hbm>>) target(%arg4 : memref<128x128xi32, #tpu.memory_space<vmem>>) target_semaphore(%arg7 : memref<!tpu.dma_semaphore, #tpu.memory_space<semaphore_mem>>)
      } else {
      }
      %mul3A_83 = arith.constant 2 : i32
      %mul3A_84 = arith.muli %mul3A_83, %scan3A_25 : i32
      %add3A_85 = arith.constant 1 : i32
      %add3A_86 = arith.addi %mul3A_84, %add3A_85 : i32
      %add3A_87 = arith.addi %mul3A_2, %add3A_86 : i32
      %dma_wait3A_88 = arith.constant 0 : i32
      %dma_wait3A_89 = arith.constant 0 : i32
      %dma_wait3A_90 = arith.constant 0 : i32
      %dma_wait3A_91 = tpu.memref_slice %arg2[%dma_wait3A_88, %dma_wait3A_89, %dma_wait3A_90] : memref<320x128x128xi32, #tpu.memory_space<hbm>> -> memref<1x128x128xi32, #tpu.memory_space<hbm>>
      %dma_wait3A_92 = tpu.memref_squeeze %dma_wait3A_91 : memref<1x128x128xi32, #tpu.memory_space<hbm>> -> memref<128x128xi32, #tpu.memory_space<hbm>>
      %dma_wait3A_93 = arith.constant 0 : i32
      %dma_wait3A_94 = arith.constant 0 : i32
      %dma_wait3A_95 = tpu.memref_slice %arg2[%dma_wait3A_88, %dma_wait3A_93, %dma_wait3A_94] : memref<320x128x128xi32, #tpu.memory_space<hbm>> -> memref<1x128x128xi32, #tpu.memory_space<hbm>>
      %dma_wait3A_96 = tpu.memref_squeeze %dma_wait3A_95 : memref<1x128x128xi32, #tpu.memory_space<hbm>> -> memref<128x128xi32, #tpu.memory_space<hbm>>
      tpu.wait_dma2 semaphore(%arg8 : memref<!tpu.dma_semaphore, #tpu.memory_space<semaphore_mem>>) src(%dma_wait3A_96 : memref<128x128xi32, #tpu.memory_space<hbm>>) dst(%arg5 : memref<128x128xi32, #tpu.memory_space<vmem>>)
      %broadcast_in_dim3A_97 = arith.constant 0.000000e+00 : f32
      %broadcast_in_dim3A_98 = vector.broadcast %broadcast_in_dim3A_97 : f32 to vector<16xf32>
      %swap3A_99 = arith.constant 0 : index
      %swap3A_100 = tpu.vector_load %arg6[%swap3A_99] {strides = array<i32>} : memref<144xf32, #tpu.memory_space<vmem>>, vector<16xf32>,
      tpu.vector_store %arg6[%swap3A_99], %broadcast_in_dim3A_98 {strides = array<i32>} : memref<144xf32, #tpu.memory_space<vmem>>, vector<16xf32>,
      %broadcast_in_dim3A_101 = arith.constant 0.000000e+00 : f32
      %broadcast_in_dim3A_102 = vector.broadcast %broadcast_in_dim3A_101 : f32 to vector<16xf32>
      %swap3A_103 = arith.constant 16 : index
      %swap3A_104 = tpu.vector_load %arg6[%swap3A_103] {strides = array<i32>} : memref<144xf32, #tpu.memory_space<vmem>>, vector<16xf32>,
      tpu.vector_store %arg6[%swap3A_103], %broadcast_in_dim3A_102 {strides = array<i32>} : memref<144xf32, #tpu.memory_space<vmem>>, vector<16xf32>,
      %broadcast_in_dim3A_105 = arith.constant 0.000000e+00 : f32
      %broadcast_in_dim3A_106 = vector.broadcast %broadcast_in_dim3A_105 : f32 to vector<16xf32>
      %swap3A_107 = arith.constant 32 : index
      %swap3A_108 = tpu.vector_load %arg6[%swap3A_107] {strides = array<i32>} : memref<144xf32, #tpu.memory_space<vmem>>, vector<16xf32>,
      tpu.vector_store %arg6[%swap3A_107], %broadcast_in_dim3A_106 {strides = array<i32>} : memref<144xf32, #tpu.memory_space<vmem>>, vector<16xf32>,
      %broadcast_in_dim3A_109 = arith.constant 0.000000e+00 : f32
      %broadcast_in_dim3A_110 = vector.broadcast %broadcast_in_dim3A_109 : f32 to vector<16xf32>
      %swap3A_111 = arith.constant 48 : index
      %swap3A_112 = tpu.vector_load %arg6[%swap3A_111] {strides = array<i32>} : memref<144xf32, #tpu.memory_space<vmem>>, vector<16xf32>,
      tpu.vector_store %arg6[%swap3A_111], %broadcast_in_dim3A_110 {strides = array<i32>} : memref<144xf32, #tpu.memory_space<vmem>>, vector<16xf32>,
      %broadcast_in_dim3A_113 = arith.constant 0.000000e+00 : f32
      %broadcast_in_dim3A_114 = vector.broadcast %broadcast_in_dim3A_113 : f32 to vector<16xf32>
      %swap3A_115 = arith.constant 64 : index
      %swap3A_116 = tpu.vector_load %arg6[%swap3A_115] {strides = array<i32>} : memref<144xf32, #tpu.memory_space<vmem>>, vector<16xf32>,
      tpu.vector_store %arg6[%swap3A_115], %broadcast_in_dim3A_114 {strides = array<i32>} : memref<144xf32, #tpu.memory_space<vmem>>, vector<16xf32>,
      %broadcast_in_dim3A_117 = arith.constant 0.000000e+00 : f32
      %broadcast_in_dim3A_118 = vector.broadcast %broadcast_in_dim3A_117 : f32 to vector<16xf32>
      %swap3A_119 = arith.constant 80 : index
      %swap3A_120 = tpu.vector_load %arg6[%swap3A_119] {strides = array<i32>} : memref<144xf32, #tpu.memory_space<vmem>>, vector<16xf32>,
      tpu.vector_store %arg6[%swap3A_119], %broadcast_in_dim3A_118 {strides = array<i32>} : memref<144xf32, #tpu.memory_space<vmem>>, vector<16xf32>,
      %broadcast_in_dim3A_121 = arith.constant 0.000000e+00 : f32
      %broadcast_in_dim3A_122 = vector.broadcast %broadcast_in_dim3A_121 : f32 to vector<16xf32>
      %swap3A_123 = arith.constant 96 : index
      %swap3A_124 = tpu.vector_load %arg6[%swap3A_123] {strides = array<i32>} : memref<144xf32, #tpu.memory_space<vmem>>, vector<16xf32>,
      tpu.vector_store %arg6[%swap3A_123], %broadcast_in_dim3A_122 {strides = array<i32>} : memref<144xf32, #tpu.memory_space<vmem>>, vector<16xf32>,
      %broadcast_in_dim3A_125 = arith.constant 0.000000e+00 : f32
      %broadcast_in_dim3A_126 = vector.broadcast %broadcast_in_dim3A_125 : f32 to vector<16xf32>
      %swap3A_127 = arith.constant 112 : index
      %swap3A_128 = tpu.vector_load %arg6[%swap3A_127] {strides = array<i32>} : memref<144xf32, #tpu.memory_space<vmem>>, vector<16xf32>,
      tpu.vector_store %arg6[%swap3A_127], %broadcast_in_dim3A_126 {strides = array<i32>} : memref<144xf32, #tpu.memory_space<vmem>>, vector<16xf32>,
      %broadcast_in_dim3A_129 = arith.constant 0.000000e+00 : f32
      %broadcast_in_dim3A_130 = vector.broadcast %broadcast_in_dim3A_129 : f32 to vector<16xf32>
      %swap3A_131 = arith.constant 128 : index
      %swap3A_132 = tpu.vector_load %arg6[%swap3A_131] {strides = array<i32>} : memref<144xf32, #tpu.memory_space<vmem>>, vector<16xf32>,
      tpu.vector_store %arg6[%swap3A_131], %broadcast_in_dim3A_130 {strides = array<i32>} : memref<144xf32, #tpu.memory_space<vmem>>, vector<16xf32>,
      %scan3A_133 = arith.constant 0 : i32
      %scan3A_134 = arith.constant 0 : i32
      %scan3A_135 = arith.constant 64 : i32
      %scan3A_136 = arith.addi %scan3A_134, %scan3A_135 : i32
      %scan3A_137 = arith.constant 1 : i32
      scf.for %scan3A_146 = %scan3A_134 to %scan3A_136 step %scan3A_137  : i32 {
        %mul3A_147 = arith.constant 2 : i32
        %mul3A_148 = arith.muli %mul3A_147, %scan3A_146 : i32
        %add3A_149 = arith.constant 0 : i32
        %add3A_150 = arith.addi %mul3A_148, %add3A_149 : i32
        %get3A = arith.index_cast %add3A_150 : i32 to index
        %get3A_151 = arith.constant 0 : index
        %get3A_152 = tpu.vector_load %arg5[%get3A, %get3A_151] {strides = array<i32>} : memref<128x128xi32, #tpu.memory_space<vmem>>, vector<16xi32>,
        %mul3A_153 = arith.constant 2 : i32
        %mul3A_154 = arith.muli %mul3A_153, %scan3A_146 : i32
        %add3A_155 = arith.constant 0 : i32
        %add3A_156 = arith.addi %mul3A_154, %add3A_155 : i32
        %get3A_157 = arith.index_cast %add3A_156 : i32 to index
        %get3A_158 = arith.constant 16 : index
        %get3A_159 = tpu.vector_load %arg5[%get3A_157, %get3A_158] {strides = array<i32>} : memref<128x128xi32, #tpu.memory_space<vmem>>, vector<16xi32>,
        %mul3A_160 = arith.constant 2 : i32
        %mul3A_161 = arith.muli %mul3A_160, %scan3A_146 : i32
        %add3A_162 = arith.constant 0 : i32
        %add3A_163 = arith.addi %mul3A_161, %add3A_162 : i32
        %get3A_164 = arith.index_cast %add3A_163 : i32 to index
        %get3A_165 = arith.constant 32 : index
        %get3A_166 = tpu.vector_load %arg5[%get3A_164, %get3A_165] {strides = array<i32>} : memref<128x128xi32, #tpu.memory_space<vmem>>, vector<16xi32>,
        %mul3A_167 = arith.constant 2 : i32
        %mul3A_168 = arith.muli %mul3A_167, %scan3A_146 : i32
        %add3A_169 = arith.constant 0 : i32
        %add3A_170 = arith.addi %mul3A_168, %add3A_169 : i32
        %get3A_171 = arith.index_cast %add3A_170 : i32 to index
        %get3A_172 = arith.constant 48 : index
        %get3A_173 = tpu.vector_load %arg5[%get3A_171, %get3A_172] {strides = array<i32>} : memref<128x128xi32, #tpu.memory_space<vmem>>, vector<16xi32>,
        %mul3A_174 = arith.constant 2 : i32
        %mul3A_175 = arith.muli %mul3A_174, %scan3A_146 : i32
        %add3A_176 = arith.constant 0 : i32
        %add3A_177 = arith.addi %mul3A_175, %add3A_176 : i32
        %get3A_178 = arith.index_cast %add3A_177 : i32 to index
        %get3A_179 = arith.constant 64 : index
        %get3A_180 = tpu.vector_load %arg5[%get3A_178, %get3A_179] {strides = array<i32>} : memref<128x128xi32, #tpu.memory_space<vmem>>, vector<16xi32>,
        %mul3A_181 = arith.constant 2 : i32
        %mul3A_182 = arith.muli %mul3A_181, %scan3A_146 : i32
        %add3A_183 = arith.constant 0 : i32
        %add3A_184 = arith.addi %mul3A_182, %add3A_183 : i32
        %get3A_185 = arith.index_cast %add3A_184 : i32 to index
        %get3A_186 = arith.constant 80 : index
        %get3A_187 = tpu.vector_load %arg5[%get3A_185, %get3A_186] {strides = array<i32>} : memref<128x128xi32, #tpu.memory_space<vmem>>, vector<16xi32>,
        %mul3A_188 = arith.constant 2 : i32
        %mul3A_189 = arith.muli %mul3A_188, %scan3A_146 : i32
        %add3A_190 = arith.constant 0 : i32
        %add3A_191 = arith.addi %mul3A_189, %add3A_190 : i32
        %get3A_192 = arith.index_cast %add3A_191 : i32 to index
        %get3A_193 = arith.constant 96 : index
        %get3A_194 = tpu.vector_load %arg5[%get3A_192, %get3A_193] {strides = array<i32>} : memref<128x128xi32, #tpu.memory_space<vmem>>, vector<16xi32>,
        %mul3A_195 = arith.constant 2 : i32
        %mul3A_196 = arith.muli %mul3A_195, %scan3A_146 : i32
        %add3A_197 = arith.constant 0 : i32
        %add3A_198 = arith.addi %mul3A_196, %add3A_197 : i32
        %get3A_199 = arith.index_cast %add3A_198 : i32 to index
        %get3A_200 = arith.constant 112 : index
        %get3A_201 = tpu.vector_load %arg5[%get3A_199, %get3A_200] {strides = array<i32>} : memref<128x128xi32, #tpu.memory_space<vmem>>, vector<16xi32>,
        %mul3A_202 = arith.constant 2 : i32
        %mul3A_203 = arith.muli %mul3A_202, %scan3A_146 : i32
        %add3A_204 = arith.constant 1 : i32
        %add3A_205 = arith.addi %mul3A_203, %add3A_204 : i32
        %get3A_206 = arith.index_cast %add3A_205 : i32 to index
        %get3A_207 = arith.constant 0 : index
        %get3A_208 = tpu.vector_load %arg5[%get3A_206, %get3A_207] {strides = array<i32>} : memref<128x128xi32, #tpu.memory_space<vmem>>, vector<16xi32>,
        %mul3A_209 = arith.constant 2 : i32
        %mul3A_210 = arith.muli %mul3A_209, %scan3A_146 : i32
        %add3A_211 = arith.constant 1 : i32
        %add3A_212 = arith.addi %mul3A_210, %add3A_211 : i32
        %get3A_213 = arith.index_cast %add3A_212 : i32 to index
        %get3A_214 = arith.constant 16 : index
        %get3A_215 = tpu.vector_load %arg5[%get3A_213, %get3A_214] {strides = array<i32>} : memref<128x128xi32, #tpu.memory_space<vmem>>, vector<16xi32>,
        %mul3A_216 = arith.constant 2 : i32
        %mul3A_217 = arith.muli %mul3A_216, %scan3A_146 : i32
        %add3A_218 = arith.constant 1 : i32
        %add3A_219 = arith.addi %mul3A_217, %add3A_218 : i32
        %get3A_220 = arith.index_cast %add3A_219 : i32 to index
        %get3A_221 = arith.constant 32 : index
        %get3A_222 = tpu.vector_load %arg5[%get3A_220, %get3A_221] {strides = array<i32>} : memref<128x128xi32, #tpu.memory_space<vmem>>, vector<16xi32>,
        %mul3A_223 = arith.constant 2 : i32
        %mul3A_224 = arith.muli %mul3A_223, %scan3A_146 : i32
        %add3A_225 = arith.constant 1 : i32
        %add3A_226 = arith.addi %mul3A_224, %add3A_225 : i32
        %get3A_227 = arith.index_cast %add3A_226 : i32 to index
        %get3A_228 = arith.constant 48 : index
        %get3A_229 = tpu.vector_load %arg5[%get3A_227, %get3A_228] {strides = array<i32>} : memref<128x128xi32, #tpu.memory_space<vmem>>, vector<16xi32>,
        %mul3A_230 = arith.constant 2 : i32
        %mul3A_231 = arith.muli %mul3A_230, %scan3A_146 : i32
        %add3A_232 = arith.constant 1 : i32
        %add3A_233 = arith.addi %mul3A_231, %add3A_232 : i32
        %get3A_234 = arith.index_cast %add3A_233 : i32 to index
        %get3A_235 = arith.constant 64 : index
        %get3A_236 = tpu.vector_load %arg5[%get3A_234, %get3A_235] {strides = array<i32>} : memref<128x128xi32, #tpu.memory_space<vmem>>, vector<16xi32>,
        %mul3A_237 = arith.constant 2 : i32
        %mul3A_238 = arith.muli %mul3A_237, %scan3A_146 : i32
        %add3A_239 = arith.constant 1 : i32
        %add3A_240 = arith.addi %mul3A_238, %add3A_239 : i32
        %get3A_241 = arith.index_cast %add3A_240 : i32 to index
        %get3A_242 = arith.constant 80 : index
        %get3A_243 = tpu.vector_load %arg5[%get3A_241, %get3A_242] {strides = array<i32>} : memref<128x128xi32, #tpu.memory_space<vmem>>, vector<16xi32>,
        %mul3A_244 = arith.constant 2 : i32
        %mul3A_245 = arith.muli %mul3A_244, %scan3A_146 : i32
        %add3A_246 = arith.constant 1 : i32
        %add3A_247 = arith.addi %mul3A_245, %add3A_246 : i32
        %get3A_248 = arith.index_cast %add3A_247 : i32 to index
        %get3A_249 = arith.constant 96 : index
        %get3A_250 = tpu.vector_load %arg5[%get3A_248, %get3A_249] {strides = array<i32>} : memref<128x128xi32, #tpu.memory_space<vmem>>, vector<16xi32>,
        %mul3A_251 = arith.constant 2 : i32
        %mul3A_252 = arith.muli %mul3A_251, %scan3A_146 : i32
        %add3A_253 = arith.constant 1 : i32
        %add3A_254 = arith.addi %mul3A_252, %add3A_253 : i32
        %get3A_255 = arith.index_cast %add3A_254 : i32 to index
        %get3A_256 = arith.constant 112 : index
        %get3A_257 = tpu.vector_load %arg5[%get3A_255, %get3A_256] {strides = array<i32>} : memref<128x128xi32, #tpu.memory_space<vmem>>, vector<16xi32>,
        %and3A = arith.constant 15 : i32
        %and3A_258 = vector.broadcast %and3A : i32 to vector<16xi32>
        %and3A_259 = arith.andi %get3A_152, %and3A_258 : vector<16xi32>
        %shift_left3A = arith.constant 4 : i32
        %shift_left3A_260 = vector.broadcast %shift_left3A : i32 to vector<16xi32>
        %shift_left3A_261 = arith.shli %and3A_259, %shift_left3A_260 : vector<16xi32>
        %or3A = arith.ori %shift_left3A_261, %iota3A : vector<16xi32>
        %and3A_262 = arith.constant 15 : i32
        %and3A_263 = vector.broadcast %and3A_262 : i32 to vector<16xi32>
        %and3A_264 = arith.andi %get3A_159, %and3A_263 : vector<16xi32>
        %shift_left3A_265 = arith.constant 4 : i32
        %shift_left3A_266 = vector.broadcast %shift_left3A_265 : i32 to vector<16xi32>
        %shift_left3A_267 = arith.shli %and3A_264, %shift_left3A_266 : vector<16xi32>
        %or3A_268 = arith.ori %shift_left3A_267, %iota3A : vector<16xi32>
        %and3A_269 = arith.constant 15 : i32
        %and3A_270 = vector.broadcast %and3A_269 : i32 to vector<16xi32>
        %and3A_271 = arith.andi %get3A_166, %and3A_270 : vector<16xi32>
        %shift_left3A_272 = arith.constant 4 : i32
        %shift_left3A_273 = vector.broadcast %shift_left3A_272 : i32 to vector<16xi32>
        %shift_left3A_274 = arith.shli %and3A_271, %shift_left3A_273 : vector<16xi32>
        %or3A_275 = arith.ori %shift_left3A_274, %iota3A : vector<16xi32>
        %and3A_276 = arith.constant 15 : i32
        %and3A_277 = vector.broadcast %and3A_276 : i32 to vector<16xi32>
        %and3A_278 = arith.andi %get3A_173, %and3A_277 : vector<16xi32>
        %shift_left3A_279 = arith.constant 4 : i32
        %shift_left3A_280 = vector.broadcast %shift_left3A_279 : i32 to vector<16xi32>
        %shift_left3A_281 = arith.shli %and3A_278, %shift_left3A_280 : vector<16xi32>
        %or3A_282 = arith.ori %shift_left3A_281, %iota3A : vector<16xi32>
        %and3A_283 = arith.constant 15 : i32
        %and3A_284 = vector.broadcast %and3A_283 : i32 to vector<16xi32>
        %and3A_285 = arith.andi %get3A_180, %and3A_284 : vector<16xi32>
        %shift_left3A_286 = arith.constant 4 : i32
        %shift_left3A_287 = vector.broadcast %shift_left3A_286 : i32 to vector<16xi32>
        %shift_left3A_288 = arith.shli %and3A_285, %shift_left3A_287 : vector<16xi32>
        %or3A_289 = arith.ori %shift_left3A_288, %iota3A : vector<16xi32>
        %and3A_290 = arith.constant 15 : i32
        %and3A_291 = vector.broadcast %and3A_290 : i32 to vector<16xi32>
        %and3A_292 = arith.andi %get3A_187, %and3A_291 : vector<16xi32>
        %shift_left3A_293 = arith.constant 4 : i32
        %shift_left3A_294 = vector.broadcast %shift_left3A_293 : i32 to vector<16xi32>
        %shift_left3A_295 = arith.shli %and3A_292, %shift_left3A_294 : vector<16xi32>
        %or3A_296 = arith.ori %shift_left3A_295, %iota3A : vector<16xi32>
        %and3A_297 = arith.constant 15 : i32
        %and3A_298 = vector.broadcast %and3A_297 : i32 to vector<16xi32>
        %and3A_299 = arith.andi %get3A_194, %and3A_298 : vector<16xi32>
        %shift_left3A_300 = arith.constant 4 : i32
        %shift_left3A_301 = vector.broadcast %shift_left3A_300 : i32 to vector<16xi32>
        %shift_left3A_302 = arith.shli %and3A_299, %shift_left3A_301 : vector<16xi32>
        %or3A_303 = arith.ori %shift_left3A_302, %iota3A : vector<16xi32>
        %and3A_304 = arith.constant 15 : i32
        %and3A_305 = vector.broadcast %and3A_304 : i32 to vector<16xi32>
        %and3A_306 = arith.andi %get3A_201, %and3A_305 : vector<16xi32>
        %shift_left3A_307 = arith.constant 4 : i32
        %shift_left3A_308 = vector.broadcast %shift_left3A_307 : i32 to vector<16xi32>
        %shift_left3A_309 = arith.shli %and3A_306, %shift_left3A_308 : vector<16xi32>
        %or3A_310 = arith.ori %shift_left3A_309, %iota3A : vector<16xi32>
        %and3A_311 = arith.constant 15 : i32
        %and3A_312 = vector.broadcast %and3A_311 : i32 to vector<16xi32>
        %and3A_313 = arith.andi %get3A_208, %and3A_312 : vector<16xi32>
        %shift_left3A_314 = arith.constant 4 : i32
        %shift_left3A_315 = vector.broadcast %shift_left3A_314 : i32 to vector<16xi32>
        %shift_left3A_316 = arith.shli %and3A_313, %shift_left3A_315 : vector<16xi32>
        %or3A_317 = arith.ori %shift_left3A_316, %iota3A : vector<16xi32>
        %and3A_318 = arith.constant 15 : i32
        %and3A_319 = vector.broadcast %and3A_318 : i32 to vector<16xi32>
        %and3A_320 = arith.andi %get3A_215, %and3A_319 : vector<16xi32>
        %shift_left3A_321 = arith.constant 4 : i32
        %shift_left3A_322 = vector.broadcast %shift_left3A_321 : i32 to vector<16xi32>
        %shift_left3A_323 = arith.shli %and3A_320, %shift_left3A_322 : vector<16xi32>
        %or3A_324 = arith.ori %shift_left3A_323, %iota3A : vector<16xi32>
        %and3A_325 = arith.constant 15 : i32
        %and3A_326 = vector.broadcast %and3A_325 : i32 to vector<16xi32>
        %and3A_327 = arith.andi %get3A_222, %and3A_326 : vector<16xi32>
        %shift_left3A_328 = arith.constant 4 : i32
        %shift_left3A_329 = vector.broadcast %shift_left3A_328 : i32 to vector<16xi32>
        %shift_left3A_330 = arith.shli %and3A_327, %shift_left3A_329 : vector<16xi32>
        %or3A_331 = arith.ori %shift_left3A_330, %iota3A : vector<16xi32>
        %and3A_332 = arith.constant 15 : i32
        %and3A_333 = vector.broadcast %and3A_332 : i32 to vector<16xi32>
        %and3A_334 = arith.andi %get3A_229, %and3A_333 : vector<16xi32>
        %shift_left3A_335 = arith.constant 4 : i32
        %shift_left3A_336 = vector.broadcast %shift_left3A_335 : i32 to vector<16xi32>
        %shift_left3A_337 = arith.shli %and3A_334, %shift_left3A_336 : vector<16xi32>
        %or3A_338 = arith.ori %shift_left3A_337, %iota3A : vector<16xi32>
        %and3A_339 = arith.constant 15 : i32
        %and3A_340 = vector.broadcast %and3A_339 : i32 to vector<16xi32>
        %and3A_341 = arith.andi %get3A_236, %and3A_340 : vector<16xi32>
        %shift_left3A_342 = arith.constant 4 : i32
        %shift_left3A_343 = vector.broadcast %shift_left3A_342 : i32 to vector<16xi32>
        %shift_left3A_344 = arith.shli %and3A_341, %shift_left3A_343 : vector<16xi32>
        %or3A_345 = arith.ori %shift_left3A_344, %iota3A : vector<16xi32>
        %and3A_346 = arith.constant 15 : i32
        %and3A_347 = vector.broadcast %and3A_346 : i32 to vector<16xi32>
        %and3A_348 = arith.andi %get3A_243, %and3A_347 : vector<16xi32>
        %shift_left3A_349 = arith.constant 4 : i32
        %shift_left3A_350 = vector.broadcast %shift_left3A_349 : i32 to vector<16xi32>
        %shift_left3A_351 = arith.shli %and3A_348, %shift_left3A_350 : vector<16xi32>
        %or3A_352 = arith.ori %shift_left3A_351, %iota3A : vector<16xi32>
        %and3A_353 = arith.constant 15 : i32
        %and3A_354 = vector.broadcast %and3A_353 : i32 to vector<16xi32>
        %and3A_355 = arith.andi %get3A_250, %and3A_354 : vector<16xi32>
        %shift_left3A_356 = arith.constant 4 : i32
        %shift_left3A_357 = vector.broadcast %shift_left3A_356 : i32 to vector<16xi32>
        %shift_left3A_358 = arith.shli %and3A_355, %shift_left3A_357 : vector<16xi32>
        %or3A_359 = arith.ori %shift_left3A_358, %iota3A : vector<16xi32>
        %and3A_360 = arith.constant 15 : i32
        %and3A_361 = vector.broadcast %and3A_360 : i32 to vector<16xi32>
        %and3A_362 = arith.andi %get3A_257, %and3A_361 : vector<16xi32>
        %shift_left3A_363 = arith.constant 4 : i32
        %shift_left3A_364 = vector.broadcast %shift_left3A_363 : i32 to vector<16xi32>
        %shift_left3A_365 = arith.shli %and3A_362, %shift_left3A_364 : vector<16xi32>
        %or3A_366 = arith.ori %shift_left3A_365, %iota3A : vector<16xi32>
        %shift_right_arithmetic3A = arith.constant 4 : i32
        %shift_right_arithmetic3A_367 = vector.broadcast %shift_right_arithmetic3A : i32 to vector<16xi32>
        %shift_right_arithmetic3A_368 = arith.shrsi %get3A_152, %shift_right_arithmetic3A_367 : vector<16xi32>
        %convert_element_type3A_369 = arith.sitofp %shift_right_arithmetic3A_368 : vector<16xi32> to vector<16xf32>
        %shift_right_arithmetic3A_370 = arith.constant 4 : i32
        %shift_right_arithmetic3A_371 = vector.broadcast %shift_right_arithmetic3A_370 : i32 to vector<16xi32>
        %shift_right_arithmetic3A_372 = arith.shrsi %get3A_159, %shift_right_arithmetic3A_371 : vector<16xi32>
        %convert_element_type3A_373 = arith.sitofp %shift_right_arithmetic3A_372 : vector<16xi32> to vector<16xf32>
        %shift_right_arithmetic3A_374 = arith.constant 4 : i32
        %shift_right_arithmetic3A_375 = vector.broadcast %shift_right_arithmetic3A_374 : i32 to vector<16xi32>
        %shift_right_arithmetic3A_376 = arith.shrsi %get3A_166, %shift_right_arithmetic3A_375 : vector<16xi32>
        %convert_element_type3A_377 = arith.sitofp %shift_right_arithmetic3A_376 : vector<16xi32> to vector<16xf32>
        %shift_right_arithmetic3A_378 = arith.constant 4 : i32
        %shift_right_arithmetic3A_379 = vector.broadcast %shift_right_arithmetic3A_378 : i32 to vector<16xi32>
        %shift_right_arithmetic3A_380 = arith.shrsi %get3A_173, %shift_right_arithmetic3A_379 : vector<16xi32>
        %convert_element_type3A_381 = arith.sitofp %shift_right_arithmetic3A_380 : vector<16xi32> to vector<16xf32>
        %shift_right_arithmetic3A_382 = arith.constant 4 : i32
        %shift_right_arithmetic3A_383 = vector.broadcast %shift_right_arithmetic3A_382 : i32 to vector<16xi32>
        %shift_right_arithmetic3A_384 = arith.shrsi %get3A_180, %shift_right_arithmetic3A_383 : vector<16xi32>
        %convert_element_type3A_385 = arith.sitofp %shift_right_arithmetic3A_384 : vector<16xi32> to vector<16xf32>
        %shift_right_arithmetic3A_386 = arith.constant 4 : i32
        %shift_right_arithmetic3A_387 = vector.broadcast %shift_right_arithmetic3A_386 : i32 to vector<16xi32>
        %shift_right_arithmetic3A_388 = arith.shrsi %get3A_187, %shift_right_arithmetic3A_387 : vector<16xi32>
        %convert_element_type3A_389 = arith.sitofp %shift_right_arithmetic3A_388 : vector<16xi32> to vector<16xf32>
        %shift_right_arithmetic3A_390 = arith.constant 4 : i32
        %shift_right_arithmetic3A_391 = vector.broadcast %shift_right_arithmetic3A_390 : i32 to vector<16xi32>
        %shift_right_arithmetic3A_392 = arith.shrsi %get3A_194, %shift_right_arithmetic3A_391 : vector<16xi32>
        %convert_element_type3A_393 = arith.sitofp %shift_right_arithmetic3A_392 : vector<16xi32> to vector<16xf32>
        %shift_right_arithmetic3A_394 = arith.constant 4 : i32
        %shift_right_arithmetic3A_395 = vector.broadcast %shift_right_arithmetic3A_394 : i32 to vector<16xi32>
        %shift_right_arithmetic3A_396 = arith.shrsi %get3A_201, %shift_right_arithmetic3A_395 : vector<16xi32>
        %convert_element_type3A_397 = arith.sitofp %shift_right_arithmetic3A_396 : vector<16xi32> to vector<16xf32>
        %shift_right_arithmetic3A_398 = arith.constant 4 : i32
        %shift_right_arithmetic3A_399 = vector.broadcast %shift_right_arithmetic3A_398 : i32 to vector<16xi32>
        %shift_right_arithmetic3A_400 = arith.shrsi %get3A_208, %shift_right_arithmetic3A_399 : vector<16xi32>
        %convert_element_type3A_401 = arith.sitofp %shift_right_arithmetic3A_400 : vector<16xi32> to vector<16xf32>
        %shift_right_arithmetic3A_402 = arith.constant 4 : i32
        %shift_right_arithmetic3A_403 = vector.broadcast %shift_right_arithmetic3A_402 : i32 to vector<16xi32>
        %shift_right_arithmetic3A_404 = arith.shrsi %get3A_215, %shift_right_arithmetic3A_403 : vector<16xi32>
        %convert_element_type3A_405 = arith.sitofp %shift_right_arithmetic3A_404 : vector<16xi32> to vector<16xf32>
        %shift_right_arithmetic3A_406 = arith.constant 4 : i32
        %shift_right_arithmetic3A_407 = vector.broadcast %shift_right_arithmetic3A_406 : i32 to vector<16xi32>
        %shift_right_arithmetic3A_408 = arith.shrsi %get3A_222, %shift_right_arithmetic3A_407 : vector<16xi32>
        %convert_element_type3A_409 = arith.sitofp %shift_right_arithmetic3A_408 : vector<16xi32> to vector<16xf32>
        %shift_right_arithmetic3A_410 = arith.constant 4 : i32
        %shift_right_arithmetic3A_411 = vector.broadcast %shift_right_arithmetic3A_410 : i32 to vector<16xi32>
        %shift_right_arithmetic3A_412 = arith.shrsi %get3A_229, %shift_right_arithmetic3A_411 : vector<16xi32>
        %convert_element_type3A_413 = arith.sitofp %shift_right_arithmetic3A_412 : vector<16xi32> to vector<16xf32>
        %shift_right_arithmetic3A_414 = arith.constant 4 : i32
        %shift_right_arithmetic3A_415 = vector.broadcast %shift_right_arithmetic3A_414 : i32 to vector<16xi32>
        %shift_right_arithmetic3A_416 = arith.shrsi %get3A_236, %shift_right_arithmetic3A_415 : vector<16xi32>
        %convert_element_type3A_417 = arith.sitofp %shift_right_arithmetic3A_416 : vector<16xi32> to vector<16xf32>
        %shift_right_arithmetic3A_418 = arith.constant 4 : i32
        %shift_right_arithmetic3A_419 = vector.broadcast %shift_right_arithmetic3A_418 : i32 to vector<16xi32>
        %shift_right_arithmetic3A_420 = arith.shrsi %get3A_243, %shift_right_arithmetic3A_419 : vector<16xi32>
        %convert_element_type3A_421 = arith.sitofp %shift_right_arithmetic3A_420 : vector<16xi32> to vector<16xf32>
        %shift_right_arithmetic3A_422 = arith.constant 4 : i32
        %shift_right_arithmetic3A_423 = vector.broadcast %shift_right_arithmetic3A_422 : i32 to vector<16xi32>
        %shift_right_arithmetic3A_424 = arith.shrsi %get3A_250, %shift_right_arithmetic3A_423 : vector<16xi32>
        %convert_element_type3A_425 = arith.sitofp %shift_right_arithmetic3A_424 : vector<16xi32> to vector<16xf32>
        %shift_right_arithmetic3A_426 = arith.constant 4 : i32
        %shift_right_arithmetic3A_427 = vector.broadcast %shift_right_arithmetic3A_426 : i32 to vector<16xi32>
        %shift_right_arithmetic3A_428 = arith.shrsi %get3A_257, %shift_right_arithmetic3A_427 : vector<16xi32>
        %convert_element_type3A_429 = arith.sitofp %shift_right_arithmetic3A_428 : vector<16xi32> to vector<16xf32>
        tpu.vector_store_idx %arg6[%or3A], %convert_element_type3A_369 {add = true} : memref<144xf32, #tpu.memory_space<vmem>>[vector<16xi32>], vector<16xf32>,
        tpu.vector_store_idx %arg6[%or3A_268], %convert_element_type3A_373 {add = true} : memref<144xf32, #tpu.memory_space<vmem>>[vector<16xi32>], vector<16xf32>,
        tpu.vector_store_idx %arg6[%or3A_275], %convert_element_type3A_377 {add = true} : memref<144xf32, #tpu.memory_space<vmem>>[vector<16xi32>], vector<16xf32>,
        tpu.vector_store_idx %arg6[%or3A_282], %convert_element_type3A_381 {add = true} : memref<144xf32, #tpu.memory_space<vmem>>[vector<16xi32>], vector<16xf32>,
        tpu.vector_store_idx %arg6[%or3A_289], %convert_element_type3A_385 {add = true} : memref<144xf32, #tpu.memory_space<vmem>>[vector<16xi32>], vector<16xf32>,
        tpu.vector_store_idx %arg6[%or3A_296], %convert_element_type3A_389 {add = true} : memref<144xf32, #tpu.memory_space<vmem>>[vector<16xi32>], vector<16xf32>,
        tpu.vector_store_idx %arg6[%or3A_303], %convert_element_type3A_393 {add = true} : memref<144xf32, #tpu.memory_space<vmem>>[vector<16xi32>], vector<16xf32>,
        tpu.vector_store_idx %arg6[%or3A_310], %convert_element_type3A_397 {add = true} : memref<144xf32, #tpu.memory_space<vmem>>[vector<16xi32>], vector<16xf32>,
        tpu.vector_store_idx %arg6[%or3A_317], %convert_element_type3A_401 {add = true} : memref<144xf32, #tpu.memory_space<vmem>>[vector<16xi32>], vector<16xf32>,
        tpu.vector_store_idx %arg6[%or3A_324], %convert_element_type3A_405 {add = true} : memref<144xf32, #tpu.memory_space<vmem>>[vector<16xi32>], vector<16xf32>,
        tpu.vector_store_idx %arg6[%or3A_331], %convert_element_type3A_409 {add = true} : memref<144xf32, #tpu.memory_space<vmem>>[vector<16xi32>], vector<16xf32>,
        tpu.vector_store_idx %arg6[%or3A_338], %convert_element_type3A_413 {add = true} : memref<144xf32, #tpu.memory_space<vmem>>[vector<16xi32>], vector<16xf32>,
        tpu.vector_store_idx %arg6[%or3A_345], %convert_element_type3A_417 {add = true} : memref<144xf32, #tpu.memory_space<vmem>>[vector<16xi32>], vector<16xf32>,
        tpu.vector_store_idx %arg6[%or3A_352], %convert_element_type3A_421 {add = true} : memref<144xf32, #tpu.memory_space<vmem>>[vector<16xi32>], vector<16xf32>,
        tpu.vector_store_idx %arg6[%or3A_359], %convert_element_type3A_425 {add = true} : memref<144xf32, #tpu.memory_space<vmem>>[vector<16xi32>], vector<16xf32>,
        tpu.vector_store_idx %arg6[%or3A_366], %convert_element_type3A_429 {add = true} : memref<144xf32, #tpu.memory_space<vmem>>[vector<16xi32>], vector<16xf32>,
      }
      %scan3A_138 = arith.constant 64 : i32
      "tpu.region"() ({
        %run_scoped3A = tpu.sem_alloc : memref<!tpu.dma_semaphore, #tpu.memory_space<semaphore_mem>>
        %dma_start3A_146 = arith.constant 0 : i32
        %dma_start3A_147 = tpu.memref_slice %arg3[%add3A_87, %dma_start3A_146] : memref<320x144xf32, #tpu.memory_space<hbm>> -> memref<1x144xf32, #tpu.memory_space<hbm>>
        %dma_start3A_148 = tpu.memref_squeeze %dma_start3A_147 : memref<1x144xf32, #tpu.memory_space<hbm>> -> memref<144xf32, #tpu.memory_space<hbm>>
        %dma_start3A_149 = arith.constant 0 : i32
        %dma_start3A_150 = tpu.memref_slice %arg3[%add3A_87, %dma_start3A_149] : memref<320x144xf32, #tpu.memory_space<hbm>> -> memref<1x144xf32, #tpu.memory_space<hbm>>
        %dma_start3A_151 = tpu.memref_squeeze %dma_start3A_150 : memref<1x144xf32, #tpu.memory_space<hbm>> -> memref<144xf32, #tpu.memory_space<hbm>>
        tpu.enqueue_dma source(%arg6 : memref<144xf32, #tpu.memory_space<vmem>>) target(%dma_start3A_151 : memref<144xf32, #tpu.memory_space<hbm>>) target_semaphore(%run_scoped3A : memref<!tpu.dma_semaphore, #tpu.memory_space<semaphore_mem>>)
        %dma_wait3A_152 = arith.constant 0 : i32
        %dma_wait3A_153 = tpu.memref_slice %arg3[%add3A_87, %dma_wait3A_152] : memref<320x144xf32, #tpu.memory_space<hbm>> -> memref<1x144xf32, #tpu.memory_space<hbm>>
        %dma_wait3A_154 = tpu.memref_squeeze %dma_wait3A_153 : memref<1x144xf32, #tpu.memory_space<hbm>> -> memref<144xf32, #tpu.memory_space<hbm>>
        %dma_wait3A_155 = arith.constant 0 : i32
        %dma_wait3A_156 = tpu.memref_slice %arg3[%add3A_87, %dma_wait3A_155] : memref<320x144xf32, #tpu.memory_space<hbm>> -> memref<1x144xf32, #tpu.memory_space<hbm>>
        %dma_wait3A_157 = tpu.memref_squeeze %dma_wait3A_156 : memref<1x144xf32, #tpu.memory_space<hbm>> -> memref<144xf32, #tpu.memory_space<hbm>>
        tpu.wait_dma2 semaphore(%run_scoped3A : memref<!tpu.dma_semaphore, #tpu.memory_space<semaphore_mem>>) src(%arg6 : memref<144xf32, #tpu.memory_space<vmem>>) dst(%dma_wait3A_157 : memref<144xf32, #tpu.memory_space<hbm>>)
        tpu.yield
      }) : () -> ()
      %add3A_139 = arith.constant 2 : i32
      %add3A_140 = arith.addi %add3A_86, %add3A_139 : i32
      %lt3A_141 = arith.constant 10 : i32
      %lt3A_142 = arith.cmpi slt, %add3A_140, %lt3A_141 : i32
      %convert_element_type3A_143 = arith.extui %lt3A_142 : i1 to i32
      %cond3A_144 = arith.constant 0 : i32
      %cond3A_145 = arith.cmpi ne, %convert_element_type3A_143, %cond3A_144 : i32
      scf.if %cond3A_145 {
        %add3A_146 = arith.constant 2 : i32
        %add3A_147 = arith.addi %add3A_87, %add3A_146 : i32
        %dma_start3A_148 = arith.constant 0 : i32
        %dma_start3A_149 = arith.constant 0 : i32
        %dma_start3A_150 = tpu.memref_slice %arg2[%add3A_147, %dma_start3A_148, %dma_start3A_149] : memref<320x128x128xi32, #tpu.memory_space<hbm>> -> memref<1x128x128xi32, #tpu.memory_space<hbm>>
        %dma_start3A_151 = tpu.memref_squeeze %dma_start3A_150 : memref<1x128x128xi32, #tpu.memory_space<hbm>> -> memref<128x128xi32, #tpu.memory_space<hbm>>
        %dma_start3A_152 = arith.constant 0 : i32
        %dma_start3A_153 = arith.constant 0 : i32
        %dma_start3A_154 = tpu.memref_slice %arg2[%add3A_147, %dma_start3A_152, %dma_start3A_153] : memref<320x128x128xi32, #tpu.memory_space<hbm>> -> memref<1x128x128xi32, #tpu.memory_space<hbm>>
        %dma_start3A_155 = tpu.memref_squeeze %dma_start3A_154 : memref<1x128x128xi32, #tpu.memory_space<hbm>> -> memref<128x128xi32, #tpu.memory_space<hbm>>
        tpu.enqueue_dma source(%dma_start3A_155 : memref<128x128xi32, #tpu.memory_space<hbm>>) target(%arg5 : memref<128x128xi32, #tpu.memory_space<vmem>>) target_semaphore(%arg8 : memref<!tpu.dma_semaphore, #tpu.memory_space<semaphore_mem>>)
      } else {
      }
    }
    %scan3A_24 = arith.constant 5 : i32
    return
  }
}

#map = affine_map<(d0, d1) -> (0, 0, 0)>
#map1 = affine_map<(d0, d1) -> (0, 0)>
module attributes {stable_mosaic.version = 14 : i64} {
  func.func @_sc_hist_body(%arg0: i32, %arg1: i32, %arg2: memref<64x128x128xi32, #tpu.memory_space<hbm>>, %arg3: memref<64x144xf32, #tpu.memory_space<hbm>>, %arg4: memref<128x128xi32, #tpu.memory_space<vmem>>, %arg5: memref<128x128xi32, #tpu.memory_space<vmem>>, %arg6: memref<144xf32, #tpu.memory_space<vmem>>, %arg7: memref<!tpu.dma_semaphore, #tpu.memory_space<semaphore_mem>>, %arg8: memref<!tpu.dma_semaphore, #tpu.memory_space<semaphore_mem>>) attributes {dimension_semantics = [#tpu.dimension_semantics<core_parallel>, #tpu.dimension_semantics<subcore_parallel>], iteration_bounds = array<i64: 2, 16>, scalar_prefetch = 0 : i64, scratch_operands = 5 : i64, tpu.core_type = #tpu.core_type<sc_vector_subcore>, window_params = [{transform_indices = #map}, {transform_indices = #map1}]} {
    %mul3A = arith.constant 2 : i32
    %mul3A_0 = arith.muli %arg1, %mul3A : i32
    %add3A = arith.addi %mul3A_0, %arg0 : i32
    %iota3A = tpu.iota {dimensions = array<i32: 0>} : vector<16xi32>
    %mul3A_1 = arith.constant 2 : i32
    %mul3A_2 = arith.muli %add3A, %mul3A_1 : i32
    %dma_start3A = arith.constant 0 : i32
    %dma_start3A_3 = arith.constant 0 : i32
    %dma_start3A_4 = tpu.memref_slice %arg2[%mul3A_2, %dma_start3A, %dma_start3A_3] : memref<64x128x128xi32, #tpu.memory_space<hbm>> -> memref<1x128x128xi32, #tpu.memory_space<hbm>>
    %dma_start3A_5 = tpu.memref_squeeze %dma_start3A_4 : memref<1x128x128xi32, #tpu.memory_space<hbm>> -> memref<128x128xi32, #tpu.memory_space<hbm>>
    %dma_start3A_6 = arith.constant 0 : i32
    %dma_start3A_7 = arith.constant 0 : i32
    %dma_start3A_8 = tpu.memref_slice %arg2[%mul3A_2, %dma_start3A_6, %dma_start3A_7] : memref<64x128x128xi32, #tpu.memory_space<hbm>> -> memref<1x128x128xi32, #tpu.memory_space<hbm>>
    %dma_start3A_9 = tpu.memref_squeeze %dma_start3A_8 : memref<1x128x128xi32, #tpu.memory_space<hbm>> -> memref<128x128xi32, #tpu.memory_space<hbm>>
    tpu.enqueue_dma source(%dma_start3A_9 : memref<128x128xi32, #tpu.memory_space<hbm>>) target(%arg4 : memref<128x128xi32, #tpu.memory_space<vmem>>) target_semaphore(%arg7 : memref<!tpu.dma_semaphore, #tpu.memory_space<semaphore_mem>>)
    %add3A_10 = arith.constant 1 : i32
    %add3A_11 = arith.addi %mul3A_2, %add3A_10 : i32
    %dma_start3A_12 = arith.constant 0 : i32
    %dma_start3A_13 = arith.constant 0 : i32
    %dma_start3A_14 = tpu.memref_slice %arg2[%add3A_11, %dma_start3A_12, %dma_start3A_13] : memref<64x128x128xi32, #tpu.memory_space<hbm>> -> memref<1x128x128xi32, #tpu.memory_space<hbm>>
    %dma_start3A_15 = tpu.memref_squeeze %dma_start3A_14 : memref<1x128x128xi32, #tpu.memory_space<hbm>> -> memref<128x128xi32, #tpu.memory_space<hbm>>
    %dma_start3A_16 = arith.constant 0 : i32
    %dma_start3A_17 = arith.constant 0 : i32
    %dma_start3A_18 = tpu.memref_slice %arg2[%add3A_11, %dma_start3A_16, %dma_start3A_17] : memref<64x128x128xi32, #tpu.memory_space<hbm>> -> memref<1x128x128xi32, #tpu.memory_space<hbm>>
    %dma_start3A_19 = tpu.memref_squeeze %dma_start3A_18 : memref<1x128x128xi32, #tpu.memory_space<hbm>> -> memref<128x128xi32, #tpu.memory_space<hbm>>
    tpu.enqueue_dma source(%dma_start3A_19 : memref<128x128xi32, #tpu.memory_space<hbm>>) target(%arg5 : memref<128x128xi32, #tpu.memory_space<vmem>>) target_semaphore(%arg8 : memref<!tpu.dma_semaphore, #tpu.memory_space<semaphore_mem>>)
    %scan3A = arith.constant 0 : i32
    %scan3A_20 = arith.constant 0 : i32
    %mul3A_21 = arith.constant 2 : i32
    %mul3A_22 = arith.muli %mul3A_21, %scan3A_20 : i32
    %add3A_23 = arith.constant 0 : i32
    %add3A_24 = arith.addi %mul3A_22, %add3A_23 : i32
    %add3A_25 = arith.addi %mul3A_2, %add3A_24 : i32
    %dma_wait3A = arith.constant 0 : i32
    %dma_wait3A_26 = arith.constant 0 : i32
    %dma_wait3A_27 = arith.constant 0 : i32
    %dma_wait3A_28 = tpu.memref_slice %arg2[%dma_wait3A, %dma_wait3A_26, %dma_wait3A_27] : memref<64x128x128xi32, #tpu.memory_space<hbm>> -> memref<1x128x128xi32, #tpu.memory_space<hbm>>
    %dma_wait3A_29 = tpu.memref_squeeze %dma_wait3A_28 : memref<1x128x128xi32, #tpu.memory_space<hbm>> -> memref<128x128xi32, #tpu.memory_space<hbm>>
    %dma_wait3A_30 = arith.constant 0 : i32
    %dma_wait3A_31 = arith.constant 0 : i32
    %dma_wait3A_32 = tpu.memref_slice %arg2[%dma_wait3A, %dma_wait3A_30, %dma_wait3A_31] : memref<64x128x128xi32, #tpu.memory_space<hbm>> -> memref<1x128x128xi32, #tpu.memory_space<hbm>>
    %dma_wait3A_33 = tpu.memref_squeeze %dma_wait3A_32 : memref<1x128x128xi32, #tpu.memory_space<hbm>> -> memref<128x128xi32, #tpu.memory_space<hbm>>
    tpu.wait_dma2 semaphore(%arg7 : memref<!tpu.dma_semaphore, #tpu.memory_space<semaphore_mem>>) src(%dma_wait3A_33 : memref<128x128xi32, #tpu.memory_space<hbm>>) dst(%arg4 : memref<128x128xi32, #tpu.memory_space<vmem>>)
    %broadcast_in_dim3A = arith.constant 0.000000e+00 : f32
    %broadcast_in_dim3A_34 = vector.broadcast %broadcast_in_dim3A : f32 to vector<16xf32>
    %swap3A = arith.constant 0 : index
    %swap3A_35 = tpu.vector_load %arg6[%swap3A] {strides = array<i32>} : memref<144xf32, #tpu.memory_space<vmem>>, vector<16xf32>,
    tpu.vector_store %arg6[%swap3A], %broadcast_in_dim3A_34 {strides = array<i32>} : memref<144xf32, #tpu.memory_space<vmem>>, vector<16xf32>,
    %broadcast_in_dim3A_36 = arith.constant 0.000000e+00 : f32
    %broadcast_in_dim3A_37 = vector.broadcast %broadcast_in_dim3A_36 : f32 to vector<16xf32>
    %swap3A_38 = arith.constant 16 : index
    %swap3A_39 = tpu.vector_load %arg6[%swap3A_38] {strides = array<i32>} : memref<144xf32, #tpu.memory_space<vmem>>, vector<16xf32>,
    tpu.vector_store %arg6[%swap3A_38], %broadcast_in_dim3A_37 {strides = array<i32>} : memref<144xf32, #tpu.memory_space<vmem>>, vector<16xf32>,
    %broadcast_in_dim3A_40 = arith.constant 0.000000e+00 : f32
    %broadcast_in_dim3A_41 = vector.broadcast %broadcast_in_dim3A_40 : f32 to vector<16xf32>
    %swap3A_42 = arith.constant 32 : index
    %swap3A_43 = tpu.vector_load %arg6[%swap3A_42] {strides = array<i32>} : memref<144xf32, #tpu.memory_space<vmem>>, vector<16xf32>,
    tpu.vector_store %arg6[%swap3A_42], %broadcast_in_dim3A_41 {strides = array<i32>} : memref<144xf32, #tpu.memory_space<vmem>>, vector<16xf32>,
    %broadcast_in_dim3A_44 = arith.constant 0.000000e+00 : f32
    %broadcast_in_dim3A_45 = vector.broadcast %broadcast_in_dim3A_44 : f32 to vector<16xf32>
    %swap3A_46 = arith.constant 48 : index
    %swap3A_47 = tpu.vector_load %arg6[%swap3A_46] {strides = array<i32>} : memref<144xf32, #tpu.memory_space<vmem>>, vector<16xf32>,
    tpu.vector_store %arg6[%swap3A_46], %broadcast_in_dim3A_45 {strides = array<i32>} : memref<144xf32, #tpu.memory_space<vmem>>, vector<16xf32>,
    %broadcast_in_dim3A_48 = arith.constant 0.000000e+00 : f32
    %broadcast_in_dim3A_49 = vector.broadcast %broadcast_in_dim3A_48 : f32 to vector<16xf32>
    %swap3A_50 = arith.constant 64 : index
    %swap3A_51 = tpu.vector_load %arg6[%swap3A_50] {strides = array<i32>} : memref<144xf32, #tpu.memory_space<vmem>>, vector<16xf32>,
    tpu.vector_store %arg6[%swap3A_50], %broadcast_in_dim3A_49 {strides = array<i32>} : memref<144xf32, #tpu.memory_space<vmem>>, vector<16xf32>,
    %broadcast_in_dim3A_52 = arith.constant 0.000000e+00 : f32
    %broadcast_in_dim3A_53 = vector.broadcast %broadcast_in_dim3A_52 : f32 to vector<16xf32>
    %swap3A_54 = arith.constant 80 : index
    %swap3A_55 = tpu.vector_load %arg6[%swap3A_54] {strides = array<i32>} : memref<144xf32, #tpu.memory_space<vmem>>, vector<16xf32>,
    tpu.vector_store %arg6[%swap3A_54], %broadcast_in_dim3A_53 {strides = array<i32>} : memref<144xf32, #tpu.memory_space<vmem>>, vector<16xf32>,
    %broadcast_in_dim3A_56 = arith.constant 0.000000e+00 : f32
    %broadcast_in_dim3A_57 = vector.broadcast %broadcast_in_dim3A_56 : f32 to vector<16xf32>
    %swap3A_58 = arith.constant 96 : index
    %swap3A_59 = tpu.vector_load %arg6[%swap3A_58] {strides = array<i32>} : memref<144xf32, #tpu.memory_space<vmem>>, vector<16xf32>,
    tpu.vector_store %arg6[%swap3A_58], %broadcast_in_dim3A_57 {strides = array<i32>} : memref<144xf32, #tpu.memory_space<vmem>>, vector<16xf32>,
    %broadcast_in_dim3A_60 = arith.constant 0.000000e+00 : f32
    %broadcast_in_dim3A_61 = vector.broadcast %broadcast_in_dim3A_60 : f32 to vector<16xf32>
    %swap3A_62 = arith.constant 112 : index
    %swap3A_63 = tpu.vector_load %arg6[%swap3A_62] {strides = array<i32>} : memref<144xf32, #tpu.memory_space<vmem>>, vector<16xf32>,
    tpu.vector_store %arg6[%swap3A_62], %broadcast_in_dim3A_61 {strides = array<i32>} : memref<144xf32, #tpu.memory_space<vmem>>, vector<16xf32>,
    %broadcast_in_dim3A_64 = arith.constant 0.000000e+00 : f32
    %broadcast_in_dim3A_65 = vector.broadcast %broadcast_in_dim3A_64 : f32 to vector<16xf32>
    %swap3A_66 = arith.constant 128 : index
    %swap3A_67 = tpu.vector_load %arg6[%swap3A_66] {strides = array<i32>} : memref<144xf32, #tpu.memory_space<vmem>>, vector<16xf32>,
    tpu.vector_store %arg6[%swap3A_66], %broadcast_in_dim3A_65 {strides = array<i32>} : memref<144xf32, #tpu.memory_space<vmem>>, vector<16xf32>,
    %scan3A_68 = arith.constant 0 : i32
    %scan3A_69 = arith.constant 0 : i32
    %scan3A_70 = arith.constant 64 : i32
    %scan3A_71 = arith.addi %scan3A_69, %scan3A_70 : i32
    %scan3A_72 = arith.constant 1 : i32
    scf.for %scan3A_142 = %scan3A_69 to %scan3A_71 step %scan3A_72  : i32 {
      %mul3A_143 = arith.constant 2 : i32
      %mul3A_144 = arith.muli %mul3A_143, %scan3A_142 : i32
      %add3A_145 = arith.constant 0 : i32
      %add3A_146 = arith.addi %mul3A_144, %add3A_145 : i32
      %get3A = arith.index_cast %add3A_146 : i32 to index
      %get3A_147 = arith.constant 0 : index
      %get3A_148 = tpu.vector_load %arg4[%get3A, %get3A_147] {strides = array<i32>} : memref<128x128xi32, #tpu.memory_space<vmem>>, vector<16xi32>,
      %mul3A_149 = arith.constant 2 : i32
      %mul3A_150 = arith.muli %mul3A_149, %scan3A_142 : i32
      %add3A_151 = arith.constant 0 : i32
      %add3A_152 = arith.addi %mul3A_150, %add3A_151 : i32
      %get3A_153 = arith.index_cast %add3A_152 : i32 to index
      %get3A_154 = arith.constant 16 : index
      %get3A_155 = tpu.vector_load %arg4[%get3A_153, %get3A_154] {strides = array<i32>} : memref<128x128xi32, #tpu.memory_space<vmem>>, vector<16xi32>,
      %mul3A_156 = arith.constant 2 : i32
      %mul3A_157 = arith.muli %mul3A_156, %scan3A_142 : i32
      %add3A_158 = arith.constant 0 : i32
      %add3A_159 = arith.addi %mul3A_157, %add3A_158 : i32
      %get3A_160 = arith.index_cast %add3A_159 : i32 to index
      %get3A_161 = arith.constant 32 : index
      %get3A_162 = tpu.vector_load %arg4[%get3A_160, %get3A_161] {strides = array<i32>} : memref<128x128xi32, #tpu.memory_space<vmem>>, vector<16xi32>,
      %mul3A_163 = arith.constant 2 : i32
      %mul3A_164 = arith.muli %mul3A_163, %scan3A_142 : i32
      %add3A_165 = arith.constant 0 : i32
      %add3A_166 = arith.addi %mul3A_164, %add3A_165 : i32
      %get3A_167 = arith.index_cast %add3A_166 : i32 to index
      %get3A_168 = arith.constant 48 : index
      %get3A_169 = tpu.vector_load %arg4[%get3A_167, %get3A_168] {strides = array<i32>} : memref<128x128xi32, #tpu.memory_space<vmem>>, vector<16xi32>,
      %mul3A_170 = arith.constant 2 : i32
      %mul3A_171 = arith.muli %mul3A_170, %scan3A_142 : i32
      %add3A_172 = arith.constant 0 : i32
      %add3A_173 = arith.addi %mul3A_171, %add3A_172 : i32
      %get3A_174 = arith.index_cast %add3A_173 : i32 to index
      %get3A_175 = arith.constant 64 : index
      %get3A_176 = tpu.vector_load %arg4[%get3A_174, %get3A_175] {strides = array<i32>} : memref<128x128xi32, #tpu.memory_space<vmem>>, vector<16xi32>,
      %mul3A_177 = arith.constant 2 : i32
      %mul3A_178 = arith.muli %mul3A_177, %scan3A_142 : i32
      %add3A_179 = arith.constant 0 : i32
      %add3A_180 = arith.addi %mul3A_178, %add3A_179 : i32
      %get3A_181 = arith.index_cast %add3A_180 : i32 to index
      %get3A_182 = arith.constant 80 : index
      %get3A_183 = tpu.vector_load %arg4[%get3A_181, %get3A_182] {strides = array<i32>} : memref<128x128xi32, #tpu.memory_space<vmem>>, vector<16xi32>,
      %mul3A_184 = arith.constant 2 : i32
      %mul3A_185 = arith.muli %mul3A_184, %scan3A_142 : i32
      %add3A_186 = arith.constant 0 : i32
      %add3A_187 = arith.addi %mul3A_185, %add3A_186 : i32
      %get3A_188 = arith.index_cast %add3A_187 : i32 to index
      %get3A_189 = arith.constant 96 : index
      %get3A_190 = tpu.vector_load %arg4[%get3A_188, %get3A_189] {strides = array<i32>} : memref<128x128xi32, #tpu.memory_space<vmem>>, vector<16xi32>,
      %mul3A_191 = arith.constant 2 : i32
      %mul3A_192 = arith.muli %mul3A_191, %scan3A_142 : i32
      %add3A_193 = arith.constant 0 : i32
      %add3A_194 = arith.addi %mul3A_192, %add3A_193 : i32
      %get3A_195 = arith.index_cast %add3A_194 : i32 to index
      %get3A_196 = arith.constant 112 : index
      %get3A_197 = tpu.vector_load %arg4[%get3A_195, %get3A_196] {strides = array<i32>} : memref<128x128xi32, #tpu.memory_space<vmem>>, vector<16xi32>,
      %mul3A_198 = arith.constant 2 : i32
      %mul3A_199 = arith.muli %mul3A_198, %scan3A_142 : i32
      %add3A_200 = arith.constant 1 : i32
      %add3A_201 = arith.addi %mul3A_199, %add3A_200 : i32
      %get3A_202 = arith.index_cast %add3A_201 : i32 to index
      %get3A_203 = arith.constant 0 : index
      %get3A_204 = tpu.vector_load %arg4[%get3A_202, %get3A_203] {strides = array<i32>} : memref<128x128xi32, #tpu.memory_space<vmem>>, vector<16xi32>,
      %mul3A_205 = arith.constant 2 : i32
      %mul3A_206 = arith.muli %mul3A_205, %scan3A_142 : i32
      %add3A_207 = arith.constant 1 : i32
      %add3A_208 = arith.addi %mul3A_206, %add3A_207 : i32
      %get3A_209 = arith.index_cast %add3A_208 : i32 to index
      %get3A_210 = arith.constant 16 : index
      %get3A_211 = tpu.vector_load %arg4[%get3A_209, %get3A_210] {strides = array<i32>} : memref<128x128xi32, #tpu.memory_space<vmem>>, vector<16xi32>,
      %mul3A_212 = arith.constant 2 : i32
      %mul3A_213 = arith.muli %mul3A_212, %scan3A_142 : i32
      %add3A_214 = arith.constant 1 : i32
      %add3A_215 = arith.addi %mul3A_213, %add3A_214 : i32
      %get3A_216 = arith.index_cast %add3A_215 : i32 to index
      %get3A_217 = arith.constant 32 : index
      %get3A_218 = tpu.vector_load %arg4[%get3A_216, %get3A_217] {strides = array<i32>} : memref<128x128xi32, #tpu.memory_space<vmem>>, vector<16xi32>,
      %mul3A_219 = arith.constant 2 : i32
      %mul3A_220 = arith.muli %mul3A_219, %scan3A_142 : i32
      %add3A_221 = arith.constant 1 : i32
      %add3A_222 = arith.addi %mul3A_220, %add3A_221 : i32
      %get3A_223 = arith.index_cast %add3A_222 : i32 to index
      %get3A_224 = arith.constant 48 : index
      %get3A_225 = tpu.vector_load %arg4[%get3A_223, %get3A_224] {strides = array<i32>} : memref<128x128xi32, #tpu.memory_space<vmem>>, vector<16xi32>,
      %mul3A_226 = arith.constant 2 : i32
      %mul3A_227 = arith.muli %mul3A_226, %scan3A_142 : i32
      %add3A_228 = arith.constant 1 : i32
      %add3A_229 = arith.addi %mul3A_227, %add3A_228 : i32
      %get3A_230 = arith.index_cast %add3A_229 : i32 to index
      %get3A_231 = arith.constant 64 : index
      %get3A_232 = tpu.vector_load %arg4[%get3A_230, %get3A_231] {strides = array<i32>} : memref<128x128xi32, #tpu.memory_space<vmem>>, vector<16xi32>,
      %mul3A_233 = arith.constant 2 : i32
      %mul3A_234 = arith.muli %mul3A_233, %scan3A_142 : i32
      %add3A_235 = arith.constant 1 : i32
      %add3A_236 = arith.addi %mul3A_234, %add3A_235 : i32
      %get3A_237 = arith.index_cast %add3A_236 : i32 to index
      %get3A_238 = arith.constant 80 : index
      %get3A_239 = tpu.vector_load %arg4[%get3A_237, %get3A_238] {strides = array<i32>} : memref<128x128xi32, #tpu.memory_space<vmem>>, vector<16xi32>,
      %mul3A_240 = arith.constant 2 : i32
      %mul3A_241 = arith.muli %mul3A_240, %scan3A_142 : i32
      %add3A_242 = arith.constant 1 : i32
      %add3A_243 = arith.addi %mul3A_241, %add3A_242 : i32
      %get3A_244 = arith.index_cast %add3A_243 : i32 to index
      %get3A_245 = arith.constant 96 : index
      %get3A_246 = tpu.vector_load %arg4[%get3A_244, %get3A_245] {strides = array<i32>} : memref<128x128xi32, #tpu.memory_space<vmem>>, vector<16xi32>,
      %mul3A_247 = arith.constant 2 : i32
      %mul3A_248 = arith.muli %mul3A_247, %scan3A_142 : i32
      %add3A_249 = arith.constant 1 : i32
      %add3A_250 = arith.addi %mul3A_248, %add3A_249 : i32
      %get3A_251 = arith.index_cast %add3A_250 : i32 to index
      %get3A_252 = arith.constant 112 : index
      %get3A_253 = tpu.vector_load %arg4[%get3A_251, %get3A_252] {strides = array<i32>} : memref<128x128xi32, #tpu.memory_space<vmem>>, vector<16xi32>,
      %and3A = arith.constant 15 : i32
      %and3A_254 = vector.broadcast %and3A : i32 to vector<16xi32>
      %and3A_255 = arith.andi %get3A_148, %and3A_254 : vector<16xi32>
      %shift_left3A = arith.constant 4 : i32
      %shift_left3A_256 = vector.broadcast %shift_left3A : i32 to vector<16xi32>
      %shift_left3A_257 = arith.shli %and3A_255, %shift_left3A_256 : vector<16xi32>
      %or3A = arith.ori %shift_left3A_257, %iota3A : vector<16xi32>
      %and3A_258 = arith.constant 15 : i32
      %and3A_259 = vector.broadcast %and3A_258 : i32 to vector<16xi32>
      %and3A_260 = arith.andi %get3A_155, %and3A_259 : vector<16xi32>
      %shift_left3A_261 = arith.constant 4 : i32
      %shift_left3A_262 = vector.broadcast %shift_left3A_261 : i32 to vector<16xi32>
      %shift_left3A_263 = arith.shli %and3A_260, %shift_left3A_262 : vector<16xi32>
      %or3A_264 = arith.ori %shift_left3A_263, %iota3A : vector<16xi32>
      %and3A_265 = arith.constant 15 : i32
      %and3A_266 = vector.broadcast %and3A_265 : i32 to vector<16xi32>
      %and3A_267 = arith.andi %get3A_162, %and3A_266 : vector<16xi32>
      %shift_left3A_268 = arith.constant 4 : i32
      %shift_left3A_269 = vector.broadcast %shift_left3A_268 : i32 to vector<16xi32>
      %shift_left3A_270 = arith.shli %and3A_267, %shift_left3A_269 : vector<16xi32>
      %or3A_271 = arith.ori %shift_left3A_270, %iota3A : vector<16xi32>
      %and3A_272 = arith.constant 15 : i32
      %and3A_273 = vector.broadcast %and3A_272 : i32 to vector<16xi32>
      %and3A_274 = arith.andi %get3A_169, %and3A_273 : vector<16xi32>
      %shift_left3A_275 = arith.constant 4 : i32
      %shift_left3A_276 = vector.broadcast %shift_left3A_275 : i32 to vector<16xi32>
      %shift_left3A_277 = arith.shli %and3A_274, %shift_left3A_276 : vector<16xi32>
      %or3A_278 = arith.ori %shift_left3A_277, %iota3A : vector<16xi32>
      %and3A_279 = arith.constant 15 : i32
      %and3A_280 = vector.broadcast %and3A_279 : i32 to vector<16xi32>
      %and3A_281 = arith.andi %get3A_176, %and3A_280 : vector<16xi32>
      %shift_left3A_282 = arith.constant 4 : i32
      %shift_left3A_283 = vector.broadcast %shift_left3A_282 : i32 to vector<16xi32>
      %shift_left3A_284 = arith.shli %and3A_281, %shift_left3A_283 : vector<16xi32>
      %or3A_285 = arith.ori %shift_left3A_284, %iota3A : vector<16xi32>
      %and3A_286 = arith.constant 15 : i32
      %and3A_287 = vector.broadcast %and3A_286 : i32 to vector<16xi32>
      %and3A_288 = arith.andi %get3A_183, %and3A_287 : vector<16xi32>
      %shift_left3A_289 = arith.constant 4 : i32
      %shift_left3A_290 = vector.broadcast %shift_left3A_289 : i32 to vector<16xi32>
      %shift_left3A_291 = arith.shli %and3A_288, %shift_left3A_290 : vector<16xi32>
      %or3A_292 = arith.ori %shift_left3A_291, %iota3A : vector<16xi32>
      %and3A_293 = arith.constant 15 : i32
      %and3A_294 = vector.broadcast %and3A_293 : i32 to vector<16xi32>
      %and3A_295 = arith.andi %get3A_190, %and3A_294 : vector<16xi32>
      %shift_left3A_296 = arith.constant 4 : i32
      %shift_left3A_297 = vector.broadcast %shift_left3A_296 : i32 to vector<16xi32>
      %shift_left3A_298 = arith.shli %and3A_295, %shift_left3A_297 : vector<16xi32>
      %or3A_299 = arith.ori %shift_left3A_298, %iota3A : vector<16xi32>
      %and3A_300 = arith.constant 15 : i32
      %and3A_301 = vector.broadcast %and3A_300 : i32 to vector<16xi32>
      %and3A_302 = arith.andi %get3A_197, %and3A_301 : vector<16xi32>
      %shift_left3A_303 = arith.constant 4 : i32
      %shift_left3A_304 = vector.broadcast %shift_left3A_303 : i32 to vector<16xi32>
      %shift_left3A_305 = arith.shli %and3A_302, %shift_left3A_304 : vector<16xi32>
      %or3A_306 = arith.ori %shift_left3A_305, %iota3A : vector<16xi32>
      %and3A_307 = arith.constant 15 : i32
      %and3A_308 = vector.broadcast %and3A_307 : i32 to vector<16xi32>
      %and3A_309 = arith.andi %get3A_204, %and3A_308 : vector<16xi32>
      %shift_left3A_310 = arith.constant 4 : i32
      %shift_left3A_311 = vector.broadcast %shift_left3A_310 : i32 to vector<16xi32>
      %shift_left3A_312 = arith.shli %and3A_309, %shift_left3A_311 : vector<16xi32>
      %or3A_313 = arith.ori %shift_left3A_312, %iota3A : vector<16xi32>
      %and3A_314 = arith.constant 15 : i32
      %and3A_315 = vector.broadcast %and3A_314 : i32 to vector<16xi32>
      %and3A_316 = arith.andi %get3A_211, %and3A_315 : vector<16xi32>
      %shift_left3A_317 = arith.constant 4 : i32
      %shift_left3A_318 = vector.broadcast %shift_left3A_317 : i32 to vector<16xi32>
      %shift_left3A_319 = arith.shli %and3A_316, %shift_left3A_318 : vector<16xi32>
      %or3A_320 = arith.ori %shift_left3A_319, %iota3A : vector<16xi32>
      %and3A_321 = arith.constant 15 : i32
      %and3A_322 = vector.broadcast %and3A_321 : i32 to vector<16xi32>
      %and3A_323 = arith.andi %get3A_218, %and3A_322 : vector<16xi32>
      %shift_left3A_324 = arith.constant 4 : i32
      %shift_left3A_325 = vector.broadcast %shift_left3A_324 : i32 to vector<16xi32>
      %shift_left3A_326 = arith.shli %and3A_323, %shift_left3A_325 : vector<16xi32>
      %or3A_327 = arith.ori %shift_left3A_326, %iota3A : vector<16xi32>
      %and3A_328 = arith.constant 15 : i32
      %and3A_329 = vector.broadcast %and3A_328 : i32 to vector<16xi32>
      %and3A_330 = arith.andi %get3A_225, %and3A_329 : vector<16xi32>
      %shift_left3A_331 = arith.constant 4 : i32
      %shift_left3A_332 = vector.broadcast %shift_left3A_331 : i32 to vector<16xi32>
      %shift_left3A_333 = arith.shli %and3A_330, %shift_left3A_332 : vector<16xi32>
      %or3A_334 = arith.ori %shift_left3A_333, %iota3A : vector<16xi32>
      %and3A_335 = arith.constant 15 : i32
      %and3A_336 = vector.broadcast %and3A_335 : i32 to vector<16xi32>
      %and3A_337 = arith.andi %get3A_232, %and3A_336 : vector<16xi32>
      %shift_left3A_338 = arith.constant 4 : i32
      %shift_left3A_339 = vector.broadcast %shift_left3A_338 : i32 to vector<16xi32>
      %shift_left3A_340 = arith.shli %and3A_337, %shift_left3A_339 : vector<16xi32>
      %or3A_341 = arith.ori %shift_left3A_340, %iota3A : vector<16xi32>
      %and3A_342 = arith.constant 15 : i32
      %and3A_343 = vector.broadcast %and3A_342 : i32 to vector<16xi32>
      %and3A_344 = arith.andi %get3A_239, %and3A_343 : vector<16xi32>
      %shift_left3A_345 = arith.constant 4 : i32
      %shift_left3A_346 = vector.broadcast %shift_left3A_345 : i32 to vector<16xi32>
      %shift_left3A_347 = arith.shli %and3A_344, %shift_left3A_346 : vector<16xi32>
      %or3A_348 = arith.ori %shift_left3A_347, %iota3A : vector<16xi32>
      %and3A_349 = arith.constant 15 : i32
      %and3A_350 = vector.broadcast %and3A_349 : i32 to vector<16xi32>
      %and3A_351 = arith.andi %get3A_246, %and3A_350 : vector<16xi32>
      %shift_left3A_352 = arith.constant 4 : i32
      %shift_left3A_353 = vector.broadcast %shift_left3A_352 : i32 to vector<16xi32>
      %shift_left3A_354 = arith.shli %and3A_351, %shift_left3A_353 : vector<16xi32>
      %or3A_355 = arith.ori %shift_left3A_354, %iota3A : vector<16xi32>
      %and3A_356 = arith.constant 15 : i32
      %and3A_357 = vector.broadcast %and3A_356 : i32 to vector<16xi32>
      %and3A_358 = arith.andi %get3A_253, %and3A_357 : vector<16xi32>
      %shift_left3A_359 = arith.constant 4 : i32
      %shift_left3A_360 = vector.broadcast %shift_left3A_359 : i32 to vector<16xi32>
      %shift_left3A_361 = arith.shli %and3A_358, %shift_left3A_360 : vector<16xi32>
      %or3A_362 = arith.ori %shift_left3A_361, %iota3A : vector<16xi32>
      %shift_right_arithmetic3A = arith.constant 4 : i32
      %shift_right_arithmetic3A_363 = vector.broadcast %shift_right_arithmetic3A : i32 to vector<16xi32>
      %shift_right_arithmetic3A_364 = arith.shrsi %get3A_148, %shift_right_arithmetic3A_363 : vector<16xi32>
      %convert_element_type3A_365 = arith.sitofp %shift_right_arithmetic3A_364 : vector<16xi32> to vector<16xf32>
      %shift_right_arithmetic3A_366 = arith.constant 4 : i32
      %shift_right_arithmetic3A_367 = vector.broadcast %shift_right_arithmetic3A_366 : i32 to vector<16xi32>
      %shift_right_arithmetic3A_368 = arith.shrsi %get3A_155, %shift_right_arithmetic3A_367 : vector<16xi32>
      %convert_element_type3A_369 = arith.sitofp %shift_right_arithmetic3A_368 : vector<16xi32> to vector<16xf32>
      %shift_right_arithmetic3A_370 = arith.constant 4 : i32
      %shift_right_arithmetic3A_371 = vector.broadcast %shift_right_arithmetic3A_370 : i32 to vector<16xi32>
      %shift_right_arithmetic3A_372 = arith.shrsi %get3A_162, %shift_right_arithmetic3A_371 : vector<16xi32>
      %convert_element_type3A_373 = arith.sitofp %shift_right_arithmetic3A_372 : vector<16xi32> to vector<16xf32>
      %shift_right_arithmetic3A_374 = arith.constant 4 : i32
      %shift_right_arithmetic3A_375 = vector.broadcast %shift_right_arithmetic3A_374 : i32 to vector<16xi32>
      %shift_right_arithmetic3A_376 = arith.shrsi %get3A_169, %shift_right_arithmetic3A_375 : vector<16xi32>
      %convert_element_type3A_377 = arith.sitofp %shift_right_arithmetic3A_376 : vector<16xi32> to vector<16xf32>
      %shift_right_arithmetic3A_378 = arith.constant 4 : i32
      %shift_right_arithmetic3A_379 = vector.broadcast %shift_right_arithmetic3A_378 : i32 to vector<16xi32>
      %shift_right_arithmetic3A_380 = arith.shrsi %get3A_176, %shift_right_arithmetic3A_379 : vector<16xi32>
      %convert_element_type3A_381 = arith.sitofp %shift_right_arithmetic3A_380 : vector<16xi32> to vector<16xf32>
      %shift_right_arithmetic3A_382 = arith.constant 4 : i32
      %shift_right_arithmetic3A_383 = vector.broadcast %shift_right_arithmetic3A_382 : i32 to vector<16xi32>
      %shift_right_arithmetic3A_384 = arith.shrsi %get3A_183, %shift_right_arithmetic3A_383 : vector<16xi32>
      %convert_element_type3A_385 = arith.sitofp %shift_right_arithmetic3A_384 : vector<16xi32> to vector<16xf32>
      %shift_right_arithmetic3A_386 = arith.constant 4 : i32
      %shift_right_arithmetic3A_387 = vector.broadcast %shift_right_arithmetic3A_386 : i32 to vector<16xi32>
      %shift_right_arithmetic3A_388 = arith.shrsi %get3A_190, %shift_right_arithmetic3A_387 : vector<16xi32>
      %convert_element_type3A_389 = arith.sitofp %shift_right_arithmetic3A_388 : vector<16xi32> to vector<16xf32>
      %shift_right_arithmetic3A_390 = arith.constant 4 : i32
      %shift_right_arithmetic3A_391 = vector.broadcast %shift_right_arithmetic3A_390 : i32 to vector<16xi32>
      %shift_right_arithmetic3A_392 = arith.shrsi %get3A_197, %shift_right_arithmetic3A_391 : vector<16xi32>
      %convert_element_type3A_393 = arith.sitofp %shift_right_arithmetic3A_392 : vector<16xi32> to vector<16xf32>
      %shift_right_arithmetic3A_394 = arith.constant 4 : i32
      %shift_right_arithmetic3A_395 = vector.broadcast %shift_right_arithmetic3A_394 : i32 to vector<16xi32>
      %shift_right_arithmetic3A_396 = arith.shrsi %get3A_204, %shift_right_arithmetic3A_395 : vector<16xi32>
      %convert_element_type3A_397 = arith.sitofp %shift_right_arithmetic3A_396 : vector<16xi32> to vector<16xf32>
      %shift_right_arithmetic3A_398 = arith.constant 4 : i32
      %shift_right_arithmetic3A_399 = vector.broadcast %shift_right_arithmetic3A_398 : i32 to vector<16xi32>
      %shift_right_arithmetic3A_400 = arith.shrsi %get3A_211, %shift_right_arithmetic3A_399 : vector<16xi32>
      %convert_element_type3A_401 = arith.sitofp %shift_right_arithmetic3A_400 : vector<16xi32> to vector<16xf32>
      %shift_right_arithmetic3A_402 = arith.constant 4 : i32
      %shift_right_arithmetic3A_403 = vector.broadcast %shift_right_arithmetic3A_402 : i32 to vector<16xi32>
      %shift_right_arithmetic3A_404 = arith.shrsi %get3A_218, %shift_right_arithmetic3A_403 : vector<16xi32>
      %convert_element_type3A_405 = arith.sitofp %shift_right_arithmetic3A_404 : vector<16xi32> to vector<16xf32>
      %shift_right_arithmetic3A_406 = arith.constant 4 : i32
      %shift_right_arithmetic3A_407 = vector.broadcast %shift_right_arithmetic3A_406 : i32 to vector<16xi32>
      %shift_right_arithmetic3A_408 = arith.shrsi %get3A_225, %shift_right_arithmetic3A_407 : vector<16xi32>
      %convert_element_type3A_409 = arith.sitofp %shift_right_arithmetic3A_408 : vector<16xi32> to vector<16xf32>
      %shift_right_arithmetic3A_410 = arith.constant 4 : i32
      %shift_right_arithmetic3A_411 = vector.broadcast %shift_right_arithmetic3A_410 : i32 to vector<16xi32>
      %shift_right_arithmetic3A_412 = arith.shrsi %get3A_232, %shift_right_arithmetic3A_411 : vector<16xi32>
      %convert_element_type3A_413 = arith.sitofp %shift_right_arithmetic3A_412 : vector<16xi32> to vector<16xf32>
      %shift_right_arithmetic3A_414 = arith.constant 4 : i32
      %shift_right_arithmetic3A_415 = vector.broadcast %shift_right_arithmetic3A_414 : i32 to vector<16xi32>
      %shift_right_arithmetic3A_416 = arith.shrsi %get3A_239, %shift_right_arithmetic3A_415 : vector<16xi32>
      %convert_element_type3A_417 = arith.sitofp %shift_right_arithmetic3A_416 : vector<16xi32> to vector<16xf32>
      %shift_right_arithmetic3A_418 = arith.constant 4 : i32
      %shift_right_arithmetic3A_419 = vector.broadcast %shift_right_arithmetic3A_418 : i32 to vector<16xi32>
      %shift_right_arithmetic3A_420 = arith.shrsi %get3A_246, %shift_right_arithmetic3A_419 : vector<16xi32>
      %convert_element_type3A_421 = arith.sitofp %shift_right_arithmetic3A_420 : vector<16xi32> to vector<16xf32>
      %shift_right_arithmetic3A_422 = arith.constant 4 : i32
      %shift_right_arithmetic3A_423 = vector.broadcast %shift_right_arithmetic3A_422 : i32 to vector<16xi32>
      %shift_right_arithmetic3A_424 = arith.shrsi %get3A_253, %shift_right_arithmetic3A_423 : vector<16xi32>
      %convert_element_type3A_425 = arith.sitofp %shift_right_arithmetic3A_424 : vector<16xi32> to vector<16xf32>
      tpu.vector_store_idx %arg6[%or3A], %convert_element_type3A_365 {add = true} : memref<144xf32, #tpu.memory_space<vmem>>[vector<16xi32>], vector<16xf32>,
      tpu.vector_store_idx %arg6[%or3A_264], %convert_element_type3A_369 {add = true} : memref<144xf32, #tpu.memory_space<vmem>>[vector<16xi32>], vector<16xf32>,
      tpu.vector_store_idx %arg6[%or3A_271], %convert_element_type3A_373 {add = true} : memref<144xf32, #tpu.memory_space<vmem>>[vector<16xi32>], vector<16xf32>,
      tpu.vector_store_idx %arg6[%or3A_278], %convert_element_type3A_377 {add = true} : memref<144xf32, #tpu.memory_space<vmem>>[vector<16xi32>], vector<16xf32>,
      tpu.vector_store_idx %arg6[%or3A_285], %convert_element_type3A_381 {add = true} : memref<144xf32, #tpu.memory_space<vmem>>[vector<16xi32>], vector<16xf32>,
      tpu.vector_store_idx %arg6[%or3A_292], %convert_element_type3A_385 {add = true} : memref<144xf32, #tpu.memory_space<vmem>>[vector<16xi32>], vector<16xf32>,
      tpu.vector_store_idx %arg6[%or3A_299], %convert_element_type3A_389 {add = true} : memref<144xf32, #tpu.memory_space<vmem>>[vector<16xi32>], vector<16xf32>,
      tpu.vector_store_idx %arg6[%or3A_306], %convert_element_type3A_393 {add = true} : memref<144xf32, #tpu.memory_space<vmem>>[vector<16xi32>], vector<16xf32>,
      tpu.vector_store_idx %arg6[%or3A_313], %convert_element_type3A_397 {add = true} : memref<144xf32, #tpu.memory_space<vmem>>[vector<16xi32>], vector<16xf32>,
      tpu.vector_store_idx %arg6[%or3A_320], %convert_element_type3A_401 {add = true} : memref<144xf32, #tpu.memory_space<vmem>>[vector<16xi32>], vector<16xf32>,
      tpu.vector_store_idx %arg6[%or3A_327], %convert_element_type3A_405 {add = true} : memref<144xf32, #tpu.memory_space<vmem>>[vector<16xi32>], vector<16xf32>,
      tpu.vector_store_idx %arg6[%or3A_334], %convert_element_type3A_409 {add = true} : memref<144xf32, #tpu.memory_space<vmem>>[vector<16xi32>], vector<16xf32>,
      tpu.vector_store_idx %arg6[%or3A_341], %convert_element_type3A_413 {add = true} : memref<144xf32, #tpu.memory_space<vmem>>[vector<16xi32>], vector<16xf32>,
      tpu.vector_store_idx %arg6[%or3A_348], %convert_element_type3A_417 {add = true} : memref<144xf32, #tpu.memory_space<vmem>>[vector<16xi32>], vector<16xf32>,
      tpu.vector_store_idx %arg6[%or3A_355], %convert_element_type3A_421 {add = true} : memref<144xf32, #tpu.memory_space<vmem>>[vector<16xi32>], vector<16xf32>,
      tpu.vector_store_idx %arg6[%or3A_362], %convert_element_type3A_425 {add = true} : memref<144xf32, #tpu.memory_space<vmem>>[vector<16xi32>], vector<16xf32>,
    }
    %scan3A_73 = arith.constant 64 : i32
    "tpu.region"() ({
      %run_scoped3A = tpu.sem_alloc : memref<!tpu.dma_semaphore, #tpu.memory_space<semaphore_mem>>
      %dma_start3A_142 = arith.constant 0 : i32
      %dma_start3A_143 = tpu.memref_slice %arg3[%add3A_25, %dma_start3A_142] : memref<64x144xf32, #tpu.memory_space<hbm>> -> memref<1x144xf32, #tpu.memory_space<hbm>>
      %dma_start3A_144 = tpu.memref_squeeze %dma_start3A_143 : memref<1x144xf32, #tpu.memory_space<hbm>> -> memref<144xf32, #tpu.memory_space<hbm>>
      %dma_start3A_145 = arith.constant 0 : i32
      %dma_start3A_146 = tpu.memref_slice %arg3[%add3A_25, %dma_start3A_145] : memref<64x144xf32, #tpu.memory_space<hbm>> -> memref<1x144xf32, #tpu.memory_space<hbm>>
      %dma_start3A_147 = tpu.memref_squeeze %dma_start3A_146 : memref<1x144xf32, #tpu.memory_space<hbm>> -> memref<144xf32, #tpu.memory_space<hbm>>
      tpu.enqueue_dma source(%arg6 : memref<144xf32, #tpu.memory_space<vmem>>) target(%dma_start3A_147 : memref<144xf32, #tpu.memory_space<hbm>>) target_semaphore(%run_scoped3A : memref<!tpu.dma_semaphore, #tpu.memory_space<semaphore_mem>>)
      %dma_wait3A_148 = arith.constant 0 : i32
      %dma_wait3A_149 = tpu.memref_slice %arg3[%add3A_25, %dma_wait3A_148] : memref<64x144xf32, #tpu.memory_space<hbm>> -> memref<1x144xf32, #tpu.memory_space<hbm>>
      %dma_wait3A_150 = tpu.memref_squeeze %dma_wait3A_149 : memref<1x144xf32, #tpu.memory_space<hbm>> -> memref<144xf32, #tpu.memory_space<hbm>>
      %dma_wait3A_151 = arith.constant 0 : i32
      %dma_wait3A_152 = tpu.memref_slice %arg3[%add3A_25, %dma_wait3A_151] : memref<64x144xf32, #tpu.memory_space<hbm>> -> memref<1x144xf32, #tpu.memory_space<hbm>>
      %dma_wait3A_153 = tpu.memref_squeeze %dma_wait3A_152 : memref<1x144xf32, #tpu.memory_space<hbm>> -> memref<144xf32, #tpu.memory_space<hbm>>
      tpu.wait_dma2 semaphore(%run_scoped3A : memref<!tpu.dma_semaphore, #tpu.memory_space<semaphore_mem>>) src(%arg6 : memref<144xf32, #tpu.memory_space<vmem>>) dst(%dma_wait3A_153 : memref<144xf32, #tpu.memory_space<hbm>>)
      tpu.yield
    }) : () -> ()
    %add3A_74 = arith.constant 2 : i32
    %add3A_75 = arith.addi %add3A_24, %add3A_74 : i32
    %lt3A = arith.constant 2 : i32
    %lt3A_76 = arith.cmpi slt, %add3A_75, %lt3A : i32
    %convert_element_type3A = arith.extui %lt3A_76 : i1 to i32
    %cond3A = arith.constant 0 : i32
    %cond3A_77 = arith.cmpi ne, %convert_element_type3A, %cond3A : i32
    scf.if %cond3A_77 {
      %add3A_142 = arith.constant 2 : i32
      %add3A_143 = arith.addi %add3A_25, %add3A_142 : i32
      %dma_start3A_144 = arith.constant 0 : i32
      %dma_start3A_145 = arith.constant 0 : i32
      %dma_start3A_146 = tpu.memref_slice %arg2[%add3A_143, %dma_start3A_144, %dma_start3A_145] : memref<64x128x128xi32, #tpu.memory_space<hbm>> -> memref<1x128x128xi32, #tpu.memory_space<hbm>>
      %dma_start3A_147 = tpu.memref_squeeze %dma_start3A_146 : memref<1x128x128xi32, #tpu.memory_space<hbm>> -> memref<128x128xi32, #tpu.memory_space<hbm>>
      %dma_start3A_148 = arith.constant 0 : i32
      %dma_start3A_149 = arith.constant 0 : i32
      %dma_start3A_150 = tpu.memref_slice %arg2[%add3A_143, %dma_start3A_148, %dma_start3A_149] : memref<64x128x128xi32, #tpu.memory_space<hbm>> -> memref<1x128x128xi32, #tpu.memory_space<hbm>>
      %dma_start3A_151 = tpu.memref_squeeze %dma_start3A_150 : memref<1x128x128xi32, #tpu.memory_space<hbm>> -> memref<128x128xi32, #tpu.memory_space<hbm>>
      tpu.enqueue_dma source(%dma_start3A_151 : memref<128x128xi32, #tpu.memory_space<hbm>>) target(%arg4 : memref<128x128xi32, #tpu.memory_space<vmem>>) target_semaphore(%arg7 : memref<!tpu.dma_semaphore, #tpu.memory_space<semaphore_mem>>)
    } else {
    }
    %mul3A_78 = arith.constant 2 : i32
    %mul3A_79 = arith.muli %mul3A_78, %scan3A_20 : i32
    %add3A_80 = arith.constant 1 : i32
    %add3A_81 = arith.addi %mul3A_79, %add3A_80 : i32
    %add3A_82 = arith.addi %mul3A_2, %add3A_81 : i32
    %dma_wait3A_83 = arith.constant 0 : i32
    %dma_wait3A_84 = arith.constant 0 : i32
    %dma_wait3A_85 = arith.constant 0 : i32
    %dma_wait3A_86 = tpu.memref_slice %arg2[%dma_wait3A_83, %dma_wait3A_84, %dma_wait3A_85] : memref<64x128x128xi32, #tpu.memory_space<hbm>> -> memref<1x128x128xi32, #tpu.memory_space<hbm>>
    %dma_wait3A_87 = tpu.memref_squeeze %dma_wait3A_86 : memref<1x128x128xi32, #tpu.memory_space<hbm>> -> memref<128x128xi32, #tpu.memory_space<hbm>>
    %dma_wait3A_88 = arith.constant 0 : i32
    %dma_wait3A_89 = arith.constant 0 : i32
    %dma_wait3A_90 = tpu.memref_slice %arg2[%dma_wait3A_83, %dma_wait3A_88, %dma_wait3A_89] : memref<64x128x128xi32, #tpu.memory_space<hbm>> -> memref<1x128x128xi32, #tpu.memory_space<hbm>>
    %dma_wait3A_91 = tpu.memref_squeeze %dma_wait3A_90 : memref<1x128x128xi32, #tpu.memory_space<hbm>> -> memref<128x128xi32, #tpu.memory_space<hbm>>
    tpu.wait_dma2 semaphore(%arg8 : memref<!tpu.dma_semaphore, #tpu.memory_space<semaphore_mem>>) src(%dma_wait3A_91 : memref<128x128xi32, #tpu.memory_space<hbm>>) dst(%arg5 : memref<128x128xi32, #tpu.memory_space<vmem>>)
    %broadcast_in_dim3A_92 = arith.constant 0.000000e+00 : f32
    %broadcast_in_dim3A_93 = vector.broadcast %broadcast_in_dim3A_92 : f32 to vector<16xf32>
    %swap3A_94 = arith.constant 0 : index
    %swap3A_95 = tpu.vector_load %arg6[%swap3A_94] {strides = array<i32>} : memref<144xf32, #tpu.memory_space<vmem>>, vector<16xf32>,
    tpu.vector_store %arg6[%swap3A_94], %broadcast_in_dim3A_93 {strides = array<i32>} : memref<144xf32, #tpu.memory_space<vmem>>, vector<16xf32>,
    %broadcast_in_dim3A_96 = arith.constant 0.000000e+00 : f32
    %broadcast_in_dim3A_97 = vector.broadcast %broadcast_in_dim3A_96 : f32 to vector<16xf32>
    %swap3A_98 = arith.constant 16 : index
    %swap3A_99 = tpu.vector_load %arg6[%swap3A_98] {strides = array<i32>} : memref<144xf32, #tpu.memory_space<vmem>>, vector<16xf32>,
    tpu.vector_store %arg6[%swap3A_98], %broadcast_in_dim3A_97 {strides = array<i32>} : memref<144xf32, #tpu.memory_space<vmem>>, vector<16xf32>,
    %broadcast_in_dim3A_100 = arith.constant 0.000000e+00 : f32
    %broadcast_in_dim3A_101 = vector.broadcast %broadcast_in_dim3A_100 : f32 to vector<16xf32>
    %swap3A_102 = arith.constant 32 : index
    %swap3A_103 = tpu.vector_load %arg6[%swap3A_102] {strides = array<i32>} : memref<144xf32, #tpu.memory_space<vmem>>, vector<16xf32>,
    tpu.vector_store %arg6[%swap3A_102], %broadcast_in_dim3A_101 {strides = array<i32>} : memref<144xf32, #tpu.memory_space<vmem>>, vector<16xf32>,
    %broadcast_in_dim3A_104 = arith.constant 0.000000e+00 : f32
    %broadcast_in_dim3A_105 = vector.broadcast %broadcast_in_dim3A_104 : f32 to vector<16xf32>
    %swap3A_106 = arith.constant 48 : index
    %swap3A_107 = tpu.vector_load %arg6[%swap3A_106] {strides = array<i32>} : memref<144xf32, #tpu.memory_space<vmem>>, vector<16xf32>,
    tpu.vector_store %arg6[%swap3A_106], %broadcast_in_dim3A_105 {strides = array<i32>} : memref<144xf32, #tpu.memory_space<vmem>>, vector<16xf32>,
    %broadcast_in_dim3A_108 = arith.constant 0.000000e+00 : f32
    %broadcast_in_dim3A_109 = vector.broadcast %broadcast_in_dim3A_108 : f32 to vector<16xf32>
    %swap3A_110 = arith.constant 64 : index
    %swap3A_111 = tpu.vector_load %arg6[%swap3A_110] {strides = array<i32>} : memref<144xf32, #tpu.memory_space<vmem>>, vector<16xf32>,
    tpu.vector_store %arg6[%swap3A_110], %broadcast_in_dim3A_109 {strides = array<i32>} : memref<144xf32, #tpu.memory_space<vmem>>, vector<16xf32>,
    %broadcast_in_dim3A_112 = arith.constant 0.000000e+00 : f32
    %broadcast_in_dim3A_113 = vector.broadcast %broadcast_in_dim3A_112 : f32 to vector<16xf32>
    %swap3A_114 = arith.constant 80 : index
    %swap3A_115 = tpu.vector_load %arg6[%swap3A_114] {strides = array<i32>} : memref<144xf32, #tpu.memory_space<vmem>>, vector<16xf32>,
    tpu.vector_store %arg6[%swap3A_114], %broadcast_in_dim3A_113 {strides = array<i32>} : memref<144xf32, #tpu.memory_space<vmem>>, vector<16xf32>,
    %broadcast_in_dim3A_116 = arith.constant 0.000000e+00 : f32
    %broadcast_in_dim3A_117 = vector.broadcast %broadcast_in_dim3A_116 : f32 to vector<16xf32>
    %swap3A_118 = arith.constant 96 : index
    %swap3A_119 = tpu.vector_load %arg6[%swap3A_118] {strides = array<i32>} : memref<144xf32, #tpu.memory_space<vmem>>, vector<16xf32>,
    tpu.vector_store %arg6[%swap3A_118], %broadcast_in_dim3A_117 {strides = array<i32>} : memref<144xf32, #tpu.memory_space<vmem>>, vector<16xf32>,
    %broadcast_in_dim3A_120 = arith.constant 0.000000e+00 : f32
    %broadcast_in_dim3A_121 = vector.broadcast %broadcast_in_dim3A_120 : f32 to vector<16xf32>
    %swap3A_122 = arith.constant 112 : index
    %swap3A_123 = tpu.vector_load %arg6[%swap3A_122] {strides = array<i32>} : memref<144xf32, #tpu.memory_space<vmem>>, vector<16xf32>,
    tpu.vector_store %arg6[%swap3A_122], %broadcast_in_dim3A_121 {strides = array<i32>} : memref<144xf32, #tpu.memory_space<vmem>>, vector<16xf32>,
    %broadcast_in_dim3A_124 = arith.constant 0.000000e+00 : f32
    %broadcast_in_dim3A_125 = vector.broadcast %broadcast_in_dim3A_124 : f32 to vector<16xf32>
    %swap3A_126 = arith.constant 128 : index
    %swap3A_127 = tpu.vector_load %arg6[%swap3A_126] {strides = array<i32>} : memref<144xf32, #tpu.memory_space<vmem>>, vector<16xf32>,
    tpu.vector_store %arg6[%swap3A_126], %broadcast_in_dim3A_125 {strides = array<i32>} : memref<144xf32, #tpu.memory_space<vmem>>, vector<16xf32>,
    %scan3A_128 = arith.constant 0 : i32
    %scan3A_129 = arith.constant 0 : i32
    %scan3A_130 = arith.constant 64 : i32
    %scan3A_131 = arith.addi %scan3A_129, %scan3A_130 : i32
    %scan3A_132 = arith.constant 1 : i32
    scf.for %scan3A_142 = %scan3A_129 to %scan3A_131 step %scan3A_132  : i32 {
      %mul3A_143 = arith.constant 2 : i32
      %mul3A_144 = arith.muli %mul3A_143, %scan3A_142 : i32
      %add3A_145 = arith.constant 0 : i32
      %add3A_146 = arith.addi %mul3A_144, %add3A_145 : i32
      %get3A = arith.index_cast %add3A_146 : i32 to index
      %get3A_147 = arith.constant 0 : index
      %get3A_148 = tpu.vector_load %arg5[%get3A, %get3A_147] {strides = array<i32>} : memref<128x128xi32, #tpu.memory_space<vmem>>, vector<16xi32>,
      %mul3A_149 = arith.constant 2 : i32
      %mul3A_150 = arith.muli %mul3A_149, %scan3A_142 : i32
      %add3A_151 = arith.constant 0 : i32
      %add3A_152 = arith.addi %mul3A_150, %add3A_151 : i32
      %get3A_153 = arith.index_cast %add3A_152 : i32 to index
      %get3A_154 = arith.constant 16 : index
      %get3A_155 = tpu.vector_load %arg5[%get3A_153, %get3A_154] {strides = array<i32>} : memref<128x128xi32, #tpu.memory_space<vmem>>, vector<16xi32>,
      %mul3A_156 = arith.constant 2 : i32
      %mul3A_157 = arith.muli %mul3A_156, %scan3A_142 : i32
      %add3A_158 = arith.constant 0 : i32
      %add3A_159 = arith.addi %mul3A_157, %add3A_158 : i32
      %get3A_160 = arith.index_cast %add3A_159 : i32 to index
      %get3A_161 = arith.constant 32 : index
      %get3A_162 = tpu.vector_load %arg5[%get3A_160, %get3A_161] {strides = array<i32>} : memref<128x128xi32, #tpu.memory_space<vmem>>, vector<16xi32>,
      %mul3A_163 = arith.constant 2 : i32
      %mul3A_164 = arith.muli %mul3A_163, %scan3A_142 : i32
      %add3A_165 = arith.constant 0 : i32
      %add3A_166 = arith.addi %mul3A_164, %add3A_165 : i32
      %get3A_167 = arith.index_cast %add3A_166 : i32 to index
      %get3A_168 = arith.constant 48 : index
      %get3A_169 = tpu.vector_load %arg5[%get3A_167, %get3A_168] {strides = array<i32>} : memref<128x128xi32, #tpu.memory_space<vmem>>, vector<16xi32>,
      %mul3A_170 = arith.constant 2 : i32
      %mul3A_171 = arith.muli %mul3A_170, %scan3A_142 : i32
      %add3A_172 = arith.constant 0 : i32
      %add3A_173 = arith.addi %mul3A_171, %add3A_172 : i32
      %get3A_174 = arith.index_cast %add3A_173 : i32 to index
      %get3A_175 = arith.constant 64 : index
      %get3A_176 = tpu.vector_load %arg5[%get3A_174, %get3A_175] {strides = array<i32>} : memref<128x128xi32, #tpu.memory_space<vmem>>, vector<16xi32>,
      %mul3A_177 = arith.constant 2 : i32
      %mul3A_178 = arith.muli %mul3A_177, %scan3A_142 : i32
      %add3A_179 = arith.constant 0 : i32
      %add3A_180 = arith.addi %mul3A_178, %add3A_179 : i32
      %get3A_181 = arith.index_cast %add3A_180 : i32 to index
      %get3A_182 = arith.constant 80 : index
      %get3A_183 = tpu.vector_load %arg5[%get3A_181, %get3A_182] {strides = array<i32>} : memref<128x128xi32, #tpu.memory_space<vmem>>, vector<16xi32>,
      %mul3A_184 = arith.constant 2 : i32
      %mul3A_185 = arith.muli %mul3A_184, %scan3A_142 : i32
      %add3A_186 = arith.constant 0 : i32
      %add3A_187 = arith.addi %mul3A_185, %add3A_186 : i32
      %get3A_188 = arith.index_cast %add3A_187 : i32 to index
      %get3A_189 = arith.constant 96 : index
      %get3A_190 = tpu.vector_load %arg5[%get3A_188, %get3A_189] {strides = array<i32>} : memref<128x128xi32, #tpu.memory_space<vmem>>, vector<16xi32>,
      %mul3A_191 = arith.constant 2 : i32
      %mul3A_192 = arith.muli %mul3A_191, %scan3A_142 : i32
      %add3A_193 = arith.constant 0 : i32
      %add3A_194 = arith.addi %mul3A_192, %add3A_193 : i32
      %get3A_195 = arith.index_cast %add3A_194 : i32 to index
      %get3A_196 = arith.constant 112 : index
      %get3A_197 = tpu.vector_load %arg5[%get3A_195, %get3A_196] {strides = array<i32>} : memref<128x128xi32, #tpu.memory_space<vmem>>, vector<16xi32>,
      %mul3A_198 = arith.constant 2 : i32
      %mul3A_199 = arith.muli %mul3A_198, %scan3A_142 : i32
      %add3A_200 = arith.constant 1 : i32
      %add3A_201 = arith.addi %mul3A_199, %add3A_200 : i32
      %get3A_202 = arith.index_cast %add3A_201 : i32 to index
      %get3A_203 = arith.constant 0 : index
      %get3A_204 = tpu.vector_load %arg5[%get3A_202, %get3A_203] {strides = array<i32>} : memref<128x128xi32, #tpu.memory_space<vmem>>, vector<16xi32>,
      %mul3A_205 = arith.constant 2 : i32
      %mul3A_206 = arith.muli %mul3A_205, %scan3A_142 : i32
      %add3A_207 = arith.constant 1 : i32
      %add3A_208 = arith.addi %mul3A_206, %add3A_207 : i32
      %get3A_209 = arith.index_cast %add3A_208 : i32 to index
      %get3A_210 = arith.constant 16 : index
      %get3A_211 = tpu.vector_load %arg5[%get3A_209, %get3A_210] {strides = array<i32>} : memref<128x128xi32, #tpu.memory_space<vmem>>, vector<16xi32>,
      %mul3A_212 = arith.constant 2 : i32
      %mul3A_213 = arith.muli %mul3A_212, %scan3A_142 : i32
      %add3A_214 = arith.constant 1 : i32
      %add3A_215 = arith.addi %mul3A_213, %add3A_214 : i32
      %get3A_216 = arith.index_cast %add3A_215 : i32 to index
      %get3A_217 = arith.constant 32 : index
      %get3A_218 = tpu.vector_load %arg5[%get3A_216, %get3A_217] {strides = array<i32>} : memref<128x128xi32, #tpu.memory_space<vmem>>, vector<16xi32>,
      %mul3A_219 = arith.constant 2 : i32
      %mul3A_220 = arith.muli %mul3A_219, %scan3A_142 : i32
      %add3A_221 = arith.constant 1 : i32
      %add3A_222 = arith.addi %mul3A_220, %add3A_221 : i32
      %get3A_223 = arith.index_cast %add3A_222 : i32 to index
      %get3A_224 = arith.constant 48 : index
      %get3A_225 = tpu.vector_load %arg5[%get3A_223, %get3A_224] {strides = array<i32>} : memref<128x128xi32, #tpu.memory_space<vmem>>, vector<16xi32>,
      %mul3A_226 = arith.constant 2 : i32
      %mul3A_227 = arith.muli %mul3A_226, %scan3A_142 : i32
      %add3A_228 = arith.constant 1 : i32
      %add3A_229 = arith.addi %mul3A_227, %add3A_228 : i32
      %get3A_230 = arith.index_cast %add3A_229 : i32 to index
      %get3A_231 = arith.constant 64 : index
      %get3A_232 = tpu.vector_load %arg5[%get3A_230, %get3A_231] {strides = array<i32>} : memref<128x128xi32, #tpu.memory_space<vmem>>, vector<16xi32>,
      %mul3A_233 = arith.constant 2 : i32
      %mul3A_234 = arith.muli %mul3A_233, %scan3A_142 : i32
      %add3A_235 = arith.constant 1 : i32
      %add3A_236 = arith.addi %mul3A_234, %add3A_235 : i32
      %get3A_237 = arith.index_cast %add3A_236 : i32 to index
      %get3A_238 = arith.constant 80 : index
      %get3A_239 = tpu.vector_load %arg5[%get3A_237, %get3A_238] {strides = array<i32>} : memref<128x128xi32, #tpu.memory_space<vmem>>, vector<16xi32>,
      %mul3A_240 = arith.constant 2 : i32
      %mul3A_241 = arith.muli %mul3A_240, %scan3A_142 : i32
      %add3A_242 = arith.constant 1 : i32
      %add3A_243 = arith.addi %mul3A_241, %add3A_242 : i32
      %get3A_244 = arith.index_cast %add3A_243 : i32 to index
      %get3A_245 = arith.constant 96 : index
      %get3A_246 = tpu.vector_load %arg5[%get3A_244, %get3A_245] {strides = array<i32>} : memref<128x128xi32, #tpu.memory_space<vmem>>, vector<16xi32>,
      %mul3A_247 = arith.constant 2 : i32
      %mul3A_248 = arith.muli %mul3A_247, %scan3A_142 : i32
      %add3A_249 = arith.constant 1 : i32
      %add3A_250 = arith.addi %mul3A_248, %add3A_249 : i32
      %get3A_251 = arith.index_cast %add3A_250 : i32 to index
      %get3A_252 = arith.constant 112 : index
      %get3A_253 = tpu.vector_load %arg5[%get3A_251, %get3A_252] {strides = array<i32>} : memref<128x128xi32, #tpu.memory_space<vmem>>, vector<16xi32>,
      %and3A = arith.constant 15 : i32
      %and3A_254 = vector.broadcast %and3A : i32 to vector<16xi32>
      %and3A_255 = arith.andi %get3A_148, %and3A_254 : vector<16xi32>
      %shift_left3A = arith.constant 4 : i32
      %shift_left3A_256 = vector.broadcast %shift_left3A : i32 to vector<16xi32>
      %shift_left3A_257 = arith.shli %and3A_255, %shift_left3A_256 : vector<16xi32>
      %or3A = arith.ori %shift_left3A_257, %iota3A : vector<16xi32>
      %and3A_258 = arith.constant 15 : i32
      %and3A_259 = vector.broadcast %and3A_258 : i32 to vector<16xi32>
      %and3A_260 = arith.andi %get3A_155, %and3A_259 : vector<16xi32>
      %shift_left3A_261 = arith.constant 4 : i32
      %shift_left3A_262 = vector.broadcast %shift_left3A_261 : i32 to vector<16xi32>
      %shift_left3A_263 = arith.shli %and3A_260, %shift_left3A_262 : vector<16xi32>
      %or3A_264 = arith.ori %shift_left3A_263, %iota3A : vector<16xi32>
      %and3A_265 = arith.constant 15 : i32
      %and3A_266 = vector.broadcast %and3A_265 : i32 to vector<16xi32>
      %and3A_267 = arith.andi %get3A_162, %and3A_266 : vector<16xi32>
      %shift_left3A_268 = arith.constant 4 : i32
      %shift_left3A_269 = vector.broadcast %shift_left3A_268 : i32 to vector<16xi32>
      %shift_left3A_270 = arith.shli %and3A_267, %shift_left3A_269 : vector<16xi32>
      %or3A_271 = arith.ori %shift_left3A_270, %iota3A : vector<16xi32>
      %and3A_272 = arith.constant 15 : i32
      %and3A_273 = vector.broadcast %and3A_272 : i32 to vector<16xi32>
      %and3A_274 = arith.andi %get3A_169, %and3A_273 : vector<16xi32>
      %shift_left3A_275 = arith.constant 4 : i32
      %shift_left3A_276 = vector.broadcast %shift_left3A_275 : i32 to vector<16xi32>
      %shift_left3A_277 = arith.shli %and3A_274, %shift_left3A_276 : vector<16xi32>
      %or3A_278 = arith.ori %shift_left3A_277, %iota3A : vector<16xi32>
      %and3A_279 = arith.constant 15 : i32
      %and3A_280 = vector.broadcast %and3A_279 : i32 to vector<16xi32>
      %and3A_281 = arith.andi %get3A_176, %and3A_280 : vector<16xi32>
      %shift_left3A_282 = arith.constant 4 : i32
      %shift_left3A_283 = vector.broadcast %shift_left3A_282 : i32 to vector<16xi32>
      %shift_left3A_284 = arith.shli %and3A_281, %shift_left3A_283 : vector<16xi32>
      %or3A_285 = arith.ori %shift_left3A_284, %iota3A : vector<16xi32>
      %and3A_286 = arith.constant 15 : i32
      %and3A_287 = vector.broadcast %and3A_286 : i32 to vector<16xi32>
      %and3A_288 = arith.andi %get3A_183, %and3A_287 : vector<16xi32>
      %shift_left3A_289 = arith.constant 4 : i32
      %shift_left3A_290 = vector.broadcast %shift_left3A_289 : i32 to vector<16xi32>
      %shift_left3A_291 = arith.shli %and3A_288, %shift_left3A_290 : vector<16xi32>
      %or3A_292 = arith.ori %shift_left3A_291, %iota3A : vector<16xi32>
      %and3A_293 = arith.constant 15 : i32
      %and3A_294 = vector.broadcast %and3A_293 : i32 to vector<16xi32>
      %and3A_295 = arith.andi %get3A_190, %and3A_294 : vector<16xi32>
      %shift_left3A_296 = arith.constant 4 : i32
      %shift_left3A_297 = vector.broadcast %shift_left3A_296 : i32 to vector<16xi32>
      %shift_left3A_298 = arith.shli %and3A_295, %shift_left3A_297 : vector<16xi32>
      %or3A_299 = arith.ori %shift_left3A_298, %iota3A : vector<16xi32>
      %and3A_300 = arith.constant 15 : i32
      %and3A_301 = vector.broadcast %and3A_300 : i32 to vector<16xi32>
      %and3A_302 = arith.andi %get3A_197, %and3A_301 : vector<16xi32>
      %shift_left3A_303 = arith.constant 4 : i32
      %shift_left3A_304 = vector.broadcast %shift_left3A_303 : i32 to vector<16xi32>
      %shift_left3A_305 = arith.shli %and3A_302, %shift_left3A_304 : vector<16xi32>
      %or3A_306 = arith.ori %shift_left3A_305, %iota3A : vector<16xi32>
      %and3A_307 = arith.constant 15 : i32
      %and3A_308 = vector.broadcast %and3A_307 : i32 to vector<16xi32>
      %and3A_309 = arith.andi %get3A_204, %and3A_308 : vector<16xi32>
      %shift_left3A_310 = arith.constant 4 : i32
      %shift_left3A_311 = vector.broadcast %shift_left3A_310 : i32 to vector<16xi32>
      %shift_left3A_312 = arith.shli %and3A_309, %shift_left3A_311 : vector<16xi32>
      %or3A_313 = arith.ori %shift_left3A_312, %iota3A : vector<16xi32>
      %and3A_314 = arith.constant 15 : i32
      %and3A_315 = vector.broadcast %and3A_314 : i32 to vector<16xi32>
      %and3A_316 = arith.andi %get3A_211, %and3A_315 : vector<16xi32>
      %shift_left3A_317 = arith.constant 4 : i32
      %shift_left3A_318 = vector.broadcast %shift_left3A_317 : i32 to vector<16xi32>
      %shift_left3A_319 = arith.shli %and3A_316, %shift_left3A_318 : vector<16xi32>
      %or3A_320 = arith.ori %shift_left3A_319, %iota3A : vector<16xi32>
      %and3A_321 = arith.constant 15 : i32
      %and3A_322 = vector.broadcast %and3A_321 : i32 to vector<16xi32>
      %and3A_323 = arith.andi %get3A_218, %and3A_322 : vector<16xi32>
      %shift_left3A_324 = arith.constant 4 : i32
      %shift_left3A_325 = vector.broadcast %shift_left3A_324 : i32 to vector<16xi32>
      %shift_left3A_326 = arith.shli %and3A_323, %shift_left3A_325 : vector<16xi32>
      %or3A_327 = arith.ori %shift_left3A_326, %iota3A : vector<16xi32>
      %and3A_328 = arith.constant 15 : i32
      %and3A_329 = vector.broadcast %and3A_328 : i32 to vector<16xi32>
      %and3A_330 = arith.andi %get3A_225, %and3A_329 : vector<16xi32>
      %shift_left3A_331 = arith.constant 4 : i32
      %shift_left3A_332 = vector.broadcast %shift_left3A_331 : i32 to vector<16xi32>
      %shift_left3A_333 = arith.shli %and3A_330, %shift_left3A_332 : vector<16xi32>
      %or3A_334 = arith.ori %shift_left3A_333, %iota3A : vector<16xi32>
      %and3A_335 = arith.constant 15 : i32
      %and3A_336 = vector.broadcast %and3A_335 : i32 to vector<16xi32>
      %and3A_337 = arith.andi %get3A_232, %and3A_336 : vector<16xi32>
      %shift_left3A_338 = arith.constant 4 : i32
      %shift_left3A_339 = vector.broadcast %shift_left3A_338 : i32 to vector<16xi32>
      %shift_left3A_340 = arith.shli %and3A_337, %shift_left3A_339 : vector<16xi32>
      %or3A_341 = arith.ori %shift_left3A_340, %iota3A : vector<16xi32>
      %and3A_342 = arith.constant 15 : i32
      %and3A_343 = vector.broadcast %and3A_342 : i32 to vector<16xi32>
      %and3A_344 = arith.andi %get3A_239, %and3A_343 : vector<16xi32>
      %shift_left3A_345 = arith.constant 4 : i32
      %shift_left3A_346 = vector.broadcast %shift_left3A_345 : i32 to vector<16xi32>
      %shift_left3A_347 = arith.shli %and3A_344, %shift_left3A_346 : vector<16xi32>
      %or3A_348 = arith.ori %shift_left3A_347, %iota3A : vector<16xi32>
      %and3A_349 = arith.constant 15 : i32
      %and3A_350 = vector.broadcast %and3A_349 : i32 to vector<16xi32>
      %and3A_351 = arith.andi %get3A_246, %and3A_350 : vector<16xi32>
      %shift_left3A_352 = arith.constant 4 : i32
      %shift_left3A_353 = vector.broadcast %shift_left3A_352 : i32 to vector<16xi32>
      %shift_left3A_354 = arith.shli %and3A_351, %shift_left3A_353 : vector<16xi32>
      %or3A_355 = arith.ori %shift_left3A_354, %iota3A : vector<16xi32>
      %and3A_356 = arith.constant 15 : i32
      %and3A_357 = vector.broadcast %and3A_356 : i32 to vector<16xi32>
      %and3A_358 = arith.andi %get3A_253, %and3A_357 : vector<16xi32>
      %shift_left3A_359 = arith.constant 4 : i32
      %shift_left3A_360 = vector.broadcast %shift_left3A_359 : i32 to vector<16xi32>
      %shift_left3A_361 = arith.shli %and3A_358, %shift_left3A_360 : vector<16xi32>
      %or3A_362 = arith.ori %shift_left3A_361, %iota3A : vector<16xi32>
      %shift_right_arithmetic3A = arith.constant 4 : i32
      %shift_right_arithmetic3A_363 = vector.broadcast %shift_right_arithmetic3A : i32 to vector<16xi32>
      %shift_right_arithmetic3A_364 = arith.shrsi %get3A_148, %shift_right_arithmetic3A_363 : vector<16xi32>
      %convert_element_type3A_365 = arith.sitofp %shift_right_arithmetic3A_364 : vector<16xi32> to vector<16xf32>
      %shift_right_arithmetic3A_366 = arith.constant 4 : i32
      %shift_right_arithmetic3A_367 = vector.broadcast %shift_right_arithmetic3A_366 : i32 to vector<16xi32>
      %shift_right_arithmetic3A_368 = arith.shrsi %get3A_155, %shift_right_arithmetic3A_367 : vector<16xi32>
      %convert_element_type3A_369 = arith.sitofp %shift_right_arithmetic3A_368 : vector<16xi32> to vector<16xf32>
      %shift_right_arithmetic3A_370 = arith.constant 4 : i32
      %shift_right_arithmetic3A_371 = vector.broadcast %shift_right_arithmetic3A_370 : i32 to vector<16xi32>
      %shift_right_arithmetic3A_372 = arith.shrsi %get3A_162, %shift_right_arithmetic3A_371 : vector<16xi32>
      %convert_element_type3A_373 = arith.sitofp %shift_right_arithmetic3A_372 : vector<16xi32> to vector<16xf32>
      %shift_right_arithmetic3A_374 = arith.constant 4 : i32
      %shift_right_arithmetic3A_375 = vector.broadcast %shift_right_arithmetic3A_374 : i32 to vector<16xi32>
      %shift_right_arithmetic3A_376 = arith.shrsi %get3A_169, %shift_right_arithmetic3A_375 : vector<16xi32>
      %convert_element_type3A_377 = arith.sitofp %shift_right_arithmetic3A_376 : vector<16xi32> to vector<16xf32>
      %shift_right_arithmetic3A_378 = arith.constant 4 : i32
      %shift_right_arithmetic3A_379 = vector.broadcast %shift_right_arithmetic3A_378 : i32 to vector<16xi32>
      %shift_right_arithmetic3A_380 = arith.shrsi %get3A_176, %shift_right_arithmetic3A_379 : vector<16xi32>
      %convert_element_type3A_381 = arith.sitofp %shift_right_arithmetic3A_380 : vector<16xi32> to vector<16xf32>
      %shift_right_arithmetic3A_382 = arith.constant 4 : i32
      %shift_right_arithmetic3A_383 = vector.broadcast %shift_right_arithmetic3A_382 : i32 to vector<16xi32>
      %shift_right_arithmetic3A_384 = arith.shrsi %get3A_183, %shift_right_arithmetic3A_383 : vector<16xi32>
      %convert_element_type3A_385 = arith.sitofp %shift_right_arithmetic3A_384 : vector<16xi32> to vector<16xf32>
      %shift_right_arithmetic3A_386 = arith.constant 4 : i32
      %shift_right_arithmetic3A_387 = vector.broadcast %shift_right_arithmetic3A_386 : i32 to vector<16xi32>
      %shift_right_arithmetic3A_388 = arith.shrsi %get3A_190, %shift_right_arithmetic3A_387 : vector<16xi32>
      %convert_element_type3A_389 = arith.sitofp %shift_right_arithmetic3A_388 : vector<16xi32> to vector<16xf32>
      %shift_right_arithmetic3A_390 = arith.constant 4 : i32
      %shift_right_arithmetic3A_391 = vector.broadcast %shift_right_arithmetic3A_390 : i32 to vector<16xi32>
      %shift_right_arithmetic3A_392 = arith.shrsi %get3A_197, %shift_right_arithmetic3A_391 : vector<16xi32>
      %convert_element_type3A_393 = arith.sitofp %shift_right_arithmetic3A_392 : vector<16xi32> to vector<16xf32>
      %shift_right_arithmetic3A_394 = arith.constant 4 : i32
      %shift_right_arithmetic3A_395 = vector.broadcast %shift_right_arithmetic3A_394 : i32 to vector<16xi32>
      %shift_right_arithmetic3A_396 = arith.shrsi %get3A_204, %shift_right_arithmetic3A_395 : vector<16xi32>
      %convert_element_type3A_397 = arith.sitofp %shift_right_arithmetic3A_396 : vector<16xi32> to vector<16xf32>
      %shift_right_arithmetic3A_398 = arith.constant 4 : i32
      %shift_right_arithmetic3A_399 = vector.broadcast %shift_right_arithmetic3A_398 : i32 to vector<16xi32>
      %shift_right_arithmetic3A_400 = arith.shrsi %get3A_211, %shift_right_arithmetic3A_399 : vector<16xi32>
      %convert_element_type3A_401 = arith.sitofp %shift_right_arithmetic3A_400 : vector<16xi32> to vector<16xf32>
      %shift_right_arithmetic3A_402 = arith.constant 4 : i32
      %shift_right_arithmetic3A_403 = vector.broadcast %shift_right_arithmetic3A_402 : i32 to vector<16xi32>
      %shift_right_arithmetic3A_404 = arith.shrsi %get3A_218, %shift_right_arithmetic3A_403 : vector<16xi32>
      %convert_element_type3A_405 = arith.sitofp %shift_right_arithmetic3A_404 : vector<16xi32> to vector<16xf32>
      %shift_right_arithmetic3A_406 = arith.constant 4 : i32
      %shift_right_arithmetic3A_407 = vector.broadcast %shift_right_arithmetic3A_406 : i32 to vector<16xi32>
      %shift_right_arithmetic3A_408 = arith.shrsi %get3A_225, %shift_right_arithmetic3A_407 : vector<16xi32>
      %convert_element_type3A_409 = arith.sitofp %shift_right_arithmetic3A_408 : vector<16xi32> to vector<16xf32>
      %shift_right_arithmetic3A_410 = arith.constant 4 : i32
      %shift_right_arithmetic3A_411 = vector.broadcast %shift_right_arithmetic3A_410 : i32 to vector<16xi32>
      %shift_right_arithmetic3A_412 = arith.shrsi %get3A_232, %shift_right_arithmetic3A_411 : vector<16xi32>
      %convert_element_type3A_413 = arith.sitofp %shift_right_arithmetic3A_412 : vector<16xi32> to vector<16xf32>
      %shift_right_arithmetic3A_414 = arith.constant 4 : i32
      %shift_right_arithmetic3A_415 = vector.broadcast %shift_right_arithmetic3A_414 : i32 to vector<16xi32>
      %shift_right_arithmetic3A_416 = arith.shrsi %get3A_239, %shift_right_arithmetic3A_415 : vector<16xi32>
      %convert_element_type3A_417 = arith.sitofp %shift_right_arithmetic3A_416 : vector<16xi32> to vector<16xf32>
      %shift_right_arithmetic3A_418 = arith.constant 4 : i32
      %shift_right_arithmetic3A_419 = vector.broadcast %shift_right_arithmetic3A_418 : i32 to vector<16xi32>
      %shift_right_arithmetic3A_420 = arith.shrsi %get3A_246, %shift_right_arithmetic3A_419 : vector<16xi32>
      %convert_element_type3A_421 = arith.sitofp %shift_right_arithmetic3A_420 : vector<16xi32> to vector<16xf32>
      %shift_right_arithmetic3A_422 = arith.constant 4 : i32
      %shift_right_arithmetic3A_423 = vector.broadcast %shift_right_arithmetic3A_422 : i32 to vector<16xi32>
      %shift_right_arithmetic3A_424 = arith.shrsi %get3A_253, %shift_right_arithmetic3A_423 : vector<16xi32>
      %convert_element_type3A_425 = arith.sitofp %shift_right_arithmetic3A_424 : vector<16xi32> to vector<16xf32>
      tpu.vector_store_idx %arg6[%or3A], %convert_element_type3A_365 {add = true} : memref<144xf32, #tpu.memory_space<vmem>>[vector<16xi32>], vector<16xf32>,
      tpu.vector_store_idx %arg6[%or3A_264], %convert_element_type3A_369 {add = true} : memref<144xf32, #tpu.memory_space<vmem>>[vector<16xi32>], vector<16xf32>,
      tpu.vector_store_idx %arg6[%or3A_271], %convert_element_type3A_373 {add = true} : memref<144xf32, #tpu.memory_space<vmem>>[vector<16xi32>], vector<16xf32>,
      tpu.vector_store_idx %arg6[%or3A_278], %convert_element_type3A_377 {add = true} : memref<144xf32, #tpu.memory_space<vmem>>[vector<16xi32>], vector<16xf32>,
      tpu.vector_store_idx %arg6[%or3A_285], %convert_element_type3A_381 {add = true} : memref<144xf32, #tpu.memory_space<vmem>>[vector<16xi32>], vector<16xf32>,
      tpu.vector_store_idx %arg6[%or3A_292], %convert_element_type3A_385 {add = true} : memref<144xf32, #tpu.memory_space<vmem>>[vector<16xi32>], vector<16xf32>,
      tpu.vector_store_idx %arg6[%or3A_299], %convert_element_type3A_389 {add = true} : memref<144xf32, #tpu.memory_space<vmem>>[vector<16xi32>], vector<16xf32>,
      tpu.vector_store_idx %arg6[%or3A_306], %convert_element_type3A_393 {add = true} : memref<144xf32, #tpu.memory_space<vmem>>[vector<16xi32>], vector<16xf32>,
      tpu.vector_store_idx %arg6[%or3A_313], %convert_element_type3A_397 {add = true} : memref<144xf32, #tpu.memory_space<vmem>>[vector<16xi32>], vector<16xf32>,
      tpu.vector_store_idx %arg6[%or3A_320], %convert_element_type3A_401 {add = true} : memref<144xf32, #tpu.memory_space<vmem>>[vector<16xi32>], vector<16xf32>,
      tpu.vector_store_idx %arg6[%or3A_327], %convert_element_type3A_405 {add = true} : memref<144xf32, #tpu.memory_space<vmem>>[vector<16xi32>], vector<16xf32>,
      tpu.vector_store_idx %arg6[%or3A_334], %convert_element_type3A_409 {add = true} : memref<144xf32, #tpu.memory_space<vmem>>[vector<16xi32>], vector<16xf32>,
      tpu.vector_store_idx %arg6[%or3A_341], %convert_element_type3A_413 {add = true} : memref<144xf32, #tpu.memory_space<vmem>>[vector<16xi32>], vector<16xf32>,
      tpu.vector_store_idx %arg6[%or3A_348], %convert_element_type3A_417 {add = true} : memref<144xf32, #tpu.memory_space<vmem>>[vector<16xi32>], vector<16xf32>,
      tpu.vector_store_idx %arg6[%or3A_355], %convert_element_type3A_421 {add = true} : memref<144xf32, #tpu.memory_space<vmem>>[vector<16xi32>], vector<16xf32>,
      tpu.vector_store_idx %arg6[%or3A_362], %convert_element_type3A_425 {add = true} : memref<144xf32, #tpu.memory_space<vmem>>[vector<16xi32>], vector<16xf32>,
    }
    %scan3A_133 = arith.constant 64 : i32
    "tpu.region"() ({
      %run_scoped3A = tpu.sem_alloc : memref<!tpu.dma_semaphore, #tpu.memory_space<semaphore_mem>>
      %dma_start3A_142 = arith.constant 0 : i32
      %dma_start3A_143 = tpu.memref_slice %arg3[%add3A_82, %dma_start3A_142] : memref<64x144xf32, #tpu.memory_space<hbm>> -> memref<1x144xf32, #tpu.memory_space<hbm>>
      %dma_start3A_144 = tpu.memref_squeeze %dma_start3A_143 : memref<1x144xf32, #tpu.memory_space<hbm>> -> memref<144xf32, #tpu.memory_space<hbm>>
      %dma_start3A_145 = arith.constant 0 : i32
      %dma_start3A_146 = tpu.memref_slice %arg3[%add3A_82, %dma_start3A_145] : memref<64x144xf32, #tpu.memory_space<hbm>> -> memref<1x144xf32, #tpu.memory_space<hbm>>
      %dma_start3A_147 = tpu.memref_squeeze %dma_start3A_146 : memref<1x144xf32, #tpu.memory_space<hbm>> -> memref<144xf32, #tpu.memory_space<hbm>>
      tpu.enqueue_dma source(%arg6 : memref<144xf32, #tpu.memory_space<vmem>>) target(%dma_start3A_147 : memref<144xf32, #tpu.memory_space<hbm>>) target_semaphore(%run_scoped3A : memref<!tpu.dma_semaphore, #tpu.memory_space<semaphore_mem>>)
      %dma_wait3A_148 = arith.constant 0 : i32
      %dma_wait3A_149 = tpu.memref_slice %arg3[%add3A_82, %dma_wait3A_148] : memref<64x144xf32, #tpu.memory_space<hbm>> -> memref<1x144xf32, #tpu.memory_space<hbm>>
      %dma_wait3A_150 = tpu.memref_squeeze %dma_wait3A_149 : memref<1x144xf32, #tpu.memory_space<hbm>> -> memref<144xf32, #tpu.memory_space<hbm>>
      %dma_wait3A_151 = arith.constant 0 : i32
      %dma_wait3A_152 = tpu.memref_slice %arg3[%add3A_82, %dma_wait3A_151] : memref<64x144xf32, #tpu.memory_space<hbm>> -> memref<1x144xf32, #tpu.memory_space<hbm>>
      %dma_wait3A_153 = tpu.memref_squeeze %dma_wait3A_152 : memref<1x144xf32, #tpu.memory_space<hbm>> -> memref<144xf32, #tpu.memory_space<hbm>>
      tpu.wait_dma2 semaphore(%run_scoped3A : memref<!tpu.dma_semaphore, #tpu.memory_space<semaphore_mem>>) src(%arg6 : memref<144xf32, #tpu.memory_space<vmem>>) dst(%dma_wait3A_153 : memref<144xf32, #tpu.memory_space<hbm>>)
      tpu.yield
    }) : () -> ()
    %add3A_134 = arith.constant 2 : i32
    %add3A_135 = arith.addi %add3A_81, %add3A_134 : i32
    %lt3A_136 = arith.constant 2 : i32
    %lt3A_137 = arith.cmpi slt, %add3A_135, %lt3A_136 : i32
    %convert_element_type3A_138 = arith.extui %lt3A_137 : i1 to i32
    %cond3A_139 = arith.constant 0 : i32
    %cond3A_140 = arith.cmpi ne, %convert_element_type3A_138, %cond3A_139 : i32
    scf.if %cond3A_140 {
      %add3A_142 = arith.constant 2 : i32
      %add3A_143 = arith.addi %add3A_82, %add3A_142 : i32
      %dma_start3A_144 = arith.constant 0 : i32
      %dma_start3A_145 = arith.constant 0 : i32
      %dma_start3A_146 = tpu.memref_slice %arg2[%add3A_143, %dma_start3A_144, %dma_start3A_145] : memref<64x128x128xi32, #tpu.memory_space<hbm>> -> memref<1x128x128xi32, #tpu.memory_space<hbm>>
      %dma_start3A_147 = tpu.memref_squeeze %dma_start3A_146 : memref<1x128x128xi32, #tpu.memory_space<hbm>> -> memref<128x128xi32, #tpu.memory_space<hbm>>
      %dma_start3A_148 = arith.constant 0 : i32
      %dma_start3A_149 = arith.constant 0 : i32
      %dma_start3A_150 = tpu.memref_slice %arg2[%add3A_143, %dma_start3A_148, %dma_start3A_149] : memref<64x128x128xi32, #tpu.memory_space<hbm>> -> memref<1x128x128xi32, #tpu.memory_space<hbm>>
      %dma_start3A_151 = tpu.memref_squeeze %dma_start3A_150 : memref<1x128x128xi32, #tpu.memory_space<hbm>> -> memref<128x128xi32, #tpu.memory_space<hbm>>
      tpu.enqueue_dma source(%dma_start3A_151 : memref<128x128xi32, #tpu.memory_space<hbm>>) target(%arg5 : memref<128x128xi32, #tpu.memory_space<vmem>>) target_semaphore(%arg8 : memref<!tpu.dma_semaphore, #tpu.memory_space<semaphore_mem>>)
    } else {
    }
    %scan3A_141 = arith.constant 1 : i32
    return
  }
}

#map = affine_map<(d0, d1) -> (0, 0, 0)>
#map1 = affine_map<(d0, d1) -> (0, 0)>
module attributes {stable_mosaic.version = 14 : i64} {
  func.func @_sc_hist_body(%arg0: i32, %arg1: i32, %arg2: memref<320x128x128xi32, #tpu.memory_space<hbm>>, %arg3: memref<320x144xf32, #tpu.memory_space<hbm>>, %arg4: memref<128x128xi32, #tpu.memory_space<vmem>>, %arg5: memref<128x128xi32, #tpu.memory_space<vmem>>, %arg6: memref<144xf32, #tpu.memory_space<vmem>>, %arg7: memref<!tpu.dma_semaphore, #tpu.memory_space<semaphore_mem>>, %arg8: memref<!tpu.dma_semaphore, #tpu.memory_space<semaphore_mem>>) attributes {dimension_semantics = [#tpu.dimension_semantics<core_parallel>, #tpu.dimension_semantics<subcore_parallel>], iteration_bounds = array<i64: 2, 16>, scalar_prefetch = 0 : i64, scratch_operands = 5 : i64, tpu.core_type = #tpu.core_type<sc_vector_subcore>, window_params = [{transform_indices = #map}, {transform_indices = #map1}]} {
    %mul3A = arith.constant 2 : i32
    %mul3A_0 = arith.muli %arg1, %mul3A : i32
    %add3A = arith.addi %mul3A_0, %arg0 : i32
    %iota3A = tpu.iota {dimensions = array<i32: 0>} : vector<16xi32>
    %mul3A_1 = arith.constant 10 : i32
    %mul3A_2 = arith.muli %add3A, %mul3A_1 : i32
    %dma_start3A = arith.constant 0 : i32
    %dma_start3A_3 = arith.constant 0 : i32
    %dma_start3A_4 = tpu.memref_slice %arg2[%mul3A_2, %dma_start3A, %dma_start3A_3] : memref<320x128x128xi32, #tpu.memory_space<hbm>> -> memref<1x128x128xi32, #tpu.memory_space<hbm>>
    %dma_start3A_5 = tpu.memref_squeeze %dma_start3A_4 : memref<1x128x128xi32, #tpu.memory_space<hbm>> -> memref<128x128xi32, #tpu.memory_space<hbm>>
    %dma_start3A_6 = arith.constant 0 : i32
    %dma_start3A_7 = arith.constant 0 : i32
    %dma_start3A_8 = tpu.memref_slice %arg2[%mul3A_2, %dma_start3A_6, %dma_start3A_7] : memref<320x128x128xi32, #tpu.memory_space<hbm>> -> memref<1x128x128xi32, #tpu.memory_space<hbm>>
    %dma_start3A_9 = tpu.memref_squeeze %dma_start3A_8 : memref<1x128x128xi32, #tpu.memory_space<hbm>> -> memref<128x128xi32, #tpu.memory_space<hbm>>
    tpu.enqueue_dma source(%dma_start3A_9 : memref<128x128xi32, #tpu.memory_space<hbm>>) target(%arg4 : memref<128x128xi32, #tpu.memory_space<vmem>>) target_semaphore(%arg7 : memref<!tpu.dma_semaphore, #tpu.memory_space<semaphore_mem>>)
    %add3A_10 = arith.constant 1 : i32
    %add3A_11 = arith.addi %mul3A_2, %add3A_10 : i32
    %dma_start3A_12 = arith.constant 0 : i32
    %dma_start3A_13 = arith.constant 0 : i32
    %dma_start3A_14 = tpu.memref_slice %arg2[%add3A_11, %dma_start3A_12, %dma_start3A_13] : memref<320x128x128xi32, #tpu.memory_space<hbm>> -> memref<1x128x128xi32, #tpu.memory_space<hbm>>
    %dma_start3A_15 = tpu.memref_squeeze %dma_start3A_14 : memref<1x128x128xi32, #tpu.memory_space<hbm>> -> memref<128x128xi32, #tpu.memory_space<hbm>>
    %dma_start3A_16 = arith.constant 0 : i32
    %dma_start3A_17 = arith.constant 0 : i32
    %dma_start3A_18 = tpu.memref_slice %arg2[%add3A_11, %dma_start3A_16, %dma_start3A_17] : memref<320x128x128xi32, #tpu.memory_space<hbm>> -> memref<1x128x128xi32, #tpu.memory_space<hbm>>
    %dma_start3A_19 = tpu.memref_squeeze %dma_start3A_18 : memref<1x128x128xi32, #tpu.memory_space<hbm>> -> memref<128x128xi32, #tpu.memory_space<hbm>>
    tpu.enqueue_dma source(%dma_start3A_19 : memref<128x128xi32, #tpu.memory_space<hbm>>) target(%arg5 : memref<128x128xi32, #tpu.memory_space<vmem>>) target_semaphore(%arg8 : memref<!tpu.dma_semaphore, #tpu.memory_space<semaphore_mem>>)
    %scan3A = arith.constant 0 : i32
    %scan3A_20 = arith.constant 0 : i32
    %scan3A_21 = arith.constant 5 : i32
    %scan3A_22 = arith.addi %scan3A_20, %scan3A_21 : i32
    %scan3A_23 = arith.constant 1 : i32
    scf.for %scan3A_25 = %scan3A_20 to %scan3A_22 step %scan3A_23  : i32 {
      %mul3A_26 = arith.constant 2 : i32
      %mul3A_27 = arith.muli %mul3A_26, %scan3A_25 : i32
      %add3A_28 = arith.constant 0 : i32
      %add3A_29 = arith.addi %mul3A_27, %add3A_28 : i32
      %add3A_30 = arith.addi %mul3A_2, %add3A_29 : i32
      %dma_wait3A = arith.constant 0 : i32
      %dma_wait3A_31 = arith.constant 0 : i32
      %dma_wait3A_32 = arith.constant 0 : i32
      %dma_wait3A_33 = tpu.memref_slice %arg2[%dma_wait3A, %dma_wait3A_31, %dma_wait3A_32] : memref<320x128x128xi32, #tpu.memory_space<hbm>> -> memref<1x128x128xi32, #tpu.memory_space<hbm>>
      %dma_wait3A_34 = tpu.memref_squeeze %dma_wait3A_33 : memref<1x128x128xi32, #tpu.memory_space<hbm>> -> memref<128x128xi32, #tpu.memory_space<hbm>>
      %dma_wait3A_35 = arith.constant 0 : i32
      %dma_wait3A_36 = arith.constant 0 : i32
      %dma_wait3A_37 = tpu.memref_slice %arg2[%dma_wait3A, %dma_wait3A_35, %dma_wait3A_36] : memref<320x128x128xi32, #tpu.memory_space<hbm>> -> memref<1x128x128xi32, #tpu.memory_space<hbm>>
      %dma_wait3A_38 = tpu.memref_squeeze %dma_wait3A_37 : memref<1x128x128xi32, #tpu.memory_space<hbm>> -> memref<128x128xi32, #tpu.memory_space<hbm>>
      tpu.wait_dma2 semaphore(%arg7 : memref<!tpu.dma_semaphore, #tpu.memory_space<semaphore_mem>>) src(%dma_wait3A_38 : memref<128x128xi32, #tpu.memory_space<hbm>>) dst(%arg4 : memref<128x128xi32, #tpu.memory_space<vmem>>)
      %broadcast_in_dim3A = arith.constant 0.000000e+00 : f32
      %broadcast_in_dim3A_39 = vector.broadcast %broadcast_in_dim3A : f32 to vector<16xf32>
      %swap3A = arith.constant 0 : index
      %swap3A_40 = tpu.vector_load %arg6[%swap3A] {strides = array<i32>} : memref<144xf32, #tpu.memory_space<vmem>>, vector<16xf32>,
      tpu.vector_store %arg6[%swap3A], %broadcast_in_dim3A_39 {strides = array<i32>} : memref<144xf32, #tpu.memory_space<vmem>>, vector<16xf32>,
      %broadcast_in_dim3A_41 = arith.constant 0.000000e+00 : f32
      %broadcast_in_dim3A_42 = vector.broadcast %broadcast_in_dim3A_41 : f32 to vector<16xf32>
      %swap3A_43 = arith.constant 16 : index
      %swap3A_44 = tpu.vector_load %arg6[%swap3A_43] {strides = array<i32>} : memref<144xf32, #tpu.memory_space<vmem>>, vector<16xf32>,
      tpu.vector_store %arg6[%swap3A_43], %broadcast_in_dim3A_42 {strides = array<i32>} : memref<144xf32, #tpu.memory_space<vmem>>, vector<16xf32>,
      %broadcast_in_dim3A_45 = arith.constant 0.000000e+00 : f32
      %broadcast_in_dim3A_46 = vector.broadcast %broadcast_in_dim3A_45 : f32 to vector<16xf32>
      %swap3A_47 = arith.constant 32 : index
      %swap3A_48 = tpu.vector_load %arg6[%swap3A_47] {strides = array<i32>} : memref<144xf32, #tpu.memory_space<vmem>>, vector<16xf32>,
      tpu.vector_store %arg6[%swap3A_47], %broadcast_in_dim3A_46 {strides = array<i32>} : memref<144xf32, #tpu.memory_space<vmem>>, vector<16xf32>,
      %broadcast_in_dim3A_49 = arith.constant 0.000000e+00 : f32
      %broadcast_in_dim3A_50 = vector.broadcast %broadcast_in_dim3A_49 : f32 to vector<16xf32>
      %swap3A_51 = arith.constant 48 : index
      %swap3A_52 = tpu.vector_load %arg6[%swap3A_51] {strides = array<i32>} : memref<144xf32, #tpu.memory_space<vmem>>, vector<16xf32>,
      tpu.vector_store %arg6[%swap3A_51], %broadcast_in_dim3A_50 {strides = array<i32>} : memref<144xf32, #tpu.memory_space<vmem>>, vector<16xf32>,
      %broadcast_in_dim3A_53 = arith.constant 0.000000e+00 : f32
      %broadcast_in_dim3A_54 = vector.broadcast %broadcast_in_dim3A_53 : f32 to vector<16xf32>
      %swap3A_55 = arith.constant 64 : index
      %swap3A_56 = tpu.vector_load %arg6[%swap3A_55] {strides = array<i32>} : memref<144xf32, #tpu.memory_space<vmem>>, vector<16xf32>,
      tpu.vector_store %arg6[%swap3A_55], %broadcast_in_dim3A_54 {strides = array<i32>} : memref<144xf32, #tpu.memory_space<vmem>>, vector<16xf32>,
      %broadcast_in_dim3A_57 = arith.constant 0.000000e+00 : f32
      %broadcast_in_dim3A_58 = vector.broadcast %broadcast_in_dim3A_57 : f32 to vector<16xf32>
      %swap3A_59 = arith.constant 80 : index
      %swap3A_60 = tpu.vector_load %arg6[%swap3A_59] {strides = array<i32>} : memref<144xf32, #tpu.memory_space<vmem>>, vector<16xf32>,
      tpu.vector_store %arg6[%swap3A_59], %broadcast_in_dim3A_58 {strides = array<i32>} : memref<144xf32, #tpu.memory_space<vmem>>, vector<16xf32>,
      %broadcast_in_dim3A_61 = arith.constant 0.000000e+00 : f32
      %broadcast_in_dim3A_62 = vector.broadcast %broadcast_in_dim3A_61 : f32 to vector<16xf32>
      %swap3A_63 = arith.constant 96 : index
      %swap3A_64 = tpu.vector_load %arg6[%swap3A_63] {strides = array<i32>} : memref<144xf32, #tpu.memory_space<vmem>>, vector<16xf32>,
      tpu.vector_store %arg6[%swap3A_63], %broadcast_in_dim3A_62 {strides = array<i32>} : memref<144xf32, #tpu.memory_space<vmem>>, vector<16xf32>,
      %broadcast_in_dim3A_65 = arith.constant 0.000000e+00 : f32
      %broadcast_in_dim3A_66 = vector.broadcast %broadcast_in_dim3A_65 : f32 to vector<16xf32>
      %swap3A_67 = arith.constant 112 : index
      %swap3A_68 = tpu.vector_load %arg6[%swap3A_67] {strides = array<i32>} : memref<144xf32, #tpu.memory_space<vmem>>, vector<16xf32>,
      tpu.vector_store %arg6[%swap3A_67], %broadcast_in_dim3A_66 {strides = array<i32>} : memref<144xf32, #tpu.memory_space<vmem>>, vector<16xf32>,
      %broadcast_in_dim3A_69 = arith.constant 0.000000e+00 : f32
      %broadcast_in_dim3A_70 = vector.broadcast %broadcast_in_dim3A_69 : f32 to vector<16xf32>
      %swap3A_71 = arith.constant 128 : index
      %swap3A_72 = tpu.vector_load %arg6[%swap3A_71] {strides = array<i32>} : memref<144xf32, #tpu.memory_space<vmem>>, vector<16xf32>,
      tpu.vector_store %arg6[%swap3A_71], %broadcast_in_dim3A_70 {strides = array<i32>} : memref<144xf32, #tpu.memory_space<vmem>>, vector<16xf32>,
      %scan3A_73 = arith.constant 0 : i32
      %scan3A_74 = arith.constant 0 : i32
      %scan3A_75 = arith.constant 64 : i32
      %scan3A_76 = arith.addi %scan3A_74, %scan3A_75 : i32
      %scan3A_77 = arith.constant 1 : i32
      scf.for %scan3A_146 = %scan3A_74 to %scan3A_76 step %scan3A_77  : i32 {
        %mul3A_147 = arith.constant 2 : i32
        %mul3A_148 = arith.muli %mul3A_147, %scan3A_146 : i32
        %add3A_149 = arith.constant 0 : i32
        %add3A_150 = arith.addi %mul3A_148, %add3A_149 : i32
        %get3A = arith.index_cast %add3A_150 : i32 to index
        %get3A_151 = arith.constant 0 : index
        %get3A_152 = tpu.vector_load %arg4[%get3A, %get3A_151] {strides = array<i32>} : memref<128x128xi32, #tpu.memory_space<vmem>>, vector<16xi32>,
        %mul3A_153 = arith.constant 2 : i32
        %mul3A_154 = arith.muli %mul3A_153, %scan3A_146 : i32
        %add3A_155 = arith.constant 0 : i32
        %add3A_156 = arith.addi %mul3A_154, %add3A_155 : i32
        %get3A_157 = arith.index_cast %add3A_156 : i32 to index
        %get3A_158 = arith.constant 16 : index
        %get3A_159 = tpu.vector_load %arg4[%get3A_157, %get3A_158] {strides = array<i32>} : memref<128x128xi32, #tpu.memory_space<vmem>>, vector<16xi32>,
        %mul3A_160 = arith.constant 2 : i32
        %mul3A_161 = arith.muli %mul3A_160, %scan3A_146 : i32
        %add3A_162 = arith.constant 0 : i32
        %add3A_163 = arith.addi %mul3A_161, %add3A_162 : i32
        %get3A_164 = arith.index_cast %add3A_163 : i32 to index
        %get3A_165 = arith.constant 32 : index
        %get3A_166 = tpu.vector_load %arg4[%get3A_164, %get3A_165] {strides = array<i32>} : memref<128x128xi32, #tpu.memory_space<vmem>>, vector<16xi32>,
        %mul3A_167 = arith.constant 2 : i32
        %mul3A_168 = arith.muli %mul3A_167, %scan3A_146 : i32
        %add3A_169 = arith.constant 0 : i32
        %add3A_170 = arith.addi %mul3A_168, %add3A_169 : i32
        %get3A_171 = arith.index_cast %add3A_170 : i32 to index
        %get3A_172 = arith.constant 48 : index
        %get3A_173 = tpu.vector_load %arg4[%get3A_171, %get3A_172] {strides = array<i32>} : memref<128x128xi32, #tpu.memory_space<vmem>>, vector<16xi32>,
        %mul3A_174 = arith.constant 2 : i32
        %mul3A_175 = arith.muli %mul3A_174, %scan3A_146 : i32
        %add3A_176 = arith.constant 0 : i32
        %add3A_177 = arith.addi %mul3A_175, %add3A_176 : i32
        %get3A_178 = arith.index_cast %add3A_177 : i32 to index
        %get3A_179 = arith.constant 64 : index
        %get3A_180 = tpu.vector_load %arg4[%get3A_178, %get3A_179] {strides = array<i32>} : memref<128x128xi32, #tpu.memory_space<vmem>>, vector<16xi32>,
        %mul3A_181 = arith.constant 2 : i32
        %mul3A_182 = arith.muli %mul3A_181, %scan3A_146 : i32
        %add3A_183 = arith.constant 0 : i32
        %add3A_184 = arith.addi %mul3A_182, %add3A_183 : i32
        %get3A_185 = arith.index_cast %add3A_184 : i32 to index
        %get3A_186 = arith.constant 80 : index
        %get3A_187 = tpu.vector_load %arg4[%get3A_185, %get3A_186] {strides = array<i32>} : memref<128x128xi32, #tpu.memory_space<vmem>>, vector<16xi32>,
        %mul3A_188 = arith.constant 2 : i32
        %mul3A_189 = arith.muli %mul3A_188, %scan3A_146 : i32
        %add3A_190 = arith.constant 0 : i32
        %add3A_191 = arith.addi %mul3A_189, %add3A_190 : i32
        %get3A_192 = arith.index_cast %add3A_191 : i32 to index
        %get3A_193 = arith.constant 96 : index
        %get3A_194 = tpu.vector_load %arg4[%get3A_192, %get3A_193] {strides = array<i32>} : memref<128x128xi32, #tpu.memory_space<vmem>>, vector<16xi32>,
        %mul3A_195 = arith.constant 2 : i32
        %mul3A_196 = arith.muli %mul3A_195, %scan3A_146 : i32
        %add3A_197 = arith.constant 0 : i32
        %add3A_198 = arith.addi %mul3A_196, %add3A_197 : i32
        %get3A_199 = arith.index_cast %add3A_198 : i32 to index
        %get3A_200 = arith.constant 112 : index
        %get3A_201 = tpu.vector_load %arg4[%get3A_199, %get3A_200] {strides = array<i32>} : memref<128x128xi32, #tpu.memory_space<vmem>>, vector<16xi32>,
        %mul3A_202 = arith.constant 2 : i32
        %mul3A_203 = arith.muli %mul3A_202, %scan3A_146 : i32
        %add3A_204 = arith.constant 1 : i32
        %add3A_205 = arith.addi %mul3A_203, %add3A_204 : i32
        %get3A_206 = arith.index_cast %add3A_205 : i32 to index
        %get3A_207 = arith.constant 0 : index
        %get3A_208 = tpu.vector_load %arg4[%get3A_206, %get3A_207] {strides = array<i32>} : memref<128x128xi32, #tpu.memory_space<vmem>>, vector<16xi32>,
        %mul3A_209 = arith.constant 2 : i32
        %mul3A_210 = arith.muli %mul3A_209, %scan3A_146 : i32
        %add3A_211 = arith.constant 1 : i32
        %add3A_212 = arith.addi %mul3A_210, %add3A_211 : i32
        %get3A_213 = arith.index_cast %add3A_212 : i32 to index
        %get3A_214 = arith.constant 16 : index
        %get3A_215 = tpu.vector_load %arg4[%get3A_213, %get3A_214] {strides = array<i32>} : memref<128x128xi32, #tpu.memory_space<vmem>>, vector<16xi32>,
        %mul3A_216 = arith.constant 2 : i32
        %mul3A_217 = arith.muli %mul3A_216, %scan3A_146 : i32
        %add3A_218 = arith.constant 1 : i32
        %add3A_219 = arith.addi %mul3A_217, %add3A_218 : i32
        %get3A_220 = arith.index_cast %add3A_219 : i32 to index
        %get3A_221 = arith.constant 32 : index
        %get3A_222 = tpu.vector_load %arg4[%get3A_220, %get3A_221] {strides = array<i32>} : memref<128x128xi32, #tpu.memory_space<vmem>>, vector<16xi32>,
        %mul3A_223 = arith.constant 2 : i32
        %mul3A_224 = arith.muli %mul3A_223, %scan3A_146 : i32
        %add3A_225 = arith.constant 1 : i32
        %add3A_226 = arith.addi %mul3A_224, %add3A_225 : i32
        %get3A_227 = arith.index_cast %add3A_226 : i32 to index
        %get3A_228 = arith.constant 48 : index
        %get3A_229 = tpu.vector_load %arg4[%get3A_227, %get3A_228] {strides = array<i32>} : memref<128x128xi32, #tpu.memory_space<vmem>>, vector<16xi32>,
        %mul3A_230 = arith.constant 2 : i32
        %mul3A_231 = arith.muli %mul3A_230, %scan3A_146 : i32
        %add3A_232 = arith.constant 1 : i32
        %add3A_233 = arith.addi %mul3A_231, %add3A_232 : i32
        %get3A_234 = arith.index_cast %add3A_233 : i32 to index
        %get3A_235 = arith.constant 64 : index
        %get3A_236 = tpu.vector_load %arg4[%get3A_234, %get3A_235] {strides = array<i32>} : memref<128x128xi32, #tpu.memory_space<vmem>>, vector<16xi32>,
        %mul3A_237 = arith.constant 2 : i32
        %mul3A_238 = arith.muli %mul3A_237, %scan3A_146 : i32
        %add3A_239 = arith.constant 1 : i32
        %add3A_240 = arith.addi %mul3A_238, %add3A_239 : i32
        %get3A_241 = arith.index_cast %add3A_240 : i32 to index
        %get3A_242 = arith.constant 80 : index
        %get3A_243 = tpu.vector_load %arg4[%get3A_241, %get3A_242] {strides = array<i32>} : memref<128x128xi32, #tpu.memory_space<vmem>>, vector<16xi32>,
        %mul3A_244 = arith.constant 2 : i32
        %mul3A_245 = arith.muli %mul3A_244, %scan3A_146 : i32
        %add3A_246 = arith.constant 1 : i32
        %add3A_247 = arith.addi %mul3A_245, %add3A_246 : i32
        %get3A_248 = arith.index_cast %add3A_247 : i32 to index
        %get3A_249 = arith.constant 96 : index
        %get3A_250 = tpu.vector_load %arg4[%get3A_248, %get3A_249] {strides = array<i32>} : memref<128x128xi32, #tpu.memory_space<vmem>>, vector<16xi32>,
        %mul3A_251 = arith.constant 2 : i32
        %mul3A_252 = arith.muli %mul3A_251, %scan3A_146 : i32
        %add3A_253 = arith.constant 1 : i32
        %add3A_254 = arith.addi %mul3A_252, %add3A_253 : i32
        %get3A_255 = arith.index_cast %add3A_254 : i32 to index
        %get3A_256 = arith.constant 112 : index
        %get3A_257 = tpu.vector_load %arg4[%get3A_255, %get3A_256] {strides = array<i32>} : memref<128x128xi32, #tpu.memory_space<vmem>>, vector<16xi32>,
        %and3A = arith.constant 15 : i32
        %and3A_258 = vector.broadcast %and3A : i32 to vector<16xi32>
        %and3A_259 = arith.andi %get3A_152, %and3A_258 : vector<16xi32>
        %shift_left3A = arith.constant 4 : i32
        %shift_left3A_260 = vector.broadcast %shift_left3A : i32 to vector<16xi32>
        %shift_left3A_261 = arith.shli %and3A_259, %shift_left3A_260 : vector<16xi32>
        %or3A = arith.ori %shift_left3A_261, %iota3A : vector<16xi32>
        %and3A_262 = arith.constant 15 : i32
        %and3A_263 = vector.broadcast %and3A_262 : i32 to vector<16xi32>
        %and3A_264 = arith.andi %get3A_159, %and3A_263 : vector<16xi32>
        %shift_left3A_265 = arith.constant 4 : i32
        %shift_left3A_266 = vector.broadcast %shift_left3A_265 : i32 to vector<16xi32>
        %shift_left3A_267 = arith.shli %and3A_264, %shift_left3A_266 : vector<16xi32>
        %or3A_268 = arith.ori %shift_left3A_267, %iota3A : vector<16xi32>
        %and3A_269 = arith.constant 15 : i32
        %and3A_270 = vector.broadcast %and3A_269 : i32 to vector<16xi32>
        %and3A_271 = arith.andi %get3A_166, %and3A_270 : vector<16xi32>
        %shift_left3A_272 = arith.constant 4 : i32
        %shift_left3A_273 = vector.broadcast %shift_left3A_272 : i32 to vector<16xi32>
        %shift_left3A_274 = arith.shli %and3A_271, %shift_left3A_273 : vector<16xi32>
        %or3A_275 = arith.ori %shift_left3A_274, %iota3A : vector<16xi32>
        %and3A_276 = arith.constant 15 : i32
        %and3A_277 = vector.broadcast %and3A_276 : i32 to vector<16xi32>
        %and3A_278 = arith.andi %get3A_173, %and3A_277 : vector<16xi32>
        %shift_left3A_279 = arith.constant 4 : i32
        %shift_left3A_280 = vector.broadcast %shift_left3A_279 : i32 to vector<16xi32>
        %shift_left3A_281 = arith.shli %and3A_278, %shift_left3A_280 : vector<16xi32>
        %or3A_282 = arith.ori %shift_left3A_281, %iota3A : vector<16xi32>
        %and3A_283 = arith.constant 15 : i32
        %and3A_284 = vector.broadcast %and3A_283 : i32 to vector<16xi32>
        %and3A_285 = arith.andi %get3A_180, %and3A_284 : vector<16xi32>
        %shift_left3A_286 = arith.constant 4 : i32
        %shift_left3A_287 = vector.broadcast %shift_left3A_286 : i32 to vector<16xi32>
        %shift_left3A_288 = arith.shli %and3A_285, %shift_left3A_287 : vector<16xi32>
        %or3A_289 = arith.ori %shift_left3A_288, %iota3A : vector<16xi32>
        %and3A_290 = arith.constant 15 : i32
        %and3A_291 = vector.broadcast %and3A_290 : i32 to vector<16xi32>
        %and3A_292 = arith.andi %get3A_187, %and3A_291 : vector<16xi32>
        %shift_left3A_293 = arith.constant 4 : i32
        %shift_left3A_294 = vector.broadcast %shift_left3A_293 : i32 to vector<16xi32>
        %shift_left3A_295 = arith.shli %and3A_292, %shift_left3A_294 : vector<16xi32>
        %or3A_296 = arith.ori %shift_left3A_295, %iota3A : vector<16xi32>
        %and3A_297 = arith.constant 15 : i32
        %and3A_298 = vector.broadcast %and3A_297 : i32 to vector<16xi32>
        %and3A_299 = arith.andi %get3A_194, %and3A_298 : vector<16xi32>
        %shift_left3A_300 = arith.constant 4 : i32
        %shift_left3A_301 = vector.broadcast %shift_left3A_300 : i32 to vector<16xi32>
        %shift_left3A_302 = arith.shli %and3A_299, %shift_left3A_301 : vector<16xi32>
        %or3A_303 = arith.ori %shift_left3A_302, %iota3A : vector<16xi32>
        %and3A_304 = arith.constant 15 : i32
        %and3A_305 = vector.broadcast %and3A_304 : i32 to vector<16xi32>
        %and3A_306 = arith.andi %get3A_201, %and3A_305 : vector<16xi32>
        %shift_left3A_307 = arith.constant 4 : i32
        %shift_left3A_308 = vector.broadcast %shift_left3A_307 : i32 to vector<16xi32>
        %shift_left3A_309 = arith.shli %and3A_306, %shift_left3A_308 : vector<16xi32>
        %or3A_310 = arith.ori %shift_left3A_309, %iota3A : vector<16xi32>
        %and3A_311 = arith.constant 15 : i32
        %and3A_312 = vector.broadcast %and3A_311 : i32 to vector<16xi32>
        %and3A_313 = arith.andi %get3A_208, %and3A_312 : vector<16xi32>
        %shift_left3A_314 = arith.constant 4 : i32
        %shift_left3A_315 = vector.broadcast %shift_left3A_314 : i32 to vector<16xi32>
        %shift_left3A_316 = arith.shli %and3A_313, %shift_left3A_315 : vector<16xi32>
        %or3A_317 = arith.ori %shift_left3A_316, %iota3A : vector<16xi32>
        %and3A_318 = arith.constant 15 : i32
        %and3A_319 = vector.broadcast %and3A_318 : i32 to vector<16xi32>
        %and3A_320 = arith.andi %get3A_215, %and3A_319 : vector<16xi32>
        %shift_left3A_321 = arith.constant 4 : i32
        %shift_left3A_322 = vector.broadcast %shift_left3A_321 : i32 to vector<16xi32>
        %shift_left3A_323 = arith.shli %and3A_320, %shift_left3A_322 : vector<16xi32>
        %or3A_324 = arith.ori %shift_left3A_323, %iota3A : vector<16xi32>
        %and3A_325 = arith.constant 15 : i32
        %and3A_326 = vector.broadcast %and3A_325 : i32 to vector<16xi32>
        %and3A_327 = arith.andi %get3A_222, %and3A_326 : vector<16xi32>
        %shift_left3A_328 = arith.constant 4 : i32
        %shift_left3A_329 = vector.broadcast %shift_left3A_328 : i32 to vector<16xi32>
        %shift_left3A_330 = arith.shli %and3A_327, %shift_left3A_329 : vector<16xi32>
        %or3A_331 = arith.ori %shift_left3A_330, %iota3A : vector<16xi32>
        %and3A_332 = arith.constant 15 : i32
        %and3A_333 = vector.broadcast %and3A_332 : i32 to vector<16xi32>
        %and3A_334 = arith.andi %get3A_229, %and3A_333 : vector<16xi32>
        %shift_left3A_335 = arith.constant 4 : i32
        %shift_left3A_336 = vector.broadcast %shift_left3A_335 : i32 to vector<16xi32>
        %shift_left3A_337 = arith.shli %and3A_334, %shift_left3A_336 : vector<16xi32>
        %or3A_338 = arith.ori %shift_left3A_337, %iota3A : vector<16xi32>
        %and3A_339 = arith.constant 15 : i32
        %and3A_340 = vector.broadcast %and3A_339 : i32 to vector<16xi32>
        %and3A_341 = arith.andi %get3A_236, %and3A_340 : vector<16xi32>
        %shift_left3A_342 = arith.constant 4 : i32
        %shift_left3A_343 = vector.broadcast %shift_left3A_342 : i32 to vector<16xi32>
        %shift_left3A_344 = arith.shli %and3A_341, %shift_left3A_343 : vector<16xi32>
        %or3A_345 = arith.ori %shift_left3A_344, %iota3A : vector<16xi32>
        %and3A_346 = arith.constant 15 : i32
        %and3A_347 = vector.broadcast %and3A_346 : i32 to vector<16xi32>
        %and3A_348 = arith.andi %get3A_243, %and3A_347 : vector<16xi32>
        %shift_left3A_349 = arith.constant 4 : i32
        %shift_left3A_350 = vector.broadcast %shift_left3A_349 : i32 to vector<16xi32>
        %shift_left3A_351 = arith.shli %and3A_348, %shift_left3A_350 : vector<16xi32>
        %or3A_352 = arith.ori %shift_left3A_351, %iota3A : vector<16xi32>
        %and3A_353 = arith.constant 15 : i32
        %and3A_354 = vector.broadcast %and3A_353 : i32 to vector<16xi32>
        %and3A_355 = arith.andi %get3A_250, %and3A_354 : vector<16xi32>
        %shift_left3A_356 = arith.constant 4 : i32
        %shift_left3A_357 = vector.broadcast %shift_left3A_356 : i32 to vector<16xi32>
        %shift_left3A_358 = arith.shli %and3A_355, %shift_left3A_357 : vector<16xi32>
        %or3A_359 = arith.ori %shift_left3A_358, %iota3A : vector<16xi32>
        %and3A_360 = arith.constant 15 : i32
        %and3A_361 = vector.broadcast %and3A_360 : i32 to vector<16xi32>
        %and3A_362 = arith.andi %get3A_257, %and3A_361 : vector<16xi32>
        %shift_left3A_363 = arith.constant 4 : i32
        %shift_left3A_364 = vector.broadcast %shift_left3A_363 : i32 to vector<16xi32>
        %shift_left3A_365 = arith.shli %and3A_362, %shift_left3A_364 : vector<16xi32>
        %or3A_366 = arith.ori %shift_left3A_365, %iota3A : vector<16xi32>
        %shift_right_arithmetic3A = arith.constant 4 : i32
        %shift_right_arithmetic3A_367 = vector.broadcast %shift_right_arithmetic3A : i32 to vector<16xi32>
        %shift_right_arithmetic3A_368 = arith.shrsi %get3A_152, %shift_right_arithmetic3A_367 : vector<16xi32>
        %convert_element_type3A_369 = arith.sitofp %shift_right_arithmetic3A_368 : vector<16xi32> to vector<16xf32>
        %shift_right_arithmetic3A_370 = arith.constant 4 : i32
        %shift_right_arithmetic3A_371 = vector.broadcast %shift_right_arithmetic3A_370 : i32 to vector<16xi32>
        %shift_right_arithmetic3A_372 = arith.shrsi %get3A_159, %shift_right_arithmetic3A_371 : vector<16xi32>
        %convert_element_type3A_373 = arith.sitofp %shift_right_arithmetic3A_372 : vector<16xi32> to vector<16xf32>
        %shift_right_arithmetic3A_374 = arith.constant 4 : i32
        %shift_right_arithmetic3A_375 = vector.broadcast %shift_right_arithmetic3A_374 : i32 to vector<16xi32>
        %shift_right_arithmetic3A_376 = arith.shrsi %get3A_166, %shift_right_arithmetic3A_375 : vector<16xi32>
        %convert_element_type3A_377 = arith.sitofp %shift_right_arithmetic3A_376 : vector<16xi32> to vector<16xf32>
        %shift_right_arithmetic3A_378 = arith.constant 4 : i32
        %shift_right_arithmetic3A_379 = vector.broadcast %shift_right_arithmetic3A_378 : i32 to vector<16xi32>
        %shift_right_arithmetic3A_380 = arith.shrsi %get3A_173, %shift_right_arithmetic3A_379 : vector<16xi32>
        %convert_element_type3A_381 = arith.sitofp %shift_right_arithmetic3A_380 : vector<16xi32> to vector<16xf32>
        %shift_right_arithmetic3A_382 = arith.constant 4 : i32
        %shift_right_arithmetic3A_383 = vector.broadcast %shift_right_arithmetic3A_382 : i32 to vector<16xi32>
        %shift_right_arithmetic3A_384 = arith.shrsi %get3A_180, %shift_right_arithmetic3A_383 : vector<16xi32>
        %convert_element_type3A_385 = arith.sitofp %shift_right_arithmetic3A_384 : vector<16xi32> to vector<16xf32>
        %shift_right_arithmetic3A_386 = arith.constant 4 : i32
        %shift_right_arithmetic3A_387 = vector.broadcast %shift_right_arithmetic3A_386 : i32 to vector<16xi32>
        %shift_right_arithmetic3A_388 = arith.shrsi %get3A_187, %shift_right_arithmetic3A_387 : vector<16xi32>
        %convert_element_type3A_389 = arith.sitofp %shift_right_arithmetic3A_388 : vector<16xi32> to vector<16xf32>
        %shift_right_arithmetic3A_390 = arith.constant 4 : i32
        %shift_right_arithmetic3A_391 = vector.broadcast %shift_right_arithmetic3A_390 : i32 to vector<16xi32>
        %shift_right_arithmetic3A_392 = arith.shrsi %get3A_194, %shift_right_arithmetic3A_391 : vector<16xi32>
        %convert_element_type3A_393 = arith.sitofp %shift_right_arithmetic3A_392 : vector<16xi32> to vector<16xf32>
        %shift_right_arithmetic3A_394 = arith.constant 4 : i32
        %shift_right_arithmetic3A_395 = vector.broadcast %shift_right_arithmetic3A_394 : i32 to vector<16xi32>
        %shift_right_arithmetic3A_396 = arith.shrsi %get3A_201, %shift_right_arithmetic3A_395 : vector<16xi32>
        %convert_element_type3A_397 = arith.sitofp %shift_right_arithmetic3A_396 : vector<16xi32> to vector<16xf32>
        %shift_right_arithmetic3A_398 = arith.constant 4 : i32
        %shift_right_arithmetic3A_399 = vector.broadcast %shift_right_arithmetic3A_398 : i32 to vector<16xi32>
        %shift_right_arithmetic3A_400 = arith.shrsi %get3A_208, %shift_right_arithmetic3A_399 : vector<16xi32>
        %convert_element_type3A_401 = arith.sitofp %shift_right_arithmetic3A_400 : vector<16xi32> to vector<16xf32>
        %shift_right_arithmetic3A_402 = arith.constant 4 : i32
        %shift_right_arithmetic3A_403 = vector.broadcast %shift_right_arithmetic3A_402 : i32 to vector<16xi32>
        %shift_right_arithmetic3A_404 = arith.shrsi %get3A_215, %shift_right_arithmetic3A_403 : vector<16xi32>
        %convert_element_type3A_405 = arith.sitofp %shift_right_arithmetic3A_404 : vector<16xi32> to vector<16xf32>
        %shift_right_arithmetic3A_406 = arith.constant 4 : i32
        %shift_right_arithmetic3A_407 = vector.broadcast %shift_right_arithmetic3A_406 : i32 to vector<16xi32>
        %shift_right_arithmetic3A_408 = arith.shrsi %get3A_222, %shift_right_arithmetic3A_407 : vector<16xi32>
        %convert_element_type3A_409 = arith.sitofp %shift_right_arithmetic3A_408 : vector<16xi32> to vector<16xf32>
        %shift_right_arithmetic3A_410 = arith.constant 4 : i32
        %shift_right_arithmetic3A_411 = vector.broadcast %shift_right_arithmetic3A_410 : i32 to vector<16xi32>
        %shift_right_arithmetic3A_412 = arith.shrsi %get3A_229, %shift_right_arithmetic3A_411 : vector<16xi32>
        %convert_element_type3A_413 = arith.sitofp %shift_right_arithmetic3A_412 : vector<16xi32> to vector<16xf32>
        %shift_right_arithmetic3A_414 = arith.constant 4 : i32
        %shift_right_arithmetic3A_415 = vector.broadcast %shift_right_arithmetic3A_414 : i32 to vector<16xi32>
        %shift_right_arithmetic3A_416 = arith.shrsi %get3A_236, %shift_right_arithmetic3A_415 : vector<16xi32>
        %convert_element_type3A_417 = arith.sitofp %shift_right_arithmetic3A_416 : vector<16xi32> to vector<16xf32>
        %shift_right_arithmetic3A_418 = arith.constant 4 : i32
        %shift_right_arithmetic3A_419 = vector.broadcast %shift_right_arithmetic3A_418 : i32 to vector<16xi32>
        %shift_right_arithmetic3A_420 = arith.shrsi %get3A_243, %shift_right_arithmetic3A_419 : vector<16xi32>
        %convert_element_type3A_421 = arith.sitofp %shift_right_arithmetic3A_420 : vector<16xi32> to vector<16xf32>
        %shift_right_arithmetic3A_422 = arith.constant 4 : i32
        %shift_right_arithmetic3A_423 = vector.broadcast %shift_right_arithmetic3A_422 : i32 to vector<16xi32>
        %shift_right_arithmetic3A_424 = arith.shrsi %get3A_250, %shift_right_arithmetic3A_423 : vector<16xi32>
        %convert_element_type3A_425 = arith.sitofp %shift_right_arithmetic3A_424 : vector<16xi32> to vector<16xf32>
        %shift_right_arithmetic3A_426 = arith.constant 4 : i32
        %shift_right_arithmetic3A_427 = vector.broadcast %shift_right_arithmetic3A_426 : i32 to vector<16xi32>
        %shift_right_arithmetic3A_428 = arith.shrsi %get3A_257, %shift_right_arithmetic3A_427 : vector<16xi32>
        %convert_element_type3A_429 = arith.sitofp %shift_right_arithmetic3A_428 : vector<16xi32> to vector<16xf32>
        tpu.vector_store_idx %arg6[%or3A], %convert_element_type3A_369 {add = true} : memref<144xf32, #tpu.memory_space<vmem>>[vector<16xi32>], vector<16xf32>,
        tpu.vector_store_idx %arg6[%or3A_268], %convert_element_type3A_373 {add = true} : memref<144xf32, #tpu.memory_space<vmem>>[vector<16xi32>], vector<16xf32>,
        tpu.vector_store_idx %arg6[%or3A_275], %convert_element_type3A_377 {add = true} : memref<144xf32, #tpu.memory_space<vmem>>[vector<16xi32>], vector<16xf32>,
        tpu.vector_store_idx %arg6[%or3A_282], %convert_element_type3A_381 {add = true} : memref<144xf32, #tpu.memory_space<vmem>>[vector<16xi32>], vector<16xf32>,
        tpu.vector_store_idx %arg6[%or3A_289], %convert_element_type3A_385 {add = true} : memref<144xf32, #tpu.memory_space<vmem>>[vector<16xi32>], vector<16xf32>,
        tpu.vector_store_idx %arg6[%or3A_296], %convert_element_type3A_389 {add = true} : memref<144xf32, #tpu.memory_space<vmem>>[vector<16xi32>], vector<16xf32>,
        tpu.vector_store_idx %arg6[%or3A_303], %convert_element_type3A_393 {add = true} : memref<144xf32, #tpu.memory_space<vmem>>[vector<16xi32>], vector<16xf32>,
        tpu.vector_store_idx %arg6[%or3A_310], %convert_element_type3A_397 {add = true} : memref<144xf32, #tpu.memory_space<vmem>>[vector<16xi32>], vector<16xf32>,
        tpu.vector_store_idx %arg6[%or3A_317], %convert_element_type3A_401 {add = true} : memref<144xf32, #tpu.memory_space<vmem>>[vector<16xi32>], vector<16xf32>,
        tpu.vector_store_idx %arg6[%or3A_324], %convert_element_type3A_405 {add = true} : memref<144xf32, #tpu.memory_space<vmem>>[vector<16xi32>], vector<16xf32>,
        tpu.vector_store_idx %arg6[%or3A_331], %convert_element_type3A_409 {add = true} : memref<144xf32, #tpu.memory_space<vmem>>[vector<16xi32>], vector<16xf32>,
        tpu.vector_store_idx %arg6[%or3A_338], %convert_element_type3A_413 {add = true} : memref<144xf32, #tpu.memory_space<vmem>>[vector<16xi32>], vector<16xf32>,
        tpu.vector_store_idx %arg6[%or3A_345], %convert_element_type3A_417 {add = true} : memref<144xf32, #tpu.memory_space<vmem>>[vector<16xi32>], vector<16xf32>,
        tpu.vector_store_idx %arg6[%or3A_352], %convert_element_type3A_421 {add = true} : memref<144xf32, #tpu.memory_space<vmem>>[vector<16xi32>], vector<16xf32>,
        tpu.vector_store_idx %arg6[%or3A_359], %convert_element_type3A_425 {add = true} : memref<144xf32, #tpu.memory_space<vmem>>[vector<16xi32>], vector<16xf32>,
        tpu.vector_store_idx %arg6[%or3A_366], %convert_element_type3A_429 {add = true} : memref<144xf32, #tpu.memory_space<vmem>>[vector<16xi32>], vector<16xf32>,
      }
      %scan3A_78 = arith.constant 64 : i32
      "tpu.region"() ({
        %run_scoped3A = tpu.sem_alloc : memref<!tpu.dma_semaphore, #tpu.memory_space<semaphore_mem>>
        %dma_start3A_146 = arith.constant 0 : i32
        %dma_start3A_147 = tpu.memref_slice %arg3[%add3A_30, %dma_start3A_146] : memref<320x144xf32, #tpu.memory_space<hbm>> -> memref<1x144xf32, #tpu.memory_space<hbm>>
        %dma_start3A_148 = tpu.memref_squeeze %dma_start3A_147 : memref<1x144xf32, #tpu.memory_space<hbm>> -> memref<144xf32, #tpu.memory_space<hbm>>
        %dma_start3A_149 = arith.constant 0 : i32
        %dma_start3A_150 = tpu.memref_slice %arg3[%add3A_30, %dma_start3A_149] : memref<320x144xf32, #tpu.memory_space<hbm>> -> memref<1x144xf32, #tpu.memory_space<hbm>>
        %dma_start3A_151 = tpu.memref_squeeze %dma_start3A_150 : memref<1x144xf32, #tpu.memory_space<hbm>> -> memref<144xf32, #tpu.memory_space<hbm>>
        tpu.enqueue_dma source(%arg6 : memref<144xf32, #tpu.memory_space<vmem>>) target(%dma_start3A_151 : memref<144xf32, #tpu.memory_space<hbm>>) target_semaphore(%run_scoped3A : memref<!tpu.dma_semaphore, #tpu.memory_space<semaphore_mem>>)
        %dma_wait3A_152 = arith.constant 0 : i32
        %dma_wait3A_153 = tpu.memref_slice %arg3[%add3A_30, %dma_wait3A_152] : memref<320x144xf32, #tpu.memory_space<hbm>> -> memref<1x144xf32, #tpu.memory_space<hbm>>
        %dma_wait3A_154 = tpu.memref_squeeze %dma_wait3A_153 : memref<1x144xf32, #tpu.memory_space<hbm>> -> memref<144xf32, #tpu.memory_space<hbm>>
        %dma_wait3A_155 = arith.constant 0 : i32
        %dma_wait3A_156 = tpu.memref_slice %arg3[%add3A_30, %dma_wait3A_155] : memref<320x144xf32, #tpu.memory_space<hbm>> -> memref<1x144xf32, #tpu.memory_space<hbm>>
        %dma_wait3A_157 = tpu.memref_squeeze %dma_wait3A_156 : memref<1x144xf32, #tpu.memory_space<hbm>> -> memref<144xf32, #tpu.memory_space<hbm>>
        tpu.wait_dma2 semaphore(%run_scoped3A : memref<!tpu.dma_semaphore, #tpu.memory_space<semaphore_mem>>) src(%arg6 : memref<144xf32, #tpu.memory_space<vmem>>) dst(%dma_wait3A_157 : memref<144xf32, #tpu.memory_space<hbm>>)
        tpu.yield
      }) : () -> ()
      %add3A_79 = arith.constant 2 : i32
      %add3A_80 = arith.addi %add3A_29, %add3A_79 : i32
      %lt3A = arith.constant 10 : i32
      %lt3A_81 = arith.cmpi slt, %add3A_80, %lt3A : i32
      %convert_element_type3A = arith.extui %lt3A_81 : i1 to i32
      %cond3A = arith.constant 0 : i32
      %cond3A_82 = arith.cmpi ne, %convert_element_type3A, %cond3A : i32
      scf.if %cond3A_82 {
        %add3A_146 = arith.constant 2 : i32
        %add3A_147 = arith.addi %add3A_30, %add3A_146 : i32
        %dma_start3A_148 = arith.constant 0 : i32
        %dma_start3A_149 = arith.constant 0 : i32
        %dma_start3A_150 = tpu.memref_slice %arg2[%add3A_147, %dma_start3A_148, %dma_start3A_149] : memref<320x128x128xi32, #tpu.memory_space<hbm>> -> memref<1x128x128xi32, #tpu.memory_space<hbm>>
        %dma_start3A_151 = tpu.memref_squeeze %dma_start3A_150 : memref<1x128x128xi32, #tpu.memory_space<hbm>> -> memref<128x128xi32, #tpu.memory_space<hbm>>
        %dma_start3A_152 = arith.constant 0 : i32
        %dma_start3A_153 = arith.constant 0 : i32
        %dma_start3A_154 = tpu.memref_slice %arg2[%add3A_147, %dma_start3A_152, %dma_start3A_153] : memref<320x128x128xi32, #tpu.memory_space<hbm>> -> memref<1x128x128xi32, #tpu.memory_space<hbm>>
        %dma_start3A_155 = tpu.memref_squeeze %dma_start3A_154 : memref<1x128x128xi32, #tpu.memory_space<hbm>> -> memref<128x128xi32, #tpu.memory_space<hbm>>
        tpu.enqueue_dma source(%dma_start3A_155 : memref<128x128xi32, #tpu.memory_space<hbm>>) target(%arg4 : memref<128x128xi32, #tpu.memory_space<vmem>>) target_semaphore(%arg7 : memref<!tpu.dma_semaphore, #tpu.memory_space<semaphore_mem>>)
      } else {
      }
      %mul3A_83 = arith.constant 2 : i32
      %mul3A_84 = arith.muli %mul3A_83, %scan3A_25 : i32
      %add3A_85 = arith.constant 1 : i32
      %add3A_86 = arith.addi %mul3A_84, %add3A_85 : i32
      %add3A_87 = arith.addi %mul3A_2, %add3A_86 : i32
      %dma_wait3A_88 = arith.constant 0 : i32
      %dma_wait3A_89 = arith.constant 0 : i32
      %dma_wait3A_90 = arith.constant 0 : i32
      %dma_wait3A_91 = tpu.memref_slice %arg2[%dma_wait3A_88, %dma_wait3A_89, %dma_wait3A_90] : memref<320x128x128xi32, #tpu.memory_space<hbm>> -> memref<1x128x128xi32, #tpu.memory_space<hbm>>
      %dma_wait3A_92 = tpu.memref_squeeze %dma_wait3A_91 : memref<1x128x128xi32, #tpu.memory_space<hbm>> -> memref<128x128xi32, #tpu.memory_space<hbm>>
      %dma_wait3A_93 = arith.constant 0 : i32
      %dma_wait3A_94 = arith.constant 0 : i32
      %dma_wait3A_95 = tpu.memref_slice %arg2[%dma_wait3A_88, %dma_wait3A_93, %dma_wait3A_94] : memref<320x128x128xi32, #tpu.memory_space<hbm>> -> memref<1x128x128xi32, #tpu.memory_space<hbm>>
      %dma_wait3A_96 = tpu.memref_squeeze %dma_wait3A_95 : memref<1x128x128xi32, #tpu.memory_space<hbm>> -> memref<128x128xi32, #tpu.memory_space<hbm>>
      tpu.wait_dma2 semaphore(%arg8 : memref<!tpu.dma_semaphore, #tpu.memory_space<semaphore_mem>>) src(%dma_wait3A_96 : memref<128x128xi32, #tpu.memory_space<hbm>>) dst(%arg5 : memref<128x128xi32, #tpu.memory_space<vmem>>)
      %broadcast_in_dim3A_97 = arith.constant 0.000000e+00 : f32
      %broadcast_in_dim3A_98 = vector.broadcast %broadcast_in_dim3A_97 : f32 to vector<16xf32>
      %swap3A_99 = arith.constant 0 : index
      %swap3A_100 = tpu.vector_load %arg6[%swap3A_99] {strides = array<i32>} : memref<144xf32, #tpu.memory_space<vmem>>, vector<16xf32>,
      tpu.vector_store %arg6[%swap3A_99], %broadcast_in_dim3A_98 {strides = array<i32>} : memref<144xf32, #tpu.memory_space<vmem>>, vector<16xf32>,
      %broadcast_in_dim3A_101 = arith.constant 0.000000e+00 : f32
      %broadcast_in_dim3A_102 = vector.broadcast %broadcast_in_dim3A_101 : f32 to vector<16xf32>
      %swap3A_103 = arith.constant 16 : index
      %swap3A_104 = tpu.vector_load %arg6[%swap3A_103] {strides = array<i32>} : memref<144xf32, #tpu.memory_space<vmem>>, vector<16xf32>,
      tpu.vector_store %arg6[%swap3A_103], %broadcast_in_dim3A_102 {strides = array<i32>} : memref<144xf32, #tpu.memory_space<vmem>>, vector<16xf32>,
      %broadcast_in_dim3A_105 = arith.constant 0.000000e+00 : f32
      %broadcast_in_dim3A_106 = vector.broadcast %broadcast_in_dim3A_105 : f32 to vector<16xf32>
      %swap3A_107 = arith.constant 32 : index
      %swap3A_108 = tpu.vector_load %arg6[%swap3A_107] {strides = array<i32>} : memref<144xf32, #tpu.memory_space<vmem>>, vector<16xf32>,
      tpu.vector_store %arg6[%swap3A_107], %broadcast_in_dim3A_106 {strides = array<i32>} : memref<144xf32, #tpu.memory_space<vmem>>, vector<16xf32>,
      %broadcast_in_dim3A_109 = arith.constant 0.000000e+00 : f32
      %broadcast_in_dim3A_110 = vector.broadcast %broadcast_in_dim3A_109 : f32 to vector<16xf32>
      %swap3A_111 = arith.constant 48 : index
      %swap3A_112 = tpu.vector_load %arg6[%swap3A_111] {strides = array<i32>} : memref<144xf32, #tpu.memory_space<vmem>>, vector<16xf32>,
      tpu.vector_store %arg6[%swap3A_111], %broadcast_in_dim3A_110 {strides = array<i32>} : memref<144xf32, #tpu.memory_space<vmem>>, vector<16xf32>,
      %broadcast_in_dim3A_113 = arith.constant 0.000000e+00 : f32
      %broadcast_in_dim3A_114 = vector.broadcast %broadcast_in_dim3A_113 : f32 to vector<16xf32>
      %swap3A_115 = arith.constant 64 : index
      %swap3A_116 = tpu.vector_load %arg6[%swap3A_115] {strides = array<i32>} : memref<144xf32, #tpu.memory_space<vmem>>, vector<16xf32>,
      tpu.vector_store %arg6[%swap3A_115], %broadcast_in_dim3A_114 {strides = array<i32>} : memref<144xf32, #tpu.memory_space<vmem>>, vector<16xf32>,
      %broadcast_in_dim3A_117 = arith.constant 0.000000e+00 : f32
      %broadcast_in_dim3A_118 = vector.broadcast %broadcast_in_dim3A_117 : f32 to vector<16xf32>
      %swap3A_119 = arith.constant 80 : index
      %swap3A_120 = tpu.vector_load %arg6[%swap3A_119] {strides = array<i32>} : memref<144xf32, #tpu.memory_space<vmem>>, vector<16xf32>,
      tpu.vector_store %arg6[%swap3A_119], %broadcast_in_dim3A_118 {strides = array<i32>} : memref<144xf32, #tpu.memory_space<vmem>>, vector<16xf32>,
      %broadcast_in_dim3A_121 = arith.constant 0.000000e+00 : f32
      %broadcast_in_dim3A_122 = vector.broadcast %broadcast_in_dim3A_121 : f32 to vector<16xf32>
      %swap3A_123 = arith.constant 96 : index
      %swap3A_124 = tpu.vector_load %arg6[%swap3A_123] {strides = array<i32>} : memref<144xf32, #tpu.memory_space<vmem>>, vector<16xf32>,
      tpu.vector_store %arg6[%swap3A_123], %broadcast_in_dim3A_122 {strides = array<i32>} : memref<144xf32, #tpu.memory_space<vmem>>, vector<16xf32>,
      %broadcast_in_dim3A_125 = arith.constant 0.000000e+00 : f32
      %broadcast_in_dim3A_126 = vector.broadcast %broadcast_in_dim3A_125 : f32 to vector<16xf32>
      %swap3A_127 = arith.constant 112 : index
      %swap3A_128 = tpu.vector_load %arg6[%swap3A_127] {strides = array<i32>} : memref<144xf32, #tpu.memory_space<vmem>>, vector<16xf32>,
      tpu.vector_store %arg6[%swap3A_127], %broadcast_in_dim3A_126 {strides = array<i32>} : memref<144xf32, #tpu.memory_space<vmem>>, vector<16xf32>,
      %broadcast_in_dim3A_129 = arith.constant 0.000000e+00 : f32
      %broadcast_in_dim3A_130 = vector.broadcast %broadcast_in_dim3A_129 : f32 to vector<16xf32>
      %swap3A_131 = arith.constant 128 : index
      %swap3A_132 = tpu.vector_load %arg6[%swap3A_131] {strides = array<i32>} : memref<144xf32, #tpu.memory_space<vmem>>, vector<16xf32>,
      tpu.vector_store %arg6[%swap3A_131], %broadcast_in_dim3A_130 {strides = array<i32>} : memref<144xf32, #tpu.memory_space<vmem>>, vector<16xf32>,
      %scan3A_133 = arith.constant 0 : i32
      %scan3A_134 = arith.constant 0 : i32
      %scan3A_135 = arith.constant 64 : i32
      %scan3A_136 = arith.addi %scan3A_134, %scan3A_135 : i32
      %scan3A_137 = arith.constant 1 : i32
      scf.for %scan3A_146 = %scan3A_134 to %scan3A_136 step %scan3A_137  : i32 {
        %mul3A_147 = arith.constant 2 : i32
        %mul3A_148 = arith.muli %mul3A_147, %scan3A_146 : i32
        %add3A_149 = arith.constant 0 : i32
        %add3A_150 = arith.addi %mul3A_148, %add3A_149 : i32
        %get3A = arith.index_cast %add3A_150 : i32 to index
        %get3A_151 = arith.constant 0 : index
        %get3A_152 = tpu.vector_load %arg5[%get3A, %get3A_151] {strides = array<i32>} : memref<128x128xi32, #tpu.memory_space<vmem>>, vector<16xi32>,
        %mul3A_153 = arith.constant 2 : i32
        %mul3A_154 = arith.muli %mul3A_153, %scan3A_146 : i32
        %add3A_155 = arith.constant 0 : i32
        %add3A_156 = arith.addi %mul3A_154, %add3A_155 : i32
        %get3A_157 = arith.index_cast %add3A_156 : i32 to index
        %get3A_158 = arith.constant 16 : index
        %get3A_159 = tpu.vector_load %arg5[%get3A_157, %get3A_158] {strides = array<i32>} : memref<128x128xi32, #tpu.memory_space<vmem>>, vector<16xi32>,
        %mul3A_160 = arith.constant 2 : i32
        %mul3A_161 = arith.muli %mul3A_160, %scan3A_146 : i32
        %add3A_162 = arith.constant 0 : i32
        %add3A_163 = arith.addi %mul3A_161, %add3A_162 : i32
        %get3A_164 = arith.index_cast %add3A_163 : i32 to index
        %get3A_165 = arith.constant 32 : index
        %get3A_166 = tpu.vector_load %arg5[%get3A_164, %get3A_165] {strides = array<i32>} : memref<128x128xi32, #tpu.memory_space<vmem>>, vector<16xi32>,
        %mul3A_167 = arith.constant 2 : i32
        %mul3A_168 = arith.muli %mul3A_167, %scan3A_146 : i32
        %add3A_169 = arith.constant 0 : i32
        %add3A_170 = arith.addi %mul3A_168, %add3A_169 : i32
        %get3A_171 = arith.index_cast %add3A_170 : i32 to index
        %get3A_172 = arith.constant 48 : index
        %get3A_173 = tpu.vector_load %arg5[%get3A_171, %get3A_172] {strides = array<i32>} : memref<128x128xi32, #tpu.memory_space<vmem>>, vector<16xi32>,
        %mul3A_174 = arith.constant 2 : i32
        %mul3A_175 = arith.muli %mul3A_174, %scan3A_146 : i32
        %add3A_176 = arith.constant 0 : i32
        %add3A_177 = arith.addi %mul3A_175, %add3A_176 : i32
        %get3A_178 = arith.index_cast %add3A_177 : i32 to index
        %get3A_179 = arith.constant 64 : index
        %get3A_180 = tpu.vector_load %arg5[%get3A_178, %get3A_179] {strides = array<i32>} : memref<128x128xi32, #tpu.memory_space<vmem>>, vector<16xi32>,
        %mul3A_181 = arith.constant 2 : i32
        %mul3A_182 = arith.muli %mul3A_181, %scan3A_146 : i32
        %add3A_183 = arith.constant 0 : i32
        %add3A_184 = arith.addi %mul3A_182, %add3A_183 : i32
        %get3A_185 = arith.index_cast %add3A_184 : i32 to index
        %get3A_186 = arith.constant 80 : index
        %get3A_187 = tpu.vector_load %arg5[%get3A_185, %get3A_186] {strides = array<i32>} : memref<128x128xi32, #tpu.memory_space<vmem>>, vector<16xi32>,
        %mul3A_188 = arith.constant 2 : i32
        %mul3A_189 = arith.muli %mul3A_188, %scan3A_146 : i32
        %add3A_190 = arith.constant 0 : i32
        %add3A_191 = arith.addi %mul3A_189, %add3A_190 : i32
        %get3A_192 = arith.index_cast %add3A_191 : i32 to index
        %get3A_193 = arith.constant 96 : index
        %get3A_194 = tpu.vector_load %arg5[%get3A_192, %get3A_193] {strides = array<i32>} : memref<128x128xi32, #tpu.memory_space<vmem>>, vector<16xi32>,
        %mul3A_195 = arith.constant 2 : i32
        %mul3A_196 = arith.muli %mul3A_195, %scan3A_146 : i32
        %add3A_197 = arith.constant 0 : i32
        %add3A_198 = arith.addi %mul3A_196, %add3A_197 : i32
        %get3A_199 = arith.index_cast %add3A_198 : i32 to index
        %get3A_200 = arith.constant 112 : index
        %get3A_201 = tpu.vector_load %arg5[%get3A_199, %get3A_200] {strides = array<i32>} : memref<128x128xi32, #tpu.memory_space<vmem>>, vector<16xi32>,
        %mul3A_202 = arith.constant 2 : i32
        %mul3A_203 = arith.muli %mul3A_202, %scan3A_146 : i32
        %add3A_204 = arith.constant 1 : i32
        %add3A_205 = arith.addi %mul3A_203, %add3A_204 : i32
        %get3A_206 = arith.index_cast %add3A_205 : i32 to index
        %get3A_207 = arith.constant 0 : index
        %get3A_208 = tpu.vector_load %arg5[%get3A_206, %get3A_207] {strides = array<i32>} : memref<128x128xi32, #tpu.memory_space<vmem>>, vector<16xi32>,
        %mul3A_209 = arith.constant 2 : i32
        %mul3A_210 = arith.muli %mul3A_209, %scan3A_146 : i32
        %add3A_211 = arith.constant 1 : i32
        %add3A_212 = arith.addi %mul3A_210, %add3A_211 : i32
        %get3A_213 = arith.index_cast %add3A_212 : i32 to index
        %get3A_214 = arith.constant 16 : index
        %get3A_215 = tpu.vector_load %arg5[%get3A_213, %get3A_214] {strides = array<i32>} : memref<128x128xi32, #tpu.memory_space<vmem>>, vector<16xi32>,
        %mul3A_216 = arith.constant 2 : i32
        %mul3A_217 = arith.muli %mul3A_216, %scan3A_146 : i32
        %add3A_218 = arith.constant 1 : i32
        %add3A_219 = arith.addi %mul3A_217, %add3A_218 : i32
        %get3A_220 = arith.index_cast %add3A_219 : i32 to index
        %get3A_221 = arith.constant 32 : index
        %get3A_222 = tpu.vector_load %arg5[%get3A_220, %get3A_221] {strides = array<i32>} : memref<128x128xi32, #tpu.memory_space<vmem>>, vector<16xi32>,
        %mul3A_223 = arith.constant 2 : i32
        %mul3A_224 = arith.muli %mul3A_223, %scan3A_146 : i32
        %add3A_225 = arith.constant 1 : i32
        %add3A_226 = arith.addi %mul3A_224, %add3A_225 : i32
        %get3A_227 = arith.index_cast %add3A_226 : i32 to index
        %get3A_228 = arith.constant 48 : index
        %get3A_229 = tpu.vector_load %arg5[%get3A_227, %get3A_228] {strides = array<i32>} : memref<128x128xi32, #tpu.memory_space<vmem>>, vector<16xi32>,
        %mul3A_230 = arith.constant 2 : i32
        %mul3A_231 = arith.muli %mul3A_230, %scan3A_146 : i32
        %add3A_232 = arith.constant 1 : i32
        %add3A_233 = arith.addi %mul3A_231, %add3A_232 : i32
        %get3A_234 = arith.index_cast %add3A_233 : i32 to index
        %get3A_235 = arith.constant 64 : index
        %get3A_236 = tpu.vector_load %arg5[%get3A_234, %get3A_235] {strides = array<i32>} : memref<128x128xi32, #tpu.memory_space<vmem>>, vector<16xi32>,
        %mul3A_237 = arith.constant 2 : i32
        %mul3A_238 = arith.muli %mul3A_237, %scan3A_146 : i32
        %add3A_239 = arith.constant 1 : i32
        %add3A_240 = arith.addi %mul3A_238, %add3A_239 : i32
        %get3A_241 = arith.index_cast %add3A_240 : i32 to index
        %get3A_242 = arith.constant 80 : index
        %get3A_243 = tpu.vector_load %arg5[%get3A_241, %get3A_242] {strides = array<i32>} : memref<128x128xi32, #tpu.memory_space<vmem>>, vector<16xi32>,
        %mul3A_244 = arith.constant 2 : i32
        %mul3A_245 = arith.muli %mul3A_244, %scan3A_146 : i32
        %add3A_246 = arith.constant 1 : i32
        %add3A_247 = arith.addi %mul3A_245, %add3A_246 : i32
        %get3A_248 = arith.index_cast %add3A_247 : i32 to index
        %get3A_249 = arith.constant 96 : index
        %get3A_250 = tpu.vector_load %arg5[%get3A_248, %get3A_249] {strides = array<i32>} : memref<128x128xi32, #tpu.memory_space<vmem>>, vector<16xi32>,
        %mul3A_251 = arith.constant 2 : i32
        %mul3A_252 = arith.muli %mul3A_251, %scan3A_146 : i32
        %add3A_253 = arith.constant 1 : i32
        %add3A_254 = arith.addi %mul3A_252, %add3A_253 : i32
        %get3A_255 = arith.index_cast %add3A_254 : i32 to index
        %get3A_256 = arith.constant 112 : index
        %get3A_257 = tpu.vector_load %arg5[%get3A_255, %get3A_256] {strides = array<i32>} : memref<128x128xi32, #tpu.memory_space<vmem>>, vector<16xi32>,
        %and3A = arith.constant 15 : i32
        %and3A_258 = vector.broadcast %and3A : i32 to vector<16xi32>
        %and3A_259 = arith.andi %get3A_152, %and3A_258 : vector<16xi32>
        %shift_left3A = arith.constant 4 : i32
        %shift_left3A_260 = vector.broadcast %shift_left3A : i32 to vector<16xi32>
        %shift_left3A_261 = arith.shli %and3A_259, %shift_left3A_260 : vector<16xi32>
        %or3A = arith.ori %shift_left3A_261, %iota3A : vector<16xi32>
        %and3A_262 = arith.constant 15 : i32
        %and3A_263 = vector.broadcast %and3A_262 : i32 to vector<16xi32>
        %and3A_264 = arith.andi %get3A_159, %and3A_263 : vector<16xi32>
        %shift_left3A_265 = arith.constant 4 : i32
        %shift_left3A_266 = vector.broadcast %shift_left3A_265 : i32 to vector<16xi32>
        %shift_left3A_267 = arith.shli %and3A_264, %shift_left3A_266 : vector<16xi32>
        %or3A_268 = arith.ori %shift_left3A_267, %iota3A : vector<16xi32>
        %and3A_269 = arith.constant 15 : i32
        %and3A_270 = vector.broadcast %and3A_269 : i32 to vector<16xi32>
        %and3A_271 = arith.andi %get3A_166, %and3A_270 : vector<16xi32>
        %shift_left3A_272 = arith.constant 4 : i32
        %shift_left3A_273 = vector.broadcast %shift_left3A_272 : i32 to vector<16xi32>
        %shift_left3A_274 = arith.shli %and3A_271, %shift_left3A_273 : vector<16xi32>
        %or3A_275 = arith.ori %shift_left3A_274, %iota3A : vector<16xi32>
        %and3A_276 = arith.constant 15 : i32
        %and3A_277 = vector.broadcast %and3A_276 : i32 to vector<16xi32>
        %and3A_278 = arith.andi %get3A_173, %and3A_277 : vector<16xi32>
        %shift_left3A_279 = arith.constant 4 : i32
        %shift_left3A_280 = vector.broadcast %shift_left3A_279 : i32 to vector<16xi32>
        %shift_left3A_281 = arith.shli %and3A_278, %shift_left3A_280 : vector<16xi32>
        %or3A_282 = arith.ori %shift_left3A_281, %iota3A : vector<16xi32>
        %and3A_283 = arith.constant 15 : i32
        %and3A_284 = vector.broadcast %and3A_283 : i32 to vector<16xi32>
        %and3A_285 = arith.andi %get3A_180, %and3A_284 : vector<16xi32>
        %shift_left3A_286 = arith.constant 4 : i32
        %shift_left3A_287 = vector.broadcast %shift_left3A_286 : i32 to vector<16xi32>
        %shift_left3A_288 = arith.shli %and3A_285, %shift_left3A_287 : vector<16xi32>
        %or3A_289 = arith.ori %shift_left3A_288, %iota3A : vector<16xi32>
        %and3A_290 = arith.constant 15 : i32
        %and3A_291 = vector.broadcast %and3A_290 : i32 to vector<16xi32>
        %and3A_292 = arith.andi %get3A_187, %and3A_291 : vector<16xi32>
        %shift_left3A_293 = arith.constant 4 : i32
        %shift_left3A_294 = vector.broadcast %shift_left3A_293 : i32 to vector<16xi32>
        %shift_left3A_295 = arith.shli %and3A_292, %shift_left3A_294 : vector<16xi32>
        %or3A_296 = arith.ori %shift_left3A_295, %iota3A : vector<16xi32>
        %and3A_297 = arith.constant 15 : i32
        %and3A_298 = vector.broadcast %and3A_297 : i32 to vector<16xi32>
        %and3A_299 = arith.andi %get3A_194, %and3A_298 : vector<16xi32>
        %shift_left3A_300 = arith.constant 4 : i32
        %shift_left3A_301 = vector.broadcast %shift_left3A_300 : i32 to vector<16xi32>
        %shift_left3A_302 = arith.shli %and3A_299, %shift_left3A_301 : vector<16xi32>
        %or3A_303 = arith.ori %shift_left3A_302, %iota3A : vector<16xi32>
        %and3A_304 = arith.constant 15 : i32
        %and3A_305 = vector.broadcast %and3A_304 : i32 to vector<16xi32>
        %and3A_306 = arith.andi %get3A_201, %and3A_305 : vector<16xi32>
        %shift_left3A_307 = arith.constant 4 : i32
        %shift_left3A_308 = vector.broadcast %shift_left3A_307 : i32 to vector<16xi32>
        %shift_left3A_309 = arith.shli %and3A_306, %shift_left3A_308 : vector<16xi32>
        %or3A_310 = arith.ori %shift_left3A_309, %iota3A : vector<16xi32>
        %and3A_311 = arith.constant 15 : i32
        %and3A_312 = vector.broadcast %and3A_311 : i32 to vector<16xi32>
        %and3A_313 = arith.andi %get3A_208, %and3A_312 : vector<16xi32>
        %shift_left3A_314 = arith.constant 4 : i32
        %shift_left3A_315 = vector.broadcast %shift_left3A_314 : i32 to vector<16xi32>
        %shift_left3A_316 = arith.shli %and3A_313, %shift_left3A_315 : vector<16xi32>
        %or3A_317 = arith.ori %shift_left3A_316, %iota3A : vector<16xi32>
        %and3A_318 = arith.constant 15 : i32
        %and3A_319 = vector.broadcast %and3A_318 : i32 to vector<16xi32>
        %and3A_320 = arith.andi %get3A_215, %and3A_319 : vector<16xi32>
        %shift_left3A_321 = arith.constant 4 : i32
        %shift_left3A_322 = vector.broadcast %shift_left3A_321 : i32 to vector<16xi32>
        %shift_left3A_323 = arith.shli %and3A_320, %shift_left3A_322 : vector<16xi32>
        %or3A_324 = arith.ori %shift_left3A_323, %iota3A : vector<16xi32>
        %and3A_325 = arith.constant 15 : i32
        %and3A_326 = vector.broadcast %and3A_325 : i32 to vector<16xi32>
        %and3A_327 = arith.andi %get3A_222, %and3A_326 : vector<16xi32>
        %shift_left3A_328 = arith.constant 4 : i32
        %shift_left3A_329 = vector.broadcast %shift_left3A_328 : i32 to vector<16xi32>
        %shift_left3A_330 = arith.shli %and3A_327, %shift_left3A_329 : vector<16xi32>
        %or3A_331 = arith.ori %shift_left3A_330, %iota3A : vector<16xi32>
        %and3A_332 = arith.constant 15 : i32
        %and3A_333 = vector.broadcast %and3A_332 : i32 to vector<16xi32>
        %and3A_334 = arith.andi %get3A_229, %and3A_333 : vector<16xi32>
        %shift_left3A_335 = arith.constant 4 : i32
        %shift_left3A_336 = vector.broadcast %shift_left3A_335 : i32 to vector<16xi32>
        %shift_left3A_337 = arith.shli %and3A_334, %shift_left3A_336 : vector<16xi32>
        %or3A_338 = arith.ori %shift_left3A_337, %iota3A : vector<16xi32>
        %and3A_339 = arith.constant 15 : i32
        %and3A_340 = vector.broadcast %and3A_339 : i32 to vector<16xi32>
        %and3A_341 = arith.andi %get3A_236, %and3A_340 : vector<16xi32>
        %shift_left3A_342 = arith.constant 4 : i32
        %shift_left3A_343 = vector.broadcast %shift_left3A_342 : i32 to vector<16xi32>
        %shift_left3A_344 = arith.shli %and3A_341, %shift_left3A_343 : vector<16xi32>
        %or3A_345 = arith.ori %shift_left3A_344, %iota3A : vector<16xi32>
        %and3A_346 = arith.constant 15 : i32
        %and3A_347 = vector.broadcast %and3A_346 : i32 to vector<16xi32>
        %and3A_348 = arith.andi %get3A_243, %and3A_347 : vector<16xi32>
        %shift_left3A_349 = arith.constant 4 : i32
        %shift_left3A_350 = vector.broadcast %shift_left3A_349 : i32 to vector<16xi32>
        %shift_left3A_351 = arith.shli %and3A_348, %shift_left3A_350 : vector<16xi32>
        %or3A_352 = arith.ori %shift_left3A_351, %iota3A : vector<16xi32>
        %and3A_353 = arith.constant 15 : i32
        %and3A_354 = vector.broadcast %and3A_353 : i32 to vector<16xi32>
        %and3A_355 = arith.andi %get3A_250, %and3A_354 : vector<16xi32>
        %shift_left3A_356 = arith.constant 4 : i32
        %shift_left3A_357 = vector.broadcast %shift_left3A_356 : i32 to vector<16xi32>
        %shift_left3A_358 = arith.shli %and3A_355, %shift_left3A_357 : vector<16xi32>
        %or3A_359 = arith.ori %shift_left3A_358, %iota3A : vector<16xi32>
        %and3A_360 = arith.constant 15 : i32
        %and3A_361 = vector.broadcast %and3A_360 : i32 to vector<16xi32>
        %and3A_362 = arith.andi %get3A_257, %and3A_361 : vector<16xi32>
        %shift_left3A_363 = arith.constant 4 : i32
        %shift_left3A_364 = vector.broadcast %shift_left3A_363 : i32 to vector<16xi32>
        %shift_left3A_365 = arith.shli %and3A_362, %shift_left3A_364 : vector<16xi32>
        %or3A_366 = arith.ori %shift_left3A_365, %iota3A : vector<16xi32>
        %shift_right_arithmetic3A = arith.constant 4 : i32
        %shift_right_arithmetic3A_367 = vector.broadcast %shift_right_arithmetic3A : i32 to vector<16xi32>
        %shift_right_arithmetic3A_368 = arith.shrsi %get3A_152, %shift_right_arithmetic3A_367 : vector<16xi32>
        %convert_element_type3A_369 = arith.sitofp %shift_right_arithmetic3A_368 : vector<16xi32> to vector<16xf32>
        %shift_right_arithmetic3A_370 = arith.constant 4 : i32
        %shift_right_arithmetic3A_371 = vector.broadcast %shift_right_arithmetic3A_370 : i32 to vector<16xi32>
        %shift_right_arithmetic3A_372 = arith.shrsi %get3A_159, %shift_right_arithmetic3A_371 : vector<16xi32>
        %convert_element_type3A_373 = arith.sitofp %shift_right_arithmetic3A_372 : vector<16xi32> to vector<16xf32>
        %shift_right_arithmetic3A_374 = arith.constant 4 : i32
        %shift_right_arithmetic3A_375 = vector.broadcast %shift_right_arithmetic3A_374 : i32 to vector<16xi32>
        %shift_right_arithmetic3A_376 = arith.shrsi %get3A_166, %shift_right_arithmetic3A_375 : vector<16xi32>
        %convert_element_type3A_377 = arith.sitofp %shift_right_arithmetic3A_376 : vector<16xi32> to vector<16xf32>
        %shift_right_arithmetic3A_378 = arith.constant 4 : i32
        %shift_right_arithmetic3A_379 = vector.broadcast %shift_right_arithmetic3A_378 : i32 to vector<16xi32>
        %shift_right_arithmetic3A_380 = arith.shrsi %get3A_173, %shift_right_arithmetic3A_379 : vector<16xi32>
        %convert_element_type3A_381 = arith.sitofp %shift_right_arithmetic3A_380 : vector<16xi32> to vector<16xf32>
        %shift_right_arithmetic3A_382 = arith.constant 4 : i32
        %shift_right_arithmetic3A_383 = vector.broadcast %shift_right_arithmetic3A_382 : i32 to vector<16xi32>
        %shift_right_arithmetic3A_384 = arith.shrsi %get3A_180, %shift_right_arithmetic3A_383 : vector<16xi32>
        %convert_element_type3A_385 = arith.sitofp %shift_right_arithmetic3A_384 : vector<16xi32> to vector<16xf32>
        %shift_right_arithmetic3A_386 = arith.constant 4 : i32
        %shift_right_arithmetic3A_387 = vector.broadcast %shift_right_arithmetic3A_386 : i32 to vector<16xi32>
        %shift_right_arithmetic3A_388 = arith.shrsi %get3A_187, %shift_right_arithmetic3A_387 : vector<16xi32>
        %convert_element_type3A_389 = arith.sitofp %shift_right_arithmetic3A_388 : vector<16xi32> to vector<16xf32>
        %shift_right_arithmetic3A_390 = arith.constant 4 : i32
        %shift_right_arithmetic3A_391 = vector.broadcast %shift_right_arithmetic3A_390 : i32 to vector<16xi32>
        %shift_right_arithmetic3A_392 = arith.shrsi %get3A_194, %shift_right_arithmetic3A_391 : vector<16xi32>
        %convert_element_type3A_393 = arith.sitofp %shift_right_arithmetic3A_392 : vector<16xi32> to vector<16xf32>
        %shift_right_arithmetic3A_394 = arith.constant 4 : i32
        %shift_right_arithmetic3A_395 = vector.broadcast %shift_right_arithmetic3A_394 : i32 to vector<16xi32>
        %shift_right_arithmetic3A_396 = arith.shrsi %get3A_201, %shift_right_arithmetic3A_395 : vector<16xi32>
        %convert_element_type3A_397 = arith.sitofp %shift_right_arithmetic3A_396 : vector<16xi32> to vector<16xf32>
        %shift_right_arithmetic3A_398 = arith.constant 4 : i32
        %shift_right_arithmetic3A_399 = vector.broadcast %shift_right_arithmetic3A_398 : i32 to vector<16xi32>
        %shift_right_arithmetic3A_400 = arith.shrsi %get3A_208, %shift_right_arithmetic3A_399 : vector<16xi32>
        %convert_element_type3A_401 = arith.sitofp %shift_right_arithmetic3A_400 : vector<16xi32> to vector<16xf32>
        %shift_right_arithmetic3A_402 = arith.constant 4 : i32
        %shift_right_arithmetic3A_403 = vector.broadcast %shift_right_arithmetic3A_402 : i32 to vector<16xi32>
        %shift_right_arithmetic3A_404 = arith.shrsi %get3A_215, %shift_right_arithmetic3A_403 : vector<16xi32>
        %convert_element_type3A_405 = arith.sitofp %shift_right_arithmetic3A_404 : vector<16xi32> to vector<16xf32>
        %shift_right_arithmetic3A_406 = arith.constant 4 : i32
        %shift_right_arithmetic3A_407 = vector.broadcast %shift_right_arithmetic3A_406 : i32 to vector<16xi32>
        %shift_right_arithmetic3A_408 = arith.shrsi %get3A_222, %shift_right_arithmetic3A_407 : vector<16xi32>
        %convert_element_type3A_409 = arith.sitofp %shift_right_arithmetic3A_408 : vector<16xi32> to vector<16xf32>
        %shift_right_arithmetic3A_410 = arith.constant 4 : i32
        %shift_right_arithmetic3A_411 = vector.broadcast %shift_right_arithmetic3A_410 : i32 to vector<16xi32>
        %shift_right_arithmetic3A_412 = arith.shrsi %get3A_229, %shift_right_arithmetic3A_411 : vector<16xi32>
        %convert_element_type3A_413 = arith.sitofp %shift_right_arithmetic3A_412 : vector<16xi32> to vector<16xf32>
        %shift_right_arithmetic3A_414 = arith.constant 4 : i32
        %shift_right_arithmetic3A_415 = vector.broadcast %shift_right_arithmetic3A_414 : i32 to vector<16xi32>
        %shift_right_arithmetic3A_416 = arith.shrsi %get3A_236, %shift_right_arithmetic3A_415 : vector<16xi32>
        %convert_element_type3A_417 = arith.sitofp %shift_right_arithmetic3A_416 : vector<16xi32> to vector<16xf32>
        %shift_right_arithmetic3A_418 = arith.constant 4 : i32
        %shift_right_arithmetic3A_419 = vector.broadcast %shift_right_arithmetic3A_418 : i32 to vector<16xi32>
        %shift_right_arithmetic3A_420 = arith.shrsi %get3A_243, %shift_right_arithmetic3A_419 : vector<16xi32>
        %convert_element_type3A_421 = arith.sitofp %shift_right_arithmetic3A_420 : vector<16xi32> to vector<16xf32>
        %shift_right_arithmetic3A_422 = arith.constant 4 : i32
        %shift_right_arithmetic3A_423 = vector.broadcast %shift_right_arithmetic3A_422 : i32 to vector<16xi32>
        %shift_right_arithmetic3A_424 = arith.shrsi %get3A_250, %shift_right_arithmetic3A_423 : vector<16xi32>
        %convert_element_type3A_425 = arith.sitofp %shift_right_arithmetic3A_424 : vector<16xi32> to vector<16xf32>
        %shift_right_arithmetic3A_426 = arith.constant 4 : i32
        %shift_right_arithmetic3A_427 = vector.broadcast %shift_right_arithmetic3A_426 : i32 to vector<16xi32>
        %shift_right_arithmetic3A_428 = arith.shrsi %get3A_257, %shift_right_arithmetic3A_427 : vector<16xi32>
        %convert_element_type3A_429 = arith.sitofp %shift_right_arithmetic3A_428 : vector<16xi32> to vector<16xf32>
        tpu.vector_store_idx %arg6[%or3A], %convert_element_type3A_369 {add = true} : memref<144xf32, #tpu.memory_space<vmem>>[vector<16xi32>], vector<16xf32>,
        tpu.vector_store_idx %arg6[%or3A_268], %convert_element_type3A_373 {add = true} : memref<144xf32, #tpu.memory_space<vmem>>[vector<16xi32>], vector<16xf32>,
        tpu.vector_store_idx %arg6[%or3A_275], %convert_element_type3A_377 {add = true} : memref<144xf32, #tpu.memory_space<vmem>>[vector<16xi32>], vector<16xf32>,
        tpu.vector_store_idx %arg6[%or3A_282], %convert_element_type3A_381 {add = true} : memref<144xf32, #tpu.memory_space<vmem>>[vector<16xi32>], vector<16xf32>,
        tpu.vector_store_idx %arg6[%or3A_289], %convert_element_type3A_385 {add = true} : memref<144xf32, #tpu.memory_space<vmem>>[vector<16xi32>], vector<16xf32>,
        tpu.vector_store_idx %arg6[%or3A_296], %convert_element_type3A_389 {add = true} : memref<144xf32, #tpu.memory_space<vmem>>[vector<16xi32>], vector<16xf32>,
        tpu.vector_store_idx %arg6[%or3A_303], %convert_element_type3A_393 {add = true} : memref<144xf32, #tpu.memory_space<vmem>>[vector<16xi32>], vector<16xf32>,
        tpu.vector_store_idx %arg6[%or3A_310], %convert_element_type3A_397 {add = true} : memref<144xf32, #tpu.memory_space<vmem>>[vector<16xi32>], vector<16xf32>,
        tpu.vector_store_idx %arg6[%or3A_317], %convert_element_type3A_401 {add = true} : memref<144xf32, #tpu.memory_space<vmem>>[vector<16xi32>], vector<16xf32>,
        tpu.vector_store_idx %arg6[%or3A_324], %convert_element_type3A_405 {add = true} : memref<144xf32, #tpu.memory_space<vmem>>[vector<16xi32>], vector<16xf32>,
        tpu.vector_store_idx %arg6[%or3A_331], %convert_element_type3A_409 {add = true} : memref<144xf32, #tpu.memory_space<vmem>>[vector<16xi32>], vector<16xf32>,
        tpu.vector_store_idx %arg6[%or3A_338], %convert_element_type3A_413 {add = true} : memref<144xf32, #tpu.memory_space<vmem>>[vector<16xi32>], vector<16xf32>,
        tpu.vector_store_idx %arg6[%or3A_345], %convert_element_type3A_417 {add = true} : memref<144xf32, #tpu.memory_space<vmem>>[vector<16xi32>], vector<16xf32>,
        tpu.vector_store_idx %arg6[%or3A_352], %convert_element_type3A_421 {add = true} : memref<144xf32, #tpu.memory_space<vmem>>[vector<16xi32>], vector<16xf32>,
        tpu.vector_store_idx %arg6[%or3A_359], %convert_element_type3A_425 {add = true} : memref<144xf32, #tpu.memory_space<vmem>>[vector<16xi32>], vector<16xf32>,
        tpu.vector_store_idx %arg6[%or3A_366], %convert_element_type3A_429 {add = true} : memref<144xf32, #tpu.memory_space<vmem>>[vector<16xi32>], vector<16xf32>,
      }
      %scan3A_138 = arith.constant 64 : i32
      "tpu.region"() ({
        %run_scoped3A = tpu.sem_alloc : memref<!tpu.dma_semaphore, #tpu.memory_space<semaphore_mem>>
        %dma_start3A_146 = arith.constant 0 : i32
        %dma_start3A_147 = tpu.memref_slice %arg3[%add3A_87, %dma_start3A_146] : memref<320x144xf32, #tpu.memory_space<hbm>> -> memref<1x144xf32, #tpu.memory_space<hbm>>
        %dma_start3A_148 = tpu.memref_squeeze %dma_start3A_147 : memref<1x144xf32, #tpu.memory_space<hbm>> -> memref<144xf32, #tpu.memory_space<hbm>>
        %dma_start3A_149 = arith.constant 0 : i32
        %dma_start3A_150 = tpu.memref_slice %arg3[%add3A_87, %dma_start3A_149] : memref<320x144xf32, #tpu.memory_space<hbm>> -> memref<1x144xf32, #tpu.memory_space<hbm>>
        %dma_start3A_151 = tpu.memref_squeeze %dma_start3A_150 : memref<1x144xf32, #tpu.memory_space<hbm>> -> memref<144xf32, #tpu.memory_space<hbm>>
        tpu.enqueue_dma source(%arg6 : memref<144xf32, #tpu.memory_space<vmem>>) target(%dma_start3A_151 : memref<144xf32, #tpu.memory_space<hbm>>) target_semaphore(%run_scoped3A : memref<!tpu.dma_semaphore, #tpu.memory_space<semaphore_mem>>)
        %dma_wait3A_152 = arith.constant 0 : i32
        %dma_wait3A_153 = tpu.memref_slice %arg3[%add3A_87, %dma_wait3A_152] : memref<320x144xf32, #tpu.memory_space<hbm>> -> memref<1x144xf32, #tpu.memory_space<hbm>>
        %dma_wait3A_154 = tpu.memref_squeeze %dma_wait3A_153 : memref<1x144xf32, #tpu.memory_space<hbm>> -> memref<144xf32, #tpu.memory_space<hbm>>
        %dma_wait3A_155 = arith.constant 0 : i32
        %dma_wait3A_156 = tpu.memref_slice %arg3[%add3A_87, %dma_wait3A_155] : memref<320x144xf32, #tpu.memory_space<hbm>> -> memref<1x144xf32, #tpu.memory_space<hbm>>
        %dma_wait3A_157 = tpu.memref_squeeze %dma_wait3A_156 : memref<1x144xf32, #tpu.memory_space<hbm>> -> memref<144xf32, #tpu.memory_space<hbm>>
        tpu.wait_dma2 semaphore(%run_scoped3A : memref<!tpu.dma_semaphore, #tpu.memory_space<semaphore_mem>>) src(%arg6 : memref<144xf32, #tpu.memory_space<vmem>>) dst(%dma_wait3A_157 : memref<144xf32, #tpu.memory_space<hbm>>)
        tpu.yield
      }) : () -> ()
      %add3A_139 = arith.constant 2 : i32
      %add3A_140 = arith.addi %add3A_86, %add3A_139 : i32
      %lt3A_141 = arith.constant 10 : i32
      %lt3A_142 = arith.cmpi slt, %add3A_140, %lt3A_141 : i32
      %convert_element_type3A_143 = arith.extui %lt3A_142 : i1 to i32
      %cond3A_144 = arith.constant 0 : i32
      %cond3A_145 = arith.cmpi ne, %convert_element_type3A_143, %cond3A_144 : i32
      scf.if %cond3A_145 {
        %add3A_146 = arith.constant 2 : i32
        %add3A_147 = arith.addi %add3A_87, %add3A_146 : i32
        %dma_start3A_148 = arith.constant 0 : i32
        %dma_start3A_149 = arith.constant 0 : i32
        %dma_start3A_150 = tpu.memref_slice %arg2[%add3A_147, %dma_start3A_148, %dma_start3A_149] : memref<320x128x128xi32, #tpu.memory_space<hbm>> -> memref<1x128x128xi32, #tpu.memory_space<hbm>>
        %dma_start3A_151 = tpu.memref_squeeze %dma_start3A_150 : memref<1x128x128xi32, #tpu.memory_space<hbm>> -> memref<128x128xi32, #tpu.memory_space<hbm>>
        %dma_start3A_152 = arith.constant 0 : i32
        %dma_start3A_153 = arith.constant 0 : i32
        %dma_start3A_154 = tpu.memref_slice %arg2[%add3A_147, %dma_start3A_152, %dma_start3A_153] : memref<320x128x128xi32, #tpu.memory_space<hbm>> -> memref<1x128x128xi32, #tpu.memory_space<hbm>>
        %dma_start3A_155 = tpu.memref_squeeze %dma_start3A_154 : memref<1x128x128xi32, #tpu.memory_space<hbm>> -> memref<128x128xi32, #tpu.memory_space<hbm>>
        tpu.enqueue_dma source(%dma_start3A_155 : memref<128x128xi32, #tpu.memory_space<hbm>>) target(%arg5 : memref<128x128xi32, #tpu.memory_space<vmem>>) target_semaphore(%arg8 : memref<!tpu.dma_semaphore, #tpu.memory_space<semaphore_mem>>)
      } else {
      }
    }
    %scan3A_24 = arith.constant 5 : i32
    return
  }
}

module attributes {stable_mosaic.version = 14 : i64} {
  func.func @_conv_mag_bin_kernel(%arg0: i32, %arg1: memref<1x512x512xf32, #tpu.memory_space<vmem>>, %arg2: memref<16x128x128xi32, #tpu.memory_space<vmem>>) attributes {dimension_semantics = [#tpu.dimension_semantics<arbitrary>], iteration_bounds = array<i64: 4>, scalar_prefetch = 0 : i64, scratch_operands = 0 : i64, tpu.core_type = #tpu.core_type<tc>, window_params = [{transform_indices = @transform_0, window_bounds = array<i64: 1, 512, 512>}, {transform_indices = @transform_1, window_bounds = array<i64: 16, 128, 128>}]} {
    %get3A = arith.constant 0 : index
    %get3A_0 = arith.constant 0 : index
    %get3A_1 = arith.constant 0 : index
    %get3A_2 = vector.load %arg1[%get3A, %get3A_0, %get3A_1] : memref<1x512x512xf32, #tpu.memory_space<vmem>>, vector<1x512x512xf32>
    %get3A_3 = vector.shape_cast %get3A_2 : vector<1x512x512xf32> to vector<512x512xf32>
    %broadcast_in_dim3A = arith.constant 0.000000e+00 : f32
    %broadcast_in_dim3A_4 = vector.broadcast %broadcast_in_dim3A : f32 to vector<1x512xf32>
    %broadcast_in_dim3A_5 = arith.constant 0.000000e+00 : f32
    %broadcast_in_dim3A_6 = vector.broadcast %broadcast_in_dim3A_5 : f32 to vector<512x1xf32>
    %slice3A = vector.extract_strided_slice %get3A_3 {offsets = [0, 0], sizes = [511, 512], strides = [1, 1]} : vector<512x512xf32> to vector<511x512xf32>
    %concatenate3A = tpu.concatenate %broadcast_in_dim3A_4, %slice3A in 0 : vector<1x512xf32>, vector<511x512xf32> -> vector<512x512xf32>
    %slice3A_7 = vector.extract_strided_slice %get3A_3 {offsets = [1, 0], sizes = [511, 512], strides = [1, 1]} : vector<512x512xf32> to vector<511x512xf32>
    %concatenate3A_8 = tpu.concatenate %slice3A_7, %broadcast_in_dim3A_4 in 0 : vector<511x512xf32>, vector<1x512xf32> -> vector<512x512xf32>
    %add3A = arith.addf %concatenate3A, %concatenate3A_8 : vector<512x512xf32>
    %slice3A_9 = vector.extract_strided_slice %get3A_3 {offsets = [0, 0], sizes = [512, 511], strides = [1, 1]} : vector<512x512xf32> to vector<512x511xf32>
    %concatenate3A_10 = tpu.concatenate %broadcast_in_dim3A_6, %slice3A_9 in 1 : vector<512x1xf32>, vector<512x511xf32> -> vector<512x512xf32>
    %add3A_11 = arith.addf %add3A, %concatenate3A_10 : vector<512x512xf32>
    %slice3A_12 = vector.extract_strided_slice %get3A_3 {offsets = [0, 1], sizes = [512, 511], strides = [1, 1]} : vector<512x512xf32> to vector<512x511xf32>
    %concatenate3A_13 = tpu.concatenate %slice3A_12, %broadcast_in_dim3A_6 in 1 : vector<512x511xf32>, vector<512x1xf32> -> vector<512x512xf32>
    %add3A_14 = arith.addf %add3A_11, %concatenate3A_13 : vector<512x512xf32>
    %mul3A = arith.constant 4.000000e+00 : f32
    %mul3A_15 = vector.broadcast %mul3A : f32 to vector<512x512xf32>
    %mul3A_16 = arith.mulf %mul3A_15, %get3A_3 : vector<512x512xf32>
    %sub3A = arith.subf %add3A_14, %mul3A_16 : vector<512x512xf32>
    %slice3A_17 = vector.extract_strided_slice %sub3A {offsets = [0, 1], sizes = [512, 511], strides = [1, 1]} : vector<512x512xf32> to vector<512x511xf32>
    %concatenate3A_18 = tpu.concatenate %slice3A_17, %broadcast_in_dim3A_6 in 1 : vector<512x511xf32>, vector<512x1xf32> -> vector<512x512xf32>
    %slice3A_19 = vector.extract_strided_slice %sub3A {offsets = [0, 0], sizes = [512, 511], strides = [1, 1]} : vector<512x512xf32> to vector<512x511xf32>
    %concatenate3A_20 = tpu.concatenate %broadcast_in_dim3A_6, %slice3A_19 in 1 : vector<512x1xf32>, vector<512x511xf32> -> vector<512x512xf32>
    %sub3A_21 = arith.subf %concatenate3A_18, %concatenate3A_20 : vector<512x512xf32>
    %add3A_22 = arith.addf %concatenate3A_18, %concatenate3A_20 : vector<512x512xf32>
    %mul3A_23 = arith.constant 2.000000e+00 : f32
    %mul3A_24 = vector.broadcast %mul3A_23 : f32 to vector<512x512xf32>
    %mul3A_25 = arith.mulf %mul3A_24, %sub3A : vector<512x512xf32>
    %add3A_26 = arith.addf %add3A_22, %mul3A_25 : vector<512x512xf32>
    %slice3A_27 = vector.extract_strided_slice %sub3A_21 {offsets = [0, 0], sizes = [511, 512], strides = [1, 1]} : vector<512x512xf32> to vector<511x512xf32>
    %concatenate3A_28 = tpu.concatenate %broadcast_in_dim3A_4, %slice3A_27 in 0 : vector<1x512xf32>, vector<511x512xf32> -> vector<512x512xf32>
    %mul3A_29 = arith.constant 2.000000e+00 : f32
    %mul3A_30 = vector.broadcast %mul3A_29 : f32 to vector<512x512xf32>
    %mul3A_31 = arith.mulf %mul3A_30, %sub3A_21 : vector<512x512xf32>
    %add3A_32 = arith.addf %concatenate3A_28, %mul3A_31 : vector<512x512xf32>
    %slice3A_33 = vector.extract_strided_slice %sub3A_21 {offsets = [1, 0], sizes = [511, 512], strides = [1, 1]} : vector<512x512xf32> to vector<511x512xf32>
    %concatenate3A_34 = tpu.concatenate %slice3A_33, %broadcast_in_dim3A_4 in 0 : vector<511x512xf32>, vector<1x512xf32> -> vector<512x512xf32>
    %add3A_35 = arith.addf %add3A_32, %concatenate3A_34 : vector<512x512xf32>
    %slice3A_36 = vector.extract_strided_slice %add3A_26 {offsets = [1, 0], sizes = [511, 512], strides = [1, 1]} : vector<512x512xf32> to vector<511x512xf32>
    %concatenate3A_37 = tpu.concatenate %slice3A_36, %broadcast_in_dim3A_4 in 0 : vector<511x512xf32>, vector<1x512xf32> -> vector<512x512xf32>
    %slice3A_38 = vector.extract_strided_slice %add3A_26 {offsets = [0, 0], sizes = [511, 512], strides = [1, 1]} : vector<512x512xf32> to vector<511x512xf32>
    %concatenate3A_39 = tpu.concatenate %broadcast_in_dim3A_4, %slice3A_38 in 0 : vector<1x512xf32>, vector<511x512xf32> -> vector<512x512xf32>
    %sub3A_40 = arith.subf %concatenate3A_37, %concatenate3A_39 : vector<512x512xf32>
    %mul3A_41 = arith.mulf %add3A_35, %add3A_35 : vector<512x512xf32>
    %mul3A_42 = arith.mulf %sub3A_40, %sub3A_40 : vector<512x512xf32>
    %add3A_43 = arith.addf %mul3A_41, %mul3A_42 : vector<512x512xf32>
    %add3A_44 = arith.constant 9.99999993E-9 : f32
    %add3A_45 = vector.broadcast %add3A_44 : f32 to vector<512x512xf32>
    %add3A_46 = arith.addf %add3A_43, %add3A_45 : vector<512x512xf32>
    %sqrt3A = math.sqrt %add3A_46 : vector<512x512xf32>
    %div3A = arith.divf %sub3A_40, %add3A_35 : vector<512x512xf32>
    %ge3A = arith.constant -0.176326975 : f32
    %ge3A_47 = vector.broadcast %ge3A : f32 to vector<512x512xf32>
    %ge3A_48 = arith.cmpf oge, %div3A, %ge3A_47 : vector<512x512xf32>
    %jit3A = arith.constant 0.577350259 : f32
    %jit3A_49 = arith.constant -1.19175363 : f32
    %broadcast_in_dim3A_50 = vector.broadcast %jit3A : f32 to vector<512x512xf32>
    %broadcast_in_dim3A_51 = vector.broadcast %jit3A_49 : f32 to vector<512x512xf32>
    %select_n3A = arith.select %ge3A_48, %broadcast_in_dim3A_50, %broadcast_in_dim3A_51 : vector<512x512xi1>, vector<512x512xf32>
    %ge3A_52 = arith.cmpf oge, %div3A, %select_n3A : vector<512x512xf32>
    %jit3A_53 = arith.constant 1.19175363 : f32
    %jit3A_54 = arith.constant 0.176326975 : f32
    %broadcast_in_dim3A_55 = vector.broadcast %jit3A_53 : f32 to vector<512x512xf32>
    %broadcast_in_dim3A_56 = vector.broadcast %jit3A_54 : f32 to vector<512x512xf32>
    %select_n3A_57 = arith.select %ge3A_52, %broadcast_in_dim3A_55, %broadcast_in_dim3A_56 : vector<512x512xi1>, vector<512x512xf32>
    %jit3A_58 = arith.constant -0.577350259 : f32
    %jit3A_59 = arith.constant -2.74747753 : f32
    %broadcast_in_dim3A_60 = vector.broadcast %jit3A_58 : f32 to vector<512x512xf32>
    %broadcast_in_dim3A_61 = vector.broadcast %jit3A_59 : f32 to vector<512x512xf32>
    %select_n3A_62 = arith.select %ge3A_52, %broadcast_in_dim3A_60, %broadcast_in_dim3A_61 : vector<512x512xi1>, vector<512x512xf32>
    %select_n3A_63 = arith.select %ge3A_48, %select_n3A_57, %select_n3A_62 : vector<512x512xi1>, vector<512x512xf32>
    %ge3A_64 = arith.cmpf oge, %div3A, %select_n3A_63 : vector<512x512xf32>
    %jit3A_65 = arith.constant 4 : i32
    %jit3A_66 = arith.constant 0 : i32
    %broadcast_in_dim3A_67 = vector.broadcast %jit3A_65 : i32 to vector<512x512xi32>
    %broadcast_in_dim3A_68 = vector.broadcast %jit3A_66 : i32 to vector<512x512xi32>
    %select_n3A_69 = arith.select %ge3A_48, %broadcast_in_dim3A_67, %broadcast_in_dim3A_68 : vector<512x512xi1>, vector<512x512xi32>
    %jit3A_70 = arith.constant 2 : i32
    %jit3A_71 = arith.constant 0 : i32
    %broadcast_in_dim3A_72 = vector.broadcast %jit3A_70 : i32 to vector<512x512xi32>
    %broadcast_in_dim3A_73 = vector.broadcast %jit3A_71 : i32 to vector<512x512xi32>
    %select_n3A_74 = arith.select %ge3A_52, %broadcast_in_dim3A_72, %broadcast_in_dim3A_73 : vector<512x512xi1>, vector<512x512xi32>
    %add3A_75 = arith.addi %select_n3A_69, %select_n3A_74 : vector<512x512xi32>
    %jit3A_76 = arith.constant 1 : i32
    %jit3A_77 = arith.constant 0 : i32
    %broadcast_in_dim3A_78 = vector.broadcast %jit3A_76 : i32 to vector<512x512xi32>
    %broadcast_in_dim3A_79 = vector.broadcast %jit3A_77 : i32 to vector<512x512xi32>
    %select_n3A_80 = arith.select %ge3A_64, %broadcast_in_dim3A_78, %broadcast_in_dim3A_79 : vector<512x512xi1>, vector<512x512xi32>
    %add3A_81 = arith.addi %add3A_75, %select_n3A_80 : vector<512x512xi32>
    %ge3A_82 = arith.constant 2.74747753 : f32
    %ge3A_83 = vector.broadcast %ge3A_82 : f32 to vector<512x512xf32>
    %ge3A_84 = arith.cmpf oge, %div3A, %ge3A_83 : vector<512x512xf32>
    %jit3A_85 = arith.constant 1 : i32
    %jit3A_86 = arith.constant 0 : i32
    %broadcast_in_dim3A_87 = vector.broadcast %jit3A_85 : i32 to vector<512x512xi32>
    %broadcast_in_dim3A_88 = vector.broadcast %jit3A_86 : i32 to vector<512x512xi32>
    %select_n3A_89 = arith.select %ge3A_84, %broadcast_in_dim3A_87, %broadcast_in_dim3A_88 : vector<512x512xi1>, vector<512x512xi32>
    %add3A_90 = arith.addi %add3A_81, %select_n3A_89 : vector<512x512xi32>
    %mul3A_91 = arith.constant 1.638400e+04 : f32
    %mul3A_92 = vector.broadcast %mul3A_91 : f32 to vector<512x512xf32>
    %mul3A_93 = arith.mulf %sqrt3A, %mul3A_92 : vector<512x512xf32>
    %add3A_94 = arith.constant 5.000000e-01 : f32
    %add3A_95 = vector.broadcast %add3A_94 : f32 to vector<512x512xf32>
    %add3A_96 = arith.addf %mul3A_93, %add3A_95 : vector<512x512xf32>
    %convert_element_type3A = arith.fptosi %add3A_96 : vector<512x512xf32> to vector<512x512xi32>
    %shift_left3A = arith.constant 4 : i32
    %shift_left3A_97 = vector.broadcast %shift_left3A : i32 to vector<512x512xi32>
    %shift_left3A_98 = arith.shli %convert_element_type3A, %shift_left3A_97 : vector<512x512xi32>
    %or3A = arith.ori %shift_left3A_98, %add3A_90 : vector<512x512xi32>
    %slice3A_99 = vector.extract_strided_slice %or3A {offsets = [0, 0], sizes = [128, 128], strides = [1, 1]} : vector<512x512xi32> to vector<128x128xi32>
    %swap3A = arith.constant 0 : index
    %swap3A_100 = arith.constant 0 : index
    %swap3A_101 = arith.constant 0 : index
    %swap3A_102 = vector.load %arg2[%swap3A, %swap3A_100, %swap3A_101] : memref<16x128x128xi32, #tpu.memory_space<vmem>>, vector<1x128x128xi32>
    %swap3A_103 = vector.shape_cast %swap3A_102 : vector<1x128x128xi32> to vector<128x128xi32>
    %swap3A_104 = vector.shape_cast %slice3A_99 : vector<128x128xi32> to vector<1x128x128xi32>
    tpu.vector_store %arg2[%swap3A, %swap3A_100, %swap3A_101], %swap3A_104 {strides = array<i32>} : memref<16x128x128xi32, #tpu.memory_space<vmem>>, vector<1x128x128xi32>,
    %slice3A_105 = vector.extract_strided_slice %or3A {offsets = [0, 128], sizes = [128, 128], strides = [1, 1]} : vector<512x512xi32> to vector<128x128xi32>
    %swap3A_106 = arith.constant 1 : index
    %swap3A_107 = arith.constant 0 : index
    %swap3A_108 = arith.constant 0 : index
    %swap3A_109 = vector.load %arg2[%swap3A_106, %swap3A_107, %swap3A_108] : memref<16x128x128xi32, #tpu.memory_space<vmem>>, vector<1x128x128xi32>
    %swap3A_110 = vector.shape_cast %swap3A_109 : vector<1x128x128xi32> to vector<128x128xi32>
    %swap3A_111 = vector.shape_cast %slice3A_105 : vector<128x128xi32> to vector<1x128x128xi32>
    tpu.vector_store %arg2[%swap3A_106, %swap3A_107, %swap3A_108], %swap3A_111 {strides = array<i32>} : memref<16x128x128xi32, #tpu.memory_space<vmem>>, vector<1x128x128xi32>,
    %slice3A_112 = vector.extract_strided_slice %or3A {offsets = [0, 256], sizes = [128, 128], strides = [1, 1]} : vector<512x512xi32> to vector<128x128xi32>
    %swap3A_113 = arith.constant 2 : index
    %swap3A_114 = arith.constant 0 : index
    %swap3A_115 = arith.constant 0 : index
    %swap3A_116 = vector.load %arg2[%swap3A_113, %swap3A_114, %swap3A_115] : memref<16x128x128xi32, #tpu.memory_space<vmem>>, vector<1x128x128xi32>
    %swap3A_117 = vector.shape_cast %swap3A_116 : vector<1x128x128xi32> to vector<128x128xi32>
    %swap3A_118 = vector.shape_cast %slice3A_112 : vector<128x128xi32> to vector<1x128x128xi32>
    tpu.vector_store %arg2[%swap3A_113, %swap3A_114, %swap3A_115], %swap3A_118 {strides = array<i32>} : memref<16x128x128xi32, #tpu.memory_space<vmem>>, vector<1x128x128xi32>,
    %slice3A_119 = vector.extract_strided_slice %or3A {offsets = [0, 384], sizes = [128, 128], strides = [1, 1]} : vector<512x512xi32> to vector<128x128xi32>
    %swap3A_120 = arith.constant 3 : index
    %swap3A_121 = arith.constant 0 : index
    %swap3A_122 = arith.constant 0 : index
    %swap3A_123 = vector.load %arg2[%swap3A_120, %swap3A_121, %swap3A_122] : memref<16x128x128xi32, #tpu.memory_space<vmem>>, vector<1x128x128xi32>
    %swap3A_124 = vector.shape_cast %swap3A_123 : vector<1x128x128xi32> to vector<128x128xi32>
    %swap3A_125 = vector.shape_cast %slice3A_119 : vector<128x128xi32> to vector<1x128x128xi32>
    tpu.vector_store %arg2[%swap3A_120, %swap3A_121, %swap3A_122], %swap3A_125 {strides = array<i32>} : memref<16x128x128xi32, #tpu.memory_space<vmem>>, vector<1x128x128xi32>,
    %slice3A_126 = vector.extract_strided_slice %or3A {offsets = [128, 0], sizes = [128, 128], strides = [1, 1]} : vector<512x512xi32> to vector<128x128xi32>
    %swap3A_127 = arith.constant 4 : index
    %swap3A_128 = arith.constant 0 : index
    %swap3A_129 = arith.constant 0 : index
    %swap3A_130 = vector.load %arg2[%swap3A_127, %swap3A_128, %swap3A_129] : memref<16x128x128xi32, #tpu.memory_space<vmem>>, vector<1x128x128xi32>
    %swap3A_131 = vector.shape_cast %swap3A_130 : vector<1x128x128xi32> to vector<128x128xi32>
    %swap3A_132 = vector.shape_cast %slice3A_126 : vector<128x128xi32> to vector<1x128x128xi32>
    tpu.vector_store %arg2[%swap3A_127, %swap3A_128, %swap3A_129], %swap3A_132 {strides = array<i32>} : memref<16x128x128xi32, #tpu.memory_space<vmem>>, vector<1x128x128xi32>,
    %slice3A_133 = vector.extract_strided_slice %or3A {offsets = [128, 128], sizes = [128, 128], strides = [1, 1]} : vector<512x512xi32> to vector<128x128xi32>
    %swap3A_134 = arith.constant 5 : index
    %swap3A_135 = arith.constant 0 : index
    %swap3A_136 = arith.constant 0 : index
    %swap3A_137 = vector.load %arg2[%swap3A_134, %swap3A_135, %swap3A_136] : memref<16x128x128xi32, #tpu.memory_space<vmem>>, vector<1x128x128xi32>
    %swap3A_138 = vector.shape_cast %swap3A_137 : vector<1x128x128xi32> to vector<128x128xi32>
    %swap3A_139 = vector.shape_cast %slice3A_133 : vector<128x128xi32> to vector<1x128x128xi32>
    tpu.vector_store %arg2[%swap3A_134, %swap3A_135, %swap3A_136], %swap3A_139 {strides = array<i32>} : memref<16x128x128xi32, #tpu.memory_space<vmem>>, vector<1x128x128xi32>,
    %slice3A_140 = vector.extract_strided_slice %or3A {offsets = [128, 256], sizes = [128, 128], strides = [1, 1]} : vector<512x512xi32> to vector<128x128xi32>
    %swap3A_141 = arith.constant 6 : index
    %swap3A_142 = arith.constant 0 : index
    %swap3A_143 = arith.constant 0 : index
    %swap3A_144 = vector.load %arg2[%swap3A_141, %swap3A_142, %swap3A_143] : memref<16x128x128xi32, #tpu.memory_space<vmem>>, vector<1x128x128xi32>
    %swap3A_145 = vector.shape_cast %swap3A_144 : vector<1x128x128xi32> to vector<128x128xi32>
    %swap3A_146 = vector.shape_cast %slice3A_140 : vector<128x128xi32> to vector<1x128x128xi32>
    tpu.vector_store %arg2[%swap3A_141, %swap3A_142, %swap3A_143], %swap3A_146 {strides = array<i32>} : memref<16x128x128xi32, #tpu.memory_space<vmem>>, vector<1x128x128xi32>,
    %slice3A_147 = vector.extract_strided_slice %or3A {offsets = [128, 384], sizes = [128, 128], strides = [1, 1]} : vector<512x512xi32> to vector<128x128xi32>
    %swap3A_148 = arith.constant 7 : index
    %swap3A_149 = arith.constant 0 : index
    %swap3A_150 = arith.constant 0 : index
    %swap3A_151 = vector.load %arg2[%swap3A_148, %swap3A_149, %swap3A_150] : memref<16x128x128xi32, #tpu.memory_space<vmem>>, vector<1x128x128xi32>
    %swap3A_152 = vector.shape_cast %swap3A_151 : vector<1x128x128xi32> to vector<128x128xi32>
    %swap3A_153 = vector.shape_cast %slice3A_147 : vector<128x128xi32> to vector<1x128x128xi32>
    tpu.vector_store %arg2[%swap3A_148, %swap3A_149, %swap3A_150], %swap3A_153 {strides = array<i32>} : memref<16x128x128xi32, #tpu.memory_space<vmem>>, vector<1x128x128xi32>,
    %slice3A_154 = vector.extract_strided_slice %or3A {offsets = [256, 0], sizes = [128, 128], strides = [1, 1]} : vector<512x512xi32> to vector<128x128xi32>
    %swap3A_155 = arith.constant 8 : index
    %swap3A_156 = arith.constant 0 : index
    %swap3A_157 = arith.constant 0 : index
    %swap3A_158 = vector.load %arg2[%swap3A_155, %swap3A_156, %swap3A_157] : memref<16x128x128xi32, #tpu.memory_space<vmem>>, vector<1x128x128xi32>
    %swap3A_159 = vector.shape_cast %swap3A_158 : vector<1x128x128xi32> to vector<128x128xi32>
    %swap3A_160 = vector.shape_cast %slice3A_154 : vector<128x128xi32> to vector<1x128x128xi32>
    tpu.vector_store %arg2[%swap3A_155, %swap3A_156, %swap3A_157], %swap3A_160 {strides = array<i32>} : memref<16x128x128xi32, #tpu.memory_space<vmem>>, vector<1x128x128xi32>,
    %slice3A_161 = vector.extract_strided_slice %or3A {offsets = [256, 128], sizes = [128, 128], strides = [1, 1]} : vector<512x512xi32> to vector<128x128xi32>
    %swap3A_162 = arith.constant 9 : index
    %swap3A_163 = arith.constant 0 : index
    %swap3A_164 = arith.constant 0 : index
    %swap3A_165 = vector.load %arg2[%swap3A_162, %swap3A_163, %swap3A_164] : memref<16x128x128xi32, #tpu.memory_space<vmem>>, vector<1x128x128xi32>
    %swap3A_166 = vector.shape_cast %swap3A_165 : vector<1x128x128xi32> to vector<128x128xi32>
    %swap3A_167 = vector.shape_cast %slice3A_161 : vector<128x128xi32> to vector<1x128x128xi32>
    tpu.vector_store %arg2[%swap3A_162, %swap3A_163, %swap3A_164], %swap3A_167 {strides = array<i32>} : memref<16x128x128xi32, #tpu.memory_space<vmem>>, vector<1x128x128xi32>,
    %slice3A_168 = vector.extract_strided_slice %or3A {offsets = [256, 256], sizes = [128, 128], strides = [1, 1]} : vector<512x512xi32> to vector<128x128xi32>
    %swap3A_169 = arith.constant 10 : index
    %swap3A_170 = arith.constant 0 : index
    %swap3A_171 = arith.constant 0 : index
    %swap3A_172 = vector.load %arg2[%swap3A_169, %swap3A_170, %swap3A_171] : memref<16x128x128xi32, #tpu.memory_space<vmem>>, vector<1x128x128xi32>
    %swap3A_173 = vector.shape_cast %swap3A_172 : vector<1x128x128xi32> to vector<128x128xi32>
    %swap3A_174 = vector.shape_cast %slice3A_168 : vector<128x128xi32> to vector<1x128x128xi32>
    tpu.vector_store %arg2[%swap3A_169, %swap3A_170, %swap3A_171], %swap3A_174 {strides = array<i32>} : memref<16x128x128xi32, #tpu.memory_space<vmem>>, vector<1x128x128xi32>,
    %slice3A_175 = vector.extract_strided_slice %or3A {offsets = [256, 384], sizes = [128, 128], strides = [1, 1]} : vector<512x512xi32> to vector<128x128xi32>
    %swap3A_176 = arith.constant 11 : index
    %swap3A_177 = arith.constant 0 : index
    %swap3A_178 = arith.constant 0 : index
    %swap3A_179 = vector.load %arg2[%swap3A_176, %swap3A_177, %swap3A_178] : memref<16x128x128xi32, #tpu.memory_space<vmem>>, vector<1x128x128xi32>
    %swap3A_180 = vector.shape_cast %swap3A_179 : vector<1x128x128xi32> to vector<128x128xi32>
    %swap3A_181 = vector.shape_cast %slice3A_175 : vector<128x128xi32> to vector<1x128x128xi32>
    tpu.vector_store %arg2[%swap3A_176, %swap3A_177, %swap3A_178], %swap3A_181 {strides = array<i32>} : memref<16x128x128xi32, #tpu.memory_space<vmem>>, vector<1x128x128xi32>,
    %slice3A_182 = vector.extract_strided_slice %or3A {offsets = [384, 0], sizes = [128, 128], strides = [1, 1]} : vector<512x512xi32> to vector<128x128xi32>
    %swap3A_183 = arith.constant 12 : index
    %swap3A_184 = arith.constant 0 : index
    %swap3A_185 = arith.constant 0 : index
    %swap3A_186 = vector.load %arg2[%swap3A_183, %swap3A_184, %swap3A_185] : memref<16x128x128xi32, #tpu.memory_space<vmem>>, vector<1x128x128xi32>
    %swap3A_187 = vector.shape_cast %swap3A_186 : vector<1x128x128xi32> to vector<128x128xi32>
    %swap3A_188 = vector.shape_cast %slice3A_182 : vector<128x128xi32> to vector<1x128x128xi32>
    tpu.vector_store %arg2[%swap3A_183, %swap3A_184, %swap3A_185], %swap3A_188 {strides = array<i32>} : memref<16x128x128xi32, #tpu.memory_space<vmem>>, vector<1x128x128xi32>,
    %slice3A_189 = vector.extract_strided_slice %or3A {offsets = [384, 128], sizes = [128, 128], strides = [1, 1]} : vector<512x512xi32> to vector<128x128xi32>
    %swap3A_190 = arith.constant 13 : index
    %swap3A_191 = arith.constant 0 : index
    %swap3A_192 = arith.constant 0 : index
    %swap3A_193 = vector.load %arg2[%swap3A_190, %swap3A_191, %swap3A_192] : memref<16x128x128xi32, #tpu.memory_space<vmem>>, vector<1x128x128xi32>
    %swap3A_194 = vector.shape_cast %swap3A_193 : vector<1x128x128xi32> to vector<128x128xi32>
    %swap3A_195 = vector.shape_cast %slice3A_189 : vector<128x128xi32> to vector<1x128x128xi32>
    tpu.vector_store %arg2[%swap3A_190, %swap3A_191, %swap3A_192], %swap3A_195 {strides = array<i32>} : memref<16x128x128xi32, #tpu.memory_space<vmem>>, vector<1x128x128xi32>,
    %slice3A_196 = vector.extract_strided_slice %or3A {offsets = [384, 256], sizes = [128, 128], strides = [1, 1]} : vector<512x512xi32> to vector<128x128xi32>
    %swap3A_197 = arith.constant 14 : index
    %swap3A_198 = arith.constant 0 : index
    %swap3A_199 = arith.constant 0 : index
    %swap3A_200 = vector.load %arg2[%swap3A_197, %swap3A_198, %swap3A_199] : memref<16x128x128xi32, #tpu.memory_space<vmem>>, vector<1x128x128xi32>
    %swap3A_201 = vector.shape_cast %swap3A_200 : vector<1x128x128xi32> to vector<128x128xi32>
    %swap3A_202 = vector.shape_cast %slice3A_196 : vector<128x128xi32> to vector<1x128x128xi32>
    tpu.vector_store %arg2[%swap3A_197, %swap3A_198, %swap3A_199], %swap3A_202 {strides = array<i32>} : memref<16x128x128xi32, #tpu.memory_space<vmem>>, vector<1x128x128xi32>,
    %slice3A_203 = vector.extract_strided_slice %or3A {offsets = [384, 384], sizes = [128, 128], strides = [1, 1]} : vector<512x512xi32> to vector<128x128xi32>
    %swap3A_204 = arith.constant 15 : index
    %swap3A_205 = arith.constant 0 : index
    %swap3A_206 = arith.constant 0 : index
    %swap3A_207 = vector.load %arg2[%swap3A_204, %swap3A_205, %swap3A_206] : memref<16x128x128xi32, #tpu.memory_space<vmem>>, vector<1x128x128xi32>
    %swap3A_208 = vector.shape_cast %swap3A_207 : vector<1x128x128xi32> to vector<128x128xi32>
    %swap3A_209 = vector.shape_cast %slice3A_203 : vector<128x128xi32> to vector<1x128x128xi32>
    tpu.vector_store %arg2[%swap3A_204, %swap3A_205, %swap3A_206], %swap3A_209 {strides = array<i32>} : memref<16x128x128xi32, #tpu.memory_space<vmem>>, vector<1x128x128xi32>,
    return
  }
  func.func @transform_0(%arg0: i32) -> (i32, i32, i32) {
    %add3A = arith.constant 60 : i32
    %add3A_0 = arith.addi %add3A, %arg0 : i32
    %c0_i32 = arith.constant 0 : i32
    %c0_i32_1 = arith.constant 0 : i32
    %c0_i32_2 = arith.constant 0 : i32
    return %add3A_0, %c0_i32, %c0_i32_1 : i32, i32, i32
  }
  func.func @transform_1(%arg0: i32) -> (i32, i32, i32) {
    %c0_i32 = arith.constant 0 : i32
    %c0_i32_0 = arith.constant 0 : i32
    %c0_i32_1 = arith.constant 0 : i32
    return %arg0, %c0_i32, %c0_i32_0 : i32, i32, i32
  }
}

module attributes {stable_mosaic.version = 14 : i64} {
  func.func @_conv_mag_bin_kernel(%arg0: i32, %arg1: memref<1x512x512xf32, #tpu.memory_space<vmem>>, %arg2: memref<16x128x128xi32, #tpu.memory_space<vmem>>) attributes {dimension_semantics = [#tpu.dimension_semantics<arbitrary>], iteration_bounds = array<i64: 20>, scalar_prefetch = 0 : i64, scratch_operands = 0 : i64, tpu.core_type = #tpu.core_type<tc>, window_params = [{transform_indices = @transform_0, window_bounds = array<i64: 1, 512, 512>}, {transform_indices = @transform_1, window_bounds = array<i64: 16, 128, 128>}]} {
    %get3A = arith.constant 0 : index
    %get3A_0 = arith.constant 0 : index
    %get3A_1 = arith.constant 0 : index
    %get3A_2 = vector.load %arg1[%get3A, %get3A_0, %get3A_1] : memref<1x512x512xf32, #tpu.memory_space<vmem>>, vector<1x512x512xf32>
    %get3A_3 = vector.shape_cast %get3A_2 : vector<1x512x512xf32> to vector<512x512xf32>
    %broadcast_in_dim3A = arith.constant 0.000000e+00 : f32
    %broadcast_in_dim3A_4 = vector.broadcast %broadcast_in_dim3A : f32 to vector<1x512xf32>
    %broadcast_in_dim3A_5 = arith.constant 0.000000e+00 : f32
    %broadcast_in_dim3A_6 = vector.broadcast %broadcast_in_dim3A_5 : f32 to vector<512x1xf32>
    %slice3A = vector.extract_strided_slice %get3A_3 {offsets = [0, 0], sizes = [511, 512], strides = [1, 1]} : vector<512x512xf32> to vector<511x512xf32>
    %concatenate3A = tpu.concatenate %broadcast_in_dim3A_4, %slice3A in 0 : vector<1x512xf32>, vector<511x512xf32> -> vector<512x512xf32>
    %slice3A_7 = vector.extract_strided_slice %get3A_3 {offsets = [1, 0], sizes = [511, 512], strides = [1, 1]} : vector<512x512xf32> to vector<511x512xf32>
    %concatenate3A_8 = tpu.concatenate %slice3A_7, %broadcast_in_dim3A_4 in 0 : vector<511x512xf32>, vector<1x512xf32> -> vector<512x512xf32>
    %add3A = arith.addf %concatenate3A, %concatenate3A_8 : vector<512x512xf32>
    %slice3A_9 = vector.extract_strided_slice %get3A_3 {offsets = [0, 0], sizes = [512, 511], strides = [1, 1]} : vector<512x512xf32> to vector<512x511xf32>
    %concatenate3A_10 = tpu.concatenate %broadcast_in_dim3A_6, %slice3A_9 in 1 : vector<512x1xf32>, vector<512x511xf32> -> vector<512x512xf32>
    %add3A_11 = arith.addf %add3A, %concatenate3A_10 : vector<512x512xf32>
    %slice3A_12 = vector.extract_strided_slice %get3A_3 {offsets = [0, 1], sizes = [512, 511], strides = [1, 1]} : vector<512x512xf32> to vector<512x511xf32>
    %concatenate3A_13 = tpu.concatenate %slice3A_12, %broadcast_in_dim3A_6 in 1 : vector<512x511xf32>, vector<512x1xf32> -> vector<512x512xf32>
    %add3A_14 = arith.addf %add3A_11, %concatenate3A_13 : vector<512x512xf32>
    %mul3A = arith.constant 4.000000e+00 : f32
    %mul3A_15 = vector.broadcast %mul3A : f32 to vector<512x512xf32>
    %mul3A_16 = arith.mulf %mul3A_15, %get3A_3 : vector<512x512xf32>
    %sub3A = arith.subf %add3A_14, %mul3A_16 : vector<512x512xf32>
    %slice3A_17 = vector.extract_strided_slice %sub3A {offsets = [0, 1], sizes = [512, 511], strides = [1, 1]} : vector<512x512xf32> to vector<512x511xf32>
    %concatenate3A_18 = tpu.concatenate %slice3A_17, %broadcast_in_dim3A_6 in 1 : vector<512x511xf32>, vector<512x1xf32> -> vector<512x512xf32>
    %slice3A_19 = vector.extract_strided_slice %sub3A {offsets = [0, 0], sizes = [512, 511], strides = [1, 1]} : vector<512x512xf32> to vector<512x511xf32>
    %concatenate3A_20 = tpu.concatenate %broadcast_in_dim3A_6, %slice3A_19 in 1 : vector<512x1xf32>, vector<512x511xf32> -> vector<512x512xf32>
    %sub3A_21 = arith.subf %concatenate3A_18, %concatenate3A_20 : vector<512x512xf32>
    %add3A_22 = arith.addf %concatenate3A_18, %concatenate3A_20 : vector<512x512xf32>
    %mul3A_23 = arith.constant 2.000000e+00 : f32
    %mul3A_24 = vector.broadcast %mul3A_23 : f32 to vector<512x512xf32>
    %mul3A_25 = arith.mulf %mul3A_24, %sub3A : vector<512x512xf32>
    %add3A_26 = arith.addf %add3A_22, %mul3A_25 : vector<512x512xf32>
    %slice3A_27 = vector.extract_strided_slice %sub3A_21 {offsets = [0, 0], sizes = [511, 512], strides = [1, 1]} : vector<512x512xf32> to vector<511x512xf32>
    %concatenate3A_28 = tpu.concatenate %broadcast_in_dim3A_4, %slice3A_27 in 0 : vector<1x512xf32>, vector<511x512xf32> -> vector<512x512xf32>
    %mul3A_29 = arith.constant 2.000000e+00 : f32
    %mul3A_30 = vector.broadcast %mul3A_29 : f32 to vector<512x512xf32>
    %mul3A_31 = arith.mulf %mul3A_30, %sub3A_21 : vector<512x512xf32>
    %add3A_32 = arith.addf %concatenate3A_28, %mul3A_31 : vector<512x512xf32>
    %slice3A_33 = vector.extract_strided_slice %sub3A_21 {offsets = [1, 0], sizes = [511, 512], strides = [1, 1]} : vector<512x512xf32> to vector<511x512xf32>
    %concatenate3A_34 = tpu.concatenate %slice3A_33, %broadcast_in_dim3A_4 in 0 : vector<511x512xf32>, vector<1x512xf32> -> vector<512x512xf32>
    %add3A_35 = arith.addf %add3A_32, %concatenate3A_34 : vector<512x512xf32>
    %slice3A_36 = vector.extract_strided_slice %add3A_26 {offsets = [1, 0], sizes = [511, 512], strides = [1, 1]} : vector<512x512xf32> to vector<511x512xf32>
    %concatenate3A_37 = tpu.concatenate %slice3A_36, %broadcast_in_dim3A_4 in 0 : vector<511x512xf32>, vector<1x512xf32> -> vector<512x512xf32>
    %slice3A_38 = vector.extract_strided_slice %add3A_26 {offsets = [0, 0], sizes = [511, 512], strides = [1, 1]} : vector<512x512xf32> to vector<511x512xf32>
    %concatenate3A_39 = tpu.concatenate %broadcast_in_dim3A_4, %slice3A_38 in 0 : vector<1x512xf32>, vector<511x512xf32> -> vector<512x512xf32>
    %sub3A_40 = arith.subf %concatenate3A_37, %concatenate3A_39 : vector<512x512xf32>
    %mul3A_41 = arith.mulf %add3A_35, %add3A_35 : vector<512x512xf32>
    %mul3A_42 = arith.mulf %sub3A_40, %sub3A_40 : vector<512x512xf32>
    %add3A_43 = arith.addf %mul3A_41, %mul3A_42 : vector<512x512xf32>
    %add3A_44 = arith.constant 9.99999993E-9 : f32
    %add3A_45 = vector.broadcast %add3A_44 : f32 to vector<512x512xf32>
    %add3A_46 = arith.addf %add3A_43, %add3A_45 : vector<512x512xf32>
    %sqrt3A = math.sqrt %add3A_46 : vector<512x512xf32>
    %div3A = arith.divf %sub3A_40, %add3A_35 : vector<512x512xf32>
    %ge3A = arith.constant -0.176326975 : f32
    %ge3A_47 = vector.broadcast %ge3A : f32 to vector<512x512xf32>
    %ge3A_48 = arith.cmpf oge, %div3A, %ge3A_47 : vector<512x512xf32>
    %jit3A = arith.constant 0.577350259 : f32
    %jit3A_49 = arith.constant -1.19175363 : f32
    %broadcast_in_dim3A_50 = vector.broadcast %jit3A : f32 to vector<512x512xf32>
    %broadcast_in_dim3A_51 = vector.broadcast %jit3A_49 : f32 to vector<512x512xf32>
    %select_n3A = arith.select %ge3A_48, %broadcast_in_dim3A_50, %broadcast_in_dim3A_51 : vector<512x512xi1>, vector<512x512xf32>
    %ge3A_52 = arith.cmpf oge, %div3A, %select_n3A : vector<512x512xf32>
    %jit3A_53 = arith.constant 1.19175363 : f32
    %jit3A_54 = arith.constant 0.176326975 : f32
    %broadcast_in_dim3A_55 = vector.broadcast %jit3A_53 : f32 to vector<512x512xf32>
    %broadcast_in_dim3A_56 = vector.broadcast %jit3A_54 : f32 to vector<512x512xf32>
    %select_n3A_57 = arith.select %ge3A_52, %broadcast_in_dim3A_55, %broadcast_in_dim3A_56 : vector<512x512xi1>, vector<512x512xf32>
    %jit3A_58 = arith.constant -0.577350259 : f32
    %jit3A_59 = arith.constant -2.74747753 : f32
    %broadcast_in_dim3A_60 = vector.broadcast %jit3A_58 : f32 to vector<512x512xf32>
    %broadcast_in_dim3A_61 = vector.broadcast %jit3A_59 : f32 to vector<512x512xf32>
    %select_n3A_62 = arith.select %ge3A_52, %broadcast_in_dim3A_60, %broadcast_in_dim3A_61 : vector<512x512xi1>, vector<512x512xf32>
    %select_n3A_63 = arith.select %ge3A_48, %select_n3A_57, %select_n3A_62 : vector<512x512xi1>, vector<512x512xf32>
    %ge3A_64 = arith.cmpf oge, %div3A, %select_n3A_63 : vector<512x512xf32>
    %jit3A_65 = arith.constant 4 : i32
    %jit3A_66 = arith.constant 0 : i32
    %broadcast_in_dim3A_67 = vector.broadcast %jit3A_65 : i32 to vector<512x512xi32>
    %broadcast_in_dim3A_68 = vector.broadcast %jit3A_66 : i32 to vector<512x512xi32>
    %select_n3A_69 = arith.select %ge3A_48, %broadcast_in_dim3A_67, %broadcast_in_dim3A_68 : vector<512x512xi1>, vector<512x512xi32>
    %jit3A_70 = arith.constant 2 : i32
    %jit3A_71 = arith.constant 0 : i32
    %broadcast_in_dim3A_72 = vector.broadcast %jit3A_70 : i32 to vector<512x512xi32>
    %broadcast_in_dim3A_73 = vector.broadcast %jit3A_71 : i32 to vector<512x512xi32>
    %select_n3A_74 = arith.select %ge3A_52, %broadcast_in_dim3A_72, %broadcast_in_dim3A_73 : vector<512x512xi1>, vector<512x512xi32>
    %add3A_75 = arith.addi %select_n3A_69, %select_n3A_74 : vector<512x512xi32>
    %jit3A_76 = arith.constant 1 : i32
    %jit3A_77 = arith.constant 0 : i32
    %broadcast_in_dim3A_78 = vector.broadcast %jit3A_76 : i32 to vector<512x512xi32>
    %broadcast_in_dim3A_79 = vector.broadcast %jit3A_77 : i32 to vector<512x512xi32>
    %select_n3A_80 = arith.select %ge3A_64, %broadcast_in_dim3A_78, %broadcast_in_dim3A_79 : vector<512x512xi1>, vector<512x512xi32>
    %add3A_81 = arith.addi %add3A_75, %select_n3A_80 : vector<512x512xi32>
    %ge3A_82 = arith.constant 2.74747753 : f32
    %ge3A_83 = vector.broadcast %ge3A_82 : f32 to vector<512x512xf32>
    %ge3A_84 = arith.cmpf oge, %div3A, %ge3A_83 : vector<512x512xf32>
    %jit3A_85 = arith.constant 1 : i32
    %jit3A_86 = arith.constant 0 : i32
    %broadcast_in_dim3A_87 = vector.broadcast %jit3A_85 : i32 to vector<512x512xi32>
    %broadcast_in_dim3A_88 = vector.broadcast %jit3A_86 : i32 to vector<512x512xi32>
    %select_n3A_89 = arith.select %ge3A_84, %broadcast_in_dim3A_87, %broadcast_in_dim3A_88 : vector<512x512xi1>, vector<512x512xi32>
    %add3A_90 = arith.addi %add3A_81, %select_n3A_89 : vector<512x512xi32>
    %mul3A_91 = arith.constant 1.638400e+04 : f32
    %mul3A_92 = vector.broadcast %mul3A_91 : f32 to vector<512x512xf32>
    %mul3A_93 = arith.mulf %sqrt3A, %mul3A_92 : vector<512x512xf32>
    %add3A_94 = arith.constant 5.000000e-01 : f32
    %add3A_95 = vector.broadcast %add3A_94 : f32 to vector<512x512xf32>
    %add3A_96 = arith.addf %mul3A_93, %add3A_95 : vector<512x512xf32>
    %convert_element_type3A = arith.fptosi %add3A_96 : vector<512x512xf32> to vector<512x512xi32>
    %shift_left3A = arith.constant 4 : i32
    %shift_left3A_97 = vector.broadcast %shift_left3A : i32 to vector<512x512xi32>
    %shift_left3A_98 = arith.shli %convert_element_type3A, %shift_left3A_97 : vector<512x512xi32>
    %or3A = arith.ori %shift_left3A_98, %add3A_90 : vector<512x512xi32>
    %slice3A_99 = vector.extract_strided_slice %or3A {offsets = [0, 0], sizes = [128, 128], strides = [1, 1]} : vector<512x512xi32> to vector<128x128xi32>
    %swap3A = arith.constant 0 : index
    %swap3A_100 = arith.constant 0 : index
    %swap3A_101 = arith.constant 0 : index
    %swap3A_102 = vector.load %arg2[%swap3A, %swap3A_100, %swap3A_101] : memref<16x128x128xi32, #tpu.memory_space<vmem>>, vector<1x128x128xi32>
    %swap3A_103 = vector.shape_cast %swap3A_102 : vector<1x128x128xi32> to vector<128x128xi32>
    %swap3A_104 = vector.shape_cast %slice3A_99 : vector<128x128xi32> to vector<1x128x128xi32>
    tpu.vector_store %arg2[%swap3A, %swap3A_100, %swap3A_101], %swap3A_104 {strides = array<i32>} : memref<16x128x128xi32, #tpu.memory_space<vmem>>, vector<1x128x128xi32>,
    %slice3A_105 = vector.extract_strided_slice %or3A {offsets = [0, 128], sizes = [128, 128], strides = [1, 1]} : vector<512x512xi32> to vector<128x128xi32>
    %swap3A_106 = arith.constant 1 : index
    %swap3A_107 = arith.constant 0 : index
    %swap3A_108 = arith.constant 0 : index
    %swap3A_109 = vector.load %arg2[%swap3A_106, %swap3A_107, %swap3A_108] : memref<16x128x128xi32, #tpu.memory_space<vmem>>, vector<1x128x128xi32>
    %swap3A_110 = vector.shape_cast %swap3A_109 : vector<1x128x128xi32> to vector<128x128xi32>
    %swap3A_111 = vector.shape_cast %slice3A_105 : vector<128x128xi32> to vector<1x128x128xi32>
    tpu.vector_store %arg2[%swap3A_106, %swap3A_107, %swap3A_108], %swap3A_111 {strides = array<i32>} : memref<16x128x128xi32, #tpu.memory_space<vmem>>, vector<1x128x128xi32>,
    %slice3A_112 = vector.extract_strided_slice %or3A {offsets = [0, 256], sizes = [128, 128], strides = [1, 1]} : vector<512x512xi32> to vector<128x128xi32>
    %swap3A_113 = arith.constant 2 : index
    %swap3A_114 = arith.constant 0 : index
    %swap3A_115 = arith.constant 0 : index
    %swap3A_116 = vector.load %arg2[%swap3A_113, %swap3A_114, %swap3A_115] : memref<16x128x128xi32, #tpu.memory_space<vmem>>, vector<1x128x128xi32>
    %swap3A_117 = vector.shape_cast %swap3A_116 : vector<1x128x128xi32> to vector<128x128xi32>
    %swap3A_118 = vector.shape_cast %slice3A_112 : vector<128x128xi32> to vector<1x128x128xi32>
    tpu.vector_store %arg2[%swap3A_113, %swap3A_114, %swap3A_115], %swap3A_118 {strides = array<i32>} : memref<16x128x128xi32, #tpu.memory_space<vmem>>, vector<1x128x128xi32>,
    %slice3A_119 = vector.extract_strided_slice %or3A {offsets = [0, 384], sizes = [128, 128], strides = [1, 1]} : vector<512x512xi32> to vector<128x128xi32>
    %swap3A_120 = arith.constant 3 : index
    %swap3A_121 = arith.constant 0 : index
    %swap3A_122 = arith.constant 0 : index
    %swap3A_123 = vector.load %arg2[%swap3A_120, %swap3A_121, %swap3A_122] : memref<16x128x128xi32, #tpu.memory_space<vmem>>, vector<1x128x128xi32>
    %swap3A_124 = vector.shape_cast %swap3A_123 : vector<1x128x128xi32> to vector<128x128xi32>
    %swap3A_125 = vector.shape_cast %slice3A_119 : vector<128x128xi32> to vector<1x128x128xi32>
    tpu.vector_store %arg2[%swap3A_120, %swap3A_121, %swap3A_122], %swap3A_125 {strides = array<i32>} : memref<16x128x128xi32, #tpu.memory_space<vmem>>, vector<1x128x128xi32>,
    %slice3A_126 = vector.extract_strided_slice %or3A {offsets = [128, 0], sizes = [128, 128], strides = [1, 1]} : vector<512x512xi32> to vector<128x128xi32>
    %swap3A_127 = arith.constant 4 : index
    %swap3A_128 = arith.constant 0 : index
    %swap3A_129 = arith.constant 0 : index
    %swap3A_130 = vector.load %arg2[%swap3A_127, %swap3A_128, %swap3A_129] : memref<16x128x128xi32, #tpu.memory_space<vmem>>, vector<1x128x128xi32>
    %swap3A_131 = vector.shape_cast %swap3A_130 : vector<1x128x128xi32> to vector<128x128xi32>
    %swap3A_132 = vector.shape_cast %slice3A_126 : vector<128x128xi32> to vector<1x128x128xi32>
    tpu.vector_store %arg2[%swap3A_127, %swap3A_128, %swap3A_129], %swap3A_132 {strides = array<i32>} : memref<16x128x128xi32, #tpu.memory_space<vmem>>, vector<1x128x128xi32>,
    %slice3A_133 = vector.extract_strided_slice %or3A {offsets = [128, 128], sizes = [128, 128], strides = [1, 1]} : vector<512x512xi32> to vector<128x128xi32>
    %swap3A_134 = arith.constant 5 : index
    %swap3A_135 = arith.constant 0 : index
    %swap3A_136 = arith.constant 0 : index
    %swap3A_137 = vector.load %arg2[%swap3A_134, %swap3A_135, %swap3A_136] : memref<16x128x128xi32, #tpu.memory_space<vmem>>, vector<1x128x128xi32>
    %swap3A_138 = vector.shape_cast %swap3A_137 : vector<1x128x128xi32> to vector<128x128xi32>
    %swap3A_139 = vector.shape_cast %slice3A_133 : vector<128x128xi32> to vector<1x128x128xi32>
    tpu.vector_store %arg2[%swap3A_134, %swap3A_135, %swap3A_136], %swap3A_139 {strides = array<i32>} : memref<16x128x128xi32, #tpu.memory_space<vmem>>, vector<1x128x128xi32>,
    %slice3A_140 = vector.extract_strided_slice %or3A {offsets = [128, 256], sizes = [128, 128], strides = [1, 1]} : vector<512x512xi32> to vector<128x128xi32>
    %swap3A_141 = arith.constant 6 : index
    %swap3A_142 = arith.constant 0 : index
    %swap3A_143 = arith.constant 0 : index
    %swap3A_144 = vector.load %arg2[%swap3A_141, %swap3A_142, %swap3A_143] : memref<16x128x128xi32, #tpu.memory_space<vmem>>, vector<1x128x128xi32>
    %swap3A_145 = vector.shape_cast %swap3A_144 : vector<1x128x128xi32> to vector<128x128xi32>
    %swap3A_146 = vector.shape_cast %slice3A_140 : vector<128x128xi32> to vector<1x128x128xi32>
    tpu.vector_store %arg2[%swap3A_141, %swap3A_142, %swap3A_143], %swap3A_146 {strides = array<i32>} : memref<16x128x128xi32, #tpu.memory_space<vmem>>, vector<1x128x128xi32>,
    %slice3A_147 = vector.extract_strided_slice %or3A {offsets = [128, 384], sizes = [128, 128], strides = [1, 1]} : vector<512x512xi32> to vector<128x128xi32>
    %swap3A_148 = arith.constant 7 : index
    %swap3A_149 = arith.constant 0 : index
    %swap3A_150 = arith.constant 0 : index
    %swap3A_151 = vector.load %arg2[%swap3A_148, %swap3A_149, %swap3A_150] : memref<16x128x128xi32, #tpu.memory_space<vmem>>, vector<1x128x128xi32>
    %swap3A_152 = vector.shape_cast %swap3A_151 : vector<1x128x128xi32> to vector<128x128xi32>
    %swap3A_153 = vector.shape_cast %slice3A_147 : vector<128x128xi32> to vector<1x128x128xi32>
    tpu.vector_store %arg2[%swap3A_148, %swap3A_149, %swap3A_150], %swap3A_153 {strides = array<i32>} : memref<16x128x128xi32, #tpu.memory_space<vmem>>, vector<1x128x128xi32>,
    %slice3A_154 = vector.extract_strided_slice %or3A {offsets = [256, 0], sizes = [128, 128], strides = [1, 1]} : vector<512x512xi32> to vector<128x128xi32>
    %swap3A_155 = arith.constant 8 : index
    %swap3A_156 = arith.constant 0 : index
    %swap3A_157 = arith.constant 0 : index
    %swap3A_158 = vector.load %arg2[%swap3A_155, %swap3A_156, %swap3A_157] : memref<16x128x128xi32, #tpu.memory_space<vmem>>, vector<1x128x128xi32>
    %swap3A_159 = vector.shape_cast %swap3A_158 : vector<1x128x128xi32> to vector<128x128xi32>
    %swap3A_160 = vector.shape_cast %slice3A_154 : vector<128x128xi32> to vector<1x128x128xi32>
    tpu.vector_store %arg2[%swap3A_155, %swap3A_156, %swap3A_157], %swap3A_160 {strides = array<i32>} : memref<16x128x128xi32, #tpu.memory_space<vmem>>, vector<1x128x128xi32>,
    %slice3A_161 = vector.extract_strided_slice %or3A {offsets = [256, 128], sizes = [128, 128], strides = [1, 1]} : vector<512x512xi32> to vector<128x128xi32>
    %swap3A_162 = arith.constant 9 : index
    %swap3A_163 = arith.constant 0 : index
    %swap3A_164 = arith.constant 0 : index
    %swap3A_165 = vector.load %arg2[%swap3A_162, %swap3A_163, %swap3A_164] : memref<16x128x128xi32, #tpu.memory_space<vmem>>, vector<1x128x128xi32>
    %swap3A_166 = vector.shape_cast %swap3A_165 : vector<1x128x128xi32> to vector<128x128xi32>
    %swap3A_167 = vector.shape_cast %slice3A_161 : vector<128x128xi32> to vector<1x128x128xi32>
    tpu.vector_store %arg2[%swap3A_162, %swap3A_163, %swap3A_164], %swap3A_167 {strides = array<i32>} : memref<16x128x128xi32, #tpu.memory_space<vmem>>, vector<1x128x128xi32>,
    %slice3A_168 = vector.extract_strided_slice %or3A {offsets = [256, 256], sizes = [128, 128], strides = [1, 1]} : vector<512x512xi32> to vector<128x128xi32>
    %swap3A_169 = arith.constant 10 : index
    %swap3A_170 = arith.constant 0 : index
    %swap3A_171 = arith.constant 0 : index
    %swap3A_172 = vector.load %arg2[%swap3A_169, %swap3A_170, %swap3A_171] : memref<16x128x128xi32, #tpu.memory_space<vmem>>, vector<1x128x128xi32>
    %swap3A_173 = vector.shape_cast %swap3A_172 : vector<1x128x128xi32> to vector<128x128xi32>
    %swap3A_174 = vector.shape_cast %slice3A_168 : vector<128x128xi32> to vector<1x128x128xi32>
    tpu.vector_store %arg2[%swap3A_169, %swap3A_170, %swap3A_171], %swap3A_174 {strides = array<i32>} : memref<16x128x128xi32, #tpu.memory_space<vmem>>, vector<1x128x128xi32>,
    %slice3A_175 = vector.extract_strided_slice %or3A {offsets = [256, 384], sizes = [128, 128], strides = [1, 1]} : vector<512x512xi32> to vector<128x128xi32>
    %swap3A_176 = arith.constant 11 : index
    %swap3A_177 = arith.constant 0 : index
    %swap3A_178 = arith.constant 0 : index
    %swap3A_179 = vector.load %arg2[%swap3A_176, %swap3A_177, %swap3A_178] : memref<16x128x128xi32, #tpu.memory_space<vmem>>, vector<1x128x128xi32>
    %swap3A_180 = vector.shape_cast %swap3A_179 : vector<1x128x128xi32> to vector<128x128xi32>
    %swap3A_181 = vector.shape_cast %slice3A_175 : vector<128x128xi32> to vector<1x128x128xi32>
    tpu.vector_store %arg2[%swap3A_176, %swap3A_177, %swap3A_178], %swap3A_181 {strides = array<i32>} : memref<16x128x128xi32, #tpu.memory_space<vmem>>, vector<1x128x128xi32>,
    %slice3A_182 = vector.extract_strided_slice %or3A {offsets = [384, 0], sizes = [128, 128], strides = [1, 1]} : vector<512x512xi32> to vector<128x128xi32>
    %swap3A_183 = arith.constant 12 : index
    %swap3A_184 = arith.constant 0 : index
    %swap3A_185 = arith.constant 0 : index
    %swap3A_186 = vector.load %arg2[%swap3A_183, %swap3A_184, %swap3A_185] : memref<16x128x128xi32, #tpu.memory_space<vmem>>, vector<1x128x128xi32>
    %swap3A_187 = vector.shape_cast %swap3A_186 : vector<1x128x128xi32> to vector<128x128xi32>
    %swap3A_188 = vector.shape_cast %slice3A_182 : vector<128x128xi32> to vector<1x128x128xi32>
    tpu.vector_store %arg2[%swap3A_183, %swap3A_184, %swap3A_185], %swap3A_188 {strides = array<i32>} : memref<16x128x128xi32, #tpu.memory_space<vmem>>, vector<1x128x128xi32>,
    %slice3A_189 = vector.extract_strided_slice %or3A {offsets = [384, 128], sizes = [128, 128], strides = [1, 1]} : vector<512x512xi32> to vector<128x128xi32>
    %swap3A_190 = arith.constant 13 : index
    %swap3A_191 = arith.constant 0 : index
    %swap3A_192 = arith.constant 0 : index
    %swap3A_193 = vector.load %arg2[%swap3A_190, %swap3A_191, %swap3A_192] : memref<16x128x128xi32, #tpu.memory_space<vmem>>, vector<1x128x128xi32>
    %swap3A_194 = vector.shape_cast %swap3A_193 : vector<1x128x128xi32> to vector<128x128xi32>
    %swap3A_195 = vector.shape_cast %slice3A_189 : vector<128x128xi32> to vector<1x128x128xi32>
    tpu.vector_store %arg2[%swap3A_190, %swap3A_191, %swap3A_192], %swap3A_195 {strides = array<i32>} : memref<16x128x128xi32, #tpu.memory_space<vmem>>, vector<1x128x128xi32>,
    %slice3A_196 = vector.extract_strided_slice %or3A {offsets = [384, 256], sizes = [128, 128], strides = [1, 1]} : vector<512x512xi32> to vector<128x128xi32>
    %swap3A_197 = arith.constant 14 : index
    %swap3A_198 = arith.constant 0 : index
    %swap3A_199 = arith.constant 0 : index
    %swap3A_200 = vector.load %arg2[%swap3A_197, %swap3A_198, %swap3A_199] : memref<16x128x128xi32, #tpu.memory_space<vmem>>, vector<1x128x128xi32>
    %swap3A_201 = vector.shape_cast %swap3A_200 : vector<1x128x128xi32> to vector<128x128xi32>
    %swap3A_202 = vector.shape_cast %slice3A_196 : vector<128x128xi32> to vector<1x128x128xi32>
    tpu.vector_store %arg2[%swap3A_197, %swap3A_198, %swap3A_199], %swap3A_202 {strides = array<i32>} : memref<16x128x128xi32, #tpu.memory_space<vmem>>, vector<1x128x128xi32>,
    %slice3A_203 = vector.extract_strided_slice %or3A {offsets = [384, 384], sizes = [128, 128], strides = [1, 1]} : vector<512x512xi32> to vector<128x128xi32>
    %swap3A_204 = arith.constant 15 : index
    %swap3A_205 = arith.constant 0 : index
    %swap3A_206 = arith.constant 0 : index
    %swap3A_207 = vector.load %arg2[%swap3A_204, %swap3A_205, %swap3A_206] : memref<16x128x128xi32, #tpu.memory_space<vmem>>, vector<1x128x128xi32>
    %swap3A_208 = vector.shape_cast %swap3A_207 : vector<1x128x128xi32> to vector<128x128xi32>
    %swap3A_209 = vector.shape_cast %slice3A_203 : vector<128x128xi32> to vector<1x128x128xi32>
    tpu.vector_store %arg2[%swap3A_204, %swap3A_205, %swap3A_206], %swap3A_209 {strides = array<i32>} : memref<16x128x128xi32, #tpu.memory_space<vmem>>, vector<1x128x128xi32>,
    return
  }
  func.func @transform_0(%arg0: i32) -> (i32, i32, i32) {
    %add3A = arith.constant 20 : i32
    %add3A_0 = arith.addi %add3A, %arg0 : i32
    %c0_i32 = arith.constant 0 : i32
    %c0_i32_1 = arith.constant 0 : i32
    %c0_i32_2 = arith.constant 0 : i32
    return %add3A_0, %c0_i32, %c0_i32_1 : i32, i32, i32
  }
  func.func @transform_1(%arg0: i32) -> (i32, i32, i32) {
    %c0_i32 = arith.constant 0 : i32
    %c0_i32_0 = arith.constant 0 : i32
    %c0_i32_1 = arith.constant 0 : i32
    return %arg0, %c0_i32, %c0_i32_0 : i32, i32, i32
  }
}

module attributes {stable_mosaic.version = 14 : i64} {
  func.func @_conv_mag_bin_kernel(%arg0: i32, %arg1: memref<1x512x512xf32, #tpu.memory_space<vmem>>, %arg2: memref<16x128x128xi32, #tpu.memory_space<vmem>>) attributes {dimension_semantics = [#tpu.dimension_semantics<arbitrary>], iteration_bounds = array<i64: 20>, scalar_prefetch = 0 : i64, scratch_operands = 0 : i64, tpu.core_type = #tpu.core_type<tc>, window_params = [{transform_indices = @transform_0, window_bounds = array<i64: 1, 512, 512>}, {transform_indices = @transform_1, window_bounds = array<i64: 16, 128, 128>}]} {
    %get3A = arith.constant 0 : index
    %get3A_0 = arith.constant 0 : index
    %get3A_1 = arith.constant 0 : index
    %get3A_2 = vector.load %arg1[%get3A, %get3A_0, %get3A_1] : memref<1x512x512xf32, #tpu.memory_space<vmem>>, vector<1x512x512xf32>
    %get3A_3 = vector.shape_cast %get3A_2 : vector<1x512x512xf32> to vector<512x512xf32>
    %broadcast_in_dim3A = arith.constant 0.000000e+00 : f32
    %broadcast_in_dim3A_4 = vector.broadcast %broadcast_in_dim3A : f32 to vector<1x512xf32>
    %broadcast_in_dim3A_5 = arith.constant 0.000000e+00 : f32
    %broadcast_in_dim3A_6 = vector.broadcast %broadcast_in_dim3A_5 : f32 to vector<512x1xf32>
    %slice3A = vector.extract_strided_slice %get3A_3 {offsets = [0, 0], sizes = [511, 512], strides = [1, 1]} : vector<512x512xf32> to vector<511x512xf32>
    %concatenate3A = tpu.concatenate %broadcast_in_dim3A_4, %slice3A in 0 : vector<1x512xf32>, vector<511x512xf32> -> vector<512x512xf32>
    %slice3A_7 = vector.extract_strided_slice %get3A_3 {offsets = [1, 0], sizes = [511, 512], strides = [1, 1]} : vector<512x512xf32> to vector<511x512xf32>
    %concatenate3A_8 = tpu.concatenate %slice3A_7, %broadcast_in_dim3A_4 in 0 : vector<511x512xf32>, vector<1x512xf32> -> vector<512x512xf32>
    %add3A = arith.addf %concatenate3A, %concatenate3A_8 : vector<512x512xf32>
    %slice3A_9 = vector.extract_strided_slice %get3A_3 {offsets = [0, 0], sizes = [512, 511], strides = [1, 1]} : vector<512x512xf32> to vector<512x511xf32>
    %concatenate3A_10 = tpu.concatenate %broadcast_in_dim3A_6, %slice3A_9 in 1 : vector<512x1xf32>, vector<512x511xf32> -> vector<512x512xf32>
    %add3A_11 = arith.addf %add3A, %concatenate3A_10 : vector<512x512xf32>
    %slice3A_12 = vector.extract_strided_slice %get3A_3 {offsets = [0, 1], sizes = [512, 511], strides = [1, 1]} : vector<512x512xf32> to vector<512x511xf32>
    %concatenate3A_13 = tpu.concatenate %slice3A_12, %broadcast_in_dim3A_6 in 1 : vector<512x511xf32>, vector<512x1xf32> -> vector<512x512xf32>
    %add3A_14 = arith.addf %add3A_11, %concatenate3A_13 : vector<512x512xf32>
    %mul3A = arith.constant 4.000000e+00 : f32
    %mul3A_15 = vector.broadcast %mul3A : f32 to vector<512x512xf32>
    %mul3A_16 = arith.mulf %mul3A_15, %get3A_3 : vector<512x512xf32>
    %sub3A = arith.subf %add3A_14, %mul3A_16 : vector<512x512xf32>
    %slice3A_17 = vector.extract_strided_slice %sub3A {offsets = [0, 1], sizes = [512, 511], strides = [1, 1]} : vector<512x512xf32> to vector<512x511xf32>
    %concatenate3A_18 = tpu.concatenate %slice3A_17, %broadcast_in_dim3A_6 in 1 : vector<512x511xf32>, vector<512x1xf32> -> vector<512x512xf32>
    %slice3A_19 = vector.extract_strided_slice %sub3A {offsets = [0, 0], sizes = [512, 511], strides = [1, 1]} : vector<512x512xf32> to vector<512x511xf32>
    %concatenate3A_20 = tpu.concatenate %broadcast_in_dim3A_6, %slice3A_19 in 1 : vector<512x1xf32>, vector<512x511xf32> -> vector<512x512xf32>
    %sub3A_21 = arith.subf %concatenate3A_18, %concatenate3A_20 : vector<512x512xf32>
    %add3A_22 = arith.addf %concatenate3A_18, %concatenate3A_20 : vector<512x512xf32>
    %mul3A_23 = arith.constant 2.000000e+00 : f32
    %mul3A_24 = vector.broadcast %mul3A_23 : f32 to vector<512x512xf32>
    %mul3A_25 = arith.mulf %mul3A_24, %sub3A : vector<512x512xf32>
    %add3A_26 = arith.addf %add3A_22, %mul3A_25 : vector<512x512xf32>
    %slice3A_27 = vector.extract_strided_slice %sub3A_21 {offsets = [0, 0], sizes = [511, 512], strides = [1, 1]} : vector<512x512xf32> to vector<511x512xf32>
    %concatenate3A_28 = tpu.concatenate %broadcast_in_dim3A_4, %slice3A_27 in 0 : vector<1x512xf32>, vector<511x512xf32> -> vector<512x512xf32>
    %mul3A_29 = arith.constant 2.000000e+00 : f32
    %mul3A_30 = vector.broadcast %mul3A_29 : f32 to vector<512x512xf32>
    %mul3A_31 = arith.mulf %mul3A_30, %sub3A_21 : vector<512x512xf32>
    %add3A_32 = arith.addf %concatenate3A_28, %mul3A_31 : vector<512x512xf32>
    %slice3A_33 = vector.extract_strided_slice %sub3A_21 {offsets = [1, 0], sizes = [511, 512], strides = [1, 1]} : vector<512x512xf32> to vector<511x512xf32>
    %concatenate3A_34 = tpu.concatenate %slice3A_33, %broadcast_in_dim3A_4 in 0 : vector<511x512xf32>, vector<1x512xf32> -> vector<512x512xf32>
    %add3A_35 = arith.addf %add3A_32, %concatenate3A_34 : vector<512x512xf32>
    %slice3A_36 = vector.extract_strided_slice %add3A_26 {offsets = [1, 0], sizes = [511, 512], strides = [1, 1]} : vector<512x512xf32> to vector<511x512xf32>
    %concatenate3A_37 = tpu.concatenate %slice3A_36, %broadcast_in_dim3A_4 in 0 : vector<511x512xf32>, vector<1x512xf32> -> vector<512x512xf32>
    %slice3A_38 = vector.extract_strided_slice %add3A_26 {offsets = [0, 0], sizes = [511, 512], strides = [1, 1]} : vector<512x512xf32> to vector<511x512xf32>
    %concatenate3A_39 = tpu.concatenate %broadcast_in_dim3A_4, %slice3A_38 in 0 : vector<1x512xf32>, vector<511x512xf32> -> vector<512x512xf32>
    %sub3A_40 = arith.subf %concatenate3A_37, %concatenate3A_39 : vector<512x512xf32>
    %mul3A_41 = arith.mulf %add3A_35, %add3A_35 : vector<512x512xf32>
    %mul3A_42 = arith.mulf %sub3A_40, %sub3A_40 : vector<512x512xf32>
    %add3A_43 = arith.addf %mul3A_41, %mul3A_42 : vector<512x512xf32>
    %add3A_44 = arith.constant 9.99999993E-9 : f32
    %add3A_45 = vector.broadcast %add3A_44 : f32 to vector<512x512xf32>
    %add3A_46 = arith.addf %add3A_43, %add3A_45 : vector<512x512xf32>
    %sqrt3A = math.sqrt %add3A_46 : vector<512x512xf32>
    %div3A = arith.divf %sub3A_40, %add3A_35 : vector<512x512xf32>
    %ge3A = arith.constant -0.176326975 : f32
    %ge3A_47 = vector.broadcast %ge3A : f32 to vector<512x512xf32>
    %ge3A_48 = arith.cmpf oge, %div3A, %ge3A_47 : vector<512x512xf32>
    %jit3A = arith.constant 0.577350259 : f32
    %jit3A_49 = arith.constant -1.19175363 : f32
    %broadcast_in_dim3A_50 = vector.broadcast %jit3A : f32 to vector<512x512xf32>
    %broadcast_in_dim3A_51 = vector.broadcast %jit3A_49 : f32 to vector<512x512xf32>
    %select_n3A = arith.select %ge3A_48, %broadcast_in_dim3A_50, %broadcast_in_dim3A_51 : vector<512x512xi1>, vector<512x512xf32>
    %ge3A_52 = arith.cmpf oge, %div3A, %select_n3A : vector<512x512xf32>
    %jit3A_53 = arith.constant 1.19175363 : f32
    %jit3A_54 = arith.constant 0.176326975 : f32
    %broadcast_in_dim3A_55 = vector.broadcast %jit3A_53 : f32 to vector<512x512xf32>
    %broadcast_in_dim3A_56 = vector.broadcast %jit3A_54 : f32 to vector<512x512xf32>
    %select_n3A_57 = arith.select %ge3A_52, %broadcast_in_dim3A_55, %broadcast_in_dim3A_56 : vector<512x512xi1>, vector<512x512xf32>
    %jit3A_58 = arith.constant -0.577350259 : f32
    %jit3A_59 = arith.constant -2.74747753 : f32
    %broadcast_in_dim3A_60 = vector.broadcast %jit3A_58 : f32 to vector<512x512xf32>
    %broadcast_in_dim3A_61 = vector.broadcast %jit3A_59 : f32 to vector<512x512xf32>
    %select_n3A_62 = arith.select %ge3A_52, %broadcast_in_dim3A_60, %broadcast_in_dim3A_61 : vector<512x512xi1>, vector<512x512xf32>
    %select_n3A_63 = arith.select %ge3A_48, %select_n3A_57, %select_n3A_62 : vector<512x512xi1>, vector<512x512xf32>
    %ge3A_64 = arith.cmpf oge, %div3A, %select_n3A_63 : vector<512x512xf32>
    %jit3A_65 = arith.constant 4 : i32
    %jit3A_66 = arith.constant 0 : i32
    %broadcast_in_dim3A_67 = vector.broadcast %jit3A_65 : i32 to vector<512x512xi32>
    %broadcast_in_dim3A_68 = vector.broadcast %jit3A_66 : i32 to vector<512x512xi32>
    %select_n3A_69 = arith.select %ge3A_48, %broadcast_in_dim3A_67, %broadcast_in_dim3A_68 : vector<512x512xi1>, vector<512x512xi32>
    %jit3A_70 = arith.constant 2 : i32
    %jit3A_71 = arith.constant 0 : i32
    %broadcast_in_dim3A_72 = vector.broadcast %jit3A_70 : i32 to vector<512x512xi32>
    %broadcast_in_dim3A_73 = vector.broadcast %jit3A_71 : i32 to vector<512x512xi32>
    %select_n3A_74 = arith.select %ge3A_52, %broadcast_in_dim3A_72, %broadcast_in_dim3A_73 : vector<512x512xi1>, vector<512x512xi32>
    %add3A_75 = arith.addi %select_n3A_69, %select_n3A_74 : vector<512x512xi32>
    %jit3A_76 = arith.constant 1 : i32
    %jit3A_77 = arith.constant 0 : i32
    %broadcast_in_dim3A_78 = vector.broadcast %jit3A_76 : i32 to vector<512x512xi32>
    %broadcast_in_dim3A_79 = vector.broadcast %jit3A_77 : i32 to vector<512x512xi32>
    %select_n3A_80 = arith.select %ge3A_64, %broadcast_in_dim3A_78, %broadcast_in_dim3A_79 : vector<512x512xi1>, vector<512x512xi32>
    %add3A_81 = arith.addi %add3A_75, %select_n3A_80 : vector<512x512xi32>
    %ge3A_82 = arith.constant 2.74747753 : f32
    %ge3A_83 = vector.broadcast %ge3A_82 : f32 to vector<512x512xf32>
    %ge3A_84 = arith.cmpf oge, %div3A, %ge3A_83 : vector<512x512xf32>
    %jit3A_85 = arith.constant 1 : i32
    %jit3A_86 = arith.constant 0 : i32
    %broadcast_in_dim3A_87 = vector.broadcast %jit3A_85 : i32 to vector<512x512xi32>
    %broadcast_in_dim3A_88 = vector.broadcast %jit3A_86 : i32 to vector<512x512xi32>
    %select_n3A_89 = arith.select %ge3A_84, %broadcast_in_dim3A_87, %broadcast_in_dim3A_88 : vector<512x512xi1>, vector<512x512xi32>
    %add3A_90 = arith.addi %add3A_81, %select_n3A_89 : vector<512x512xi32>
    %mul3A_91 = arith.constant 1.638400e+04 : f32
    %mul3A_92 = vector.broadcast %mul3A_91 : f32 to vector<512x512xf32>
    %mul3A_93 = arith.mulf %sqrt3A, %mul3A_92 : vector<512x512xf32>
    %add3A_94 = arith.constant 5.000000e-01 : f32
    %add3A_95 = vector.broadcast %add3A_94 : f32 to vector<512x512xf32>
    %add3A_96 = arith.addf %mul3A_93, %add3A_95 : vector<512x512xf32>
    %convert_element_type3A = arith.fptosi %add3A_96 : vector<512x512xf32> to vector<512x512xi32>
    %shift_left3A = arith.constant 4 : i32
    %shift_left3A_97 = vector.broadcast %shift_left3A : i32 to vector<512x512xi32>
    %shift_left3A_98 = arith.shli %convert_element_type3A, %shift_left3A_97 : vector<512x512xi32>
    %or3A = arith.ori %shift_left3A_98, %add3A_90 : vector<512x512xi32>
    %slice3A_99 = vector.extract_strided_slice %or3A {offsets = [0, 0], sizes = [128, 128], strides = [1, 1]} : vector<512x512xi32> to vector<128x128xi32>
    %swap3A = arith.constant 0 : index
    %swap3A_100 = arith.constant 0 : index
    %swap3A_101 = arith.constant 0 : index
    %swap3A_102 = vector.load %arg2[%swap3A, %swap3A_100, %swap3A_101] : memref<16x128x128xi32, #tpu.memory_space<vmem>>, vector<1x128x128xi32>
    %swap3A_103 = vector.shape_cast %swap3A_102 : vector<1x128x128xi32> to vector<128x128xi32>
    %swap3A_104 = vector.shape_cast %slice3A_99 : vector<128x128xi32> to vector<1x128x128xi32>
    tpu.vector_store %arg2[%swap3A, %swap3A_100, %swap3A_101], %swap3A_104 {strides = array<i32>} : memref<16x128x128xi32, #tpu.memory_space<vmem>>, vector<1x128x128xi32>,
    %slice3A_105 = vector.extract_strided_slice %or3A {offsets = [0, 128], sizes = [128, 128], strides = [1, 1]} : vector<512x512xi32> to vector<128x128xi32>
    %swap3A_106 = arith.constant 1 : index
    %swap3A_107 = arith.constant 0 : index
    %swap3A_108 = arith.constant 0 : index
    %swap3A_109 = vector.load %arg2[%swap3A_106, %swap3A_107, %swap3A_108] : memref<16x128x128xi32, #tpu.memory_space<vmem>>, vector<1x128x128xi32>
    %swap3A_110 = vector.shape_cast %swap3A_109 : vector<1x128x128xi32> to vector<128x128xi32>
    %swap3A_111 = vector.shape_cast %slice3A_105 : vector<128x128xi32> to vector<1x128x128xi32>
    tpu.vector_store %arg2[%swap3A_106, %swap3A_107, %swap3A_108], %swap3A_111 {strides = array<i32>} : memref<16x128x128xi32, #tpu.memory_space<vmem>>, vector<1x128x128xi32>,
    %slice3A_112 = vector.extract_strided_slice %or3A {offsets = [0, 256], sizes = [128, 128], strides = [1, 1]} : vector<512x512xi32> to vector<128x128xi32>
    %swap3A_113 = arith.constant 2 : index
    %swap3A_114 = arith.constant 0 : index
    %swap3A_115 = arith.constant 0 : index
    %swap3A_116 = vector.load %arg2[%swap3A_113, %swap3A_114, %swap3A_115] : memref<16x128x128xi32, #tpu.memory_space<vmem>>, vector<1x128x128xi32>
    %swap3A_117 = vector.shape_cast %swap3A_116 : vector<1x128x128xi32> to vector<128x128xi32>
    %swap3A_118 = vector.shape_cast %slice3A_112 : vector<128x128xi32> to vector<1x128x128xi32>
    tpu.vector_store %arg2[%swap3A_113, %swap3A_114, %swap3A_115], %swap3A_118 {strides = array<i32>} : memref<16x128x128xi32, #tpu.memory_space<vmem>>, vector<1x128x128xi32>,
    %slice3A_119 = vector.extract_strided_slice %or3A {offsets = [0, 384], sizes = [128, 128], strides = [1, 1]} : vector<512x512xi32> to vector<128x128xi32>
    %swap3A_120 = arith.constant 3 : index
    %swap3A_121 = arith.constant 0 : index
    %swap3A_122 = arith.constant 0 : index
    %swap3A_123 = vector.load %arg2[%swap3A_120, %swap3A_121, %swap3A_122] : memref<16x128x128xi32, #tpu.memory_space<vmem>>, vector<1x128x128xi32>
    %swap3A_124 = vector.shape_cast %swap3A_123 : vector<1x128x128xi32> to vector<128x128xi32>
    %swap3A_125 = vector.shape_cast %slice3A_119 : vector<128x128xi32> to vector<1x128x128xi32>
    tpu.vector_store %arg2[%swap3A_120, %swap3A_121, %swap3A_122], %swap3A_125 {strides = array<i32>} : memref<16x128x128xi32, #tpu.memory_space<vmem>>, vector<1x128x128xi32>,
    %slice3A_126 = vector.extract_strided_slice %or3A {offsets = [128, 0], sizes = [128, 128], strides = [1, 1]} : vector<512x512xi32> to vector<128x128xi32>
    %swap3A_127 = arith.constant 4 : index
    %swap3A_128 = arith.constant 0 : index
    %swap3A_129 = arith.constant 0 : index
    %swap3A_130 = vector.load %arg2[%swap3A_127, %swap3A_128, %swap3A_129] : memref<16x128x128xi32, #tpu.memory_space<vmem>>, vector<1x128x128xi32>
    %swap3A_131 = vector.shape_cast %swap3A_130 : vector<1x128x128xi32> to vector<128x128xi32>
    %swap3A_132 = vector.shape_cast %slice3A_126 : vector<128x128xi32> to vector<1x128x128xi32>
    tpu.vector_store %arg2[%swap3A_127, %swap3A_128, %swap3A_129], %swap3A_132 {strides = array<i32>} : memref<16x128x128xi32, #tpu.memory_space<vmem>>, vector<1x128x128xi32>,
    %slice3A_133 = vector.extract_strided_slice %or3A {offsets = [128, 128], sizes = [128, 128], strides = [1, 1]} : vector<512x512xi32> to vector<128x128xi32>
    %swap3A_134 = arith.constant 5 : index
    %swap3A_135 = arith.constant 0 : index
    %swap3A_136 = arith.constant 0 : index
    %swap3A_137 = vector.load %arg2[%swap3A_134, %swap3A_135, %swap3A_136] : memref<16x128x128xi32, #tpu.memory_space<vmem>>, vector<1x128x128xi32>
    %swap3A_138 = vector.shape_cast %swap3A_137 : vector<1x128x128xi32> to vector<128x128xi32>
    %swap3A_139 = vector.shape_cast %slice3A_133 : vector<128x128xi32> to vector<1x128x128xi32>
    tpu.vector_store %arg2[%swap3A_134, %swap3A_135, %swap3A_136], %swap3A_139 {strides = array<i32>} : memref<16x128x128xi32, #tpu.memory_space<vmem>>, vector<1x128x128xi32>,
    %slice3A_140 = vector.extract_strided_slice %or3A {offsets = [128, 256], sizes = [128, 128], strides = [1, 1]} : vector<512x512xi32> to vector<128x128xi32>
    %swap3A_141 = arith.constant 6 : index
    %swap3A_142 = arith.constant 0 : index
    %swap3A_143 = arith.constant 0 : index
    %swap3A_144 = vector.load %arg2[%swap3A_141, %swap3A_142, %swap3A_143] : memref<16x128x128xi32, #tpu.memory_space<vmem>>, vector<1x128x128xi32>
    %swap3A_145 = vector.shape_cast %swap3A_144 : vector<1x128x128xi32> to vector<128x128xi32>
    %swap3A_146 = vector.shape_cast %slice3A_140 : vector<128x128xi32> to vector<1x128x128xi32>
    tpu.vector_store %arg2[%swap3A_141, %swap3A_142, %swap3A_143], %swap3A_146 {strides = array<i32>} : memref<16x128x128xi32, #tpu.memory_space<vmem>>, vector<1x128x128xi32>,
    %slice3A_147 = vector.extract_strided_slice %or3A {offsets = [128, 384], sizes = [128, 128], strides = [1, 1]} : vector<512x512xi32> to vector<128x128xi32>
    %swap3A_148 = arith.constant 7 : index
    %swap3A_149 = arith.constant 0 : index
    %swap3A_150 = arith.constant 0 : index
    %swap3A_151 = vector.load %arg2[%swap3A_148, %swap3A_149, %swap3A_150] : memref<16x128x128xi32, #tpu.memory_space<vmem>>, vector<1x128x128xi32>
    %swap3A_152 = vector.shape_cast %swap3A_151 : vector<1x128x128xi32> to vector<128x128xi32>
    %swap3A_153 = vector.shape_cast %slice3A_147 : vector<128x128xi32> to vector<1x128x128xi32>
    tpu.vector_store %arg2[%swap3A_148, %swap3A_149, %swap3A_150], %swap3A_153 {strides = array<i32>} : memref<16x128x128xi32, #tpu.memory_space<vmem>>, vector<1x128x128xi32>,
    %slice3A_154 = vector.extract_strided_slice %or3A {offsets = [256, 0], sizes = [128, 128], strides = [1, 1]} : vector<512x512xi32> to vector<128x128xi32>
    %swap3A_155 = arith.constant 8 : index
    %swap3A_156 = arith.constant 0 : index
    %swap3A_157 = arith.constant 0 : index
    %swap3A_158 = vector.load %arg2[%swap3A_155, %swap3A_156, %swap3A_157] : memref<16x128x128xi32, #tpu.memory_space<vmem>>, vector<1x128x128xi32>
    %swap3A_159 = vector.shape_cast %swap3A_158 : vector<1x128x128xi32> to vector<128x128xi32>
    %swap3A_160 = vector.shape_cast %slice3A_154 : vector<128x128xi32> to vector<1x128x128xi32>
    tpu.vector_store %arg2[%swap3A_155, %swap3A_156, %swap3A_157], %swap3A_160 {strides = array<i32>} : memref<16x128x128xi32, #tpu.memory_space<vmem>>, vector<1x128x128xi32>,
    %slice3A_161 = vector.extract_strided_slice %or3A {offsets = [256, 128], sizes = [128, 128], strides = [1, 1]} : vector<512x512xi32> to vector<128x128xi32>
    %swap3A_162 = arith.constant 9 : index
    %swap3A_163 = arith.constant 0 : index
    %swap3A_164 = arith.constant 0 : index
    %swap3A_165 = vector.load %arg2[%swap3A_162, %swap3A_163, %swap3A_164] : memref<16x128x128xi32, #tpu.memory_space<vmem>>, vector<1x128x128xi32>
    %swap3A_166 = vector.shape_cast %swap3A_165 : vector<1x128x128xi32> to vector<128x128xi32>
    %swap3A_167 = vector.shape_cast %slice3A_161 : vector<128x128xi32> to vector<1x128x128xi32>
    tpu.vector_store %arg2[%swap3A_162, %swap3A_163, %swap3A_164], %swap3A_167 {strides = array<i32>} : memref<16x128x128xi32, #tpu.memory_space<vmem>>, vector<1x128x128xi32>,
    %slice3A_168 = vector.extract_strided_slice %or3A {offsets = [256, 256], sizes = [128, 128], strides = [1, 1]} : vector<512x512xi32> to vector<128x128xi32>
    %swap3A_169 = arith.constant 10 : index
    %swap3A_170 = arith.constant 0 : index
    %swap3A_171 = arith.constant 0 : index
    %swap3A_172 = vector.load %arg2[%swap3A_169, %swap3A_170, %swap3A_171] : memref<16x128x128xi32, #tpu.memory_space<vmem>>, vector<1x128x128xi32>
    %swap3A_173 = vector.shape_cast %swap3A_172 : vector<1x128x128xi32> to vector<128x128xi32>
    %swap3A_174 = vector.shape_cast %slice3A_168 : vector<128x128xi32> to vector<1x128x128xi32>
    tpu.vector_store %arg2[%swap3A_169, %swap3A_170, %swap3A_171], %swap3A_174 {strides = array<i32>} : memref<16x128x128xi32, #tpu.memory_space<vmem>>, vector<1x128x128xi32>,
    %slice3A_175 = vector.extract_strided_slice %or3A {offsets = [256, 384], sizes = [128, 128], strides = [1, 1]} : vector<512x512xi32> to vector<128x128xi32>
    %swap3A_176 = arith.constant 11 : index
    %swap3A_177 = arith.constant 0 : index
    %swap3A_178 = arith.constant 0 : index
    %swap3A_179 = vector.load %arg2[%swap3A_176, %swap3A_177, %swap3A_178] : memref<16x128x128xi32, #tpu.memory_space<vmem>>, vector<1x128x128xi32>
    %swap3A_180 = vector.shape_cast %swap3A_179 : vector<1x128x128xi32> to vector<128x128xi32>
    %swap3A_181 = vector.shape_cast %slice3A_175 : vector<128x128xi32> to vector<1x128x128xi32>
    tpu.vector_store %arg2[%swap3A_176, %swap3A_177, %swap3A_178], %swap3A_181 {strides = array<i32>} : memref<16x128x128xi32, #tpu.memory_space<vmem>>, vector<1x128x128xi32>,
    %slice3A_182 = vector.extract_strided_slice %or3A {offsets = [384, 0], sizes = [128, 128], strides = [1, 1]} : vector<512x512xi32> to vector<128x128xi32>
    %swap3A_183 = arith.constant 12 : index
    %swap3A_184 = arith.constant 0 : index
    %swap3A_185 = arith.constant 0 : index
    %swap3A_186 = vector.load %arg2[%swap3A_183, %swap3A_184, %swap3A_185] : memref<16x128x128xi32, #tpu.memory_space<vmem>>, vector<1x128x128xi32>
    %swap3A_187 = vector.shape_cast %swap3A_186 : vector<1x128x128xi32> to vector<128x128xi32>
    %swap3A_188 = vector.shape_cast %slice3A_182 : vector<128x128xi32> to vector<1x128x128xi32>
    tpu.vector_store %arg2[%swap3A_183, %swap3A_184, %swap3A_185], %swap3A_188 {strides = array<i32>} : memref<16x128x128xi32, #tpu.memory_space<vmem>>, vector<1x128x128xi32>,
    %slice3A_189 = vector.extract_strided_slice %or3A {offsets = [384, 128], sizes = [128, 128], strides = [1, 1]} : vector<512x512xi32> to vector<128x128xi32>
    %swap3A_190 = arith.constant 13 : index
    %swap3A_191 = arith.constant 0 : index
    %swap3A_192 = arith.constant 0 : index
    %swap3A_193 = vector.load %arg2[%swap3A_190, %swap3A_191, %swap3A_192] : memref<16x128x128xi32, #tpu.memory_space<vmem>>, vector<1x128x128xi32>
    %swap3A_194 = vector.shape_cast %swap3A_193 : vector<1x128x128xi32> to vector<128x128xi32>
    %swap3A_195 = vector.shape_cast %slice3A_189 : vector<128x128xi32> to vector<1x128x128xi32>
    tpu.vector_store %arg2[%swap3A_190, %swap3A_191, %swap3A_192], %swap3A_195 {strides = array<i32>} : memref<16x128x128xi32, #tpu.memory_space<vmem>>, vector<1x128x128xi32>,
    %slice3A_196 = vector.extract_strided_slice %or3A {offsets = [384, 256], sizes = [128, 128], strides = [1, 1]} : vector<512x512xi32> to vector<128x128xi32>
    %swap3A_197 = arith.constant 14 : index
    %swap3A_198 = arith.constant 0 : index
    %swap3A_199 = arith.constant 0 : index
    %swap3A_200 = vector.load %arg2[%swap3A_197, %swap3A_198, %swap3A_199] : memref<16x128x128xi32, #tpu.memory_space<vmem>>, vector<1x128x128xi32>
    %swap3A_201 = vector.shape_cast %swap3A_200 : vector<1x128x128xi32> to vector<128x128xi32>
    %swap3A_202 = vector.shape_cast %slice3A_196 : vector<128x128xi32> to vector<1x128x128xi32>
    tpu.vector_store %arg2[%swap3A_197, %swap3A_198, %swap3A_199], %swap3A_202 {strides = array<i32>} : memref<16x128x128xi32, #tpu.memory_space<vmem>>, vector<1x128x128xi32>,
    %slice3A_203 = vector.extract_strided_slice %or3A {offsets = [384, 384], sizes = [128, 128], strides = [1, 1]} : vector<512x512xi32> to vector<128x128xi32>
    %swap3A_204 = arith.constant 15 : index
    %swap3A_205 = arith.constant 0 : index
    %swap3A_206 = arith.constant 0 : index
    %swap3A_207 = vector.load %arg2[%swap3A_204, %swap3A_205, %swap3A_206] : memref<16x128x128xi32, #tpu.memory_space<vmem>>, vector<1x128x128xi32>
    %swap3A_208 = vector.shape_cast %swap3A_207 : vector<1x128x128xi32> to vector<128x128xi32>
    %swap3A_209 = vector.shape_cast %slice3A_203 : vector<128x128xi32> to vector<1x128x128xi32>
    tpu.vector_store %arg2[%swap3A_204, %swap3A_205, %swap3A_206], %swap3A_209 {strides = array<i32>} : memref<16x128x128xi32, #tpu.memory_space<vmem>>, vector<1x128x128xi32>,
    return
  }
  func.func @transform_0(%arg0: i32) -> (i32, i32, i32) {
    %add3A = arith.constant 0 : i32
    %add3A_0 = arith.addi %add3A, %arg0 : i32
    %c0_i32 = arith.constant 0 : i32
    %c0_i32_1 = arith.constant 0 : i32
    %c0_i32_2 = arith.constant 0 : i32
    return %add3A_0, %c0_i32, %c0_i32_1 : i32, i32, i32
  }
  func.func @transform_1(%arg0: i32) -> (i32, i32, i32) {
    %c0_i32 = arith.constant 0 : i32
    %c0_i32_0 = arith.constant 0 : i32
    %c0_i32_1 = arith.constant 0 : i32
    return %arg0, %c0_i32, %c0_i32_0 : i32, i32, i32
  }
}

module attributes {stable_mosaic.version = 14 : i64} {
  func.func @_conv_mag_bin_kernel(%arg0: i32, %arg1: memref<1x512x512xf32, #tpu.memory_space<vmem>>, %arg2: memref<16x128x128xi32, #tpu.memory_space<vmem>>) attributes {dimension_semantics = [#tpu.dimension_semantics<arbitrary>], iteration_bounds = array<i64: 20>, scalar_prefetch = 0 : i64, scratch_operands = 0 : i64, tpu.core_type = #tpu.core_type<tc>, window_params = [{transform_indices = @transform_0, window_bounds = array<i64: 1, 512, 512>}, {transform_indices = @transform_1, window_bounds = array<i64: 16, 128, 128>}]} {
    %get3A = arith.constant 0 : index
    %get3A_0 = arith.constant 0 : index
    %get3A_1 = arith.constant 0 : index
    %get3A_2 = vector.load %arg1[%get3A, %get3A_0, %get3A_1] : memref<1x512x512xf32, #tpu.memory_space<vmem>>, vector<1x512x512xf32>
    %get3A_3 = vector.shape_cast %get3A_2 : vector<1x512x512xf32> to vector<512x512xf32>
    %broadcast_in_dim3A = arith.constant 0.000000e+00 : f32
    %broadcast_in_dim3A_4 = vector.broadcast %broadcast_in_dim3A : f32 to vector<1x512xf32>
    %broadcast_in_dim3A_5 = arith.constant 0.000000e+00 : f32
    %broadcast_in_dim3A_6 = vector.broadcast %broadcast_in_dim3A_5 : f32 to vector<512x1xf32>
    %slice3A = vector.extract_strided_slice %get3A_3 {offsets = [0, 0], sizes = [511, 512], strides = [1, 1]} : vector<512x512xf32> to vector<511x512xf32>
    %concatenate3A = tpu.concatenate %broadcast_in_dim3A_4, %slice3A in 0 : vector<1x512xf32>, vector<511x512xf32> -> vector<512x512xf32>
    %slice3A_7 = vector.extract_strided_slice %get3A_3 {offsets = [1, 0], sizes = [511, 512], strides = [1, 1]} : vector<512x512xf32> to vector<511x512xf32>
    %concatenate3A_8 = tpu.concatenate %slice3A_7, %broadcast_in_dim3A_4 in 0 : vector<511x512xf32>, vector<1x512xf32> -> vector<512x512xf32>
    %add3A = arith.addf %concatenate3A, %concatenate3A_8 : vector<512x512xf32>
    %slice3A_9 = vector.extract_strided_slice %get3A_3 {offsets = [0, 0], sizes = [512, 511], strides = [1, 1]} : vector<512x512xf32> to vector<512x511xf32>
    %concatenate3A_10 = tpu.concatenate %broadcast_in_dim3A_6, %slice3A_9 in 1 : vector<512x1xf32>, vector<512x511xf32> -> vector<512x512xf32>
    %add3A_11 = arith.addf %add3A, %concatenate3A_10 : vector<512x512xf32>
    %slice3A_12 = vector.extract_strided_slice %get3A_3 {offsets = [0, 1], sizes = [512, 511], strides = [1, 1]} : vector<512x512xf32> to vector<512x511xf32>
    %concatenate3A_13 = tpu.concatenate %slice3A_12, %broadcast_in_dim3A_6 in 1 : vector<512x511xf32>, vector<512x1xf32> -> vector<512x512xf32>
    %add3A_14 = arith.addf %add3A_11, %concatenate3A_13 : vector<512x512xf32>
    %mul3A = arith.constant 4.000000e+00 : f32
    %mul3A_15 = vector.broadcast %mul3A : f32 to vector<512x512xf32>
    %mul3A_16 = arith.mulf %mul3A_15, %get3A_3 : vector<512x512xf32>
    %sub3A = arith.subf %add3A_14, %mul3A_16 : vector<512x512xf32>
    %slice3A_17 = vector.extract_strided_slice %sub3A {offsets = [0, 1], sizes = [512, 511], strides = [1, 1]} : vector<512x512xf32> to vector<512x511xf32>
    %concatenate3A_18 = tpu.concatenate %slice3A_17, %broadcast_in_dim3A_6 in 1 : vector<512x511xf32>, vector<512x1xf32> -> vector<512x512xf32>
    %slice3A_19 = vector.extract_strided_slice %sub3A {offsets = [0, 0], sizes = [512, 511], strides = [1, 1]} : vector<512x512xf32> to vector<512x511xf32>
    %concatenate3A_20 = tpu.concatenate %broadcast_in_dim3A_6, %slice3A_19 in 1 : vector<512x1xf32>, vector<512x511xf32> -> vector<512x512xf32>
    %sub3A_21 = arith.subf %concatenate3A_18, %concatenate3A_20 : vector<512x512xf32>
    %add3A_22 = arith.addf %concatenate3A_18, %concatenate3A_20 : vector<512x512xf32>
    %mul3A_23 = arith.constant 2.000000e+00 : f32
    %mul3A_24 = vector.broadcast %mul3A_23 : f32 to vector<512x512xf32>
    %mul3A_25 = arith.mulf %mul3A_24, %sub3A : vector<512x512xf32>
    %add3A_26 = arith.addf %add3A_22, %mul3A_25 : vector<512x512xf32>
    %slice3A_27 = vector.extract_strided_slice %sub3A_21 {offsets = [0, 0], sizes = [511, 512], strides = [1, 1]} : vector<512x512xf32> to vector<511x512xf32>
    %concatenate3A_28 = tpu.concatenate %broadcast_in_dim3A_4, %slice3A_27 in 0 : vector<1x512xf32>, vector<511x512xf32> -> vector<512x512xf32>
    %mul3A_29 = arith.constant 2.000000e+00 : f32
    %mul3A_30 = vector.broadcast %mul3A_29 : f32 to vector<512x512xf32>
    %mul3A_31 = arith.mulf %mul3A_30, %sub3A_21 : vector<512x512xf32>
    %add3A_32 = arith.addf %concatenate3A_28, %mul3A_31 : vector<512x512xf32>
    %slice3A_33 = vector.extract_strided_slice %sub3A_21 {offsets = [1, 0], sizes = [511, 512], strides = [1, 1]} : vector<512x512xf32> to vector<511x512xf32>
    %concatenate3A_34 = tpu.concatenate %slice3A_33, %broadcast_in_dim3A_4 in 0 : vector<511x512xf32>, vector<1x512xf32> -> vector<512x512xf32>
    %add3A_35 = arith.addf %add3A_32, %concatenate3A_34 : vector<512x512xf32>
    %slice3A_36 = vector.extract_strided_slice %add3A_26 {offsets = [1, 0], sizes = [511, 512], strides = [1, 1]} : vector<512x512xf32> to vector<511x512xf32>
    %concatenate3A_37 = tpu.concatenate %slice3A_36, %broadcast_in_dim3A_4 in 0 : vector<511x512xf32>, vector<1x512xf32> -> vector<512x512xf32>
    %slice3A_38 = vector.extract_strided_slice %add3A_26 {offsets = [0, 0], sizes = [511, 512], strides = [1, 1]} : vector<512x512xf32> to vector<511x512xf32>
    %concatenate3A_39 = tpu.concatenate %broadcast_in_dim3A_4, %slice3A_38 in 0 : vector<1x512xf32>, vector<511x512xf32> -> vector<512x512xf32>
    %sub3A_40 = arith.subf %concatenate3A_37, %concatenate3A_39 : vector<512x512xf32>
    %mul3A_41 = arith.mulf %add3A_35, %add3A_35 : vector<512x512xf32>
    %mul3A_42 = arith.mulf %sub3A_40, %sub3A_40 : vector<512x512xf32>
    %add3A_43 = arith.addf %mul3A_41, %mul3A_42 : vector<512x512xf32>
    %add3A_44 = arith.constant 9.99999993E-9 : f32
    %add3A_45 = vector.broadcast %add3A_44 : f32 to vector<512x512xf32>
    %add3A_46 = arith.addf %add3A_43, %add3A_45 : vector<512x512xf32>
    %sqrt3A = math.sqrt %add3A_46 : vector<512x512xf32>
    %div3A = arith.divf %sub3A_40, %add3A_35 : vector<512x512xf32>
    %ge3A = arith.constant -0.176326975 : f32
    %ge3A_47 = vector.broadcast %ge3A : f32 to vector<512x512xf32>
    %ge3A_48 = arith.cmpf oge, %div3A, %ge3A_47 : vector<512x512xf32>
    %jit3A = arith.constant 0.577350259 : f32
    %jit3A_49 = arith.constant -1.19175363 : f32
    %broadcast_in_dim3A_50 = vector.broadcast %jit3A : f32 to vector<512x512xf32>
    %broadcast_in_dim3A_51 = vector.broadcast %jit3A_49 : f32 to vector<512x512xf32>
    %select_n3A = arith.select %ge3A_48, %broadcast_in_dim3A_50, %broadcast_in_dim3A_51 : vector<512x512xi1>, vector<512x512xf32>
    %ge3A_52 = arith.cmpf oge, %div3A, %select_n3A : vector<512x512xf32>
    %jit3A_53 = arith.constant 1.19175363 : f32
    %jit3A_54 = arith.constant 0.176326975 : f32
    %broadcast_in_dim3A_55 = vector.broadcast %jit3A_53 : f32 to vector<512x512xf32>
    %broadcast_in_dim3A_56 = vector.broadcast %jit3A_54 : f32 to vector<512x512xf32>
    %select_n3A_57 = arith.select %ge3A_52, %broadcast_in_dim3A_55, %broadcast_in_dim3A_56 : vector<512x512xi1>, vector<512x512xf32>
    %jit3A_58 = arith.constant -0.577350259 : f32
    %jit3A_59 = arith.constant -2.74747753 : f32
    %broadcast_in_dim3A_60 = vector.broadcast %jit3A_58 : f32 to vector<512x512xf32>
    %broadcast_in_dim3A_61 = vector.broadcast %jit3A_59 : f32 to vector<512x512xf32>
    %select_n3A_62 = arith.select %ge3A_52, %broadcast_in_dim3A_60, %broadcast_in_dim3A_61 : vector<512x512xi1>, vector<512x512xf32>
    %select_n3A_63 = arith.select %ge3A_48, %select_n3A_57, %select_n3A_62 : vector<512x512xi1>, vector<512x512xf32>
    %ge3A_64 = arith.cmpf oge, %div3A, %select_n3A_63 : vector<512x512xf32>
    %jit3A_65 = arith.constant 4 : i32
    %jit3A_66 = arith.constant 0 : i32
    %broadcast_in_dim3A_67 = vector.broadcast %jit3A_65 : i32 to vector<512x512xi32>
    %broadcast_in_dim3A_68 = vector.broadcast %jit3A_66 : i32 to vector<512x512xi32>
    %select_n3A_69 = arith.select %ge3A_48, %broadcast_in_dim3A_67, %broadcast_in_dim3A_68 : vector<512x512xi1>, vector<512x512xi32>
    %jit3A_70 = arith.constant 2 : i32
    %jit3A_71 = arith.constant 0 : i32
    %broadcast_in_dim3A_72 = vector.broadcast %jit3A_70 : i32 to vector<512x512xi32>
    %broadcast_in_dim3A_73 = vector.broadcast %jit3A_71 : i32 to vector<512x512xi32>
    %select_n3A_74 = arith.select %ge3A_52, %broadcast_in_dim3A_72, %broadcast_in_dim3A_73 : vector<512x512xi1>, vector<512x512xi32>
    %add3A_75 = arith.addi %select_n3A_69, %select_n3A_74 : vector<512x512xi32>
    %jit3A_76 = arith.constant 1 : i32
    %jit3A_77 = arith.constant 0 : i32
    %broadcast_in_dim3A_78 = vector.broadcast %jit3A_76 : i32 to vector<512x512xi32>
    %broadcast_in_dim3A_79 = vector.broadcast %jit3A_77 : i32 to vector<512x512xi32>
    %select_n3A_80 = arith.select %ge3A_64, %broadcast_in_dim3A_78, %broadcast_in_dim3A_79 : vector<512x512xi1>, vector<512x512xi32>
    %add3A_81 = arith.addi %add3A_75, %select_n3A_80 : vector<512x512xi32>
    %ge3A_82 = arith.constant 2.74747753 : f32
    %ge3A_83 = vector.broadcast %ge3A_82 : f32 to vector<512x512xf32>
    %ge3A_84 = arith.cmpf oge, %div3A, %ge3A_83 : vector<512x512xf32>
    %jit3A_85 = arith.constant 1 : i32
    %jit3A_86 = arith.constant 0 : i32
    %broadcast_in_dim3A_87 = vector.broadcast %jit3A_85 : i32 to vector<512x512xi32>
    %broadcast_in_dim3A_88 = vector.broadcast %jit3A_86 : i32 to vector<512x512xi32>
    %select_n3A_89 = arith.select %ge3A_84, %broadcast_in_dim3A_87, %broadcast_in_dim3A_88 : vector<512x512xi1>, vector<512x512xi32>
    %add3A_90 = arith.addi %add3A_81, %select_n3A_89 : vector<512x512xi32>
    %mul3A_91 = arith.constant 1.638400e+04 : f32
    %mul3A_92 = vector.broadcast %mul3A_91 : f32 to vector<512x512xf32>
    %mul3A_93 = arith.mulf %sqrt3A, %mul3A_92 : vector<512x512xf32>
    %add3A_94 = arith.constant 5.000000e-01 : f32
    %add3A_95 = vector.broadcast %add3A_94 : f32 to vector<512x512xf32>
    %add3A_96 = arith.addf %mul3A_93, %add3A_95 : vector<512x512xf32>
    %convert_element_type3A = arith.fptosi %add3A_96 : vector<512x512xf32> to vector<512x512xi32>
    %shift_left3A = arith.constant 4 : i32
    %shift_left3A_97 = vector.broadcast %shift_left3A : i32 to vector<512x512xi32>
    %shift_left3A_98 = arith.shli %convert_element_type3A, %shift_left3A_97 : vector<512x512xi32>
    %or3A = arith.ori %shift_left3A_98, %add3A_90 : vector<512x512xi32>
    %slice3A_99 = vector.extract_strided_slice %or3A {offsets = [0, 0], sizes = [128, 128], strides = [1, 1]} : vector<512x512xi32> to vector<128x128xi32>
    %swap3A = arith.constant 0 : index
    %swap3A_100 = arith.constant 0 : index
    %swap3A_101 = arith.constant 0 : index
    %swap3A_102 = vector.load %arg2[%swap3A, %swap3A_100, %swap3A_101] : memref<16x128x128xi32, #tpu.memory_space<vmem>>, vector<1x128x128xi32>
    %swap3A_103 = vector.shape_cast %swap3A_102 : vector<1x128x128xi32> to vector<128x128xi32>
    %swap3A_104 = vector.shape_cast %slice3A_99 : vector<128x128xi32> to vector<1x128x128xi32>
    tpu.vector_store %arg2[%swap3A, %swap3A_100, %swap3A_101], %swap3A_104 {strides = array<i32>} : memref<16x128x128xi32, #tpu.memory_space<vmem>>, vector<1x128x128xi32>,
    %slice3A_105 = vector.extract_strided_slice %or3A {offsets = [0, 128], sizes = [128, 128], strides = [1, 1]} : vector<512x512xi32> to vector<128x128xi32>
    %swap3A_106 = arith.constant 1 : index
    %swap3A_107 = arith.constant 0 : index
    %swap3A_108 = arith.constant 0 : index
    %swap3A_109 = vector.load %arg2[%swap3A_106, %swap3A_107, %swap3A_108] : memref<16x128x128xi32, #tpu.memory_space<vmem>>, vector<1x128x128xi32>
    %swap3A_110 = vector.shape_cast %swap3A_109 : vector<1x128x128xi32> to vector<128x128xi32>
    %swap3A_111 = vector.shape_cast %slice3A_105 : vector<128x128xi32> to vector<1x128x128xi32>
    tpu.vector_store %arg2[%swap3A_106, %swap3A_107, %swap3A_108], %swap3A_111 {strides = array<i32>} : memref<16x128x128xi32, #tpu.memory_space<vmem>>, vector<1x128x128xi32>,
    %slice3A_112 = vector.extract_strided_slice %or3A {offsets = [0, 256], sizes = [128, 128], strides = [1, 1]} : vector<512x512xi32> to vector<128x128xi32>
    %swap3A_113 = arith.constant 2 : index
    %swap3A_114 = arith.constant 0 : index
    %swap3A_115 = arith.constant 0 : index
    %swap3A_116 = vector.load %arg2[%swap3A_113, %swap3A_114, %swap3A_115] : memref<16x128x128xi32, #tpu.memory_space<vmem>>, vector<1x128x128xi32>
    %swap3A_117 = vector.shape_cast %swap3A_116 : vector<1x128x128xi32> to vector<128x128xi32>
    %swap3A_118 = vector.shape_cast %slice3A_112 : vector<128x128xi32> to vector<1x128x128xi32>
    tpu.vector_store %arg2[%swap3A_113, %swap3A_114, %swap3A_115], %swap3A_118 {strides = array<i32>} : memref<16x128x128xi32, #tpu.memory_space<vmem>>, vector<1x128x128xi32>,
    %slice3A_119 = vector.extract_strided_slice %or3A {offsets = [0, 384], sizes = [128, 128], strides = [1, 1]} : vector<512x512xi32> to vector<128x128xi32>
    %swap3A_120 = arith.constant 3 : index
    %swap3A_121 = arith.constant 0 : index
    %swap3A_122 = arith.constant 0 : index
    %swap3A_123 = vector.load %arg2[%swap3A_120, %swap3A_121, %swap3A_122] : memref<16x128x128xi32, #tpu.memory_space<vmem>>, vector<1x128x128xi32>
    %swap3A_124 = vector.shape_cast %swap3A_123 : vector<1x128x128xi32> to vector<128x128xi32>
    %swap3A_125 = vector.shape_cast %slice3A_119 : vector<128x128xi32> to vector<1x128x128xi32>
    tpu.vector_store %arg2[%swap3A_120, %swap3A_121, %swap3A_122], %swap3A_125 {strides = array<i32>} : memref<16x128x128xi32, #tpu.memory_space<vmem>>, vector<1x128x128xi32>,
    %slice3A_126 = vector.extract_strided_slice %or3A {offsets = [128, 0], sizes = [128, 128], strides = [1, 1]} : vector<512x512xi32> to vector<128x128xi32>
    %swap3A_127 = arith.constant 4 : index
    %swap3A_128 = arith.constant 0 : index
    %swap3A_129 = arith.constant 0 : index
    %swap3A_130 = vector.load %arg2[%swap3A_127, %swap3A_128, %swap3A_129] : memref<16x128x128xi32, #tpu.memory_space<vmem>>, vector<1x128x128xi32>
    %swap3A_131 = vector.shape_cast %swap3A_130 : vector<1x128x128xi32> to vector<128x128xi32>
    %swap3A_132 = vector.shape_cast %slice3A_126 : vector<128x128xi32> to vector<1x128x128xi32>
    tpu.vector_store %arg2[%swap3A_127, %swap3A_128, %swap3A_129], %swap3A_132 {strides = array<i32>} : memref<16x128x128xi32, #tpu.memory_space<vmem>>, vector<1x128x128xi32>,
    %slice3A_133 = vector.extract_strided_slice %or3A {offsets = [128, 128], sizes = [128, 128], strides = [1, 1]} : vector<512x512xi32> to vector<128x128xi32>
    %swap3A_134 = arith.constant 5 : index
    %swap3A_135 = arith.constant 0 : index
    %swap3A_136 = arith.constant 0 : index
    %swap3A_137 = vector.load %arg2[%swap3A_134, %swap3A_135, %swap3A_136] : memref<16x128x128xi32, #tpu.memory_space<vmem>>, vector<1x128x128xi32>
    %swap3A_138 = vector.shape_cast %swap3A_137 : vector<1x128x128xi32> to vector<128x128xi32>
    %swap3A_139 = vector.shape_cast %slice3A_133 : vector<128x128xi32> to vector<1x128x128xi32>
    tpu.vector_store %arg2[%swap3A_134, %swap3A_135, %swap3A_136], %swap3A_139 {strides = array<i32>} : memref<16x128x128xi32, #tpu.memory_space<vmem>>, vector<1x128x128xi32>,
    %slice3A_140 = vector.extract_strided_slice %or3A {offsets = [128, 256], sizes = [128, 128], strides = [1, 1]} : vector<512x512xi32> to vector<128x128xi32>
    %swap3A_141 = arith.constant 6 : index
    %swap3A_142 = arith.constant 0 : index
    %swap3A_143 = arith.constant 0 : index
    %swap3A_144 = vector.load %arg2[%swap3A_141, %swap3A_142, %swap3A_143] : memref<16x128x128xi32, #tpu.memory_space<vmem>>, vector<1x128x128xi32>
    %swap3A_145 = vector.shape_cast %swap3A_144 : vector<1x128x128xi32> to vector<128x128xi32>
    %swap3A_146 = vector.shape_cast %slice3A_140 : vector<128x128xi32> to vector<1x128x128xi32>
    tpu.vector_store %arg2[%swap3A_141, %swap3A_142, %swap3A_143], %swap3A_146 {strides = array<i32>} : memref<16x128x128xi32, #tpu.memory_space<vmem>>, vector<1x128x128xi32>,
    %slice3A_147 = vector.extract_strided_slice %or3A {offsets = [128, 384], sizes = [128, 128], strides = [1, 1]} : vector<512x512xi32> to vector<128x128xi32>
    %swap3A_148 = arith.constant 7 : index
    %swap3A_149 = arith.constant 0 : index
    %swap3A_150 = arith.constant 0 : index
    %swap3A_151 = vector.load %arg2[%swap3A_148, %swap3A_149, %swap3A_150] : memref<16x128x128xi32, #tpu.memory_space<vmem>>, vector<1x128x128xi32>
    %swap3A_152 = vector.shape_cast %swap3A_151 : vector<1x128x128xi32> to vector<128x128xi32>
    %swap3A_153 = vector.shape_cast %slice3A_147 : vector<128x128xi32> to vector<1x128x128xi32>
    tpu.vector_store %arg2[%swap3A_148, %swap3A_149, %swap3A_150], %swap3A_153 {strides = array<i32>} : memref<16x128x128xi32, #tpu.memory_space<vmem>>, vector<1x128x128xi32>,
    %slice3A_154 = vector.extract_strided_slice %or3A {offsets = [256, 0], sizes = [128, 128], strides = [1, 1]} : vector<512x512xi32> to vector<128x128xi32>
    %swap3A_155 = arith.constant 8 : index
    %swap3A_156 = arith.constant 0 : index
    %swap3A_157 = arith.constant 0 : index
    %swap3A_158 = vector.load %arg2[%swap3A_155, %swap3A_156, %swap3A_157] : memref<16x128x128xi32, #tpu.memory_space<vmem>>, vector<1x128x128xi32>
    %swap3A_159 = vector.shape_cast %swap3A_158 : vector<1x128x128xi32> to vector<128x128xi32>
    %swap3A_160 = vector.shape_cast %slice3A_154 : vector<128x128xi32> to vector<1x128x128xi32>
    tpu.vector_store %arg2[%swap3A_155, %swap3A_156, %swap3A_157], %swap3A_160 {strides = array<i32>} : memref<16x128x128xi32, #tpu.memory_space<vmem>>, vector<1x128x128xi32>,
    %slice3A_161 = vector.extract_strided_slice %or3A {offsets = [256, 128], sizes = [128, 128], strides = [1, 1]} : vector<512x512xi32> to vector<128x128xi32>
    %swap3A_162 = arith.constant 9 : index
    %swap3A_163 = arith.constant 0 : index
    %swap3A_164 = arith.constant 0 : index
    %swap3A_165 = vector.load %arg2[%swap3A_162, %swap3A_163, %swap3A_164] : memref<16x128x128xi32, #tpu.memory_space<vmem>>, vector<1x128x128xi32>
    %swap3A_166 = vector.shape_cast %swap3A_165 : vector<1x128x128xi32> to vector<128x128xi32>
    %swap3A_167 = vector.shape_cast %slice3A_161 : vector<128x128xi32> to vector<1x128x128xi32>
    tpu.vector_store %arg2[%swap3A_162, %swap3A_163, %swap3A_164], %swap3A_167 {strides = array<i32>} : memref<16x128x128xi32, #tpu.memory_space<vmem>>, vector<1x128x128xi32>,
    %slice3A_168 = vector.extract_strided_slice %or3A {offsets = [256, 256], sizes = [128, 128], strides = [1, 1]} : vector<512x512xi32> to vector<128x128xi32>
    %swap3A_169 = arith.constant 10 : index
    %swap3A_170 = arith.constant 0 : index
    %swap3A_171 = arith.constant 0 : index
    %swap3A_172 = vector.load %arg2[%swap3A_169, %swap3A_170, %swap3A_171] : memref<16x128x128xi32, #tpu.memory_space<vmem>>, vector<1x128x128xi32>
    %swap3A_173 = vector.shape_cast %swap3A_172 : vector<1x128x128xi32> to vector<128x128xi32>
    %swap3A_174 = vector.shape_cast %slice3A_168 : vector<128x128xi32> to vector<1x128x128xi32>
    tpu.vector_store %arg2[%swap3A_169, %swap3A_170, %swap3A_171], %swap3A_174 {strides = array<i32>} : memref<16x128x128xi32, #tpu.memory_space<vmem>>, vector<1x128x128xi32>,
    %slice3A_175 = vector.extract_strided_slice %or3A {offsets = [256, 384], sizes = [128, 128], strides = [1, 1]} : vector<512x512xi32> to vector<128x128xi32>
    %swap3A_176 = arith.constant 11 : index
    %swap3A_177 = arith.constant 0 : index
    %swap3A_178 = arith.constant 0 : index
    %swap3A_179 = vector.load %arg2[%swap3A_176, %swap3A_177, %swap3A_178] : memref<16x128x128xi32, #tpu.memory_space<vmem>>, vector<1x128x128xi32>
    %swap3A_180 = vector.shape_cast %swap3A_179 : vector<1x128x128xi32> to vector<128x128xi32>
    %swap3A_181 = vector.shape_cast %slice3A_175 : vector<128x128xi32> to vector<1x128x128xi32>
    tpu.vector_store %arg2[%swap3A_176, %swap3A_177, %swap3A_178], %swap3A_181 {strides = array<i32>} : memref<16x128x128xi32, #tpu.memory_space<vmem>>, vector<1x128x128xi32>,
    %slice3A_182 = vector.extract_strided_slice %or3A {offsets = [384, 0], sizes = [128, 128], strides = [1, 1]} : vector<512x512xi32> to vector<128x128xi32>
    %swap3A_183 = arith.constant 12 : index
    %swap3A_184 = arith.constant 0 : index
    %swap3A_185 = arith.constant 0 : index
    %swap3A_186 = vector.load %arg2[%swap3A_183, %swap3A_184, %swap3A_185] : memref<16x128x128xi32, #tpu.memory_space<vmem>>, vector<1x128x128xi32>
    %swap3A_187 = vector.shape_cast %swap3A_186 : vector<1x128x128xi32> to vector<128x128xi32>
    %swap3A_188 = vector.shape_cast %slice3A_182 : vector<128x128xi32> to vector<1x128x128xi32>
    tpu.vector_store %arg2[%swap3A_183, %swap3A_184, %swap3A_185], %swap3A_188 {strides = array<i32>} : memref<16x128x128xi32, #tpu.memory_space<vmem>>, vector<1x128x128xi32>,
    %slice3A_189 = vector.extract_strided_slice %or3A {offsets = [384, 128], sizes = [128, 128], strides = [1, 1]} : vector<512x512xi32> to vector<128x128xi32>
    %swap3A_190 = arith.constant 13 : index
    %swap3A_191 = arith.constant 0 : index
    %swap3A_192 = arith.constant 0 : index
    %swap3A_193 = vector.load %arg2[%swap3A_190, %swap3A_191, %swap3A_192] : memref<16x128x128xi32, #tpu.memory_space<vmem>>, vector<1x128x128xi32>
    %swap3A_194 = vector.shape_cast %swap3A_193 : vector<1x128x128xi32> to vector<128x128xi32>
    %swap3A_195 = vector.shape_cast %slice3A_189 : vector<128x128xi32> to vector<1x128x128xi32>
    tpu.vector_store %arg2[%swap3A_190, %swap3A_191, %swap3A_192], %swap3A_195 {strides = array<i32>} : memref<16x128x128xi32, #tpu.memory_space<vmem>>, vector<1x128x128xi32>,
    %slice3A_196 = vector.extract_strided_slice %or3A {offsets = [384, 256], sizes = [128, 128], strides = [1, 1]} : vector<512x512xi32> to vector<128x128xi32>
    %swap3A_197 = arith.constant 14 : index
    %swap3A_198 = arith.constant 0 : index
    %swap3A_199 = arith.constant 0 : index
    %swap3A_200 = vector.load %arg2[%swap3A_197, %swap3A_198, %swap3A_199] : memref<16x128x128xi32, #tpu.memory_space<vmem>>, vector<1x128x128xi32>
    %swap3A_201 = vector.shape_cast %swap3A_200 : vector<1x128x128xi32> to vector<128x128xi32>
    %swap3A_202 = vector.shape_cast %slice3A_196 : vector<128x128xi32> to vector<1x128x128xi32>
    tpu.vector_store %arg2[%swap3A_197, %swap3A_198, %swap3A_199], %swap3A_202 {strides = array<i32>} : memref<16x128x128xi32, #tpu.memory_space<vmem>>, vector<1x128x128xi32>,
    %slice3A_203 = vector.extract_strided_slice %or3A {offsets = [384, 384], sizes = [128, 128], strides = [1, 1]} : vector<512x512xi32> to vector<128x128xi32>
    %swap3A_204 = arith.constant 15 : index
    %swap3A_205 = arith.constant 0 : index
    %swap3A_206 = arith.constant 0 : index
    %swap3A_207 = vector.load %arg2[%swap3A_204, %swap3A_205, %swap3A_206] : memref<16x128x128xi32, #tpu.memory_space<vmem>>, vector<1x128x128xi32>
    %swap3A_208 = vector.shape_cast %swap3A_207 : vector<1x128x128xi32> to vector<128x128xi32>
    %swap3A_209 = vector.shape_cast %slice3A_203 : vector<128x128xi32> to vector<1x128x128xi32>
    tpu.vector_store %arg2[%swap3A_204, %swap3A_205, %swap3A_206], %swap3A_209 {strides = array<i32>} : memref<16x128x128xi32, #tpu.memory_space<vmem>>, vector<1x128x128xi32>,
    return
  }
  func.func @transform_0(%arg0: i32) -> (i32, i32, i32) {
    %add3A = arith.constant 40 : i32
    %add3A_0 = arith.addi %add3A, %arg0 : i32
    %c0_i32 = arith.constant 0 : i32
    %c0_i32_1 = arith.constant 0 : i32
    %c0_i32_2 = arith.constant 0 : i32
    return %add3A_0, %c0_i32, %c0_i32_1 : i32, i32, i32
  }
  func.func @transform_1(%arg0: i32) -> (i32, i32, i32) {
    %c0_i32 = arith.constant 0 : i32
    %c0_i32_0 = arith.constant 0 : i32
    %c0_i32_1 = arith.constant 0 : i32
    return %arg0, %c0_i32, %c0_i32_0 : i32, i32, i32
  }
}

module attributes {stable_mosaic.version = 14 : i64} {
  func.func @_collapse_norm_kernel(%arg0: memref<1024x144xf32, #tpu.memory_space<vmem>>, %arg1: memref<4x1x336x9xf32, #tpu.memory_space<vmem>>) attributes {dimension_semantics = [], scalar_prefetch = 0 : i64, scratch_operands = 0 : i64, tpu.core_type = #tpu.core_type<tc>} {
    %get3A = arith.constant 0 : index
    %get3A_0 = arith.constant 0 : index
    %get3A_1 = vector.load %arg0[%get3A, %get3A_0] : memref<1024x144xf32, #tpu.memory_space<vmem>>, vector<1024x144xf32>
    %iota3A = tpu.iota {dimensions = array<i32: 0>} : vector<144x9xi32>
    %iota3A_2 = tpu.iota {dimensions = array<i32: 1>} : vector<144x9xi32>
    %jit3A = arith.constant 16 : i32
    %div3A = vector.broadcast %jit3A : i32 to vector<144x9xi32>
    %div3A_3 = arith.divsi %iota3A, %div3A : vector<144x9xi32>
    %sign3A = arith.constant 0 : i32
    %sign3A_4 = vector.broadcast %sign3A : i32 to vector<144x9xi32>
    %sign3A_5 = arith.cmpi sgt, %iota3A, %sign3A_4 : vector<144x9xi32>
    %sign3A_6 = arith.extui %sign3A_5 : vector<144x9xi1> to vector<144x9xi32>
    %sign3A_7 = arith.constant 0 : i32
    %sign3A_8 = vector.broadcast %sign3A_7 : i32 to vector<144x9xi32>
    %sign3A_9 = arith.cmpi slt, %iota3A, %sign3A_8 : vector<144x9xi32>
    %sign3A_10 = arith.extui %sign3A_9 : vector<144x9xi1> to vector<144x9xi32>
    %sign3A_11 = arith.subi %sign3A_6, %sign3A_10 : vector<144x9xi32>
    %sign3A_12 = arith.constant 0 : i32
    %sign3A_13 = arith.cmpi sgt, %jit3A, %sign3A_12 : i32
    %sign3A_14 = arith.extui %sign3A_13 : i1 to i32
    %sign3A_15 = arith.constant 0 : i32
    %sign3A_16 = arith.cmpi slt, %jit3A, %sign3A_15 : i32
    %sign3A_17 = arith.extui %sign3A_16 : i1 to i32
    %sign3A_18 = arith.subi %sign3A_14, %sign3A_17 : i32
    %ne3A = vector.broadcast %sign3A_18 : i32 to vector<144x9xi32>
    %ne3A_19 = arith.cmpi ne, %sign3A_11, %ne3A : vector<144x9xi32>
    %rem3A = vector.broadcast %jit3A : i32 to vector<144x9xi32>
    %rem3A_20 = arith.remsi %iota3A, %rem3A : vector<144x9xi32>
    %ne3A_21 = arith.constant 0 : i32
    %ne3A_22 = vector.broadcast %ne3A_21 : i32 to vector<144x9xi32>
    %ne3A_23 = arith.cmpi ne, %rem3A_20, %ne3A_22 : vector<144x9xi32>
    %and3A = arith.andi %ne3A_19, %ne3A_23 : vector<144x9xi1>
    %sub3A = arith.constant 1 : i32
    %sub3A_24 = vector.broadcast %sub3A : i32 to vector<144x9xi32>
    %sub3A_25 = arith.subi %div3A_3, %sub3A_24 : vector<144x9xi32>
    %select_n3A = arith.select %and3A, %sub3A_25, %div3A_3 : vector<144x9xi1>, vector<144x9xi32>
    %eq3A = arith.cmpi eq, %select_n3A, %iota3A_2 : vector<144x9xi32>
    %jit3A_26 = arith.constant 6.10351563E-5 : f32
    %jit3A_27 = arith.constant 0.000000e+00 : f32
    %broadcast_in_dim3A = vector.broadcast %jit3A_26 : f32 to vector<144x9xf32>
    %broadcast_in_dim3A_28 = vector.broadcast %jit3A_27 : f32 to vector<144x9xf32>
    %select_n3A_29 = arith.select %eq3A, %broadcast_in_dim3A, %broadcast_in_dim3A_28 : vector<144x9xi1>, vector<144x9xf32>
    %dot_general3A = arith.constant dense<0.000000e+00> : vector<1024x9xf32>
    %dot_general3A_30 = tpu.matmul %get3A_1, %select_n3A_29, %dot_general3A {dimension_numbers = #tpu.dot_dimension_numbers<[1], [0], [0], [1], [0, 0, 1, 1], [], []>, transpose_lhs_hint = false} : vector<1024x144xf32>, vector<144x9xf32>, vector<1024x9xf32> -> vector<1024x9xf32>
    %reshape3A = vector.shape_cast %dot_general3A_30 : vector<1024x9xf32> to vector<64x16x9xf32>
    %slice3A = vector.extract_strided_slice %reshape3A {offsets = [0, 0, 0], sizes = [64, 1, 9], strides = [1, 1, 1]} : vector<64x16x9xf32> to vector<64x1x9xf32>
    %slice3A_31 = vector.extract_strided_slice %reshape3A {offsets = [0, 1, 0], sizes = [64, 1, 9], strides = [1, 1, 1]} : vector<64x16x9xf32> to vector<64x1x9xf32>
    %add3A = arith.addf %slice3A, %slice3A_31 : vector<64x1x9xf32>
    %slice3A_32 = vector.extract_strided_slice %reshape3A {offsets = [0, 4, 0], sizes = [64, 1, 9], strides = [1, 1, 1]} : vector<64x16x9xf32> to vector<64x1x9xf32>
    %add3A_33 = arith.addf %add3A, %slice3A_32 : vector<64x1x9xf32>
    %slice3A_34 = vector.extract_strided_slice %reshape3A {offsets = [0, 5, 0], sizes = [64, 1, 9], strides = [1, 1, 1]} : vector<64x16x9xf32> to vector<64x1x9xf32>
    %add3A_35 = arith.addf %add3A_33, %slice3A_34 : vector<64x1x9xf32>
    %slice3A_36 = vector.extract_strided_slice %reshape3A {offsets = [0, 2, 0], sizes = [64, 1, 9], strides = [1, 1, 1]} : vector<64x16x9xf32> to vector<64x1x9xf32>
    %slice3A_37 = vector.extract_strided_slice %reshape3A {offsets = [0, 3, 0], sizes = [64, 1, 9], strides = [1, 1, 1]} : vector<64x16x9xf32> to vector<64x1x9xf32>
    %add3A_38 = arith.addf %slice3A_36, %slice3A_37 : vector<64x1x9xf32>
    %slice3A_39 = vector.extract_strided_slice %reshape3A {offsets = [0, 6, 0], sizes = [64, 1, 9], strides = [1, 1, 1]} : vector<64x16x9xf32> to vector<64x1x9xf32>
    %add3A_40 = arith.addf %add3A_38, %slice3A_39 : vector<64x1x9xf32>
    %slice3A_41 = vector.extract_strided_slice %reshape3A {offsets = [0, 7, 0], sizes = [64, 1, 9], strides = [1, 1, 1]} : vector<64x16x9xf32> to vector<64x1x9xf32>
    %add3A_42 = arith.addf %add3A_40, %slice3A_41 : vector<64x1x9xf32>
    %slice3A_43 = vector.extract_strided_slice %reshape3A {offsets = [0, 8, 0], sizes = [64, 1, 9], strides = [1, 1, 1]} : vector<64x16x9xf32> to vector<64x1x9xf32>
    %slice3A_44 = vector.extract_strided_slice %reshape3A {offsets = [0, 9, 0], sizes = [64, 1, 9], strides = [1, 1, 1]} : vector<64x16x9xf32> to vector<64x1x9xf32>
    %add3A_45 = arith.addf %slice3A_43, %slice3A_44 : vector<64x1x9xf32>
    %slice3A_46 = vector.extract_strided_slice %reshape3A {offsets = [0, 12, 0], sizes = [64, 1, 9], strides = [1, 1, 1]} : vector<64x16x9xf32> to vector<64x1x9xf32>
    %add3A_47 = arith.addf %add3A_45, %slice3A_46 : vector<64x1x9xf32>
    %slice3A_48 = vector.extract_strided_slice %reshape3A {offsets = [0, 13, 0], sizes = [64, 1, 9], strides = [1, 1, 1]} : vector<64x16x9xf32> to vector<64x1x9xf32>
    %add3A_49 = arith.addf %add3A_47, %slice3A_48 : vector<64x1x9xf32>
    %slice3A_50 = vector.extract_strided_slice %reshape3A {offsets = [0, 10, 0], sizes = [64, 1, 9], strides = [1, 1, 1]} : vector<64x16x9xf32> to vector<64x1x9xf32>
    %slice3A_51 = vector.extract_strided_slice %reshape3A {offsets = [0, 11, 0], sizes = [64, 1, 9], strides = [1, 1, 1]} : vector<64x16x9xf32> to vector<64x1x9xf32>
    %add3A_52 = arith.addf %slice3A_50, %slice3A_51 : vector<64x1x9xf32>
    %slice3A_53 = vector.extract_strided_slice %reshape3A {offsets = [0, 14, 0], sizes = [64, 1, 9], strides = [1, 1, 1]} : vector<64x16x9xf32> to vector<64x1x9xf32>
    %add3A_54 = arith.addf %add3A_52, %slice3A_53 : vector<64x1x9xf32>
    %slice3A_55 = vector.extract_strided_slice %reshape3A {offsets = [0, 15, 0], sizes = [64, 1, 9], strides = [1, 1, 1]} : vector<64x16x9xf32> to vector<64x1x9xf32>
    %add3A_56 = arith.addf %add3A_54, %slice3A_55 : vector<64x1x9xf32>
    %add3A_57 = arith.addf %add3A_35, %add3A_42 : vector<64x1x9xf32>
    %add3A_58 = arith.addf %add3A_57, %add3A_49 : vector<64x1x9xf32>
    %add3A_59 = arith.addf %add3A_58, %add3A_56 : vector<64x1x9xf32>
    %concatenate3A = tpu.concatenate %add3A_59, %add3A_35, %add3A_42, %add3A_49, %add3A_56, %reshape3A in 1 : vector<64x1x9xf32>, vector<64x1x9xf32>, vector<64x1x9xf32>, vector<64x1x9xf32>, vector<64x1x9xf32>, vector<64x16x9xf32> -> vector<64x21x9xf32>
    %reduce_sum3A = arith.constant dense<0.000000e+00> : vector<64x21xf32>
    %reduce_sum3A_60 = vector.multi_reduction <add>, %concatenate3A, %reduce_sum3A [2] : vector<64x21x9xf32> to vector<64x21xf32>
    %broadcast_in_dim3A_61 = vector.shape_cast %reduce_sum3A_60 : vector<64x21xf32> to vector<64x21x1xf32>
    %add3A_62 = arith.constant 9.99999993E-9 : f32
    %add3A_63 = vector.broadcast %add3A_62 : f32 to vector<64x21x1xf32>
    %add3A_64 = arith.addf %broadcast_in_dim3A_61, %add3A_63 : vector<64x21x1xf32>
    %div3A_65 = vector.broadcast %add3A_64 : vector<64x21x1xf32> to vector<64x21x9xf32>
    %div3A_66 = arith.divf %concatenate3A, %div3A_65 : vector<64x21x9xf32>
    %mul3A = arith.mulf %div3A_66, %div3A_66 : vector<64x21x9xf32>
    %reduce_sum3A_67 = arith.constant dense<0.000000e+00> : vector<64x21xf32>
    %reduce_sum3A_68 = vector.multi_reduction <add>, %mul3A, %reduce_sum3A_67 [2] : vector<64x21x9xf32> to vector<64x21xf32>
    %broadcast_in_dim3A_69 = vector.shape_cast %reduce_sum3A_68 : vector<64x21xf32> to vector<64x21x1xf32>
    %sqrt3A = math.sqrt %broadcast_in_dim3A_69 : vector<64x21x1xf32>
    %max3A = arith.constant 9.99999996E-13 : f32
    %max3A_70 = vector.broadcast %max3A : f32 to vector<64x21x1xf32>
    %max3A_71 = arith.maximumf %sqrt3A, %max3A_70 : vector<64x21x1xf32>
    %div3A_72 = vector.broadcast %max3A_71 : vector<64x21x1xf32> to vector<64x21x9xf32>
    %div3A_73 = arith.divf %div3A_66, %div3A_72 : vector<64x21x9xf32>
    %slice3A_74 = vector.extract_strided_slice %div3A_73 {offsets = [0, 0, 4], sizes = [64, 21, 1], strides = [1, 1, 1]} : vector<64x21x9xf32> to vector<64x21x1xf32>
    %slice3A_75 = vector.extract_strided_slice %div3A_73 {offsets = [0, 0, 5], sizes = [64, 21, 1], strides = [1, 1, 1]} : vector<64x21x9xf32> to vector<64x21x1xf32>
    %slice3A_76 = vector.extract_strided_slice %div3A_73 {offsets = [0, 0, 6], sizes = [64, 21, 1], strides = [1, 1, 1]} : vector<64x21x9xf32> to vector<64x21x1xf32>
    %slice3A_77 = vector.extract_strided_slice %div3A_73 {offsets = [0, 0, 7], sizes = [64, 21, 1], strides = [1, 1, 1]} : vector<64x21x9xf32> to vector<64x21x1xf32>
    %slice3A_78 = vector.extract_strided_slice %div3A_73 {offsets = [0, 0, 8], sizes = [64, 21, 1], strides = [1, 1, 1]} : vector<64x21x9xf32> to vector<64x21x1xf32>
    %slice3A_79 = vector.extract_strided_slice %div3A_73 {offsets = [0, 0, 0], sizes = [64, 21, 1], strides = [1, 1, 1]} : vector<64x21x9xf32> to vector<64x21x1xf32>
    %slice3A_80 = vector.extract_strided_slice %div3A_73 {offsets = [0, 0, 1], sizes = [64, 21, 1], strides = [1, 1, 1]} : vector<64x21x9xf32> to vector<64x21x1xf32>
    %slice3A_81 = vector.extract_strided_slice %div3A_73 {offsets = [0, 0, 2], sizes = [64, 21, 1], strides = [1, 1, 1]} : vector<64x21x9xf32> to vector<64x21x1xf32>
    %slice3A_82 = vector.extract_strided_slice %div3A_73 {offsets = [0, 0, 3], sizes = [64, 21, 1], strides = [1, 1, 1]} : vector<64x21x9xf32> to vector<64x21x1xf32>
    %concatenate3A_83 = tpu.concatenate %slice3A_74, %slice3A_75, %slice3A_76, %slice3A_77, %slice3A_78, %slice3A_79, %slice3A_80, %slice3A_81, %slice3A_82 in 2 : vector<64x21x1xf32>, vector<64x21x1xf32>, vector<64x21x1xf32>, vector<64x21x1xf32>, vector<64x21x1xf32>, vector<64x21x1xf32>, vector<64x21x1xf32>, vector<64x21x1xf32>, vector<64x21x1xf32> -> vector<64x21x9xf32>
    %slice3A_84 = vector.extract_strided_slice %concatenate3A_83 {offsets = [0, 0, 0], sizes = [64, 1, 9], strides = [1, 1, 1]} : vector<64x21x9xf32> to vector<64x1x9xf32>
    %reshape3A_85 = vector.shape_cast %slice3A_84 : vector<64x1x9xf32> to vector<4x16x9xf32>
    %slice3A_86 = vector.extract_strided_slice %concatenate3A_83 {offsets = [0, 1, 0], sizes = [64, 4, 9], strides = [1, 1, 1]} : vector<64x21x9xf32> to vector<64x4x9xf32>
    %reshape3A_87 = vector.shape_cast %slice3A_86 : vector<64x4x9xf32> to vector<4x64x9xf32>
    %slice3A_88 = vector.extract_strided_slice %concatenate3A_83 {offsets = [0, 5, 0], sizes = [64, 16, 9], strides = [1, 1, 1]} : vector<64x21x9xf32> to vector<64x16x9xf32>
    %reshape3A_89 = vector.shape_cast %slice3A_88 : vector<64x16x9xf32> to vector<4x256x9xf32>
    %concatenate3A_90 = tpu.concatenate %reshape3A_85, %reshape3A_87, %reshape3A_89 in 1 : vector<4x16x9xf32>, vector<4x64x9xf32>, vector<4x256x9xf32> -> vector<4x336x9xf32>
    %swap3A = arith.constant 0 : index
    %swap3A_91 = arith.constant 0 : index
    %swap3A_92 = arith.constant 0 : index
    %swap3A_93 = arith.constant 0 : index
    %swap3A_94 = vector.load %arg1[%swap3A, %swap3A_91, %swap3A_92, %swap3A_93] : memref<4x1x336x9xf32, #tpu.memory_space<vmem>>, vector<4x1x336x9xf32>
    %swap3A_95 = vector.shape_cast %swap3A_94 : vector<4x1x336x9xf32> to vector<4x336x9xf32>
    %swap3A_96 = vector.shape_cast %concatenate3A_90 : vector<4x336x9xf32> to vector<4x1x336x9xf32>
    tpu.vector_store %arg1[%swap3A, %swap3A_91, %swap3A_92, %swap3A_93], %swap3A_96 {strides = array<i32>} : memref<4x1x336x9xf32, #tpu.memory_space<vmem>>, vector<4x1x336x9xf32>,
    return
  }
}

</mosaic_0001>

<sc_bundles>
// kernel: kernel.11.cloned.1.call-start
scs
__scs_entry_jumppad:
0x0: {  	(pc) =	sbr.rel $0x88, $3  }
0x1: {  	(tag) =	ssettag $0x0;
	lr =	simm.s32 $0x1  }
0x2: {  	[smem:$0x3FA0] =	sst lr;
	_ =	strace $0xD0000000  }
0x3: {  	_ = 	snop  }
0x4: {  	_ = 	snop  }
0x5: {  	_ = 	snop  }
0x6: {  	_ = 	snop  }
0x7: {  	_ = 	snop  }
__scs_overlays_trampoline_lowered:
0x8: {  	[smem:$0x3FAF] =	sst s0  }
0x9: {  	[smem:$0x3FB0] =	sst s1  }
0xa: {  	[smem:$0x3FB1] =	sst s2  }
0xb: {  	[smem:$0x3FB2] =	sst s3  }
0xc: {  	[smem:$0x3FB3] =	sst s4  }
0xd: {  	[smem:$0x3FB4] =	sst s5  }
0xe: {  	[smem:$0x3FB5] =	sst s6  }
0xf: {  	[smem:$0x3FB6] =	sst s7  }
0x10: {  	[smem:$0x3FB7] =	sst s8  }
0x11: {  	[smem:$0x3FB8] =	sst s9;
	s0 =	simm.s32 @!p0 $0x0  }
0x12: {  	s1 =	sld [smem:$0x3F9E];
	s0 =	simm.s32 @p0 $0x1  }
0x13: {  	[smem:$0x3FB9] =	sst s0;
	s0 =	simm.s32 @!p1 $0x0  }
0x14: {  	s2 =	sld [smem:$0x3F9D];
	s0 =	simm.s32 @p1 $0x1  }
0x15: {  	[smem:$0x3FBA] =	sst s0;
	s0 =	simm.s32 @!p2 $0x0  }
0x16: {  	s3 =	sld [smem:$0x3FDB];
	s0 =	simm.s32 @p2 $0x1  }
0x17: {  	s4 =	simm.s32 $0x1BF5;
	[smem:$0x3FBC] =	sst s0  }
0x18: {  	s0 =	sld [smem:$0x3F9F];
	_ =	swait.ge [sflag:s4], $0x0  }
0x19: {  	s7 =	sld [smem:$0x3FA0]  }
0x1a: {  	s8 =	sadd.s32 $0xFFFFE003, lr  }
0x1b: {  	s9 =	sadd.s32 $0xFFFFFEF7, lr;
	s5 =	simm.s32 $0xFFFFFFFF;
	p2 =	slt.u32 s8, $0xFFFFF086  }
0x1c: {  	p1 =	slt.u32 s9, $0xF7A;
	s5 =	simm.s32 @!p2 $0x0  }
0x1d: {  	s5 =	simm.s32 @p1 $0x1;
	p0 =	seq.s32 s7, s2  }
0x1e: {  	s7 =	smul.u32 @!p0 $0xF7A, s2;
	p2 =	seq.s32 @!p0 s5, $0x0  }
0x1f: {  	s9 =	smul.u32 $0xF7A, s1;
	s8 =	simm.s32 @!p0 $0x1BF5;
	p2 =	por !p2, p0  }
0x20: {  	[sflag:s8] =	ssyncset.s32 @!p0 $0xFFFFF086;
	s6 =	sadd.s32 @!p0 s3, s7;
	s7 =	simm.s32 @!p0 $0x108  }
0x21: {  	s3 =	sadd.s32 s3, s9;
	s6 =	sadd.s32 @!p0 $0x88, s6;
	s7 =	simm.s32 @p2 $0x1082  }
0x22: {  	[simem:s7], [sflag:s8] =	dma.local @!p0 [hbm:s6], $0xF7A  }
0x23: {  	s9 =	sor.u32 $0xD0000000, s2;
	s6 =	simm.s32 $0x108;
	_ =	swait.ge @!p0 [sflag:s8], $0x0  }
0x24: {  	s3 =	sadd.s32 $0x88, s3;
	s6 =	simm.s32 @!p1 $0x1082;
	[sflag:s4] =	ssyncset.s32 $0xFFFFF086  }
0x25: {  	[simem:s6], [sflag:s4] =	dma.local [hbm:s3], $0xF7A  }
0x26: {  	[smem:$0x3FA0] =	sst s1;
	(tag) =	ssettag s2;
	_ =	strace s9  }
0x27: {  	s1 =	sld [smem:$0x3FB0]  }
0x28: {  	s2 =	sld [smem:$0x3FB1]  }
0x29: {  	s4 =	sld [smem:$0x3FB3]  }
0x2a: {  	p0 =	seq.s32 s5, $0x0;
	s5 =	sld [smem:$0x3FB4]  }
0x2b: {  	s6 =	sld [smem:$0x3FB5]  }
0x2c: {  	s7 =	sld [smem:$0x3FB6]  }
0x2d: {  	s3 =	simm.s32 $0x108;
	s8 =	sld [smem:$0x3FB7]  }
0x2e: {  	s3 =	simm.s32 @!p0 $0x1082;
	s9 =	sld [smem:$0x3FB8]  }
0x2f: {  	lr =	sadd.s32 s0, s3;
	s0 =	sld [smem:$0x3FAF]  }
0x30: {  	s3 =	sld [smem:$0x3FB2]  }
0x31: {  	[smem:$0x3FBB] =	sst s10  }
0x32: {  	s10 =	sld [smem:$0x3FB9];
	_ =	sdelay $0x3  }
0x33: {  	p0 =	seq.s32 s10, $0x1;
	s10 =	sld [smem:$0x3FBB];
	_ =	sdelay $0x3  }
0x34: {  	[smem:$0x3FBB] =	sst s10  }
0x35: {  	s10 =	sld [smem:$0x3FBA];
	_ =	sdelay $0x3  }
0x36: {  	p1 =	seq.s32 s10, $0x1;
	s10 =	sld [smem:$0x3FBB];
	_ =	sdelay $0x3  }
0x37: {  	[smem:$0x3FBB] =	sst s10  }
0x38: {  	s10 =	sld [smem:$0x3FBC]  }
0x39: {  	_ = 	snop;
	(pc) =	sbr.ind lr, $3  }
0x3a: {  	_ = 	snop  }
0x3b: {  	_ = 	snop  }
0x3c: {  	p2 =	seq.s32 s10, $0x1;
	s10 =	sld [smem:$0x3FBB]  }
0x3d: {  	_ =	shalt  }
0x3e: {  	_ =	shalt  }
0x3f: {  	_ =	shalt  }
0x40: {  	_ =	shalt  }
0x41: {  	_ =	shalt  }
0x42: {  	_ =	shalt  }
0x43: {  	_ =	shalt  }
0x44: {  	_ =	shalt  }
0x45: {  	_ =	shalt  }
0x46: {  	_ =	shalt  }
0x47: {  	_ =	shalt  }
0x48: {  	_ =	shalt  }
0x49: {  	_ =	shalt  }
0x4a: {  	_ =	shalt  }
0x4b: {  	_ =	shalt  }
0x4c: {  	_ =	shalt  }
0x4d: {  	_ =	shalt  }
0x4e: {  	_ =	shalt  }
0x4f: {  	_ =	shalt  }
0x50: {  	_ =	shalt  }
0x51: {  	_ =	shalt  }
0x52: {  	_ =	shalt  }
0x53: {  	_ =	shalt  }
0x54: {  	_ =	shalt  }
0x55: {  	_ =	shalt  }
0x56: {  	_ =	shalt  }
0x57: {  	_ =	shalt  }
0x58: {  	_ =	shalt  }
0x59: {  	_ =	shalt  }
0x5a: {  	_ =	shalt  }
0x5b: {  	_ =	shalt  }
0x5c: {  	_ =	shalt  }
0x5d: {  	_ =	shalt  }
0x5e: {  	_ =	shalt  }
0x5f: {  	_ =	shalt  }
0x60: {  	_ =	shalt  }
0x61: {  	_ =	shalt  }
0x62: {  	_ =	shalt  }
0x63: {  	_ =	shalt  }
0x64: {  	_ =	shalt  }
0x65: {  	_ =	shalt  }
0x66: {  	_ =	shalt  }
0x67: {  	_ =	shalt  }
0x68: {  	_ =	shalt  }
0x69: {  	_ =	shalt  }
0x6a: {  	_ =	shalt  }
0x6b: {  	_ =	shalt  }
0x6c: {  	_ =	shalt  }
0x6d: {  	_ =	shalt  }
0x6e: {  	_ =	shalt  }
0x6f: {  	_ =	shalt  }
0x70: {  	_ =	shalt  }
0x71: {  	_ =	shalt  }
0x72: {  	_ =	shalt  }
0x73: {  	_ =	shalt  }
0x74: {  	_ =	shalt  }
0x75: {  	_ =	shalt  }
0x76: {  	_ =	shalt  }
0x77: {  	_ =	shalt  }
0x78: {  	_ =	shalt  }
0x79: {  	_ =	shalt  }
0x7a: {  	_ =	shalt  }
0x7b: {  	_ =	shalt  }
0x7c: {  	_ =	shalt  }
0x7d: {  	_ =	shalt  }
0x7e: {  	_ =	shalt  }
0x7f: {  	_ =	shalt  }
0x80: {  	_ =	shalt  }
0x81: {  	_ =	shalt  }
0x82: {  	_ =	shalt  }
0x83: {  	_ =	shalt  }
0x84: {  	_ =	shalt  }
0x85: {  	_ =	shalt  }
0x86: {  	_ =	shalt  }
0x87: {  	_ =	shalt  }
.Lfunc_end0:
.L_simem_size_0:
called_computation_lowered:
.L_overlay_start_0:
0x88: {  	s2 =	sld [smem:$0x3FD9]  }
0x89: {  	s3 =	sld [smem:$0x3FFE];
	_ =	sdelay $0x1  }
0x8a: {  	s1 =	srdreg.scid  }
0x8b: {  	s0 =	sand.u32 $0x1, s1  }
0x8c: {  	s16 =	sshll.u32 s0, $0xA;
	s2 =	sadd.s32 s3, s2  }
0x8d: {  	s2 =	sadd.s32 s2, s16  }
0x8e: {  	[smem:$0x3FC7] =	sst s2  }
0x8f: {  	_ = 	snop  }
0x90: {  	(tm) =	ssettm $0x1  }
0x91: {  	s17 =	sld [smem:$0x3FFB];
	_ =	sdelay $0x3  }
0x92: {  	_ =	strace s17  }
0x93: {  	s2 =	sld [smem:$0x3FFC];
	_ =	sdelay $0x3  }
0x94: {  	_ =	strace s2  }
0x95: {  	s2 =	sld [smem:$0x3FFD];
	_ =	sdelay $0x3  }
0x96: {  	_ =	strace s2  }
0x97: {  	_ =	strace $0x8FFFFFFF  }
0x98: {  	s18 =	sld [smem:$0x3FDB];
	_ =	sdelay $0x1  }
0x99: {  	s19 =	simm.s32 $_scs_section_size  }
0x9a: {  	s4 =	simm.s32 $_size__tile_overlayer_lowered;
	s5 =	simm.s32 $_tile_overlayer_lowered  }
0x9b: {  	s22 =	simm.s32 $0x1BFF;
	s21 =	sshll.u32 s5, $0x1;
	s2 =	sadd.s32 s19, s18  }
0x9c: {  	s6 =	simm.s32 $0x0;
	s20 =	sshll.u32 s4, $0x1;
	s4 =	sadd.s32 s21, s2  }
0x9d: {  	[timem:s6], [sflag:s22] =	dma.local [hbm:s4], s20  }
0x9e: {  	_ =	swait.ge [sflag:s22], s20  }
0x9f: {  	s3 =	ssub.s32 $0x0, s20;
	[sflag:s22] =	ssyncset.done $0x0  }
0xa0: {  	[sflag:s22] =	ssyncadd.s32 s3;
	_ =	sdelay $0x1  }
0xa1: {  	s23 =	simm.s32 $0x1B8B  }
0xa2: {  	_ =	swait.ge [sflag:s23], $0x1  }
0xa3: {  	[sflag:s23] =	ssyncset.done $0x0  }
0xa4: {  	s25 =	simm.s32 $0x1B8E;
	s24 =	sld [smem:$0x3FFE];
	[sflag:s23] =	ssyncadd.s32 $0xFFFFFFFF  }
0xa5: {  	s26 =	simm.s32 $execute0_lowered;
	[smem:$0x3FD2] =	sst s25  }
0xa6: {  	s4 =	sshll.u32 s26, $0x1;
	_ =	strace $0x80000046;
	[dreg:$0x1] =	wrdreg $0xFFFFFFFF  }
0xa7: {  	s28 =	simm.s32 $_size_execute0_lowered;
	s2 =	sadd.s32 s2, s4;
	[dreg:$0x0] =	wrdreg $0x0  }
0xa8: {  	s4 =	sshll.u32 s28, $0x1;
	[dreg:$0x2] =	wrdreg s2  }
0xa9: {  	[dreg:$0x3] =	wrdreg s4  }
0xaa: {  	[dreg:$0x4] =	wrdreg $0xC0  }
0xab: {  	_ =	task [dreg:s6], $0x5FFFF  }
0xac: {  	[dreg:$0x1] =	wrdreg $0xFFFFFFFF  }
0xad: {  	[dreg:$0x0] =	wrdreg $0x60  }
0xae: {  	[dreg:$0x2] =	wrdreg s24  }
0xaf: {  	[dreg:$0x3] =	wrdreg $0x9  }
0xb0: {  	_ =	task.clear_ibuf [dreg:s6], $0x4FFFF;
	_ =	strace $0x90000046  }
0xb1: {  	s29 =	simm.s32 $0x9;
	_ =	strace $0x80000048  }
0xb2: {  	_ =	swait.ge [sflag:s29], $0x1  }
0xb3: {  	[sflag:s29] =	ssyncadd.s32 $0xFFFFFFFF  }
0xb4: {  	_ =	strace $0x90000048  }
0xb5: {  	_ =	sfence  }
0xb6: {  	s30 =	sld [smem:$0x0];
	_ =	sdelay $0x2  }
0xb7: {  	s31 =	sshll.u32 s1, $0xD;
	s1 =	sshrl.u32 s1, $0x2  }
0xb8: {  	s3 =	sand.u32 $0x4000, s31;
	s1 =	sadd.s32 s1, s30  }
0xb9: {  	s0 =	sor.u32 s3, s0;
	s1 =	sshll.u32 s1, $0x11  }
0xba: {  	s0 =	sor.u32 s1, s0  }
0xbb: {  	s0 =	sadd.s32 $0x8F2B, s0  }
0xbc: {  	[sflag:s0] =	ssyncadd.remote.s32 $0x1  }
0xbd: {  	_ =	sfence.sel $0xFFFF  }
0xbe: {  	[dreg:$0x0] =	wrdreg $0xFFFFFFFF;
	(pc) =	sbr.abs _section_cstart, $3  }
0xbf: {  	[dreg:$0x1] =	wrdreg $0xFFFFFFFF  }
0xc0: {  	_ =	task.clear_ibuf [dreg:s6], $0x2FFFF;
	_ =	strace $0x9FFFFFFF  }
0xc1: {  	(tm) =	ssettm $0x7FFFFFFF  }
tec
execute0_lowered:
.L_overlay_start_1:
0x0: {  	(tag) =	ssettag $0x1  }
0x1: {  	s1 =	srdreg.scid  }
0x2: {  	s0 =	stileid.u32;
	s7 =	rddreg [dreg:$0x0]  }
0x3: {  	s2 =	simm.s32 $0x0;
	s10 =	simm.s32 $0x1;
	s11 =	simm.s32 $0x8000  }
0x4: {  	s12 =	simm.s32 $0x80;
	s3 =	sand.u32 $0x1, s1;
	s30 =	sshll.u32 s0, $0x1  }
0x5: {  	s13 =	simm.s32 $0x400;
	s14 =	simm.s32 $0x3;
	s4 =	sor.u32 s3, s30  }
0x6: {  	s15 =	simm.s32 $0x2;
	s1 =	rddreg [dreg:$0x1];
	s5 =	smul.u32 $0x5000, s4  }
.Ltmp0:
0x7: {  	s16 =	simm.s32 $0x0;
	[smem:$0x7FF] =	sst s2;
	(pc) =	sbr.rel .LBB2_1-.Ltmp0, $4  }
0x8: {  	s6 =	ssub.s32 $0x2, s3;
	_ =	strace $0x80000047;
	s3 =	sadd.s32 $0xA1800, s7  }
0x9: {  	s31 =	sshrl.u32 s6, $0x1;
	s4 =	smul.u32 $0xA, s4;
	s8 =	sadd.s32 s5, s7  }
0xa: {  	s9 =	ssub.s32 s6, s31;
	s7 =	sadd.s32 $0x2800, s7;
	s5 =	sadd.s32 $0x1800, s8  }
0xb: {  	v0 =	vimm.f32 $0.0e+00;
	v1 =	vlaneseq.u32;
	s6 =	sadd.s32 $0x2000, s8;
	s8 =	smax.u32 s9, $0x1;
	s9 =	simm.s32 $0x4000  }
.LBB2_8:
0xc: {  	s16 =	sadd.s32 $0x1, s16  }
0xd: {  	p0 =	sne.s32 s16, s8  }
.Ltmp1:
0xe: {  	_ = 	snop;
	(pc) =	sbr.rel @!p0 .LBB2_9-.Ltmp1, $1  }
0xf: {  	_ =	sdelay $0x3  }
.LBB2_1:
0x10: {  	[tilespmem:s2], [sflag:$0x1] =	stream.linear.gather [hbm4b:s5+s2], $0x4000, $0x38;
	[tilespmem:$0x8100] =	vst v63  }
0x11: {  	s17 =	simm.s32 $0x0  }
0x12: {  	[tilespmem:s9], [sflag:$0x2] =	stream.linear.gather [hbm4b:s6+s2], $0x4000, $0x38;
	[tilespmem:$0x8100] =	vst v63  }
.LBB2_2:
0x13: {  	_ =	swait.ge [sflag:s10], $0x4000  }
0x14: {  	[sflag:s10] =	ssyncset.done $0x0  }
0x15: {  	[sflag:s10] =	ssyncadd.s32 $0xFFFFC000  }
0x16: {  	[tilespmem:$0x8000] =	vst v0  }
0x17: {  	[tilespmem:$0x8010] =	vst v0  }
0x18: {  	[tilespmem:$0x8020] =	vst v0  }
0x19: {  	[tilespmem:$0x8030] =	vst v0  }
0x1a: {  	[tilespmem:$0x8040] =	vst v0  }
0x1b: {  	[tilespmem:$0x8050] =	vst v0  }
0x1c: {  	[tilespmem:$0x8060] =	vst v0  }
0x1d: {  	[tilespmem:$0x8070] =	vst v0  }
0x1e: {  	s18 =	simm.s32 $0x0;
	[tilespmem:$0x8080] =	vst v0  }
0x1f: {  	v2 =	vld [tilespmem:s18+$0x10]  }
0x20: {  	v3 =	vld [tilespmem:s18+$0x0]  }
0x21: {  	v4 =	vld [tilespmem:s18+$0x20]  }
0x22: {  	v5 =	vld [tilespmem:s18+$0x30]  }
0x23: {  	v6 =	vld [tilespmem:s18+$0x40]  }
0x24: {  	v10 =	vld [tilespmem:s18+$0x50]  }
0x25: {  	v17 =	vld [tilespmem:s18+$0x80]  }
0x26: {  	v19 =	vld [tilespmem:s18+$0x90]  }
0x27: {  	v26 =	vld [tilespmem:s18+$0xB0]  }
0x28: {  	v7 =	vshll.u32 v3, $0x4;
	v8 =	vshll.u32 v2, $0x4;
	v9 =	vshra.s32 v2, $0x4  }
0x29: {  	v11 =	vshra.s32 v4, $0x4;
	v12 =	vshll.u32 v4, $0x4;
	v3 =	vshra.s32 v3, $0x4  }
0x2a: {  	v14 =	vshll.u32 v5, $0x4;
	v15 =	vshll.u32 v6, $0x4;
	v5 =	vshra.s32 v5, $0x4  }
0x2b: {  	v18 =	vshll.u32 v10, $0x4;
	v6 =	vshra.s32 v6, $0x4;
	v24 =	vshll.u32 v17, $0x4  }
0x2c: {  	v2 =	vld [tilespmem:s18+$0xD0];
	v61 =	vshll.u32 v19, $0x4;
	v17 =	vshra.s32 v17, $0x4;
	v63 =	vshll.u32 v26, $0x4  }
0x2d: {  	v4 =	vld [tilespmem:s18+$0xC0];
	v7 =	vor.u32 v1, v7;
	v8 =	vor.u32 v1, v8;
	v12 =	vor.u32 v1, v12  }
0x2e: {  	v15 =	vor.u32 v1, v15;
	v9 =	vcvt.s32.f32 v9;
	v13 =	vand.u32 $0xFF, v8;
	v8 =	vld [tilespmem:s18+$0x60]  }
0x2f: {  	v14 =	vor.u32 v1, v14;
	v11 =	vcvt.s32.f32 v11;
	v16 =	vand.u32 $0xFF, v7;
	v7 =	vld [tilespmem:s18+$0x70]  }
0x30: {  	v18 =	vor.u32 v1, v18;
	v21 =	vcvt.s32.f32 v5;
	v5 =	vshra.s32 v10, $0x4  }
0x31: {  	v22 =	vcvt.s32.f32 v6;
	v29 =	vcvt.s32.f32 v3;
	v12 =	vand.u32 $0xFF, v12  }
0x32: {  	v23 =	vld [tilespmem:s18+$0xA0];
	v15 =	vand.u32 $0xFF, v15;
	v18 =	vand.u32 $0xFF, v18;
	v14 =	vand.u32 $0xFF, v14  }
0x33: {  	v25 =	vcvt.s32.f32 v5;
	v20 =	vshll.u32 v2, $0x4;
	v6 =	vshll.u32 v4, $0x4  }
0x34: {  	v5 =	vld [tilespmem:s18+$0xF0];
	v6 =	vor.u32 v1, v6;
	v10 =	vshra.s32 v8, $0x4;
	v27 =	vshll.u32 v7, $0x4  }
0x35: {  	v3 =	vld [tilespmem:s18+$0xE0];
	v8 =	vshll.u32 v8, $0x4;
	v28 =	vcvt.s32.f32 v10;
	v10 =	vor.u32 v1, v27  }
0x36: {  	v30 =	vshra.s32 v7, $0x4;
	[tilespmem:v16+s11+$0x0] =	vst.idx.add.f32.msk $0xffff, v29;
	v7 =	vand.u32 $0xFF, v10;
	v10 =	vor.u32 v1, v8  }
0x37: {  	v16 =	vshll.u32 v23, $0x4;
	v27 =	vor.u32 v1, v61;
	[tilespmem:v13+s11+$0x0] =	vst.idx.add.f32.msk $0xffff, v9;
	v62 =	vand.u32 $0xFF, v10  }
0x38: {  	v9 =	vcvt.s32.f32 v17;
	v13 =	vor.u32 v1, v16;
	v16 =	vshra.s32 v26, $0x4;
	[tilespmem:v12+s11+$0x0] =	vst.idx.add.f32.msk $0xffff, v11  }
0x39: {  	v17 =	vor.u32 v1, v20;
	v8 =	vcvt.s32.f32 v30;
	v11 =	vshll.u32 v5, $0x4;
	[tilespmem:v14+s11+$0x0] =	vst.idx.add.f32.msk $0xffff, v21  }
0x3a: {  	v12 =	vand.u32 $0xFF, v27;
	v13 =	vand.u32 $0xFF, v13;
	v14 =	vor.u32 v1, v24;
	[tilespmem:v15+s11+$0x0] =	vst.idx.add.f32.msk $0xffff, v22  }
0x3b: {  	v10 =	vshra.s32 v19, $0x4;
	v19 =	vshra.s32 v23, $0x4;
	v15 =	vand.u32 $0xFF, v14;
	[tilespmem:v18+s11+$0x0] =	vst.idx.add.f32.msk $0xffff, v25  }
0x3c: {  	s18 =	simm.s32 $0x400;
	v10 =	vcvt.s32.f32 v10;
	v14 =	vcvt.s32.f32 v19;
	v18 =	vor.u32 v1, v63;
	[tilespmem:v62+s11+$0x0] =	vst.idx.add.f32.msk $0xffff, v28  }
.LBB2_3:
0x3d: {  	p0 =	sne.s32 s18, $0xFC00;
	v19 =	vshll.u32 v3, $0x4;
	v4 =	vshra.s32 v4, $0x4;
	v18 =	vand.u32 $0xFF, v18;
	s19 =	smov.u32 s18;
	s18 =	sadd.s32 $0x400, s18  }
0x3e: {  	v6 =	vand.u32 $0xFF, v6;
	v17 =	vand.u32 $0xFF, v17;
	v19 =	vor.u32 v1, v19  }
0x3f: {  	v16 =	vcvt.s32.f32 v16;
	v2 =	vshra.s32 v2, $0x4;
	v5 =	vshra.s32 v5, $0x4;
	[tilespmem:v7+s11+$0x0] =	vst.idx.add.f32.msk $0xffff, v8  }
0x40: {  	v3 =	vshra.s32 v3, $0x4;
	v7 =	vor.u32 v1, v11;
	v8 =	vand.u32 $0xFF, v19;
	[tilespmem:v15+s11+$0x0] =	vst.idx.add.f32.msk $0xffff, v9  }
0x41: {  	v4 =	vcvt.s32.f32 v4;
	v7 =	vand.u32 $0xFF, v7;
	[tilespmem:v12+s11+$0x0] =	vst.idx.add.f32.msk $0xffff, v10  }
0x42: {  	v2 =	vcvt.s32.f32 v2;
	[tilespmem:v13+s11+$0x0] =	vst.idx.add.f32.msk $0xffff, v14  }
0x43: {  	[tilespmem:v18+s11+$0x0] =	vst.idx.add.f32.msk $0xffff, v16  }
0x44: {  	v3 =	vcvt.s32.f32 v3;
	[tilespmem:v6+s11+$0x0] =	vst.idx.add.f32.msk $0xffff, v4  }
0x45: {  	v4 =	vcvt.s32.f32 v5;
	[tilespmem:v17+s11+$0x0] =	vst.idx.add.f32.msk $0xffff, v2  }
0x46: {  	[tilespmem:v8+s11+$0x0] =	vst.idx.add.f32.msk $0xffff, v3  }
0x47: {  	s19 =	sshra.s32 s19, $0x2;
	[tilespmem:v7+s11+$0x0] =	vst.idx.add.f32.msk $0xffff, v4  }
0x48: {  	v2 =	vld [tilespmem:s19+$0x10]  }
0x49: {  	v4 =	vld [tilespmem:s19+$0x0]  }
0x4a: {  	v5 =	vld [tilespmem:s19+$0x20]  }
0x4b: {  	v6 =	vld [tilespmem:s19+$0x30]  }
0x4c: {  	v7 =	vld [tilespmem:s19+$0x40]  }
0x4d: {  	v8 =	vld [tilespmem:s19+$0x50]  }
0x4e: {  	v10 =	vshll.u32 v2, $0x4;
	v11 =	vshra.s32 v2, $0x4;
	v3 =	vld [tilespmem:s19+$0xE0];
	v9 =	vshll.u32 v4, $0x4  }
0x4f: {  	v10 =	vor.u32 v1, v10;
	v12 =	vld [tilespmem:s19+$0x60];
	v9 =	vor.u32 v1, v9;
	v13 =	vshra.s32 v5, $0x4  }
0x50: {  	v14 =	vshra.s32 v4, $0x4;
	v5 =	vshll.u32 v5, $0x4;
	v10 =	vand.u32 $0xFF, v10;
	v2 =	vld [tilespmem:s19+$0xD0]  }
0x51: {  	v15 =	vshll.u32 v6, $0x4;
	v6 =	vshra.s32 v6, $0x4;
	v4 =	vld [tilespmem:s19+$0xC0];
	v16 =	vshll.u32 v7, $0x4  }
0x52: {  	v5 =	vor.u32 v1, v5;
	v9 =	vand.u32 $0xFF, v9;
	v17 =	vld [tilespmem:s19+$0x70];
	v16 =	vor.u32 v1, v16  }
0x53: {  	v11 =	vcvt.s32.f32 v11;
	v19 =	vand.u32 $0xFF, v5;
	v18 =	vld [tilespmem:s19+$0x80];
	v16 =	vand.u32 $0xFF, v16  }
0x54: {  	v13 =	vcvt.s32.f32 v13;
	v5 =	vor.u32 v1, v15;
	v15 =	vshll.u32 v8, $0x4;
	v20 =	vld [tilespmem:s19+$0xB0]  }
0x55: {  	v7 =	vshra.s32 v7, $0x4;
	v15 =	vor.u32 v1, v15;
	v21 =	vld [tilespmem:s19+$0x90];
	v22 =	vshll.u32 v2, $0x4  }
0x56: {  	v24 =	vcvt.s32.f32 v6;
	v6 =	vshra.s32 v8, $0x4;
	v15 =	vand.u32 $0xFF, v15;
	v23 =	vld [tilespmem:s19+$0xA0]  }
0x57: {  	v25 =	vcvt.s32.f32 v7;
	v26 =	vand.u32 $0xFF, v5;
	v7 =	vshra.s32 v12, $0x4  }
0x58: {  	v28 =	vcvt.s32.f32 v6;
	v5 =	vshll.u32 v4, $0x4;
	v27 =	vshll.u32 v18, $0x4  }
0x59: {  	v29 =	vcvt.s32.f32 v7;
	v8 =	vshll.u32 v17, $0x4;
	v6 =	vor.u32 v1, v5  }
0x5a: {  	v14 =	vcvt.s32.f32 v14;
	v7 =	vor.u32 v1, v8;
	v5 =	vld [tilespmem:s19+$0xF0];
	v8 =	vshll.u32 v21, $0x4  }
0x5b: {  	v12 =	vshll.u32 v12, $0x4;
	v17 =	vshra.s32 v17, $0x4;
	v7 =	vand.u32 $0xFF, v7  }
0x5c: {  	v12 =	vor.u32 v1, v12;
	v30 =	vor.u32 v1, v8;
	v8 =	vcvt.s32.f32 v17;
	[tilespmem:v9+s11+$0x0] =	vst.idx.add.f32.msk $0xffff, v14  }
0x5d: {  	v31 =	vand.u32 $0xFF, v12;
	v14 =	vshll.u32 v23, $0x4;
	v9 =	vshra.s32 v18, $0x4;
	[tilespmem:v10+s11+$0x0] =	vst.idx.add.f32.msk $0xffff, v11  }
.Ltmp2:
0x5e: {  	v17 =	vshll.u32 v20, $0x4;
	v9 =	vcvt.s32.f32 v9;
	v10 =	vshra.s32 v21, $0x4;
	[tilespmem:v19+s11+$0x0] =	vst.idx.add.f32.msk $0xffff, v13;
	(pc) =	sbr.rel @p0 .LBB2_3-.Ltmp2, $4  }
0x5f: {  	v13 =	vor.u32 v1, v14;
	v10 =	vcvt.s32.f32 v10;
	v11 =	vshll.u32 v5, $0x4;
	[tilespmem:v26+s11+$0x0] =	vst.idx.add.f32.msk $0xffff, v24  }
0x60: {  	v12 =	vand.u32 $0xFF, v30;
	v14 =	vor.u32 v1, v27;
	v19 =	vshra.s32 v23, $0x4;
	[tilespmem:v16+s11+$0x0] =	vst.idx.add.f32.msk $0xffff, v25  }
0x61: {  	v13 =	vand.u32 $0xFF, v13;
	v16 =	vshra.s32 v20, $0x4;
	[tilespmem:v15+s11+$0x0] =	vst.idx.add.f32.msk $0xffff, v28;
	v15 =	vand.u32 $0xFF, v14  }
0x62: {  	v18 =	vor.u32 v1, v17;
	v17 =	vor.u32 v1, v22;
	v14 =	vcvt.s32.f32 v19;
	[tilespmem:v31+s11+$0x0] =	vst.idx.add.f32.msk $0xffff, v29  }
0x63: {  	_ =	sdelay $0x2  }
0x64: {  	v18 =	vand.u32 $0xFF, v18  }
0x65: {  	v19 =	vshll.u32 v3, $0x4;
	v6 =	vand.u32 $0xFF, v6;
	[tilespmem:v7+s11+$0x0] =	vst.idx.add.f32.msk $0xffff, v8  }
0x66: {  	v4 =	vshra.s32 v4, $0x4;
	v8 =	vand.u32 $0xFF, v17;
	v7 =	vor.u32 v1, v19;
	[tilespmem:v15+s11+$0x0] =	vst.idx.add.f32.msk $0xffff, v9  }
0x67: {  	v11 =	vor.u32 v1, v11;
	v9 =	vcvt.s32.f32 v16;
	v7 =	vand.u32 $0xFF, v7;
	[tilespmem:v12+s11+$0x0] =	vst.idx.add.f32.msk $0xffff, v10  }
0x68: {  	v2 =	vshra.s32 v2, $0x4;
	s18 =	sshll.u32 s17, $0x1;
	v4 =	vcvt.s32.f32 v4;
	v10 =	vand.u32 $0xFF, v11;
	[tilespmem:v13+s11+$0x0] =	vst.idx.add.f32.msk $0xffff, v14  }
0x69: {  	v3 =	vshra.s32 v3, $0x4;
	v2 =	vcvt.s32.f32 v2;
	s19 =	sadd.s32 s4, s18;
	[tilespmem:v18+s11+$0x0] =	vst.idx.add.f32.msk $0xffff, v9  }
0x6a: {  	v5 =	vshra.s32 v5, $0x4;
	v3 =	vcvt.s32.f32 v3;
	s20 =	sshll.u32 s19, $0x4;
	[tilespmem:v6+s11+$0x0] =	vst.idx.add.f32.msk $0xffff, v4  }
0x6b: {  	s21 =	sshll.u32 s19, $0x5;
	s20 =	sand.u32 $0x60, s20;
	v4 =	vcvt.s32.f32 v5;
	[tilespmem:v8+s11+$0x0] =	vst.idx.add.f32.msk $0xffff, v2  }
0x6c: {  	s21 =	sand.u32 $0xFFFFF00, s21;
	s20 =	sadd.s32 s3, s20;
	[tilespmem:v7+s11+$0x0] =	vst.idx.add.f32.msk $0xffff, v3  }
0x6d: {  	s20 =	sadd.s32 s21, s20;
	[tilespmem:v10+s11+$0x0] =	vst.idx.add.f32.msk $0xffff, v4  }
0x6e: {  	[hbm4b:s20+s12] =	stream.strided.scatter [tilespmem:s11], [sflag:$0x3], $0x100, s13, s12, $0x38;
	[tilespmem:$0x8100] =	vst v63  }
0x6f: {  	p0 =	seq.s32 s17, $0x4;
	_ =	swait.ge [sflag:s14], $0x100  }
0x70: {  	s19 =	sshll.u32 @!p0 s19, $0xB;
	[sflag:s14] =	ssyncset.done $0x0  }
0x71: {  	s19 =	sadd.s32 @!p0 s19, s7;
	s20 =	simm.s32 @!p0 $0x0;
	[sflag:s14] =	ssyncadd.s32 $0xFFFFFF00  }
0x72: {  	[tilespmem:s20], [sflag:$0x1] =	stream.linear.gather @!p0 [hbm4b:s19+s20], $0x4000, $0x38;
	[tilespmem:$0x8100] =	vst v63  }
0x73: {  	_ =	swait.ge [sflag:s15], $0x4000  }
0x74: {  	[sflag:s15] =	ssyncset.done $0x0  }
0x75: {  	[sflag:s15] =	ssyncadd.s32 $0xFFFFC000  }
0x76: {  	[tilespmem:$0x8000] =	vst v0  }
0x77: {  	[tilespmem:$0x8010] =	vst v0  }
0x78: {  	[tilespmem:$0x8020] =	vst v0  }
0x79: {  	[tilespmem:$0x8030] =	vst v0  }
0x7a: {  	[tilespmem:$0x8040] =	vst v0  }
0x7b: {  	[tilespmem:$0x8050] =	vst v0  }
0x7c: {  	[tilespmem:$0x8060] =	vst v0  }
0x7d: {  	[tilespmem:$0x8070] =	vst v0  }
0x7e: {  	s31 =	simm.s32 $0x0;
	[tilespmem:$0x8080] =	vst v0  }
0x7f: {  	v2 =	vld [tilespmem:s31+$0x4010]  }
0x80: {  	v3 =	vld [tilespmem:s31+$0x4000]  }
0x81: {  	v4 =	vld [tilespmem:s31+$0x4020]  }
0x82: {  	v5 =	vld [tilespmem:s31+$0x4030]  }
0x83: {  	v6 =	vld [tilespmem:s31+$0x4040]  }
0x84: {  	v10 =	vld [tilespmem:s31+$0x4050]  }
0x85: {  	v17 =	vld [tilespmem:s31+$0x4080]  }
0x86: {  	v19 =	vld [tilespmem:s31+$0x4090]  }
0x87: {  	v26 =	vld [tilespmem:s31+$0x40B0]  }
0x88: {  	v7 =	vshll.u32 v3, $0x4;
	v8 =	vshll.u32 v2, $0x4;
	v9 =	vshra.s32 v2, $0x4  }
0x89: {  	v11 =	vshra.s32 v4, $0x4;
	v12 =	vshll.u32 v4, $0x4;
	v3 =	vshra.s32 v3, $0x4  }
0x8a: {  	v14 =	vshll.u32 v5, $0x4;
	v15 =	vshll.u32 v6, $0x4;
	v5 =	vshra.s32 v5, $0x4  }
0x8b: {  	v18 =	vshll.u32 v10, $0x4;
	v6 =	vshra.s32 v6, $0x4;
	v24 =	vshll.u32 v17, $0x4  }
0x8c: {  	v2 =	vld [tilespmem:s31+$0x40D0];
	v61 =	vshll.u32 v19, $0x4;
	v17 =	vshra.s32 v17, $0x4;
	v63 =	vshll.u32 v26, $0x4  }
0x8d: {  	v4 =	vld [tilespmem:s31+$0x40C0];
	v7 =	vor.u32 v1, v7;
	v8 =	vor.u32 v1, v8;
	v12 =	vor.u32 v1, v12  }
0x8e: {  	v15 =	vor.u32 v1, v15;
	v9 =	vcvt.s32.f32 v9;
	v13 =	vand.u32 $0xFF, v8;
	v8 =	vld [tilespmem:s31+$0x4060]  }
0x8f: {  	v14 =	vor.u32 v1, v14;
	v11 =	vcvt.s32.f32 v11;
	v16 =	vand.u32 $0xFF, v7;
	v7 =	vld [tilespmem:s31+$0x4070]  }
0x90: {  	v18 =	vor.u32 v1, v18;
	v21 =	vcvt.s32.f32 v5;
	v5 =	vshra.s32 v10, $0x4  }
0x91: {  	v22 =	vcvt.s32.f32 v6;
	v29 =	vcvt.s32.f32 v3;
	v12 =	vand.u32 $0xFF, v12  }
0x92: {  	v23 =	vld [tilespmem:s31+$0x40A0];
	v15 =	vand.u32 $0xFF, v15;
	v18 =	vand.u32 $0xFF, v18;
	v14 =	vand.u32 $0xFF, v14  }
0x93: {  	v25 =	vcvt.s32.f32 v5;
	v20 =	vshll.u32 v2, $0x4;
	v6 =	vshll.u32 v4, $0x4  }
0x94: {  	v5 =	vld [tilespmem:s31+$0x40F0];
	v6 =	vor.u32 v1, v6;
	v10 =	vshra.s32 v8, $0x4;
	v27 =	vshll.u32 v7, $0x4  }
0x95: {  	v3 =	vld [tilespmem:s31+$0x40E0];
	v8 =	vshll.u32 v8, $0x4;
	v28 =	vcvt.s32.f32 v10;
	v10 =	vor.u32 v1, v27  }
0x96: {  	v30 =	vshra.s32 v7, $0x4;
	[tilespmem:v16+s11+$0x0] =	vst.idx.add.f32.msk $0xffff, v29;
	v7 =	vand.u32 $0xFF, v10;
	v10 =	vor.u32 v1, v8  }
0x97: {  	v16 =	vshll.u32 v23, $0x4;
	v27 =	vor.u32 v1, v61;
	[tilespmem:v13+s11+$0x0] =	vst.idx.add.f32.msk $0xffff, v9;
	v62 =	vand.u32 $0xFF, v10  }
0x98: {  	v9 =	vcvt.s32.f32 v17;
	v13 =	vor.u32 v1, v16;
	v16 =	vshra.s32 v26, $0x4;
	[tilespmem:v12+s11+$0x0] =	vst.idx.add.f32.msk $0xffff, v11  }
0x99: {  	v17 =	vor.u32 v1, v20;
	v8 =	vcvt.s32.f32 v30;
	v11 =	vshll.u32 v5, $0x4;
	[tilespmem:v14+s11+$0x0] =	vst.idx.add.f32.msk $0xffff, v21  }
0x9a: {  	v12 =	vand.u32 $0xFF, v27;
	v13 =	vand.u32 $0xFF, v13;
	v14 =	vor.u32 v1, v24;
	[tilespmem:v15+s11+$0x0] =	vst.idx.add.f32.msk $0xffff, v22  }
0x9b: {  	v10 =	vshra.s32 v19, $0x4;
	v19 =	vshra.s32 v23, $0x4;
	v15 =	vand.u32 $0xFF, v14;
	[tilespmem:v18+s11+$0x0] =	vst.idx.add.f32.msk $0xffff, v25  }
0x9c: {  	s19 =	simm.s32 $0x400;
	v10 =	vcvt.s32.f32 v10;
	v14 =	vcvt.s32.f32 v19;
	v18 =	vor.u32 v1, v63;
	[tilespmem:v62+s11+$0x0] =	vst.idx.add.f32.msk $0xffff, v28  }
.LBB2_5:
0x9d: {  	p1 =	sne.s32 s19, $0xFC00;
	v19 =	vshll.u32 v3, $0x4;
	v4 =	vshra.s32 v4, $0x4;
	v18 =	vand.u32 $0xFF, v18;
	s20 =	smov.u32 s19;
	s19 =	sadd.s32 $0x400, s19  }
0x9e: {  	v6 =	vand.u32 $0xFF, v6;
	v17 =	vand.u32 $0xFF, v17;
	v19 =	vor.u32 v1, v19  }
0x9f: {  	v16 =	vcvt.s32.f32 v16;
	v2 =	vshra.s32 v2, $0x4;
	v5 =	vshra.s32 v5, $0x4;
	[tilespmem:v7+s11+$0x0] =	vst.idx.add.f32.msk $0xffff, v8  }
0xa0: {  	v3 =	vshra.s32 v3, $0x4;
	v7 =	vor.u32 v1, v11;
	v8 =	vand.u32 $0xFF, v19;
	[tilespmem:v15+s11+$0x0] =	vst.idx.add.f32.msk $0xffff, v9  }
0xa1: {  	v4 =	vcvt.s32.f32 v4;
	v7 =	vand.u32 $0xFF, v7;
	[tilespmem:v12+s11+$0x0] =	vst.idx.add.f32.msk $0xffff, v10  }
0xa2: {  	v2 =	vcvt.s32.f32 v2;
	[tilespmem:v13+s11+$0x0] =	vst.idx.add.f32.msk $0xffff, v14  }
0xa3: {  	[tilespmem:v18+s11+$0x0] =	vst.idx.add.f32.msk $0xffff, v16  }
0xa4: {  	v3 =	vcvt.s32.f32 v3;
	[tilespmem:v6+s11+$0x0] =	vst.idx.add.f32.msk $0xffff, v4  }
0xa5: {  	v4 =	vcvt.s32.f32 v5;
	[tilespmem:v17+s11+$0x0] =	vst.idx.add.f32.msk $0xffff, v2  }
0xa6: {  	[tilespmem:v8+s11+$0x0] =	vst.idx.add.f32.msk $0xffff, v3  }
0xa7: {  	s20 =	sshra.s32 s20, $0x2;
	[tilespmem:v7+s11+$0x0] =	vst.idx.add.f32.msk $0xffff, v4  }
0xa8: {  	v2 =	vld [tilespmem:s20+$0x4010]  }
0xa9: {  	v4 =	vld [tilespmem:s20+$0x4000]  }
0xaa: {  	v5 =	vld [tilespmem:s20+$0x4020]  }
0xab: {  	v6 =	vld [tilespmem:s20+$0x4030]  }
0xac: {  	v7 =	vld [tilespmem:s20+$0x4040]  }
0xad: {  	v8 =	vld [tilespmem:s20+$0x4050]  }
0xae: {  	v10 =	vshll.u32 v2, $0x4;
	v11 =	vshra.s32 v2, $0x4;
	v3 =	vld [tilespmem:s20+$0x40E0];
	v9 =	vshll.u32 v4, $0x4  }
0xaf: {  	v10 =	vor.u32 v1, v10;
	v12 =	vld [tilespmem:s20+$0x4060];
	v9 =	vor.u32 v1, v9;
	v13 =	vshra.s32 v5, $0x4  }
0xb0: {  	v14 =	vshra.s32 v4, $0x4;
	v5 =	vshll.u32 v5, $0x4;
	v10 =	vand.u32 $0xFF, v10;
	v2 =	vld [tilespmem:s20+$0x40D0]  }
0xb1: {  	v15 =	vshll.u32 v6, $0x4;
	v6 =	vshra.s32 v6, $0x4;
	v4 =	vld [tilespmem:s20+$0x40C0];
	v16 =	vshll.u32 v7, $0x4  }
0xb2: {  	v5 =	vor.u32 v1, v5;
	v9 =	vand.u32 $0xFF, v9;
	v17 =	vld [tilespmem:s20+$0x4070];
	v16 =	vor.u32 v1, v16  }
0xb3: {  	v11 =	vcvt.s32.f32 v11;
	v19 =	vand.u32 $0xFF, v5;
	v18 =	vld [tilespmem:s20+$0x4080];
	v16 =	vand.u32 $0xFF, v16  }
0xb4: {  	v13 =	vcvt.s32.f32 v13;
	v5 =	vor.u32 v1, v15;
	v15 =	vshll.u32 v8, $0x4;
	v20 =	vld [tilespmem:s20+$0x40B0]  }
0xb5: {  	v7 =	vshra.s32 v7, $0x4;
	v15 =	vor.u32 v1, v15;
	v21 =	vld [tilespmem:s20+$0x4090];
	v22 =	vshll.u32 v2, $0x4  }
0xb6: {  	v24 =	vcvt.s32.f32 v6;
	v6 =	vshra.s32 v8, $0x4;
	v15 =	vand.u32 $0xFF, v15;
	v23 =	vld [tilespmem:s20+$0x40A0]  }
0xb7: {  	v25 =	vcvt.s32.f32 v7;
	v26 =	vand.u32 $0xFF, v5;
	v7 =	vshra.s32 v12, $0x4  }
0xb8: {  	v28 =	vcvt.s32.f32 v6;
	v5 =	vshll.u32 v4, $0x4;
	v27 =	vshll.u32 v18, $0x4  }
0xb9: {  	v29 =	vcvt.s32.f32 v7;
	v8 =	vshll.u32 v17, $0x4;
	v6 =	vor.u32 v1, v5  }
0xba: {  	v14 =	vcvt.s32.f32 v14;
	v7 =	vor.u32 v1, v8;
	v5 =	vld [tilespmem:s20+$0x40F0];
	v8 =	vshll.u32 v21, $0x4  }
0xbb: {  	v12 =	vshll.u32 v12, $0x4;
	v17 =	vshra.s32 v17, $0x4;
	v7 =	vand.u32 $0xFF, v7  }
0xbc: {  	v12 =	vor.u32 v1, v12;
	v30 =	vor.u32 v1, v8;
	v8 =	vcvt.s32.f32 v17;
	[tilespmem:v9+s11+$0x0] =	vst.idx.add.f32.msk $0xffff, v14  }
0xbd: {  	v31 =	vand.u32 $0xFF, v12;
	v14 =	vshll.u32 v23, $0x4;
	v9 =	vshra.s32 v18, $0x4;
	[tilespmem:v10+s11+$0x0] =	vst.idx.add.f32.msk $0xffff, v11  }
.Ltmp3:
0xbe: {  	v17 =	vshll.u32 v20, $0x4;
	v9 =	vcvt.s32.f32 v9;
	v10 =	vshra.s32 v21, $0x4;
	[tilespmem:v19+s11+$0x0] =	vst.idx.add.f32.msk $0xffff, v13;
	(pc) =	sbr.rel @p1 .LBB2_5-.Ltmp3, $4  }
0xbf: {  	v13 =	vor.u32 v1, v14;
	v10 =	vcvt.s32.f32 v10;
	v11 =	vshll.u32 v5, $0x4;
	[tilespmem:v26+s11+$0x0] =	vst.idx.add.f32.msk $0xffff, v24  }
0xc0: {  	v12 =	vand.u32 $0xFF, v30;
	v14 =	vor.u32 v1, v27;
	v19 =	vshra.s32 v23, $0x4;
	[tilespmem:v16+s11+$0x0] =	vst.idx.add.f32.msk $0xffff, v25  }
0xc1: {  	v13 =	vand.u32 $0xFF, v13;
	v16 =	vshra.s32 v20, $0x4;
	[tilespmem:v15+s11+$0x0] =	vst.idx.add.f32.msk $0xffff, v28;
	v15 =	vand.u32 $0xFF, v14  }
0xc2: {  	v18 =	vor.u32 v1, v17;
	v17 =	vor.u32 v1, v22;
	v14 =	vcvt.s32.f32 v19;
	[tilespmem:v31+s11+$0x0] =	vst.idx.add.f32.msk $0xffff, v29  }
0xc3: {  	_ =	sdelay $0x2  }
0xc4: {  	v18 =	vand.u32 $0xFF, v18  }
0xc5: {  	v19 =	vshll.u32 v3, $0x4;
	v6 =	vand.u32 $0xFF, v6;
	[tilespmem:v7+s11+$0x0] =	vst.idx.add.f32.msk $0xffff, v8  }
0xc6: {  	v4 =	vshra.s32 v4, $0x4;
	v60 =	vand.u32 $0xFF, v17;
	v59 =	vor.u32 v1, v19;
	[tilespmem:v15+s11+$0x0] =	vst.idx.add.f32.msk $0xffff, v9  }
0xc7: {  	v61 =	vcvt.s32.f32 v16;
	v11 =	vor.u32 v1, v11;
	v7 =	vand.u32 $0xFF, v59;
	[tilespmem:v12+s11+$0x0] =	vst.idx.add.f32.msk $0xffff, v10  }
0xc8: {  	v2 =	vshra.s32 v2, $0x4;
	s18 =	sadd.s32 s18, s4;
	v4 =	vcvt.s32.f32 v4;
	v62 =	vand.u32 $0xFF, v11;
	[tilespmem:v13+s11+$0x0] =	vst.idx.add.f32.msk $0xffff, v14  }
0xc9: {  	v3 =	vshra.s32 v3, $0x4;
	v2 =	vcvt.s32.f32 v2;
	s18 =	sadd.s32 $0x1, s18;
	[tilespmem:v18+s11+$0x0] =	vst.idx.add.f32.msk $0xffff, v61  }
0xca: {  	v5 =	vshra.s32 v5, $0x4;
	v3 =	vcvt.s32.f32 v3;
	s19 =	sshll.u32 s18, $0x4;
	[tilespmem:v6+s11+$0x0] =	vst.idx.add.f32.msk $0xffff, v4  }
0xcb: {  	v63 =	vcvt.s32.f32 v5;
	s20 =	sshll.u32 s18, $0x5;
	s19 =	sand.u32 $0x70, s19;
	[tilespmem:v60+s11+$0x0] =	vst.idx.add.f32.msk $0xffff, v2  }
0xcc: {  	s20 =	sand.u32 $0xFFFFF00, s20;
	s19 =	sadd.s32 s3, s19;
	[tilespmem:v7+s11+$0x0] =	vst.idx.add.f32.msk $0xffff, v3  }
.Ltmp4:
0xcd: {  	s19 =	sadd.s32 s20, s19;
	[tilespmem:v62+s11+$0x0] =	vst.idx.add.f32.msk $0xffff, v63;
	(pc) =	sbr.rel @p0 .LBB2_8-.Ltmp4, $4  }
0xce: {  	[hbm4b:s19+s12] =	stream.strided.scatter [tilespmem:s11], [sflag:$0x3], $0x100, s13, s12, $0x38;
	[tilespmem:$0x8100] =	vst v63  }
0xcf: {  	_ =	swait.ge [sflag:s14], $0x100  }
0xd0: {  	[sflag:s14] =	ssyncset.done $0x0  }
0xd1: {  	[sflag:s14] =	ssyncadd.s32 $0xFFFFFF00  }
.Ltmp5:
0xd2: {  	(pc) =	sbr.rel .LBB2_2-.Ltmp5, $4  }
0xd3: {  	_ = 	snop  }
0xd4: {  	s18 =	sshll.u32 s18, $0xB  }
0xd5: {  	s17 =	sadd.s32 $0x1, s17;
	s18 =	sadd.s32 s18, s7  }
0xd6: {  	[tilespmem:s9], [sflag:$0x2] =	stream.linear.gather [hbm4b:s18+s2], $0x4000, $0x38;
	[tilespmem:$0x8100] =	vst v63  }
.LBB2_9:
0xd7: {  	_ =	sfence.sel $0x180000  }
0xd8: {  	[bflag:$0x0] =	sbarrier.arrive $0xFFFF  }
0xd9: {  	p0 =	sne.s32 s0, $0x0;
	_ =	strace $0x90000047  }
0xda: {  	s0 =	sadd.s32 @!p0 $0x100000, s1;
	[bflag:$0x2] =	sbarrier.arrive $0xFFFF  }
0xdb: {  	[sflag:s0] =	ssyncadd.tile.s32 @!p0 $0x1;
	_ =	shalt  }
.Lfunc_end2:
_tile_overlayer_lowered:
.L_overlay_start_2:
0xdc: {  	(tag) =	ssettag $0x2  }
0xdd: {  	s0 =	rddreg [dreg:$0x0];
	s2 =	stileid.u32  }
0xde: {  	s1 =	rddreg [dreg:$0x1];
	p0 =	sne.s32 s2, $0x0  }
0xdf: {  	s3 =	rddreg [dreg:$0x2];
	[bflag:$0x3] =	sbarrier.arrive $0xFFFF;
	s2 =	simm.s32 @!p0 $0x1C03  }
0xe0: {  	[timem:s3], [sflag:s2] =	dma.local @!p0 [hbm:s0], s1  }
0xe1: {  	s0 =	simm.s32 @!p0 $0x3  }
0xe2: {  	_ =	swait.ge @!p0 [sflag:s0], s1  }
0xe3: {  	s1 =	ssub.s32 @!p0 $0x0, s1;
	[sflag:s0] =	ssyncset.done @!p0 $0x0  }
0xe4: {  	[sflag:s0] =	ssyncadd.s32 @!p0 s1  }
0xe5: {  	[bflag:$0x3] =	sbarrier.arrive $0xFFFF  }
0xe6: {  	_ =	shalt  }

// kernel: kernel.14.cloned.1.call-start
scs
__scs_entry_jumppad:
0x0: {  	(pc) =	sbr.rel $0x88, $3  }
0x1: {  	(tag) =	ssettag $0x0;
	lr =	simm.s32 $0x1  }
0x2: {  	[smem:$0x3FA0] =	sst lr;
	_ =	strace $0xD0000000  }
0x3: {  	_ = 	snop  }
0x4: {  	_ = 	snop  }
0x5: {  	_ = 	snop  }
0x6: {  	_ = 	snop  }
0x7: {  	_ = 	snop  }
__scs_overlays_trampoline_lowered:
0x8: {  	[smem:$0x3FAF] =	sst s0  }
0x9: {  	[smem:$0x3FB0] =	sst s1  }
0xa: {  	[smem:$0x3FB1] =	sst s2  }
0xb: {  	[smem:$0x3FB2] =	sst s3  }
0xc: {  	[smem:$0x3FB3] =	sst s4  }
0xd: {  	[smem:$0x3FB4] =	sst s5  }
0xe: {  	[smem:$0x3FB5] =	sst s6  }
0xf: {  	[smem:$0x3FB6] =	sst s7  }
0x10: {  	[smem:$0x3FB7] =	sst s8  }
0x11: {  	[smem:$0x3FB8] =	sst s9;
	s0 =	simm.s32 @!p0 $0x0  }
0x12: {  	s1 =	sld [smem:$0x3F9E];
	s0 =	simm.s32 @p0 $0x1  }
0x13: {  	[smem:$0x3FB9] =	sst s0;
	s0 =	simm.s32 @!p1 $0x0  }
0x14: {  	s2 =	sld [smem:$0x3F9D];
	s0 =	simm.s32 @p1 $0x1  }
0x15: {  	[smem:$0x3FBA] =	sst s0;
	s0 =	simm.s32 @!p2 $0x0  }
0x16: {  	s3 =	sld [smem:$0x3FDB];
	s0 =	simm.s32 @p2 $0x1  }
0x17: {  	s4 =	simm.s32 $0x1BF5;
	[smem:$0x3FBC] =	sst s0  }
0x18: {  	s0 =	sld [smem:$0x3F9F];
	_ =	swait.ge [sflag:s4], $0x0  }
0x19: {  	s7 =	sld [smem:$0x3FA0]  }
0x1a: {  	s8 =	sadd.s32 $0xFFFFE003, lr  }
0x1b: {  	s9 =	sadd.s32 $0xFFFFFEF7, lr;
	s5 =	simm.s32 $0xFFFFFFFF;
	p2 =	slt.u32 s8, $0xFFFFF086  }
0x1c: {  	p1 =	slt.u32 s9, $0xF7A;
	s5 =	simm.s32 @!p2 $0x0  }
0x1d: {  	s5 =	simm.s32 @p1 $0x1;
	p0 =	seq.s32 s7, s2  }
0x1e: {  	s7 =	smul.u32 @!p0 $0xF7A, s2;
	p2 =	seq.s32 @!p0 s5, $0x0  }
0x1f: {  	s9 =	smul.u32 $0xF7A, s1;
	s8 =	simm.s32 @!p0 $0x1BF5;
	p2 =	por !p2, p0  }
0x20: {  	[sflag:s8] =	ssyncset.s32 @!p0 $0xFFFFF086;
	s6 =	sadd.s32 @!p0 s3, s7;
	s7 =	simm.s32 @!p0 $0x108  }
0x21: {  	s3 =	sadd.s32 s3, s9;
	s6 =	sadd.s32 @!p0 $0x88, s6;
	s7 =	simm.s32 @p2 $0x1082  }
0x22: {  	[simem:s7], [sflag:s8] =	dma.local @!p0 [hbm:s6], $0xF7A  }
0x23: {  	s9 =	sor.u32 $0xD0000000, s2;
	s6 =	simm.s32 $0x108;
	_ =	swait.ge @!p0 [sflag:s8], $0x0  }
0x24: {  	s3 =	sadd.s32 $0x88, s3;
	s6 =	simm.s32 @!p1 $0x1082;
	[sflag:s4] =	ssyncset.s32 $0xFFFFF086  }
0x25: {  	[simem:s6], [sflag:s4] =	dma.local [hbm:s3], $0xF7A  }
0x26: {  	[smem:$0x3FA0] =	sst s1;
	(tag) =	ssettag s2;
	_ =	strace s9  }
0x27: {  	s1 =	sld [smem:$0x3FB0]  }
0x28: {  	s2 =	sld [smem:$0x3FB1]  }
0x29: {  	s4 =	sld [smem:$0x3FB3]  }
0x2a: {  	p0 =	seq.s32 s5, $0x0;
	s5 =	sld [smem:$0x3FB4]  }
0x2b: {  	s6 =	sld [smem:$0x3FB5]  }
0x2c: {  	s7 =	sld [smem:$0x3FB6]  }
0x2d: {  	s3 =	simm.s32 $0x108;
	s8 =	sld [smem:$0x3FB7]  }
0x2e: {  	s3 =	simm.s32 @!p0 $0x1082;
	s9 =	sld [smem:$0x3FB8]  }
0x2f: {  	lr =	sadd.s32 s0, s3;
	s0 =	sld [smem:$0x3FAF]  }
0x30: {  	s3 =	sld [smem:$0x3FB2]  }
0x31: {  	[smem:$0x3FBB] =	sst s10  }
0x32: {  	s10 =	sld [smem:$0x3FB9];
	_ =	sdelay $0x3  }
0x33: {  	p0 =	seq.s32 s10, $0x1;
	s10 =	sld [smem:$0x3FBB];
	_ =	sdelay $0x3  }
0x34: {  	[smem:$0x3FBB] =	sst s10  }
0x35: {  	s10 =	sld [smem:$0x3FBA];
	_ =	sdelay $0x3  }
0x36: {  	p1 =	seq.s32 s10, $0x1;
	s10 =	sld [smem:$0x3FBB];
	_ =	sdelay $0x3  }
0x37: {  	[smem:$0x3FBB] =	sst s10  }
0x38: {  	s10 =	sld [smem:$0x3FBC]  }
0x39: {  	_ = 	snop;
	(pc) =	sbr.ind lr, $3  }
0x3a: {  	_ = 	snop  }
0x3b: {  	_ = 	snop  }
0x3c: {  	p2 =	seq.s32 s10, $0x1;
	s10 =	sld [smem:$0x3FBB]  }
0x3d: {  	_ =	shalt  }
0x3e: {  	_ =	shalt  }
0x3f: {  	_ =	shalt  }
0x40: {  	_ =	shalt  }
0x41: {  	_ =	shalt  }
0x42: {  	_ =	shalt  }
0x43: {  	_ =	shalt  }
0x44: {  	_ =	shalt  }
0x45: {  	_ =	shalt  }
0x46: {  	_ =	shalt  }
0x47: {  	_ =	shalt  }
0x48: {  	_ =	shalt  }
0x49: {  	_ =	shalt  }
0x4a: {  	_ =	shalt  }
0x4b: {  	_ =	shalt  }
0x4c: {  	_ =	shalt  }
0x4d: {  	_ =	shalt  }
0x4e: {  	_ =	shalt  }
0x4f: {  	_ =	shalt  }
0x50: {  	_ =	shalt  }
0x51: {  	_ =	shalt  }
0x52: {  	_ =	shalt  }
0x53: {  	_ =	shalt  }
0x54: {  	_ =	shalt  }
0x55: {  	_ =	shalt  }
0x56: {  	_ =	shalt  }
0x57: {  	_ =	shalt  }
0x58: {  	_ =	shalt  }
0x59: {  	_ =	shalt  }
0x5a: {  	_ =	shalt  }
0x5b: {  	_ =	shalt  }
0x5c: {  	_ =	shalt  }
0x5d: {  	_ =	shalt  }
0x5e: {  	_ =	shalt  }
0x5f: {  	_ =	shalt  }
0x60: {  	_ =	shalt  }
0x61: {  	_ =	shalt  }
0x62: {  	_ =	shalt  }
0x63: {  	_ =	shalt  }
0x64: {  	_ =	shalt  }
0x65: {  	_ =	shalt  }
0x66: {  	_ =	shalt  }
0x67: {  	_ =	shalt  }
0x68: {  	_ =	shalt  }
0x69: {  	_ =	shalt  }
0x6a: {  	_ =	shalt  }
0x6b: {  	_ =	shalt  }
0x6c: {  	_ =	shalt  }
0x6d: {  	_ =	shalt  }
0x6e: {  	_ =	shalt  }
0x6f: {  	_ =	shalt  }
0x70: {  	_ =	shalt  }
0x71: {  	_ =	shalt  }
0x72: {  	_ =	shalt  }
0x73: {  	_ =	shalt  }
0x74: {  	_ =	shalt  }
0x75: {  	_ =	shalt  }
0x76: {  	_ =	shalt  }
0x77: {  	_ =	shalt  }
0x78: {  	_ =	shalt  }
0x79: {  	_ =	shalt  }
0x7a: {  	_ =	shalt  }
0x7b: {  	_ =	shalt  }
0x7c: {  	_ =	shalt  }
0x7d: {  	_ =	shalt  }
0x7e: {  	_ =	shalt  }
0x7f: {  	_ =	shalt  }
0x80: {  	_ =	shalt  }
0x81: {  	_ =	shalt  }
0x82: {  	_ =	shalt  }
0x83: {  	_ =	shalt  }
0x84: {  	_ =	shalt  }
0x85: {  	_ =	shalt  }
0x86: {  	_ =	shalt  }
0x87: {  	_ =	shalt  }
.Lfunc_end0:
.L_simem_size_0:
called_computation.1_lowered:
.L_overlay_start_0:
0x88: {  	s2 =	sld [smem:$0x3FD9]  }
0x89: {  	s3 =	sld [smem:$0x3FFE];
	_ =	sdelay $0x1  }
0x8a: {  	s1 =	srdreg.scid  }
0x8b: {  	s0 =	sand.u32 $0x1, s1  }
0x8c: {  	s17 =	sshll.u32 s0, $0xA;
	s2 =	sadd.s32 s3, s2  }
0x8d: {  	s2 =	sadd.s32 s2, s17  }
0x8e: {  	[smem:$0x3FC7] =	sst s2  }
0x8f: {  	_ = 	snop  }
0x90: {  	(tm) =	ssettm $0x1  }
0x91: {  	s18 =	sld [smem:$0x3FFB];
	_ =	sdelay $0x3  }
0x92: {  	_ =	strace s18  }
0x93: {  	s2 =	sld [smem:$0x3FFC];
	_ =	sdelay $0x3  }
0x94: {  	_ =	strace s2  }
0x95: {  	s2 =	sld [smem:$0x3FFD];
	_ =	sdelay $0x3  }
0x96: {  	_ =	strace s2  }
0x97: {  	_ =	strace $0x8FFFFFFF  }
0x98: {  	s19 =	sld [smem:$0x3FDB];
	_ =	sdelay $0x1  }
0x99: {  	s20 =	simm.s32 $_scs_section_size  }
0x9a: {  	s4 =	simm.s32 $_size__tile_overlayer_lowered;
	s5 =	simm.s32 $_tile_overlayer_lowered  }
0x9b: {  	s6 =	simm.s32 $0x1BFF;
	s21 =	sshll.u32 s5, $0x1;
	s3 =	sadd.s32 s20, s19  }
0x9c: {  	s22 =	simm.s32 $0x0;
	s4 =	sshll.u32 s4, $0x1;
	s5 =	sadd.s32 s21, s3  }
0x9d: {  	[timem:s22], [sflag:s6] =	dma.local [hbm:s5], s4  }
0x9e: {  	_ =	swait.ge [sflag:s6], s4  }
0x9f: {  	s4 =	ssub.s32 $0x0, s4;
	[sflag:s6] =	ssyncset.done $0x0  }
0xa0: {  	[sflag:s6] =	ssyncadd.s32 s4;
	_ =	sdelay $0x1  }
0xa1: {  	s23 =	simm.s32 $0x1B8B  }
0xa2: {  	_ =	swait.ge [sflag:s23], $0x1  }
0xa3: {  	[sflag:s23] =	ssyncset.done $0x0  }
0xa4: {  	[sflag:s23] =	ssyncadd.s32 $0xFFFFFFFF  }
0xa5: {  	s4 =	sld [smem:$0x0]  }
0xa6: {  	s5 =	sand.u32 $0xFFFFFFFE, s1  }
0xa7: {  	p0 =	sne.s32 s1, s5  }
0xa8: {  	s5 =	sshll.u32 @p0 s5, $0xE  }
0xa9: {  	s5 =	sadd.s32 @p0 $0x11B8D, s5;
	s6 =	sshll.u32 @p0 s4, $0x11  }
0xaa: {  	s5 =	sor.u32 @p0 s6, s5  }
0xab: {  	[sflag:s5] =	ssyncadd.remote.s32 @p0 $0x1;
	_ =	sdelay $0x1  }
0xac: {  	s5 =	simm.s32 @p0 $0x1B8D  }
0xad: {  	_ =	swait.eq @p0 [sflag:s5], $0x1  }
0xae: {  	[sflag:s5] =	ssyncadd.s32 @p0 $0xFFFFFFFF  }
0xaf: {  	s6 =	sshll.u32 @!p0 s1, $0xE  }
0xb0: {  	s6 =	sor.u32 @!p0 $0x4000, s6;
	s5 =	simm.s32 @!p0 $0x1B8D  }
0xb1: {  	s4 =	sshll.u32 @!p0 s4, $0x11;
	s6 =	sadd.s32 @!p0 $0x11B8D, s6;
	_ =	swait.eq @!p0 [sflag:s5], $0x1  }
0xb2: {  	s4 =	sor.u32 @!p0 s4, s6;
	[sflag:s5] =	ssyncadd.s32 @!p0 $0xFFFFFFFF  }
0xb3: {  	s25 =	simm.s32 $0x1B8E;
	s24 =	sld [smem:$0x3FFE];
	[sflag:s4] =	ssyncadd.remote.s32 @!p0 $0x1  }
0xb4: {  	s26 =	simm.s32 $execute0_lowered;
	[smem:$0x3FD2] =	sst s25  }
0xb5: {  	s5 =	sshll.u32 s26, $0x1;
	_ =	strace $0x80000049;
	[dreg:$0x1] =	wrdreg $0xFFFFFFFF  }
0xb6: {  	s28 =	simm.s32 $_size_execute0_lowered;
	s3 =	sadd.s32 s3, s5;
	[dreg:$0x0] =	wrdreg $0x0  }
0xb7: {  	s5 =	sshll.u32 s28, $0x1;
	[dreg:$0x2] =	wrdreg s3  }
0xb8: {  	[dreg:$0x3] =	wrdreg s5  }
0xb9: {  	[dreg:$0x4] =	wrdreg $0xC0  }
0xba: {  	_ =	task [dreg:s22], $0x5FFFF  }
0xbb: {  	[dreg:$0x1] =	wrdreg $0xFFFFFFFF  }
0xbc: {  	[dreg:$0x0] =	wrdreg $0x60  }
0xbd: {  	[dreg:$0x2] =	wrdreg s24  }
0xbe: {  	[dreg:$0x3] =	wrdreg $0xA  }
0xbf: {  	_ =	task.clear_ibuf [dreg:s22], $0x4FFFF;
	_ =	strace $0x90000049  }
0xc0: {  	s29 =	simm.s32 $0xA;
	_ =	strace $0x8000004B  }
0xc1: {  	_ =	swait.ge [sflag:s29], $0x1  }
0xc2: {  	[sflag:s29] =	ssyncadd.s32 $0xFFFFFFFF  }
0xc3: {  	_ =	strace $0x9000004B  }
0xc4: {  	_ =	sfence  }
0xc5: {  	s30 =	sld [smem:$0x0];
	_ =	sdelay $0x2  }
0xc6: {  	s31 =	sshll.u32 s1, $0xD;
	s1 =	sshrl.u32 s1, $0x2  }
0xc7: {  	s4 =	sand.u32 $0x4000, s31;
	s1 =	sadd.s32 s1, s30  }
0xc8: {  	s0 =	sor.u32 s4, s0;
	s1 =	sshll.u32 s1, $0x11  }
0xc9: {  	s0 =	sor.u32 s1, s0  }
0xca: {  	s0 =	sadd.s32 $0x8F2B, s0  }
0xcb: {  	[sflag:s0] =	ssyncadd.remote.s32 $0x1  }
0xcc: {  	_ =	sfence.sel $0xFFFF  }
0xcd: {  	[dreg:$0x0] =	wrdreg $0xFFFFFFFF;
	(pc) =	sbr.abs _section_cstart, $3  }
0xce: {  	[dreg:$0x1] =	wrdreg $0xFFFFFFFF  }
0xcf: {  	_ =	task.clear_ibuf [dreg:s22], $0x2FFFF;
	_ =	strace $0x9FFFFFFF  }
0xd0: {  	(tm) =	ssettm $0x7FFFFFFF  }
0xd1: {  	_ =	shalt  }
tec
execute0_lowered:
.L_overlay_start_1:
0x0: {  	(tag) =	ssettag $0x1  }
0x1: {  	s1 =	srdreg.scid  }
0x2: {  	s0 =	stileid.u32;
	s7 =	rddreg [dreg:$0x0]  }
0x3: {  	s2 =	simm.s32 $0x0;
	s10 =	simm.s32 $0x1;
	s11 =	simm.s32 $0x8000  }
0x4: {  	s12 =	simm.s32 $0x80;
	s3 =	sand.u32 $0x1, s1;
	s30 =	sshll.u32 s0, $0x1  }
0x5: {  	s13 =	simm.s32 $0x400;
	s14 =	simm.s32 $0x3;
	s4 =	sor.u32 s3, s30  }
0x6: {  	s15 =	simm.s32 $0x2;
	s1 =	rddreg [dreg:$0x1];
	s5 =	smul.u32 $0x5000, s4  }
.Ltmp0:
0x7: {  	s16 =	simm.s32 $0x0;
	[smem:$0x7FF] =	sst s2;
	(pc) =	sbr.rel .LBB2_1-.Ltmp0, $4  }
0x8: {  	s6 =	ssub.s32 $0x2, s3;
	_ =	strace $0x8000004A;
	s3 =	sadd.s32 $0x144000, s7  }
0x9: {  	s31 =	sshrl.u32 s6, $0x1;
	s4 =	smul.u32 $0xA, s4;
	s8 =	sadd.s32 s5, s7  }
0xa: {  	s9 =	ssub.s32 s6, s31;
	s7 =	sadd.s32 $0xA5000, s7;
	s5 =	sadd.s32 $0xA4000, s8  }
0xb: {  	v0 =	vimm.f32 $0.0e+00;
	v1 =	vlaneseq.u32;
	s6 =	sadd.s32 $0xA4800, s8;
	s8 =	smax.u32 s9, $0x1;
	s9 =	simm.s32 $0x4000  }
.LBB2_8:
0xc: {  	s16 =	sadd.s32 $0x1, s16  }
0xd: {  	p0 =	sne.s32 s16, s8  }
.Ltmp1:
0xe: {  	_ = 	snop;
	(pc) =	sbr.rel @!p0 .LBB2_9-.Ltmp1, $1  }
0xf: {  	_ =	sdelay $0x3  }
.LBB2_1:
0x10: {  	[tilespmem:s2], [sflag:$0x1] =	stream.linear.gather [hbm4b:s5+s2], $0x4000, $0x38;
	[tilespmem:$0x8100] =	vst v63  }
0x11: {  	s17 =	simm.s32 $0x0  }
0x12: {  	[tilespmem:s9], [sflag:$0x2] =	stream.linear.gather [hbm4b:s6+s2], $0x4000, $0x38;
	[tilespmem:$0x8100] =	vst v63  }
.LBB2_2:
0x13: {  	_ =	swait.ge [sflag:s10], $0x4000  }
0x14: {  	[sflag:s10] =	ssyncset.done $0x0  }
0x15: {  	[sflag:s10] =	ssyncadd.s32 $0xFFFFC000  }
0x16: {  	[tilespmem:$0x8000] =	vst v0  }
0x17: {  	[tilespmem:$0x8010] =	vst v0  }
0x18: {  	[tilespmem:$0x8020] =	vst v0  }
0x19: {  	[tilespmem:$0x8030] =	vst v0  }
0x1a: {  	[tilespmem:$0x8040] =	vst v0  }
0x1b: {  	[tilespmem:$0x8050] =	vst v0  }
0x1c: {  	[tilespmem:$0x8060] =	vst v0  }
0x1d: {  	[tilespmem:$0x8070] =	vst v0  }
0x1e: {  	s18 =	simm.s32 $0x0;
	[tilespmem:$0x8080] =	vst v0  }
0x1f: {  	v2 =	vld [tilespmem:s18+$0x10]  }
0x20: {  	v3 =	vld [tilespmem:s18+$0x0]  }
0x21: {  	v4 =	vld [tilespmem:s18+$0x20]  }
0x22: {  	v5 =	vld [tilespmem:s18+$0x30]  }
0x23: {  	v6 =	vld [tilespmem:s18+$0x40]  }
0x24: {  	v10 =	vld [tilespmem:s18+$0x50]  }
0x25: {  	v17 =	vld [tilespmem:s18+$0x80]  }
0x26: {  	v19 =	vld [tilespmem:s18+$0x90]  }
0x27: {  	v26 =	vld [tilespmem:s18+$0xB0]  }
0x28: {  	v7 =	vshll.u32 v3, $0x4;
	v8 =	vshll.u32 v2, $0x4;
	v9 =	vshra.s32 v2, $0x4  }
0x29: {  	v11 =	vshra.s32 v4, $0x4;
	v12 =	vshll.u32 v4, $0x4;
	v3 =	vshra.s32 v3, $0x4  }
0x2a: {  	v14 =	vshll.u32 v5, $0x4;
	v15 =	vshll.u32 v6, $0x4;
	v5 =	vshra.s32 v5, $0x4  }
0x2b: {  	v18 =	vshll.u32 v10, $0x4;
	v6 =	vshra.s32 v6, $0x4;
	v24 =	vshll.u32 v17, $0x4  }
0x2c: {  	v2 =	vld [tilespmem:s18+$0xD0];
	v61 =	vshll.u32 v19, $0x4;
	v17 =	vshra.s32 v17, $0x4;
	v63 =	vshll.u32 v26, $0x4  }
0x2d: {  	v4 =	vld [tilespmem:s18+$0xC0];
	v7 =	vor.u32 v1, v7;
	v8 =	vor.u32 v1, v8;
	v12 =	vor.u32 v1, v12  }
0x2e: {  	v15 =	vor.u32 v1, v15;
	v9 =	vcvt.s32.f32 v9;
	v13 =	vand.u32 $0xFF, v8;
	v8 =	vld [tilespmem:s18+$0x60]  }
0x2f: {  	v14 =	vor.u32 v1, v14;
	v11 =	vcvt.s32.f32 v11;
	v16 =	vand.u32 $0xFF, v7;
	v7 =	vld [tilespmem:s18+$0x70]  }
0x30: {  	v18 =	vor.u32 v1, v18;
	v21 =	vcvt.s32.f32 v5;
	v5 =	vshra.s32 v10, $0x4  }
0x31: {  	v22 =	vcvt.s32.f32 v6;
	v29 =	vcvt.s32.f32 v3;
	v12 =	vand.u32 $0xFF, v12  }
0x32: {  	v23 =	vld [tilespmem:s18+$0xA0];
	v15 =	vand.u32 $0xFF, v15;
	v18 =	vand.u32 $0xFF, v18;
	v14 =	vand.u32 $0xFF, v14  }
0x33: {  	v25 =	vcvt.s32.f32 v5;
	v20 =	vshll.u32 v2, $0x4;
	v6 =	vshll.u32 v4, $0x4  }
0x34: {  	v5 =	vld [tilespmem:s18+$0xF0];
	v6 =	vor.u32 v1, v6;
	v10 =	vshra.s32 v8, $0x4;
	v27 =	vshll.u32 v7, $0x4  }
0x35: {  	v3 =	vld [tilespmem:s18+$0xE0];
	v8 =	vshll.u32 v8, $0x4;
	v28 =	vcvt.s32.f32 v10;
	v10 =	vor.u32 v1, v27  }
0x36: {  	v30 =	vshra.s32 v7, $0x4;
	[tilespmem:v16+s11+$0x0] =	vst.idx.add.f32.msk $0xffff, v29;
	v7 =	vand.u32 $0xFF, v10;
	v10 =	vor.u32 v1, v8  }
0x37: {  	v16 =	vshll.u32 v23, $0x4;
	v27 =	vor.u32 v1, v61;
	[tilespmem:v13+s11+$0x0] =	vst.idx.add.f32.msk $0xffff, v9;
	v62 =	vand.u32 $0xFF, v10  }
0x38: {  	v9 =	vcvt.s32.f32 v17;
	v13 =	vor.u32 v1, v16;
	v16 =	vshra.s32 v26, $0x4;
	[tilespmem:v12+s11+$0x0] =	vst.idx.add.f32.msk $0xffff, v11  }
0x39: {  	v17 =	vor.u32 v1, v20;
	v8 =	vcvt.s32.f32 v30;
	v11 =	vshll.u32 v5, $0x4;
	[tilespmem:v14+s11+$0x0] =	vst.idx.add.f32.msk $0xffff, v21  }
0x3a: {  	v12 =	vand.u32 $0xFF, v27;
	v13 =	vand.u32 $0xFF, v13;
	v14 =	vor.u32 v1, v24;
	[tilespmem:v15+s11+$0x0] =	vst.idx.add.f32.msk $0xffff, v22  }
0x3b: {  	v10 =	vshra.s32 v19, $0x4;
	v19 =	vshra.s32 v23, $0x4;
	v15 =	vand.u32 $0xFF, v14;
	[tilespmem:v18+s11+$0x0] =	vst.idx.add.f32.msk $0xffff, v25  }
0x3c: {  	s18 =	simm.s32 $0x400;
	v10 =	vcvt.s32.f32 v10;
	v14 =	vcvt.s32.f32 v19;
	v18 =	vor.u32 v1, v63;
	[tilespmem:v62+s11+$0x0] =	vst.idx.add.f32.msk $0xffff, v28  }
.LBB2_3:
0x3d: {  	p0 =	sne.s32 s18, $0xFC00;
	v19 =	vshll.u32 v3, $0x4;
	v4 =	vshra.s32 v4, $0x4;
	v18 =	vand.u32 $0xFF, v18;
	s19 =	smov.u32 s18;
	s18 =	sadd.s32 $0x400, s18  }
0x3e: {  	v6 =	vand.u32 $0xFF, v6;
	v17 =	vand.u32 $0xFF, v17;
	v19 =	vor.u32 v1, v19  }
0x3f: {  	v16 =	vcvt.s32.f32 v16;
	v2 =	vshra.s32 v2, $0x4;
	v5 =	vshra.s32 v5, $0x4;
	[tilespmem:v7+s11+$0x0] =	vst.idx.add.f32.msk $0xffff, v8  }
0x40: {  	v3 =	vshra.s32 v3, $0x4;
	v7 =	vor.u32 v1, v11;
	v8 =	vand.u32 $0xFF, v19;
	[tilespmem:v15+s11+$0x0] =	vst.idx.add.f32.msk $0xffff, v9  }
0x41: {  	v4 =	vcvt.s32.f32 v4;
	v7 =	vand.u32 $0xFF, v7;
	[tilespmem:v12+s11+$0x0] =	vst.idx.add.f32.msk $0xffff, v10  }
0x42: {  	v2 =	vcvt.s32.f32 v2;
	[tilespmem:v13+s11+$0x0] =	vst.idx.add.f32.msk $0xffff, v14  }
0x43: {  	[tilespmem:v18+s11+$0x0] =	vst.idx.add.f32.msk $0xffff, v16  }
0x44: {  	v3 =	vcvt.s32.f32 v3;
	[tilespmem:v6+s11+$0x0] =	vst.idx.add.f32.msk $0xffff, v4  }
0x45: {  	v4 =	vcvt.s32.f32 v5;
	[tilespmem:v17+s11+$0x0] =	vst.idx.add.f32.msk $0xffff, v2  }
0x46: {  	[tilespmem:v8+s11+$0x0] =	vst.idx.add.f32.msk $0xffff, v3  }
0x47: {  	s19 =	sshra.s32 s19, $0x2;
	[tilespmem:v7+s11+$0x0] =	vst.idx.add.f32.msk $0xffff, v4  }
0x48: {  	v2 =	vld [tilespmem:s19+$0x10]  }
0x49: {  	v4 =	vld [tilespmem:s19+$0x0]  }
0x4a: {  	v5 =	vld [tilespmem:s19+$0x20]  }
0x4b: {  	v6 =	vld [tilespmem:s19+$0x30]  }
0x4c: {  	v7 =	vld [tilespmem:s19+$0x40]  }
0x4d: {  	v8 =	vld [tilespmem:s19+$0x50]  }
0x4e: {  	v10 =	vshll.u32 v2, $0x4;
	v11 =	vshra.s32 v2, $0x4;
	v3 =	vld [tilespmem:s19+$0xE0];
	v9 =	vshll.u32 v4, $0x4  }
0x4f: {  	v10 =	vor.u32 v1, v10;
	v12 =	vld [tilespmem:s19+$0x60];
	v9 =	vor.u32 v1, v9;
	v13 =	vshra.s32 v5, $0x4  }
0x50: {  	v14 =	vshra.s32 v4, $0x4;
	v5 =	vshll.u32 v5, $0x4;
	v10 =	vand.u32 $0xFF, v10;
	v2 =	vld [tilespmem:s19+$0xD0]  }
0x51: {  	v15 =	vshll.u32 v6, $0x4;
	v6 =	vshra.s32 v6, $0x4;
	v4 =	vld [tilespmem:s19+$0xC0];
	v16 =	vshll.u32 v7, $0x4  }
0x52: {  	v5 =	vor.u32 v1, v5;
	v9 =	vand.u32 $0xFF, v9;
	v17 =	vld [tilespmem:s19+$0x70];
	v16 =	vor.u32 v1, v16  }
0x53: {  	v11 =	vcvt.s32.f32 v11;
	v19 =	vand.u32 $0xFF, v5;
	v18 =	vld [tilespmem:s19+$0x80];
	v16 =	vand.u32 $0xFF, v16  }
0x54: {  	v13 =	vcvt.s32.f32 v13;
	v5 =	vor.u32 v1, v15;
	v15 =	vshll.u32 v8, $0x4;
	v20 =	vld [tilespmem:s19+$0xB0]  }
0x55: {  	v7 =	vshra.s32 v7, $0x4;
	v15 =	vor.u32 v1, v15;
	v21 =	vld [tilespmem:s19+$0x90];
	v22 =	vshll.u32 v2, $0x4  }
0x56: {  	v24 =	vcvt.s32.f32 v6;
	v6 =	vshra.s32 v8, $0x4;
	v15 =	vand.u32 $0xFF, v15;
	v23 =	vld [tilespmem:s19+$0xA0]  }
0x57: {  	v25 =	vcvt.s32.f32 v7;
	v26 =	vand.u32 $0xFF, v5;
	v7 =	vshra.s32 v12, $0x4  }
0x58: {  	v28 =	vcvt.s32.f32 v6;
	v5 =	vshll.u32 v4, $0x4;
	v27 =	vshll.u32 v18, $0x4  }
0x59: {  	v29 =	vcvt.s32.f32 v7;
	v8 =	vshll.u32 v17, $0x4;
	v6 =	vor.u32 v1, v5  }
0x5a: {  	v14 =	vcvt.s32.f32 v14;
	v7 =	vor.u32 v1, v8;
	v5 =	vld [tilespmem:s19+$0xF0];
	v8 =	vshll.u32 v21, $0x4  }
0x5b: {  	v12 =	vshll.u32 v12, $0x4;
	v17 =	vshra.s32 v17, $0x4;
	v7 =	vand.u32 $0xFF, v7  }
0x5c: {  	v12 =	vor.u32 v1, v12;
	v30 =	vor.u32 v1, v8;
	v8 =	vcvt.s32.f32 v17;
	[tilespmem:v9+s11+$0x0] =	vst.idx.add.f32.msk $0xffff, v14  }
0x5d: {  	v31 =	vand.u32 $0xFF, v12;
	v14 =	vshll.u32 v23, $0x4;
	v9 =	vshra.s32 v18, $0x4;
	[tilespmem:v10+s11+$0x0] =	vst.idx.add.f32.msk $0xffff, v11  }
.Ltmp2:
0x5e: {  	v17 =	vshll.u32 v20, $0x4;
	v9 =	vcvt.s32.f32 v9;
	v10 =	vshra.s32 v21, $0x4;
	[tilespmem:v19+s11+$0x0] =	vst.idx.add.f32.msk $0xffff, v13;
	(pc) =	sbr.rel @p0 .LBB2_3-.Ltmp2, $4  }
0x5f: {  	v13 =	vor.u32 v1, v14;
	v10 =	vcvt.s32.f32 v10;
	v11 =	vshll.u32 v5, $0x4;
	[tilespmem:v26+s11+$0x0] =	vst.idx.add.f32.msk $0xffff, v24  }
0x60: {  	v12 =	vand.u32 $0xFF, v30;
	v14 =	vor.u32 v1, v27;
	v19 =	vshra.s32 v23, $0x4;
	[tilespmem:v16+s11+$0x0] =	vst.idx.add.f32.msk $0xffff, v25  }
0x61: {  	v13 =	vand.u32 $0xFF, v13;
	v16 =	vshra.s32 v20, $0x4;
	[tilespmem:v15+s11+$0x0] =	vst.idx.add.f32.msk $0xffff, v28;
	v15 =	vand.u32 $0xFF, v14  }
0x62: {  	v18 =	vor.u32 v1, v17;
	v17 =	vor.u32 v1, v22;
	v14 =	vcvt.s32.f32 v19;
	[tilespmem:v31+s11+$0x0] =	vst.idx.add.f32.msk $0xffff, v29  }
0x63: {  	_ =	sdelay $0x2  }
0x64: {  	v18 =	vand.u32 $0xFF, v18  }
0x65: {  	v19 =	vshll.u32 v3, $0x4;
	v6 =	vand.u32 $0xFF, v6;
	[tilespmem:v7+s11+$0x0] =	vst.idx.add.f32.msk $0xffff, v8  }
0x66: {  	v4 =	vshra.s32 v4, $0x4;
	v8 =	vand.u32 $0xFF, v17;
	v7 =	vor.u32 v1, v19;
	[tilespmem:v15+s11+$0x0] =	vst.idx.add.f32.msk $0xffff, v9  }
0x67: {  	v11 =	vor.u32 v1, v11;
	v9 =	vcvt.s32.f32 v16;
	v7 =	vand.u32 $0xFF, v7;
	[tilespmem:v12+s11+$0x0] =	vst.idx.add.f32.msk $0xffff, v10  }
0x68: {  	v2 =	vshra.s32 v2, $0x4;
	s18 =	sshll.u32 s17, $0x1;
	v4 =	vcvt.s32.f32 v4;
	v10 =	vand.u32 $0xFF, v11;
	[tilespmem:v13+s11+$0x0] =	vst.idx.add.f32.msk $0xffff, v14  }
0x69: {  	v3 =	vshra.s32 v3, $0x4;
	v2 =	vcvt.s32.f32 v2;
	s19 =	sadd.s32 s4, s18;
	[tilespmem:v18+s11+$0x0] =	vst.idx.add.f32.msk $0xffff, v9  }
0x6a: {  	v5 =	vshra.s32 v5, $0x4;
	v3 =	vcvt.s32.f32 v3;
	s20 =	sshll.u32 s19, $0x4;
	[tilespmem:v6+s11+$0x0] =	vst.idx.add.f32.msk $0xffff, v4  }
0x6b: {  	s21 =	sshll.u32 s19, $0x5;
	s20 =	sand.u32 $0x60, s20;
	v4 =	vcvt.s32.f32 v5;
	[tilespmem:v8+s11+$0x0] =	vst.idx.add.f32.msk $0xffff, v2  }
0x6c: {  	s21 =	sand.u32 $0xFFFFF00, s21;
	s20 =	sadd.s32 s3, s20;
	[tilespmem:v7+s11+$0x0] =	vst.idx.add.f32.msk $0xffff, v3  }
0x6d: {  	s20 =	sadd.s32 s21, s20;
	[tilespmem:v10+s11+$0x0] =	vst.idx.add.f32.msk $0xffff, v4  }
0x6e: {  	[hbm4b:s20+s12] =	stream.strided.scatter [tilespmem:s11], [sflag:$0x3], $0x100, s13, s12, $0x38;
	[tilespmem:$0x8100] =	vst v63  }
0x6f: {  	p0 =	seq.s32 s17, $0x4;
	_ =	swait.ge [sflag:s14], $0x100  }
0x70: {  	s19 =	sshll.u32 @!p0 s19, $0xB;
	[sflag:s14] =	ssyncset.done $0x0  }
0x71: {  	s19 =	sadd.s32 @!p0 s19, s7;
	s20 =	simm.s32 @!p0 $0x0;
	[sflag:s14] =	ssyncadd.s32 $0xFFFFFF00  }
0x72: {  	[tilespmem:s20], [sflag:$0x1] =	stream.linear.gather @!p0 [hbm4b:s19+s20], $0x4000, $0x38;
	[tilespmem:$0x8100] =	vst v63  }
0x73: {  	_ =	swait.ge [sflag:s15], $0x4000  }
0x74: {  	[sflag:s15] =	ssyncset.done $0x0  }
0x75: {  	[sflag:s15] =	ssyncadd.s32 $0xFFFFC000  }
0x76: {  	[tilespmem:$0x8000] =	vst v0  }
0x77: {  	[tilespmem:$0x8010] =	vst v0  }
0x78: {  	[tilespmem:$0x8020] =	vst v0  }
0x79: {  	[tilespmem:$0x8030] =	vst v0  }
0x7a: {  	[tilespmem:$0x8040] =	vst v0  }
0x7b: {  	[tilespmem:$0x8050] =	vst v0  }
0x7c: {  	[tilespmem:$0x8060] =	vst v0  }
0x7d: {  	[tilespmem:$0x8070] =	vst v0  }
0x7e: {  	s31 =	simm.s32 $0x0;
	[tilespmem:$0x8080] =	vst v0  }
0x7f: {  	v2 =	vld [tilespmem:s31+$0x4010]  }
0x80: {  	v3 =	vld [tilespmem:s31+$0x4000]  }
0x81: {  	v4 =	vld [tilespmem:s31+$0x4020]  }
0x82: {  	v5 =	vld [tilespmem:s31+$0x4030]  }
0x83: {  	v6 =	vld [tilespmem:s31+$0x4040]  }
0x84: {  	v10 =	vld [tilespmem:s31+$0x4050]  }
0x85: {  	v17 =	vld [tilespmem:s31+$0x4080]  }
0x86: {  	v19 =	vld [tilespmem:s31+$0x4090]  }
0x87: {  	v26 =	vld [tilespmem:s31+$0x40B0]  }
0x88: {  	v7 =	vshll.u32 v3, $0x4;
	v8 =	vshll.u32 v2, $0x4;
	v9 =	vshra.s32 v2, $0x4  }
0x89: {  	v11 =	vshra.s32 v4, $0x4;
	v12 =	vshll.u32 v4, $0x4;
	v3 =	vshra.s32 v3, $0x4  }
0x8a: {  	v14 =	vshll.u32 v5, $0x4;
	v15 =	vshll.u32 v6, $0x4;
	v5 =	vshra.s32 v5, $0x4  }
0x8b: {  	v18 =	vshll.u32 v10, $0x4;
	v6 =	vshra.s32 v6, $0x4;
	v24 =	vshll.u32 v17, $0x4  }
0x8c: {  	v2 =	vld [tilespmem:s31+$0x40D0];
	v61 =	vshll.u32 v19, $0x4;
	v17 =	vshra.s32 v17, $0x4;
	v63 =	vshll.u32 v26, $0x4  }
0x8d: {  	v4 =	vld [tilespmem:s31+$0x40C0];
	v7 =	vor.u32 v1, v7;
	v8 =	vor.u32 v1, v8;
	v12 =	vor.u32 v1, v12  }
0x8e: {  	v15 =	vor.u32 v1, v15;
	v9 =	vcvt.s32.f32 v9;
	v13 =	vand.u32 $0xFF, v8;
	v8 =	vld [tilespmem:s31+$0x4060]  }
0x8f: {  	v14 =	vor.u32 v1, v14;
	v11 =	vcvt.s32.f32 v11;
	v16 =	vand.u32 $0xFF, v7;
	v7 =	vld [tilespmem:s31+$0x4070]  }
0x90: {  	v18 =	vor.u32 v1, v18;
	v21 =	vcvt.s32.f32 v5;
	v5 =	vshra.s32 v10, $0x4  }
0x91: {  	v22 =	vcvt.s32.f32 v6;
	v29 =	vcvt.s32.f32 v3;
	v12 =	vand.u32 $0xFF, v12  }
0x92: {  	v23 =	vld [tilespmem:s31+$0x40A0];
	v15 =	vand.u32 $0xFF, v15;
	v18 =	vand.u32 $0xFF, v18;
	v14 =	vand.u32 $0xFF, v14  }
0x93: {  	v25 =	vcvt.s32.f32 v5;
	v20 =	vshll.u32 v2, $0x4;
	v6 =	vshll.u32 v4, $0x4  }
0x94: {  	v5 =	vld [tilespmem:s31+$0x40F0];
	v6 =	vor.u32 v1, v6;
	v10 =	vshra.s32 v8, $0x4;
	v27 =	vshll.u32 v7, $0x4  }
0x95: {  	v3 =	vld [tilespmem:s31+$0x40E0];
	v8 =	vshll.u32 v8, $0x4;
	v28 =	vcvt.s32.f32 v10;
	v10 =	vor.u32 v1, v27  }
0x96: {  	v30 =	vshra.s32 v7, $0x4;
	[tilespmem:v16+s11+$0x0] =	vst.idx.add.f32.msk $0xffff, v29;
	v7 =	vand.u32 $0xFF, v10;
	v10 =	vor.u32 v1, v8  }
0x97: {  	v16 =	vshll.u32 v23, $0x4;
	v27 =	vor.u32 v1, v61;
	[tilespmem:v13+s11+$0x0] =	vst.idx.add.f32.msk $0xffff, v9;
	v62 =	vand.u32 $0xFF, v10  }
0x98: {  	v9 =	vcvt.s32.f32 v17;
	v13 =	vor.u32 v1, v16;
	v16 =	vshra.s32 v26, $0x4;
	[tilespmem:v12+s11+$0x0] =	vst.idx.add.f32.msk $0xffff, v11  }
0x99: {  	v17 =	vor.u32 v1, v20;
	v8 =	vcvt.s32.f32 v30;
	v11 =	vshll.u32 v5, $0x4;
	[tilespmem:v14+s11+$0x0] =	vst.idx.add.f32.msk $0xffff, v21  }
0x9a: {  	v12 =	vand.u32 $0xFF, v27;
	v13 =	vand.u32 $0xFF, v13;
	v14 =	vor.u32 v1, v24;
	[tilespmem:v15+s11+$0x0] =	vst.idx.add.f32.msk $0xffff, v22  }
0x9b: {  	v10 =	vshra.s32 v19, $0x4;
	v19 =	vshra.s32 v23, $0x4;
	v15 =	vand.u32 $0xFF, v14;
	[tilespmem:v18+s11+$0x0] =	vst.idx.add.f32.msk $0xffff, v25  }
0x9c: {  	s19 =	simm.s32 $0x400;
	v10 =	vcvt.s32.f32 v10;
	v14 =	vcvt.s32.f32 v19;
	v18 =	vor.u32 v1, v63;
	[tilespmem:v62+s11+$0x0] =	vst.idx.add.f32.msk $0xffff, v28  }
.LBB2_5:
0x9d: {  	p1 =	sne.s32 s19, $0xFC00;
	v19 =	vshll.u32 v3, $0x4;
	v4 =	vshra.s32 v4, $0x4;
	v18 =	vand.u32 $0xFF, v18;
	s20 =	smov.u32 s19;
	s19 =	sadd.s32 $0x400, s19  }
0x9e: {  	v6 =	vand.u32 $0xFF, v6;
	v17 =	vand.u32 $0xFF, v17;
	v19 =	vor.u32 v1, v19  }
0x9f: {  	v16 =	vcvt.s32.f32 v16;
	v2 =	vshra.s32 v2, $0x4;
	v5 =	vshra.s32 v5, $0x4;
	[tilespmem:v7+s11+$0x0] =	vst.idx.add.f32.msk $0xffff, v8  }
0xa0: {  	v3 =	vshra.s32 v3, $0x4;
	v7 =	vor.u32 v1, v11;
	v8 =	vand.u32 $0xFF, v19;
	[tilespmem:v15+s11+$0x0] =	vst.idx.add.f32.msk $0xffff, v9  }
0xa1: {  	v4 =	vcvt.s32.f32 v4;
	v7 =	vand.u32 $0xFF, v7;
	[tilespmem:v12+s11+$0x0] =	vst.idx.add.f32.msk $0xffff, v10  }
0xa2: {  	v2 =	vcvt.s32.f32 v2;
	[tilespmem:v13+s11+$0x0] =	vst.idx.add.f32.msk $0xffff, v14  }
0xa3: {  	[tilespmem:v18+s11+$0x0] =	vst.idx.add.f32.msk $0xffff, v16  }
0xa4: {  	v3 =	vcvt.s32.f32 v3;
	[tilespmem:v6+s11+$0x0] =	vst.idx.add.f32.msk $0xffff, v4  }
0xa5: {  	v4 =	vcvt.s32.f32 v5;
	[tilespmem:v17+s11+$0x0] =	vst.idx.add.f32.msk $0xffff, v2  }
0xa6: {  	[tilespmem:v8+s11+$0x0] =	vst.idx.add.f32.msk $0xffff, v3  }
0xa7: {  	s20 =	sshra.s32 s20, $0x2;
	[tilespmem:v7+s11+$0x0] =	vst.idx.add.f32.msk $0xffff, v4  }
0xa8: {  	v2 =	vld [tilespmem:s20+$0x4010]  }
0xa9: {  	v4 =	vld [tilespmem:s20+$0x4000]  }
0xaa: {  	v5 =	vld [tilespmem:s20+$0x4020]  }
0xab: {  	v6 =	vld [tilespmem:s20+$0x4030]  }
0xac: {  	v7 =	vld [tilespmem:s20+$0x4040]  }
0xad: {  	v8 =	vld [tilespmem:s20+$0x4050]  }
0xae: {  	v10 =	vshll.u32 v2, $0x4;
	v11 =	vshra.s32 v2, $0x4;
	v3 =	vld [tilespmem:s20+$0x40E0];
	v9 =	vshll.u32 v4, $0x4  }
0xaf: {  	v10 =	vor.u32 v1, v10;
	v12 =	vld [tilespmem:s20+$0x4060];
	v9 =	vor.u32 v1, v9;
	v13 =	vshra.s32 v5, $0x4  }
0xb0: {  	v14 =	vshra.s32 v4, $0x4;
	v5 =	vshll.u32 v5, $0x4;
	v10 =	vand.u32 $0xFF, v10;
	v2 =	vld [tilespmem:s20+$0x40D0]  }
0xb1: {  	v15 =	vshll.u32 v6, $0x4;
	v6 =	vshra.s32 v6, $0x4;
	v4 =	vld [tilespmem:s20+$0x40C0];
	v16 =	vshll.u32 v7, $0x4  }
0xb2: {  	v5 =	vor.u32 v1, v5;
	v9 =	vand.u32 $0xFF, v9;
	v17 =	vld [tilespmem:s20+$0x4070];
	v16 =	vor.u32 v1, v16  }
0xb3: {  	v11 =	vcvt.s32.f32 v11;
	v19 =	vand.u32 $0xFF, v5;
	v18 =	vld [tilespmem:s20+$0x4080];
	v16 =	vand.u32 $0xFF, v16  }
0xb4: {  	v13 =	vcvt.s32.f32 v13;
	v5 =	vor.u32 v1, v15;
	v15 =	vshll.u32 v8, $0x4;
	v20 =	vld [tilespmem:s20+$0x40B0]  }
0xb5: {  	v7 =	vshra.s32 v7, $0x4;
	v15 =	vor.u32 v1, v15;
	v21 =	vld [tilespmem:s20+$0x4090];
	v22 =	vshll.u32 v2, $0x4  }
0xb6: {  	v24 =	vcvt.s32.f32 v6;
	v6 =	vshra.s32 v8, $0x4;
	v15 =	vand.u32 $0xFF, v15;
	v23 =	vld [tilespmem:s20+$0x40A0]  }
0xb7: {  	v25 =	vcvt.s32.f32 v7;
	v26 =	vand.u32 $0xFF, v5;
	v7 =	vshra.s32 v12, $0x4  }
0xb8: {  	v28 =	vcvt.s32.f32 v6;
	v5 =	vshll.u32 v4, $0x4;
	v27 =	vshll.u32 v18, $0x4  }
0xb9: {  	v29 =	vcvt.s32.f32 v7;
	v8 =	vshll.u32 v17, $0x4;
	v6 =	vor.u32 v1, v5  }
0xba: {  	v14 =	vcvt.s32.f32 v14;
	v7 =	vor.u32 v1, v8;
	v5 =	vld [tilespmem:s20+$0x40F0];
	v8 =	vshll.u32 v21, $0x4  }
0xbb: {  	v12 =	vshll.u32 v12, $0x4;
	v17 =	vshra.s32 v17, $0x4;
	v7 =	vand.u32 $0xFF, v7  }
0xbc: {  	v12 =	vor.u32 v1, v12;
	v30 =	vor.u32 v1, v8;
	v8 =	vcvt.s32.f32 v17;
	[tilespmem:v9+s11+$0x0] =	vst.idx.add.f32.msk $0xffff, v14  }
0xbd: {  	v31 =	vand.u32 $0xFF, v12;
	v14 =	vshll.u32 v23, $0x4;
	v9 =	vshra.s32 v18, $0x4;
	[tilespmem:v10+s11+$0x0] =	vst.idx.add.f32.msk $0xffff, v11  }
.Ltmp3:
0xbe: {  	v17 =	vshll.u32 v20, $0x4;
	v9 =	vcvt.s32.f32 v9;
	v10 =	vshra.s32 v21, $0x4;
	[tilespmem:v19+s11+$0x0] =	vst.idx.add.f32.msk $0xffff, v13;
	(pc) =	sbr.rel @p1 .LBB2_5-.Ltmp3, $4  }
0xbf: {  	v13 =	vor.u32 v1, v14;
	v10 =	vcvt.s32.f32 v10;
	v11 =	vshll.u32 v5, $0x4;
	[tilespmem:v26+s11+$0x0] =	vst.idx.add.f32.msk $0xffff, v24  }
0xc0: {  	v12 =	vand.u32 $0xFF, v30;
	v14 =	vor.u32 v1, v27;
	v19 =	vshra.s32 v23, $0x4;
	[tilespmem:v16+s11+$0x0] =	vst.idx.add.f32.msk $0xffff, v25  }
0xc1: {  	v13 =	vand.u32 $0xFF, v13;
	v16 =	vshra.s32 v20, $0x4;
	[tilespmem:v15+s11+$0x0] =	vst.idx.add.f32.msk $0xffff, v28;
	v15 =	vand.u32 $0xFF, v14  }
0xc2: {  	v18 =	vor.u32 v1, v17;
	v17 =	vor.u32 v1, v22;
	v14 =	vcvt.s32.f32 v19;
	[tilespmem:v31+s11+$0x0] =	vst.idx.add.f32.msk $0xffff, v29  }
0xc3: {  	_ =	sdelay $0x2  }
0xc4: {  	v18 =	vand.u32 $0xFF, v18  }
0xc5: {  	v19 =	vshll.u32 v3, $0x4;
	v6 =	vand.u32 $0xFF, v6;
	[tilespmem:v7+s11+$0x0] =	vst.idx.add.f32.msk $0xffff, v8  }
0xc6: {  	v4 =	vshra.s32 v4, $0x4;
	v60 =	vand.u32 $0xFF, v17;
	v59 =	vor.u32 v1, v19;
	[tilespmem:v15+s11+$0x0] =	vst.idx.add.f32.msk $0xffff, v9  }
0xc7: {  	v61 =	vcvt.s32.f32 v16;
	v11 =	vor.u32 v1, v11;
	v7 =	vand.u32 $0xFF, v59;
	[tilespmem:v12+s11+$0x0] =	vst.idx.add.f32.msk $0xffff, v10  }
0xc8: {  	v2 =	vshra.s32 v2, $0x4;
	s18 =	sadd.s32 s18, s4;
	v4 =	vcvt.s32.f32 v4;
	v62 =	vand.u32 $0xFF, v11;
	[tilespmem:v13+s11+$0x0] =	vst.idx.add.f32.msk $0xffff, v14  }
0xc9: {  	v3 =	vshra.s32 v3, $0x4;
	v2 =	vcvt.s32.f32 v2;
	s18 =	sadd.s32 $0x1, s18;
	[tilespmem:v18+s11+$0x0] =	vst.idx.add.f32.msk $0xffff, v61  }
0xca: {  	v5 =	vshra.s32 v5, $0x4;
	v3 =	vcvt.s32.f32 v3;
	s19 =	sshll.u32 s18, $0x4;
	[tilespmem:v6+s11+$0x0] =	vst.idx.add.f32.msk $0xffff, v4  }
0xcb: {  	v63 =	vcvt.s32.f32 v5;
	s20 =	sshll.u32 s18, $0x5;
	s19 =	sand.u32 $0x70, s19;
	[tilespmem:v60+s11+$0x0] =	vst.idx.add.f32.msk $0xffff, v2  }
0xcc: {  	s20 =	sand.u32 $0xFFFFF00, s20;
	s19 =	sadd.s32 s3, s19;
	[tilespmem:v7+s11+$0x0] =	vst.idx.add.f32.msk $0xffff, v3  }
.Ltmp4:
0xcd: {  	s19 =	sadd.s32 s20, s19;
	[tilespmem:v62+s11+$0x0] =	vst.idx.add.f32.msk $0xffff, v63;
	(pc) =	sbr.rel @p0 .LBB2_8-.Ltmp4, $4  }
0xce: {  	[hbm4b:s19+s12] =	stream.strided.scatter [tilespmem:s11], [sflag:$0x3], $0x100, s13, s12, $0x38;
	[tilespmem:$0x8100] =	vst v63  }
0xcf: {  	_ =	swait.ge [sflag:s14], $0x100  }
0xd0: {  	[sflag:s14] =	ssyncset.done $0x0  }
0xd1: {  	[sflag:s14] =	ssyncadd.s32 $0xFFFFFF00  }
.Ltmp5:
0xd2: {  	(pc) =	sbr.rel .LBB2_2-.Ltmp5, $4  }
0xd3: {  	_ = 	snop  }
0xd4: {  	s18 =	sshll.u32 s18, $0xB  }
0xd5: {  	s17 =	sadd.s32 $0x1, s17;
	s18 =	sadd.s32 s18, s7  }
0xd6: {  	[tilespmem:s9], [sflag:$0x2] =	stream.linear.gather [hbm4b:s18+s2], $0x4000, $0x38;
	[tilespmem:$0x8100] =	vst v63  }
.LBB2_9:
0xd7: {  	_ =	sfence.sel $0x180000  }
0xd8: {  	[bflag:$0x0] =	sbarrier.arrive $0xFFFF  }
0xd9: {  	p0 =	sne.s32 s0, $0x0;
	_ =	strace $0x9000004A  }
0xda: {  	s0 =	sadd.s32 @!p0 $0x100000, s1;
	[bflag:$0x2] =	sbarrier.arrive $0xFFFF  }
0xdb: {  	[sflag:s0] =	ssyncadd.tile.s32 @!p0 $0x1;
	_ =	shalt  }
.Lfunc_end2:
_tile_overlayer_lowered:
.L_overlay_start_2:
0xdc: {  	(tag) =	ssettag $0x2  }
0xdd: {  	s0 =	rddreg [dreg:$0x0];
	s2 =	stileid.u32  }
0xde: {  	s1 =	rddreg [dreg:$0x1];
	p0 =	sne.s32 s2, $0x0  }
0xdf: {  	s3 =	rddreg [dreg:$0x2];
	[bflag:$0x3] =	sbarrier.arrive $0xFFFF;
	s2 =	simm.s32 @!p0 $0x1C03  }
0xe0: {  	[timem:s3], [sflag:s2] =	dma.local @!p0 [hbm:s0], s1  }
0xe1: {  	s0 =	simm.s32 @!p0 $0x3  }
0xe2: {  	_ =	swait.ge @!p0 [sflag:s0], s1  }
0xe3: {  	s1 =	ssub.s32 @!p0 $0x0, s1;
	[sflag:s0] =	ssyncset.done @!p0 $0x0  }
0xe4: {  	[sflag:s0] =	ssyncadd.s32 @!p0 s1  }
0xe5: {  	[bflag:$0x3] =	sbarrier.arrive $0xFFFF  }
0xe6: {  	_ =	shalt  }

// kernel: kernel.17.cloned.1.call-start
scs
__scs_entry_jumppad:
0x0: {  	(pc) =	sbr.rel $0x88, $3  }
0x1: {  	(tag) =	ssettag $0x0;
	lr =	simm.s32 $0x1  }
0x2: {  	[smem:$0x3FA0] =	sst lr;
	_ =	strace $0xD0000000  }
0x3: {  	_ = 	snop  }
0x4: {  	_ = 	snop  }
0x5: {  	_ = 	snop  }
0x6: {  	_ = 	snop  }
0x7: {  	_ = 	snop  }
__scs_overlays_trampoline_lowered:
0x8: {  	[smem:$0x3FAF] =	sst s0  }
0x9: {  	[smem:$0x3FB0] =	sst s1  }
0xa: {  	[smem:$0x3FB1] =	sst s2  }
0xb: {  	[smem:$0x3FB2] =	sst s3  }
0xc: {  	[smem:$0x3FB3] =	sst s4  }
0xd: {  	[smem:$0x3FB4] =	sst s5  }
0xe: {  	[smem:$0x3FB5] =	sst s6  }
0xf: {  	[smem:$0x3FB6] =	sst s7  }
0x10: {  	[smem:$0x3FB7] =	sst s8  }
0x11: {  	[smem:$0x3FB8] =	sst s9;
	s0 =	simm.s32 @!p0 $0x0  }
0x12: {  	s1 =	sld [smem:$0x3F9E];
	s0 =	simm.s32 @p0 $0x1  }
0x13: {  	[smem:$0x3FB9] =	sst s0;
	s0 =	simm.s32 @!p1 $0x0  }
0x14: {  	s2 =	sld [smem:$0x3F9D];
	s0 =	simm.s32 @p1 $0x1  }
0x15: {  	[smem:$0x3FBA] =	sst s0;
	s0 =	simm.s32 @!p2 $0x0  }
0x16: {  	s3 =	sld [smem:$0x3FDB];
	s0 =	simm.s32 @p2 $0x1  }
0x17: {  	s4 =	simm.s32 $0x1BF5;
	[smem:$0x3FBC] =	sst s0  }
0x18: {  	s0 =	sld [smem:$0x3F9F];
	_ =	swait.ge [sflag:s4], $0x0  }
0x19: {  	s7 =	sld [smem:$0x3FA0]  }
0x1a: {  	s8 =	sadd.s32 $0xFFFFE003, lr  }
0x1b: {  	s9 =	sadd.s32 $0xFFFFFEF7, lr;
	s5 =	simm.s32 $0xFFFFFFFF;
	p2 =	slt.u32 s8, $0xFFFFF086  }
0x1c: {  	p1 =	slt.u32 s9, $0xF7A;
	s5 =	simm.s32 @!p2 $0x0  }
0x1d: {  	s5 =	simm.s32 @p1 $0x1;
	p0 =	seq.s32 s7, s2  }
0x1e: {  	s7 =	smul.u32 @!p0 $0xF7A, s2;
	p2 =	seq.s32 @!p0 s5, $0x0  }
0x1f: {  	s9 =	smul.u32 $0xF7A, s1;
	s8 =	simm.s32 @!p0 $0x1BF5;
	p2 =	por !p2, p0  }
0x20: {  	[sflag:s8] =	ssyncset.s32 @!p0 $0xFFFFF086;
	s6 =	sadd.s32 @!p0 s3, s7;
	s7 =	simm.s32 @!p0 $0x108  }
0x21: {  	s3 =	sadd.s32 s3, s9;
	s6 =	sadd.s32 @!p0 $0x88, s6;
	s7 =	simm.s32 @p2 $0x1082  }
0x22: {  	[simem:s7], [sflag:s8] =	dma.local @!p0 [hbm:s6], $0xF7A  }
0x23: {  	s9 =	sor.u32 $0xD0000000, s2;
	s6 =	simm.s32 $0x108;
	_ =	swait.ge @!p0 [sflag:s8], $0x0  }
0x24: {  	s3 =	sadd.s32 $0x88, s3;
	s6 =	simm.s32 @!p1 $0x1082;
	[sflag:s4] =	ssyncset.s32 $0xFFFFF086  }
0x25: {  	[simem:s6], [sflag:s4] =	dma.local [hbm:s3], $0xF7A  }
0x26: {  	[smem:$0x3FA0] =	sst s1;
	(tag) =	ssettag s2;
	_ =	strace s9  }
0x27: {  	s1 =	sld [smem:$0x3FB0]  }
0x28: {  	s2 =	sld [smem:$0x3FB1]  }
0x29: {  	s4 =	sld [smem:$0x3FB3]  }
0x2a: {  	p0 =	seq.s32 s5, $0x0;
	s5 =	sld [smem:$0x3FB4]  }
0x2b: {  	s6 =	sld [smem:$0x3FB5]  }
0x2c: {  	s7 =	sld [smem:$0x3FB6]  }
0x2d: {  	s3 =	simm.s32 $0x108;
	s8 =	sld [smem:$0x3FB7]  }
0x2e: {  	s3 =	simm.s32 @!p0 $0x1082;
	s9 =	sld [smem:$0x3FB8]  }
0x2f: {  	lr =	sadd.s32 s0, s3;
	s0 =	sld [smem:$0x3FAF]  }
0x30: {  	s3 =	sld [smem:$0x3FB2]  }
0x31: {  	[smem:$0x3FBB] =	sst s10  }
0x32: {  	s10 =	sld [smem:$0x3FB9];
	_ =	sdelay $0x3  }
0x33: {  	p0 =	seq.s32 s10, $0x1;
	s10 =	sld [smem:$0x3FBB];
	_ =	sdelay $0x3  }
0x34: {  	[smem:$0x3FBB] =	sst s10  }
0x35: {  	s10 =	sld [smem:$0x3FBA];
	_ =	sdelay $0x3  }
0x36: {  	p1 =	seq.s32 s10, $0x1;
	s10 =	sld [smem:$0x3FBB];
	_ =	sdelay $0x3  }
0x37: {  	[smem:$0x3FBB] =	sst s10  }
0x38: {  	s10 =	sld [smem:$0x3FBC]  }
0x39: {  	_ = 	snop;
	(pc) =	sbr.ind lr, $3  }
0x3a: {  	_ = 	snop  }
0x3b: {  	_ = 	snop  }
0x3c: {  	p2 =	seq.s32 s10, $0x1;
	s10 =	sld [smem:$0x3FBB]  }
0x3d: {  	_ =	shalt  }
0x3e: {  	_ =	shalt  }
0x3f: {  	_ =	shalt  }
0x40: {  	_ =	shalt  }
0x41: {  	_ =	shalt  }
0x42: {  	_ =	shalt  }
0x43: {  	_ =	shalt  }
0x44: {  	_ =	shalt  }
0x45: {  	_ =	shalt  }
0x46: {  	_ =	shalt  }
0x47: {  	_ =	shalt  }
0x48: {  	_ =	shalt  }
0x49: {  	_ =	shalt  }
0x4a: {  	_ =	shalt  }
0x4b: {  	_ =	shalt  }
0x4c: {  	_ =	shalt  }
0x4d: {  	_ =	shalt  }
0x4e: {  	_ =	shalt  }
0x4f: {  	_ =	shalt  }
0x50: {  	_ =	shalt  }
0x51: {  	_ =	shalt  }
0x52: {  	_ =	shalt  }
0x53: {  	_ =	shalt  }
0x54: {  	_ =	shalt  }
0x55: {  	_ =	shalt  }
0x56: {  	_ =	shalt  }
0x57: {  	_ =	shalt  }
0x58: {  	_ =	shalt  }
0x59: {  	_ =	shalt  }
0x5a: {  	_ =	shalt  }
0x5b: {  	_ =	shalt  }
0x5c: {  	_ =	shalt  }
0x5d: {  	_ =	shalt  }
0x5e: {  	_ =	shalt  }
0x5f: {  	_ =	shalt  }
0x60: {  	_ =	shalt  }
0x61: {  	_ =	shalt  }
0x62: {  	_ =	shalt  }
0x63: {  	_ =	shalt  }
0x64: {  	_ =	shalt  }
0x65: {  	_ =	shalt  }
0x66: {  	_ =	shalt  }
0x67: {  	_ =	shalt  }
0x68: {  	_ =	shalt  }
0x69: {  	_ =	shalt  }
0x6a: {  	_ =	shalt  }
0x6b: {  	_ =	shalt  }
0x6c: {  	_ =	shalt  }
0x6d: {  	_ =	shalt  }
0x6e: {  	_ =	shalt  }
0x6f: {  	_ =	shalt  }
0x70: {  	_ =	shalt  }
0x71: {  	_ =	shalt  }
0x72: {  	_ =	shalt  }
0x73: {  	_ =	shalt  }
0x74: {  	_ =	shalt  }
0x75: {  	_ =	shalt  }
0x76: {  	_ =	shalt  }
0x77: {  	_ =	shalt  }
0x78: {  	_ =	shalt  }
0x79: {  	_ =	shalt  }
0x7a: {  	_ =	shalt  }
0x7b: {  	_ =	shalt  }
0x7c: {  	_ =	shalt  }
0x7d: {  	_ =	shalt  }
0x7e: {  	_ =	shalt  }
0x7f: {  	_ =	shalt  }
0x80: {  	_ =	shalt  }
0x81: {  	_ =	shalt  }
0x82: {  	_ =	shalt  }
0x83: {  	_ =	shalt  }
0x84: {  	_ =	shalt  }
0x85: {  	_ =	shalt  }
0x86: {  	_ =	shalt  }
0x87: {  	_ =	shalt  }
.Lfunc_end0:
.L_simem_size_0:
called_computation.2_lowered:
.L_overlay_start_0:
0x88: {  	s2 =	sld [smem:$0x3FD9]  }
0x89: {  	s3 =	sld [smem:$0x3FFE];
	_ =	sdelay $0x1  }
0x8a: {  	s1 =	srdreg.scid  }
0x8b: {  	s0 =	sand.u32 $0x1, s1  }
0x8c: {  	s17 =	sshll.u32 s0, $0xA;
	s2 =	sadd.s32 s3, s2  }
0x8d: {  	s2 =	sadd.s32 s2, s17  }
0x8e: {  	[smem:$0x3FC7] =	sst s2  }
0x8f: {  	_ = 	snop  }
0x90: {  	(tm) =	ssettm $0x1  }
0x91: {  	s18 =	sld [smem:$0x3FFB];
	_ =	sdelay $0x3  }
0x92: {  	_ =	strace s18  }
0x93: {  	s2 =	sld [smem:$0x3FFC];
	_ =	sdelay $0x3  }
0x94: {  	_ =	strace s2  }
0x95: {  	s2 =	sld [smem:$0x3FFD];
	_ =	sdelay $0x3  }
0x96: {  	_ =	strace s2  }
0x97: {  	_ =	strace $0x8FFFFFFF  }
0x98: {  	s19 =	sld [smem:$0x3FDB];
	_ =	sdelay $0x1  }
0x99: {  	s20 =	simm.s32 $_scs_section_size  }
0x9a: {  	s4 =	simm.s32 $_size__tile_overlayer_lowered;
	s5 =	simm.s32 $_tile_overlayer_lowered  }
0x9b: {  	s6 =	simm.s32 $0x1BFF;
	s21 =	sshll.u32 s5, $0x1;
	s3 =	sadd.s32 s20, s19  }
0x9c: {  	s22 =	simm.s32 $0x0;
	s4 =	sshll.u32 s4, $0x1;
	s5 =	sadd.s32 s21, s3  }
0x9d: {  	[timem:s22], [sflag:s6] =	dma.local [hbm:s5], s4  }
0x9e: {  	_ =	swait.ge [sflag:s6], s4  }
0x9f: {  	s4 =	ssub.s32 $0x0, s4;
	[sflag:s6] =	ssyncset.done $0x0  }
0xa0: {  	[sflag:s6] =	ssyncadd.s32 s4;
	_ =	sdelay $0x1  }
0xa1: {  	s23 =	simm.s32 $0x1B8B  }
0xa2: {  	_ =	swait.ge [sflag:s23], $0x1  }
0xa3: {  	[sflag:s23] =	ssyncset.done $0x0  }
0xa4: {  	[sflag:s23] =	ssyncadd.s32 $0xFFFFFFFF  }
0xa5: {  	s4 =	sld [smem:$0x0]  }
0xa6: {  	s5 =	sand.u32 $0xFFFFFFFE, s1  }
0xa7: {  	p0 =	sne.s32 s1, s5  }
0xa8: {  	s5 =	sshll.u32 @p0 s5, $0xE  }
0xa9: {  	s5 =	sadd.s32 @p0 $0x11B8D, s5;
	s6 =	sshll.u32 @p0 s4, $0x11  }
0xaa: {  	s5 =	sor.u32 @p0 s6, s5  }
0xab: {  	[sflag:s5] =	ssyncadd.remote.s32 @p0 $0x1;
	_ =	sdelay $0x1  }
0xac: {  	s5 =	simm.s32 @p0 $0x1B8D  }
0xad: {  	_ =	swait.eq @p0 [sflag:s5], $0x1  }
0xae: {  	[sflag:s5] =	ssyncadd.s32 @p0 $0xFFFFFFFF  }
0xaf: {  	s6 =	sshll.u32 @!p0 s1, $0xE  }
0xb0: {  	s6 =	sor.u32 @!p0 $0x4000, s6;
	s5 =	simm.s32 @!p0 $0x1B8D  }
0xb1: {  	s4 =	sshll.u32 @!p0 s4, $0x11;
	s6 =	sadd.s32 @!p0 $0x11B8D, s6;
	_ =	swait.eq @!p0 [sflag:s5], $0x1  }
0xb2: {  	s4 =	sor.u32 @!p0 s4, s6;
	[sflag:s5] =	ssyncadd.s32 @!p0 $0xFFFFFFFF  }
0xb3: {  	s25 =	simm.s32 $0x1B8E;
	s24 =	sld [smem:$0x3FFE];
	[sflag:s4] =	ssyncadd.remote.s32 @!p0 $0x1  }
0xb4: {  	s26 =	simm.s32 $execute0_lowered;
	[smem:$0x3FD2] =	sst s25  }
0xb5: {  	s5 =	sshll.u32 s26, $0x1;
	_ =	strace $0x8000004C;
	[dreg:$0x1] =	wrdreg $0xFFFFFFFF  }
0xb6: {  	s28 =	simm.s32 $_size_execute0_lowered;
	s3 =	sadd.s32 s3, s5;
	[dreg:$0x0] =	wrdreg $0x0  }
0xb7: {  	s5 =	sshll.u32 s28, $0x1;
	[dreg:$0x2] =	wrdreg s3  }
0xb8: {  	[dreg:$0x3] =	wrdreg s5  }
0xb9: {  	[dreg:$0x4] =	wrdreg $0xC0  }
0xba: {  	_ =	task [dreg:s22], $0x5FFFF  }
0xbb: {  	[dreg:$0x1] =	wrdreg $0xFFFFFFFF  }
0xbc: {  	[dreg:$0x0] =	wrdreg $0x60  }
0xbd: {  	[dreg:$0x2] =	wrdreg s24  }
0xbe: {  	[dreg:$0x3] =	wrdreg $0xB  }
0xbf: {  	_ =	task.clear_ibuf [dreg:s22], $0x4FFFF;
	_ =	strace $0x9000004C  }
0xc0: {  	s29 =	simm.s32 $0xB;
	_ =	strace $0x8000004E  }
0xc1: {  	_ =	swait.ge [sflag:s29], $0x1  }
0xc2: {  	[sflag:s29] =	ssyncadd.s32 $0xFFFFFFFF  }
0xc3: {  	_ =	strace $0x9000004E  }
0xc4: {  	_ =	sfence  }
0xc5: {  	s30 =	sld [smem:$0x0];
	_ =	sdelay $0x2  }
0xc6: {  	s31 =	sshll.u32 s1, $0xD;
	s1 =	sshrl.u32 s1, $0x2  }
0xc7: {  	s4 =	sand.u32 $0x4000, s31;
	s1 =	sadd.s32 s1, s30  }
0xc8: {  	s0 =	sor.u32 s4, s0;
	s1 =	sshll.u32 s1, $0x11  }
0xc9: {  	s0 =	sor.u32 s1, s0  }
0xca: {  	s0 =	sadd.s32 $0x8F2B, s0  }
0xcb: {  	[sflag:s0] =	ssyncadd.remote.s32 $0x1  }
0xcc: {  	_ =	sfence.sel $0xFFFF  }
0xcd: {  	[dreg:$0x0] =	wrdreg $0xFFFFFFFF;
	(pc) =	sbr.abs _section_cstart, $3  }
0xce: {  	[dreg:$0x1] =	wrdreg $0xFFFFFFFF  }
0xcf: {  	_ =	task.clear_ibuf [dreg:s22], $0x2FFFF;
	_ =	strace $0x9FFFFFFF  }
0xd0: {  	(tm) =	ssettm $0x7FFFFFFF  }
0xd1: {  	_ =	shalt  }
tec
execute0_lowered:
.L_overlay_start_1:
0x0: {  	(tag) =	ssettag $0x1  }
0x1: {  	s1 =	srdreg.scid  }
0x2: {  	s0 =	stileid.u32;
	s7 =	rddreg [dreg:$0x0]  }
0x3: {  	s2 =	simm.s32 $0x0;
	s10 =	simm.s32 $0x1;
	s11 =	simm.s32 $0x8000  }
0x4: {  	s12 =	simm.s32 $0x80;
	s3 =	sand.u32 $0x1, s1;
	s30 =	sshll.u32 s0, $0x1  }
0x5: {  	s13 =	simm.s32 $0x400;
	s14 =	simm.s32 $0x3;
	s5 =	sor.u32 s3, s30  }
0x6: {  	s15 =	simm.s32 $0x2;
	s1 =	rddreg [dreg:$0x1];
	s4 =	smul.u32 $0x5000, s5  }
.Ltmp0:
0x7: {  	s16 =	simm.s32 $0x0;
	[smem:$0x7FF] =	sst s2;
	(pc) =	sbr.rel .LBB2_1-.Ltmp0, $4  }
0x8: {  	s6 =	ssub.s32 $0x2, s3;
	_ =	strace $0x8000004D;
	s3 =	sadd.s32 $0x1E6800, s7  }
0x9: {  	s31 =	sshrl.u32 s6, $0x1;
	s5 =	smul.u32 $0xA, s5;
	s8 =	sadd.s32 s4, s7  }
0xa: {  	s9 =	ssub.s32 s6, s31;
	s7 =	sadd.s32 $0x147800, s7;
	s4 =	sadd.s32 $0x146800, s8  }
0xb: {  	v0 =	vimm.f32 $0.0e+00;
	v1 =	vlaneseq.u32;
	s6 =	sadd.s32 $0x147000, s8;
	s8 =	smax.u32 s9, $0x1;
	s9 =	simm.s32 $0x4000  }
.LBB2_8:
0xc: {  	s16 =	sadd.s32 $0x1, s16  }
0xd: {  	p0 =	sne.s32 s16, s8  }
.Ltmp1:
0xe: {  	_ = 	snop;
	(pc) =	sbr.rel @!p0 .LBB2_9-.Ltmp1, $1  }
0xf: {  	_ =	sdelay $0x3  }
.LBB2_1:
0x10: {  	[tilespmem:s2], [sflag:$0x1] =	stream.linear.gather [hbm4b:s4+s2], $0x4000, $0x38;
	[tilespmem:$0x8100] =	vst v63  }
0x11: {  	s17 =	simm.s32 $0x0  }
0x12: {  	[tilespmem:s9], [sflag:$0x2] =	stream.linear.gather [hbm4b:s6+s2], $0x4000, $0x38;
	[tilespmem:$0x8100] =	vst v63  }
.LBB2_2:
0x13: {  	_ =	swait.ge [sflag:s10], $0x4000  }
0x14: {  	[sflag:s10] =	ssyncset.done $0x0  }
0x15: {  	[sflag:s10] =	ssyncadd.s32 $0xFFFFC000  }
0x16: {  	[tilespmem:$0x8000] =	vst v0  }
0x17: {  	[tilespmem:$0x8010] =	vst v0  }
0x18: {  	[tilespmem:$0x8020] =	vst v0  }
0x19: {  	[tilespmem:$0x8030] =	vst v0  }
0x1a: {  	[tilespmem:$0x8040] =	vst v0  }
0x1b: {  	[tilespmem:$0x8050] =	vst v0  }
0x1c: {  	[tilespmem:$0x8060] =	vst v0  }
0x1d: {  	[tilespmem:$0x8070] =	vst v0  }
0x1e: {  	s18 =	simm.s32 $0x0;
	[tilespmem:$0x8080] =	vst v0  }
0x1f: {  	v2 =	vld [tilespmem:s18+$0x10]  }
0x20: {  	v3 =	vld [tilespmem:s18+$0x0]  }
0x21: {  	v4 =	vld [tilespmem:s18+$0x20]  }
0x22: {  	v5 =	vld [tilespmem:s18+$0x30]  }
0x23: {  	v6 =	vld [tilespmem:s18+$0x40]  }
0x24: {  	v10 =	vld [tilespmem:s18+$0x50]  }
0x25: {  	v17 =	vld [tilespmem:s18+$0x80]  }
0x26: {  	v19 =	vld [tilespmem:s18+$0x90]  }
0x27: {  	v26 =	vld [tilespmem:s18+$0xB0]  }
0x28: {  	v7 =	vshll.u32 v3, $0x4;
	v8 =	vshll.u32 v2, $0x4;
	v9 =	vshra.s32 v2, $0x4  }
0x29: {  	v11 =	vshra.s32 v4, $0x4;
	v12 =	vshll.u32 v4, $0x4;
	v3 =	vshra.s32 v3, $0x4  }
0x2a: {  	v14 =	vshll.u32 v5, $0x4;
	v15 =	vshll.u32 v6, $0x4;
	v5 =	vshra.s32 v5, $0x4  }
0x2b: {  	v18 =	vshll.u32 v10, $0x4;
	v6 =	vshra.s32 v6, $0x4;
	v24 =	vshll.u32 v17, $0x4  }
0x2c: {  	v2 =	vld [tilespmem:s18+$0xD0];
	v61 =	vshll.u32 v19, $0x4;
	v17 =	vshra.s32 v17, $0x4;
	v63 =	vshll.u32 v26, $0x4  }
0x2d: {  	v4 =	vld [tilespmem:s18+$0xC0];
	v7 =	vor.u32 v1, v7;
	v8 =	vor.u32 v1, v8;
	v12 =	vor.u32 v1, v12  }
0x2e: {  	v15 =	vor.u32 v1, v15;
	v9 =	vcvt.s32.f32 v9;
	v13 =	vand.u32 $0xFF, v8;
	v8 =	vld [tilespmem:s18+$0x60]  }
0x2f: {  	v14 =	vor.u32 v1, v14;
	v11 =	vcvt.s32.f32 v11;
	v16 =	vand.u32 $0xFF, v7;
	v7 =	vld [tilespmem:s18+$0x70]  }
0x30: {  	v18 =	vor.u32 v1, v18;
	v21 =	vcvt.s32.f32 v5;
	v5 =	vshra.s32 v10, $0x4  }
0x31: {  	v22 =	vcvt.s32.f32 v6;
	v29 =	vcvt.s32.f32 v3;
	v12 =	vand.u32 $0xFF, v12  }
0x32: {  	v23 =	vld [tilespmem:s18+$0xA0];
	v15 =	vand.u32 $0xFF, v15;
	v18 =	vand.u32 $0xFF, v18;
	v14 =	vand.u32 $0xFF, v14  }
0x33: {  	v25 =	vcvt.s32.f32 v5;
	v20 =	vshll.u32 v2, $0x4;
	v6 =	vshll.u32 v4, $0x4  }
0x34: {  	v5 =	vld [tilespmem:s18+$0xF0];
	v6 =	vor.u32 v1, v6;
	v10 =	vshra.s32 v8, $0x4;
	v27 =	vshll.u32 v7, $0x4  }
0x35: {  	v3 =	vld [tilespmem:s18+$0xE0];
	v8 =	vshll.u32 v8, $0x4;
	v28 =	vcvt.s32.f32 v10;
	v10 =	vor.u32 v1, v27  }
0x36: {  	v30 =	vshra.s32 v7, $0x4;
	[tilespmem:v16+s11+$0x0] =	vst.idx.add.f32.msk $0xffff, v29;
	v7 =	vand.u32 $0xFF, v10;
	v10 =	vor.u32 v1, v8  }
0x37: {  	v16 =	vshll.u32 v23, $0x4;
	v27 =	vor.u32 v1, v61;
	[tilespmem:v13+s11+$0x0] =	vst.idx.add.f32.msk $0xffff, v9;
	v62 =	vand.u32 $0xFF, v10  }
0x38: {  	v9 =	vcvt.s32.f32 v17;
	v13 =	vor.u32 v1, v16;
	v16 =	vshra.s32 v26, $0x4;
	[tilespmem:v12+s11+$0x0] =	vst.idx.add.f32.msk $0xffff, v11  }
0x39: {  	v17 =	vor.u32 v1, v20;
	v8 =	vcvt.s32.f32 v30;
	v11 =	vshll.u32 v5, $0x4;
	[tilespmem:v14+s11+$0x0] =	vst.idx.add.f32.msk $0xffff, v21  }
0x3a: {  	v12 =	vand.u32 $0xFF, v27;
	v13 =	vand.u32 $0xFF, v13;
	v14 =	vor.u32 v1, v24;
	[tilespmem:v15+s11+$0x0] =	vst.idx.add.f32.msk $0xffff, v22  }
0x3b: {  	v10 =	vshra.s32 v19, $0x4;
	v19 =	vshra.s32 v23, $0x4;
	v15 =	vand.u32 $0xFF, v14;
	[tilespmem:v18+s11+$0x0] =	vst.idx.add.f32.msk $0xffff, v25  }
0x3c: {  	s18 =	simm.s32 $0x400;
	v10 =	vcvt.s32.f32 v10;
	v14 =	vcvt.s32.f32 v19;
	v18 =	vor.u32 v1, v63;
	[tilespmem:v62+s11+$0x0] =	vst.idx.add.f32.msk $0xffff, v28  }
.LBB2_3:
0x3d: {  	p0 =	sne.s32 s18, $0xFC00;
	v19 =	vshll.u32 v3, $0x4;
	v4 =	vshra.s32 v4, $0x4;
	v18 =	vand.u32 $0xFF, v18;
	s19 =	smov.u32 s18;
	s18 =	sadd.s32 $0x400, s18  }
0x3e: {  	v6 =	vand.u32 $0xFF, v6;
	v17 =	vand.u32 $0xFF, v17;
	v19 =	vor.u32 v1, v19  }
0x3f: {  	v16 =	vcvt.s32.f32 v16;
	v2 =	vshra.s32 v2, $0x4;
	v5 =	vshra.s32 v5, $0x4;
	[tilespmem:v7+s11+$0x0] =	vst.idx.add.f32.msk $0xffff, v8  }
0x40: {  	v3 =	vshra.s32 v3, $0x4;
	v7 =	vor.u32 v1, v11;
	v8 =	vand.u32 $0xFF, v19;
	[tilespmem:v15+s11+$0x0] =	vst.idx.add.f32.msk $0xffff, v9  }
0x41: {  	v4 =	vcvt.s32.f32 v4;
	v7 =	vand.u32 $0xFF, v7;
	[tilespmem:v12+s11+$0x0] =	vst.idx.add.f32.msk $0xffff, v10  }
0x42: {  	v2 =	vcvt.s32.f32 v2;
	[tilespmem:v13+s11+$0x0] =	vst.idx.add.f32.msk $0xffff, v14  }
0x43: {  	[tilespmem:v18+s11+$0x0] =	vst.idx.add.f32.msk $0xffff, v16  }
0x44: {  	v3 =	vcvt.s32.f32 v3;
	[tilespmem:v6+s11+$0x0] =	vst.idx.add.f32.msk $0xffff, v4  }
0x45: {  	v4 =	vcvt.s32.f32 v5;
	[tilespmem:v17+s11+$0x0] =	vst.idx.add.f32.msk $0xffff, v2  }
0x46: {  	[tilespmem:v8+s11+$0x0] =	vst.idx.add.f32.msk $0xffff, v3  }
0x47: {  	s19 =	sshra.s32 s19, $0x2;
	[tilespmem:v7+s11+$0x0] =	vst.idx.add.f32.msk $0xffff, v4  }
0x48: {  	v2 =	vld [tilespmem:s19+$0x10]  }
0x49: {  	v4 =	vld [tilespmem:s19+$0x0]  }
0x4a: {  	v5 =	vld [tilespmem:s19+$0x20]  }
0x4b: {  	v6 =	vld [tilespmem:s19+$0x30]  }
0x4c: {  	v7 =	vld [tilespmem:s19+$0x40]  }
0x4d: {  	v8 =	vld [tilespmem:s19+$0x50]  }
0x4e: {  	v10 =	vshll.u32 v2, $0x4;
	v11 =	vshra.s32 v2, $0x4;
	v3 =	vld [tilespmem:s19+$0xE0];
	v9 =	vshll.u32 v4, $0x4  }
0x4f: {  	v10 =	vor.u32 v1, v10;
	v12 =	vld [tilespmem:s19+$0x60];
	v9 =	vor.u32 v1, v9;
	v13 =	vshra.s32 v5, $0x4  }
0x50: {  	v14 =	vshra.s32 v4, $0x4;
	v5 =	vshll.u32 v5, $0x4;
	v10 =	vand.u32 $0xFF, v10;
	v2 =	vld [tilespmem:s19+$0xD0]  }
0x51: {  	v15 =	vshll.u32 v6, $0x4;
	v6 =	vshra.s32 v6, $0x4;
	v4 =	vld [tilespmem:s19+$0xC0];
	v16 =	vshll.u32 v7, $0x4  }
0x52: {  	v5 =	vor.u32 v1, v5;
	v9 =	vand.u32 $0xFF, v9;
	v17 =	vld [tilespmem:s19+$0x70];
	v16 =	vor.u32 v1, v16  }
0x53: {  	v11 =	vcvt.s32.f32 v11;
	v19 =	vand.u32 $0xFF, v5;
	v18 =	vld [tilespmem:s19+$0x80];
	v16 =	vand.u32 $0xFF, v16  }
0x54: {  	v13 =	vcvt.s32.f32 v13;
	v5 =	vor.u32 v1, v15;
	v15 =	vshll.u32 v8, $0x4;
	v20 =	vld [tilespmem:s19+$0xB0]  }
0x55: {  	v7 =	vshra.s32 v7, $0x4;
	v15 =	vor.u32 v1, v15;
	v21 =	vld [tilespmem:s19+$0x90];
	v22 =	vshll.u32 v2, $0x4  }
0x56: {  	v24 =	vcvt.s32.f32 v6;
	v6 =	vshra.s32 v8, $0x4;
	v15 =	vand.u32 $0xFF, v15;
	v23 =	vld [tilespmem:s19+$0xA0]  }
0x57: {  	v25 =	vcvt.s32.f32 v7;
	v26 =	vand.u32 $0xFF, v5;
	v7 =	vshra.s32 v12, $0x4  }
0x58: {  	v28 =	vcvt.s32.f32 v6;
	v5 =	vshll.u32 v4, $0x4;
	v27 =	vshll.u32 v18, $0x4  }
0x59: {  	v29 =	vcvt.s32.f32 v7;
	v8 =	vshll.u32 v17, $0x4;
	v6 =	vor.u32 v1, v5  }
0x5a: {  	v14 =	vcvt.s32.f32 v14;
	v7 =	vor.u32 v1, v8;
	v5 =	vld [tilespmem:s19+$0xF0];
	v8 =	vshll.u32 v21, $0x4  }
0x5b: {  	v12 =	vshll.u32 v12, $0x4;
	v17 =	vshra.s32 v17, $0x4;
	v7 =	vand.u32 $0xFF, v7  }
0x5c: {  	v12 =	vor.u32 v1, v12;
	v30 =	vor.u32 v1, v8;
	v8 =	vcvt.s32.f32 v17;
	[tilespmem:v9+s11+$0x0] =	vst.idx.add.f32.msk $0xffff, v14  }
0x5d: {  	v31 =	vand.u32 $0xFF, v12;
	v14 =	vshll.u32 v23, $0x4;
	v9 =	vshra.s32 v18, $0x4;
	[tilespmem:v10+s11+$0x0] =	vst.idx.add.f32.msk $0xffff, v11  }
.Ltmp2:
0x5e: {  	v17 =	vshll.u32 v20, $0x4;
	v9 =	vcvt.s32.f32 v9;
	v10 =	vshra.s32 v21, $0x4;
	[tilespmem:v19+s11+$0x0] =	vst.idx.add.f32.msk $0xffff, v13;
	(pc) =	sbr.rel @p0 .LBB2_3-.Ltmp2, $4  }
0x5f: {  	v13 =	vor.u32 v1, v14;
	v10 =	vcvt.s32.f32 v10;
	v11 =	vshll.u32 v5, $0x4;
	[tilespmem:v26+s11+$0x0] =	vst.idx.add.f32.msk $0xffff, v24  }
0x60: {  	v12 =	vand.u32 $0xFF, v30;
	v14 =	vor.u32 v1, v27;
	v19 =	vshra.s32 v23, $0x4;
	[tilespmem:v16+s11+$0x0] =	vst.idx.add.f32.msk $0xffff, v25  }
0x61: {  	v13 =	vand.u32 $0xFF, v13;
	v16 =	vshra.s32 v20, $0x4;
	[tilespmem:v15+s11+$0x0] =	vst.idx.add.f32.msk $0xffff, v28;
	v15 =	vand.u32 $0xFF, v14  }
0x62: {  	v18 =	vor.u32 v1, v17;
	v17 =	vor.u32 v1, v22;
	v14 =	vcvt.s32.f32 v19;
	[tilespmem:v31+s11+$0x0] =	vst.idx.add.f32.msk $0xffff, v29  }
0x63: {  	_ =	sdelay $0x2  }
0x64: {  	v18 =	vand.u32 $0xFF, v18  }
0x65: {  	v19 =	vshll.u32 v3, $0x4;
	v6 =	vand.u32 $0xFF, v6;
	[tilespmem:v7+s11+$0x0] =	vst.idx.add.f32.msk $0xffff, v8  }
0x66: {  	v4 =	vshra.s32 v4, $0x4;
	v8 =	vand.u32 $0xFF, v17;
	v7 =	vor.u32 v1, v19;
	[tilespmem:v15+s11+$0x0] =	vst.idx.add.f32.msk $0xffff, v9  }
0x67: {  	v11 =	vor.u32 v1, v11;
	v9 =	vcvt.s32.f32 v16;
	v7 =	vand.u32 $0xFF, v7;
	[tilespmem:v12+s11+$0x0] =	vst.idx.add.f32.msk $0xffff, v10  }
0x68: {  	v2 =	vshra.s32 v2, $0x4;
	s18 =	sshll.u32 s17, $0x1;
	v4 =	vcvt.s32.f32 v4;
	v10 =	vand.u32 $0xFF, v11;
	[tilespmem:v13+s11+$0x0] =	vst.idx.add.f32.msk $0xffff, v14  }
0x69: {  	v3 =	vshra.s32 v3, $0x4;
	v2 =	vcvt.s32.f32 v2;
	s19 =	sadd.s32 s5, s18;
	[tilespmem:v18+s11+$0x0] =	vst.idx.add.f32.msk $0xffff, v9  }
0x6a: {  	v5 =	vshra.s32 v5, $0x4;
	v3 =	vcvt.s32.f32 v3;
	s20 =	sshll.u32 s19, $0x4;
	[tilespmem:v6+s11+$0x0] =	vst.idx.add.f32.msk $0xffff, v4  }
0x6b: {  	s21 =	sshll.u32 s19, $0x5;
	s20 =	sand.u32 $0x60, s20;
	v4 =	vcvt.s32.f32 v5;
	[tilespmem:v8+s11+$0x0] =	vst.idx.add.f32.msk $0xffff, v2  }
0x6c: {  	s21 =	sand.u32 $0xFFFFF00, s21;
	s20 =	sadd.s32 s3, s20;
	[tilespmem:v7+s11+$0x0] =	vst.idx.add.f32.msk $0xffff, v3  }
0x6d: {  	s20 =	sadd.s32 s21, s20;
	[tilespmem:v10+s11+$0x0] =	vst.idx.add.f32.msk $0xffff, v4  }
0x6e: {  	[hbm4b:s20+s12] =	stream.strided.scatter [tilespmem:s11], [sflag:$0x3], $0x100, s13, s12, $0x38;
	[tilespmem:$0x8100] =	vst v63  }
0x6f: {  	p0 =	seq.s32 s17, $0x4;
	_ =	swait.ge [sflag:s14], $0x100  }
0x70: {  	s19 =	sshll.u32 @!p0 s19, $0xB;
	[sflag:s14] =	ssyncset.done $0x0  }
0x71: {  	s19 =	sadd.s32 @!p0 s19, s7;
	s20 =	simm.s32 @!p0 $0x0;
	[sflag:s14] =	ssyncadd.s32 $0xFFFFFF00  }
0x72: {  	[tilespmem:s20], [sflag:$0x1] =	stream.linear.gather @!p0 [hbm4b:s19+s20], $0x4000, $0x38;
	[tilespmem:$0x8100] =	vst v63  }
0x73: {  	_ =	swait.ge [sflag:s15], $0x4000  }
0x74: {  	[sflag:s15] =	ssyncset.done $0x0  }
0x75: {  	[sflag:s15] =	ssyncadd.s32 $0xFFFFC000  }
0x76: {  	[tilespmem:$0x8000] =	vst v0  }
0x77: {  	[tilespmem:$0x8010] =	vst v0  }
0x78: {  	[tilespmem:$0x8020] =	vst v0  }
0x79: {  	[tilespmem:$0x8030] =	vst v0  }
0x7a: {  	[tilespmem:$0x8040] =	vst v0  }
0x7b: {  	[tilespmem:$0x8050] =	vst v0  }
0x7c: {  	[tilespmem:$0x8060] =	vst v0  }
0x7d: {  	[tilespmem:$0x8070] =	vst v0  }
0x7e: {  	s31 =	simm.s32 $0x0;
	[tilespmem:$0x8080] =	vst v0  }
0x7f: {  	v2 =	vld [tilespmem:s31+$0x4010]  }
0x80: {  	v3 =	vld [tilespmem:s31+$0x4000]  }
0x81: {  	v4 =	vld [tilespmem:s31+$0x4020]  }
0x82: {  	v5 =	vld [tilespmem:s31+$0x4030]  }
0x83: {  	v6 =	vld [tilespmem:s31+$0x4040]  }
0x84: {  	v10 =	vld [tilespmem:s31+$0x4050]  }
0x85: {  	v17 =	vld [tilespmem:s31+$0x4080]  }
0x86: {  	v19 =	vld [tilespmem:s31+$0x4090]  }
0x87: {  	v26 =	vld [tilespmem:s31+$0x40B0]  }
0x88: {  	v7 =	vshll.u32 v3, $0x4;
	v8 =	vshll.u32 v2, $0x4;
	v9 =	vshra.s32 v2, $0x4  }
0x89: {  	v11 =	vshra.s32 v4, $0x4;
	v12 =	vshll.u32 v4, $0x4;
	v3 =	vshra.s32 v3, $0x4  }
0x8a: {  	v14 =	vshll.u32 v5, $0x4;
	v15 =	vshll.u32 v6, $0x4;
	v5 =	vshra.s32 v5, $0x4  }
0x8b: {  	v18 =	vshll.u32 v10, $0x4;
	v6 =	vshra.s32 v6, $0x4;
	v24 =	vshll.u32 v17, $0x4  }
0x8c: {  	v2 =	vld [tilespmem:s31+$0x40D0];
	v61 =	vshll.u32 v19, $0x4;
	v17 =	vshra.s32 v17, $0x4;
	v63 =	vshll.u32 v26, $0x4  }
0x8d: {  	v4 =	vld [tilespmem:s31+$0x40C0];
	v7 =	vor.u32 v1, v7;
	v8 =	vor.u32 v1, v8;
	v12 =	vor.u32 v1, v12  }
0x8e: {  	v15 =	vor.u32 v1, v15;
	v9 =	vcvt.s32.f32 v9;
	v13 =	vand.u32 $0xFF, v8;
	v8 =	vld [tilespmem:s31+$0x4060]  }
0x8f: {  	v14 =	vor.u32 v1, v14;
	v11 =	vcvt.s32.f32 v11;
	v16 =	vand.u32 $0xFF, v7;
	v7 =	vld [tilespmem:s31+$0x4070]  }
0x90: {  	v18 =	vor.u32 v1, v18;
	v21 =	vcvt.s32.f32 v5;
	v5 =	vshra.s32 v10, $0x4  }
0x91: {  	v22 =	vcvt.s32.f32 v6;
	v29 =	vcvt.s32.f32 v3;
	v12 =	vand.u32 $0xFF, v12  }
0x92: {  	v23 =	vld [tilespmem:s31+$0x40A0];
	v15 =	vand.u32 $0xFF, v15;
	v18 =	vand.u32 $0xFF, v18;
	v14 =	vand.u32 $0xFF, v14  }
0x93: {  	v25 =	vcvt.s32.f32 v5;
	v20 =	vshll.u32 v2, $0x4;
	v6 =	vshll.u32 v4, $0x4  }
0x94: {  	v5 =	vld [tilespmem:s31+$0x40F0];
	v6 =	vor.u32 v1, v6;
	v10 =	vshra.s32 v8, $0x4;
	v27 =	vshll.u32 v7, $0x4  }
0x95: {  	v3 =	vld [tilespmem:s31+$0x40E0];
	v8 =	vshll.u32 v8, $0x4;
	v28 =	vcvt.s32.f32 v10;
	v10 =	vor.u32 v1, v27  }
0x96: {  	v30 =	vshra.s32 v7, $0x4;
	[tilespmem:v16+s11+$0x0] =	vst.idx.add.f32.msk $0xffff, v29;
	v7 =	vand.u32 $0xFF, v10;
	v10 =	vor.u32 v1, v8  }
0x97: {  	v16 =	vshll.u32 v23, $0x4;
	v27 =	vor.u32 v1, v61;
	[tilespmem:v13+s11+$0x0] =	vst.idx.add.f32.msk $0xffff, v9;
	v62 =	vand.u32 $0xFF, v10  }
0x98: {  	v9 =	vcvt.s32.f32 v17;
	v13 =	vor.u32 v1, v16;
	v16 =	vshra.s32 v26, $0x4;
	[tilespmem:v12+s11+$0x0] =	vst.idx.add.f32.msk $0xffff, v11  }
0x99: {  	v17 =	vor.u32 v1, v20;
	v8 =	vcvt.s32.f32 v30;
	v11 =	vshll.u32 v5, $0x4;
	[tilespmem:v14+s11+$0x0] =	vst.idx.add.f32.msk $0xffff, v21  }
0x9a: {  	v12 =	vand.u32 $0xFF, v27;
	v13 =	vand.u32 $0xFF, v13;
	v14 =	vor.u32 v1, v24;
	[tilespmem:v15+s11+$0x0] =	vst.idx.add.f32.msk $0xffff, v22  }
0x9b: {  	v10 =	vshra.s32 v19, $0x4;
	v19 =	vshra.s32 v23, $0x4;
	v15 =	vand.u32 $0xFF, v14;
	[tilespmem:v18+s11+$0x0] =	vst.idx.add.f32.msk $0xffff, v25  }
0x9c: {  	s19 =	simm.s32 $0x400;
	v10 =	vcvt.s32.f32 v10;
	v14 =	vcvt.s32.f32 v19;
	v18 =	vor.u32 v1, v63;
	[tilespmem:v62+s11+$0x0] =	vst.idx.add.f32.msk $0xffff, v28  }
.LBB2_5:
0x9d: {  	p1 =	sne.s32 s19, $0xFC00;
	v19 =	vshll.u32 v3, $0x4;
	v4 =	vshra.s32 v4, $0x4;
	v18 =	vand.u32 $0xFF, v18;
	s20 =	smov.u32 s19;
	s19 =	sadd.s32 $0x400, s19  }
0x9e: {  	v6 =	vand.u32 $0xFF, v6;
	v17 =	vand.u32 $0xFF, v17;
	v19 =	vor.u32 v1, v19  }
0x9f: {  	v16 =	vcvt.s32.f32 v16;
	v2 =	vshra.s32 v2, $0x4;
	v5 =	vshra.s32 v5, $0x4;
	[tilespmem:v7+s11+$0x0] =	vst.idx.add.f32.msk $0xffff, v8  }
0xa0: {  	v3 =	vshra.s32 v3, $0x4;
	v7 =	vor.u32 v1, v11;
	v8 =	vand.u32 $0xFF, v19;
	[tilespmem:v15+s11+$0x0] =	vst.idx.add.f32.msk $0xffff, v9  }
0xa1: {  	v4 =	vcvt.s32.f32 v4;
	v7 =	vand.u32 $0xFF, v7;
	[tilespmem:v12+s11+$0x0] =	vst.idx.add.f32.msk $0xffff, v10  }
0xa2: {  	v2 =	vcvt.s32.f32 v2;
	[tilespmem:v13+s11+$0x0] =	vst.idx.add.f32.msk $0xffff, v14  }
0xa3: {  	[tilespmem:v18+s11+$0x0] =	vst.idx.add.f32.msk $0xffff, v16  }
0xa4: {  	v3 =	vcvt.s32.f32 v3;
	[tilespmem:v6+s11+$0x0] =	vst.idx.add.f32.msk $0xffff, v4  }
0xa5: {  	v4 =	vcvt.s32.f32 v5;
	[tilespmem:v17+s11+$0x0] =	vst.idx.add.f32.msk $0xffff, v2  }
0xa6: {  	[tilespmem:v8+s11+$0x0] =	vst.idx.add.f32.msk $0xffff, v3  }
0xa7: {  	s20 =	sshra.s32 s20, $0x2;
	[tilespmem:v7+s11+$0x0] =	vst.idx.add.f32.msk $0xffff, v4  }
0xa8: {  	v2 =	vld [tilespmem:s20+$0x4010]  }
0xa9: {  	v4 =	vld [tilespmem:s20+$0x4000]  }
0xaa: {  	v5 =	vld [tilespmem:s20+$0x4020]  }
0xab: {  	v6 =	vld [tilespmem:s20+$0x4030]  }
0xac: {  	v7 =	vld [tilespmem:s20+$0x4040]  }
0xad: {  	v8 =	vld [tilespmem:s20+$0x4050]  }
0xae: {  	v10 =	vshll.u32 v2, $0x4;
	v11 =	vshra.s32 v2, $0x4;
	v3 =	vld [tilespmem:s20+$0x40E0];
	v9 =	vshll.u32 v4, $0x4  }
0xaf: {  	v10 =	vor.u32 v1, v10;
	v12 =	vld [tilespmem:s20+$0x4060];
	v9 =	vor.u32 v1, v9;
	v13 =	vshra.s32 v5, $0x4  }
0xb0: {  	v14 =	vshra.s32 v4, $0x4;
	v5 =	vshll.u32 v5, $0x4;
	v10 =	vand.u32 $0xFF, v10;
	v2 =	vld [tilespmem:s20+$0x40D0]  }
0xb1: {  	v15 =	vshll.u32 v6, $0x4;
	v6 =	vshra.s32 v6, $0x4;
	v4 =	vld [tilespmem:s20+$0x40C0];
	v16 =	vshll.u32 v7, $0x4  }
0xb2: {  	v5 =	vor.u32 v1, v5;
	v9 =	vand.u32 $0xFF, v9;
	v17 =	vld [tilespmem:s20+$0x4070];
	v16 =	vor.u32 v1, v16  }
0xb3: {  	v11 =	vcvt.s32.f32 v11;
	v19 =	vand.u32 $0xFF, v5;
	v18 =	vld [tilespmem:s20+$0x4080];
	v16 =	vand.u32 $0xFF, v16  }
0xb4: {  	v13 =	vcvt.s32.f32 v13;
	v5 =	vor.u32 v1, v15;
	v15 =	vshll.u32 v8, $0x4;
	v20 =	vld [tilespmem:s20+$0x40B0]  }
0xb5: {  	v7 =	vshra.s32 v7, $0x4;
	v15 =	vor.u32 v1, v15;
	v21 =	vld [tilespmem:s20+$0x4090];
	v22 =	vshll.u32 v2, $0x4  }
0xb6: {  	v24 =	vcvt.s32.f32 v6;
	v6 =	vshra.s32 v8, $0x4;
	v15 =	vand.u32 $0xFF, v15;
	v23 =	vld [tilespmem:s20+$0x40A0]  }
0xb7: {  	v25 =	vcvt.s32.f32 v7;
	v26 =	vand.u32 $0xFF, v5;
	v7 =	vshra.s32 v12, $0x4  }
0xb8: {  	v28 =	vcvt.s32.f32 v6;
	v5 =	vshll.u32 v4, $0x4;
	v27 =	vshll.u32 v18, $0x4  }
0xb9: {  	v29 =	vcvt.s32.f32 v7;
	v8 =	vshll.u32 v17, $0x4;
	v6 =	vor.u32 v1, v5  }
0xba: {  	v14 =	vcvt.s32.f32 v14;
	v7 =	vor.u32 v1, v8;
	v5 =	vld [tilespmem:s20+$0x40F0];
	v8 =	vshll.u32 v21, $0x4  }
0xbb: {  	v12 =	vshll.u32 v12, $0x4;
	v17 =	vshra.s32 v17, $0x4;
	v7 =	vand.u32 $0xFF, v7  }
0xbc: {  	v12 =	vor.u32 v1, v12;
	v30 =	vor.u32 v1, v8;
	v8 =	vcvt.s32.f32 v17;
	[tilespmem:v9+s11+$0x0] =	vst.idx.add.f32.msk $0xffff, v14  }
0xbd: {  	v31 =	vand.u32 $0xFF, v12;
	v14 =	vshll.u32 v23, $0x4;
	v9 =	vshra.s32 v18, $0x4;
	[tilespmem:v10+s11+$0x0] =	vst.idx.add.f32.msk $0xffff, v11  }
.Ltmp3:
0xbe: {  	v17 =	vshll.u32 v20, $0x4;
	v9 =	vcvt.s32.f32 v9;
	v10 =	vshra.s32 v21, $0x4;
	[tilespmem:v19+s11+$0x0] =	vst.idx.add.f32.msk $0xffff, v13;
	(pc) =	sbr.rel @p1 .LBB2_5-.Ltmp3, $4  }
0xbf: {  	v13 =	vor.u32 v1, v14;
	v10 =	vcvt.s32.f32 v10;
	v11 =	vshll.u32 v5, $0x4;
	[tilespmem:v26+s11+$0x0] =	vst.idx.add.f32.msk $0xffff, v24  }
0xc0: {  	v12 =	vand.u32 $0xFF, v30;
	v14 =	vor.u32 v1, v27;
	v19 =	vshra.s32 v23, $0x4;
	[tilespmem:v16+s11+$0x0] =	vst.idx.add.f32.msk $0xffff, v25  }
0xc1: {  	v13 =	vand.u32 $0xFF, v13;
	v16 =	vshra.s32 v20, $0x4;
	[tilespmem:v15+s11+$0x0] =	vst.idx.add.f32.msk $0xffff, v28;
	v15 =	vand.u32 $0xFF, v14  }
0xc2: {  	v18 =	vor.u32 v1, v17;
	v17 =	vor.u32 v1, v22;
	v14 =	vcvt.s32.f32 v19;
	[tilespmem:v31+s11+$0x0] =	vst.idx.add.f32.msk $0xffff, v29  }
0xc3: {  	_ =	sdelay $0x2  }
0xc4: {  	v18 =	vand.u32 $0xFF, v18  }
0xc5: {  	v19 =	vshll.u32 v3, $0x4;
	v6 =	vand.u32 $0xFF, v6;
	[tilespmem:v7+s11+$0x0] =	vst.idx.add.f32.msk $0xffff, v8  }
0xc6: {  	v4 =	vshra.s32 v4, $0x4;
	v60 =	vand.u32 $0xFF, v17;
	v59 =	vor.u32 v1, v19;
	[tilespmem:v15+s11+$0x0] =	vst.idx.add.f32.msk $0xffff, v9  }
0xc7: {  	v61 =	vcvt.s32.f32 v16;
	v11 =	vor.u32 v1, v11;
	v7 =	vand.u32 $0xFF, v59;
	[tilespmem:v12+s11+$0x0] =	vst.idx.add.f32.msk $0xffff, v10  }
0xc8: {  	v2 =	vshra.s32 v2, $0x4;
	s18 =	sadd.s32 s18, s5;
	v4 =	vcvt.s32.f32 v4;
	v62 =	vand.u32 $0xFF, v11;
	[tilespmem:v13+s11+$0x0] =	vst.idx.add.f32.msk $0xffff, v14  }
0xc9: {  	v3 =	vshra.s32 v3, $0x4;
	v2 =	vcvt.s32.f32 v2;
	s18 =	sadd.s32 $0x1, s18;
	[tilespmem:v18+s11+$0x0] =	vst.idx.add.f32.msk $0xffff, v61  }
0xca: {  	v5 =	vshra.s32 v5, $0x4;
	v3 =	vcvt.s32.f32 v3;
	s19 =	sshll.u32 s18, $0x4;
	[tilespmem:v6+s11+$0x0] =	vst.idx.add.f32.msk $0xffff, v4  }
0xcb: {  	v63 =	vcvt.s32.f32 v5;
	s20 =	sshll.u32 s18, $0x5;
	s19 =	sand.u32 $0x70, s19;
	[tilespmem:v60+s11+$0x0] =	vst.idx.add.f32.msk $0xffff, v2  }
0xcc: {  	s20 =	sand.u32 $0xFFFFF00, s20;
	s19 =	sadd.s32 s3, s19;
	[tilespmem:v7+s11+$0x0] =	vst.idx.add.f32.msk $0xffff, v3  }
.Ltmp4:
0xcd: {  	s19 =	sadd.s32 s20, s19;
	[tilespmem:v62+s11+$0x0] =	vst.idx.add.f32.msk $0xffff, v63;
	(pc) =	sbr.rel @p0 .LBB2_8-.Ltmp4, $4  }
0xce: {  	[hbm4b:s19+s12] =	stream.strided.scatter [tilespmem:s11], [sflag:$0x3], $0x100, s13, s12, $0x38;
	[tilespmem:$0x8100] =	vst v63  }
0xcf: {  	_ =	swait.ge [sflag:s14], $0x100  }
0xd0: {  	[sflag:s14] =	ssyncset.done $0x0  }
0xd1: {  	[sflag:s14] =	ssyncadd.s32 $0xFFFFFF00  }
.Ltmp5:
0xd2: {  	(pc) =	sbr.rel .LBB2_2-.Ltmp5, $4  }
0xd3: {  	_ = 	snop  }
0xd4: {  	s18 =	sshll.u32 s18, $0xB  }
0xd5: {  	s17 =	sadd.s32 $0x1, s17;
	s18 =	sadd.s32 s18, s7  }
0xd6: {  	[tilespmem:s9], [sflag:$0x2] =	stream.linear.gather [hbm4b:s18+s2], $0x4000, $0x38;
	[tilespmem:$0x8100] =	vst v63  }
.LBB2_9:
0xd7: {  	_ =	sfence.sel $0x180000  }
0xd8: {  	[bflag:$0x0] =	sbarrier.arrive $0xFFFF  }
0xd9: {  	p0 =	sne.s32 s0, $0x0;
	_ =	strace $0x9000004D  }
0xda: {  	s0 =	sadd.s32 @!p0 $0x100000, s1;
	[bflag:$0x2] =	sbarrier.arrive $0xFFFF  }
0xdb: {  	[sflag:s0] =	ssyncadd.tile.s32 @!p0 $0x1;
	_ =	shalt  }
.Lfunc_end2:
_tile_overlayer_lowered:
.L_overlay_start_2:
0xdc: {  	(tag) =	ssettag $0x2  }
0xdd: {  	s0 =	rddreg [dreg:$0x0];
	s2 =	stileid.u32  }
0xde: {  	s1 =	rddreg [dreg:$0x1];
	p0 =	sne.s32 s2, $0x0  }
0xdf: {  	s3 =	rddreg [dreg:$0x2];
	[bflag:$0x3] =	sbarrier.arrive $0xFFFF;
	s2 =	simm.s32 @!p0 $0x1C03  }
0xe0: {  	[timem:s3], [sflag:s2] =	dma.local @!p0 [hbm:s0], s1  }
0xe1: {  	s0 =	simm.s32 @!p0 $0x3  }
0xe2: {  	_ =	swait.ge @!p0 [sflag:s0], s1  }
0xe3: {  	s1 =	ssub.s32 @!p0 $0x0, s1;
	[sflag:s0] =	ssyncset.done @!p0 $0x0  }
0xe4: {  	[sflag:s0] =	ssyncadd.s32 @!p0 s1  }
0xe5: {  	[bflag:$0x3] =	sbarrier.arrive $0xFFFF  }
0xe6: {  	_ =	shalt  }

// kernel: kernel.20.cloned.1.call-start
scs
__scs_entry_jumppad:
0x0: {  	(pc) =	sbr.rel $0x88, $3  }
0x1: {  	(tag) =	ssettag $0x0;
	lr =	simm.s32 $0x1  }
0x2: {  	[smem:$0x3FA0] =	sst lr;
	_ =	strace $0xD0000000  }
0x3: {  	_ = 	snop  }
0x4: {  	_ = 	snop  }
0x5: {  	_ = 	snop  }
0x6: {  	_ = 	snop  }
0x7: {  	_ = 	snop  }
__scs_overlays_trampoline_lowered:
0x8: {  	[smem:$0x3FAF] =	sst s0  }
0x9: {  	[smem:$0x3FB0] =	sst s1  }
0xa: {  	[smem:$0x3FB1] =	sst s2  }
0xb: {  	[smem:$0x3FB2] =	sst s3  }
0xc: {  	[smem:$0x3FB3] =	sst s4  }
0xd: {  	[smem:$0x3FB4] =	sst s5  }
0xe: {  	[smem:$0x3FB5] =	sst s6  }
0xf: {  	[smem:$0x3FB6] =	sst s7  }
0x10: {  	[smem:$0x3FB7] =	sst s8  }
0x11: {  	[smem:$0x3FB8] =	sst s9;
	s0 =	simm.s32 @!p0 $0x0  }
0x12: {  	s1 =	sld [smem:$0x3F9E];
	s0 =	simm.s32 @p0 $0x1  }
0x13: {  	[smem:$0x3FB9] =	sst s0;
	s0 =	simm.s32 @!p1 $0x0  }
0x14: {  	s2 =	sld [smem:$0x3F9D];
	s0 =	simm.s32 @p1 $0x1  }
0x15: {  	[smem:$0x3FBA] =	sst s0;
	s0 =	simm.s32 @!p2 $0x0  }
0x16: {  	s3 =	sld [smem:$0x3FDB];
	s0 =	simm.s32 @p2 $0x1  }
0x17: {  	s4 =	simm.s32 $0x1BF5;
	[smem:$0x3FBC] =	sst s0  }
0x18: {  	s0 =	sld [smem:$0x3F9F];
	_ =	swait.ge [sflag:s4], $0x0  }
0x19: {  	s7 =	sld [smem:$0x3FA0]  }
0x1a: {  	s8 =	sadd.s32 $0xFFFFE003, lr  }
0x1b: {  	s9 =	sadd.s32 $0xFFFFFEF7, lr;
	s5 =	simm.s32 $0xFFFFFFFF;
	p2 =	slt.u32 s8, $0xFFFFF086  }
0x1c: {  	p1 =	slt.u32 s9, $0xF7A;
	s5 =	simm.s32 @!p2 $0x0  }
0x1d: {  	s5 =	simm.s32 @p1 $0x1;
	p0 =	seq.s32 s7, s2  }
0x1e: {  	s7 =	smul.u32 @!p0 $0xF7A, s2;
	p2 =	seq.s32 @!p0 s5, $0x0  }
0x1f: {  	s9 =	smul.u32 $0xF7A, s1;
	s8 =	simm.s32 @!p0 $0x1BF5;
	p2 =	por !p2, p0  }
0x20: {  	[sflag:s8] =	ssyncset.s32 @!p0 $0xFFFFF086;
	s6 =	sadd.s32 @!p0 s3, s7;
	s7 =	simm.s32 @!p0 $0x108  }
0x21: {  	s3 =	sadd.s32 s3, s9;
	s6 =	sadd.s32 @!p0 $0x88, s6;
	s7 =	simm.s32 @p2 $0x1082  }
0x22: {  	[simem:s7], [sflag:s8] =	dma.local @!p0 [hbm:s6], $0xF7A  }
0x23: {  	s9 =	sor.u32 $0xD0000000, s2;
	s6 =	simm.s32 $0x108;
	_ =	swait.ge @!p0 [sflag:s8], $0x0  }
0x24: {  	s3 =	sadd.s32 $0x88, s3;
	s6 =	simm.s32 @!p1 $0x1082;
	[sflag:s4] =	ssyncset.s32 $0xFFFFF086  }
0x25: {  	[simem:s6], [sflag:s4] =	dma.local [hbm:s3], $0xF7A  }
0x26: {  	[smem:$0x3FA0] =	sst s1;
	(tag) =	ssettag s2;
	_ =	strace s9  }
0x27: {  	s1 =	sld [smem:$0x3FB0]  }
0x28: {  	s2 =	sld [smem:$0x3FB1]  }
0x29: {  	s4 =	sld [smem:$0x3FB3]  }
0x2a: {  	p0 =	seq.s32 s5, $0x0;
	s5 =	sld [smem:$0x3FB4]  }
0x2b: {  	s6 =	sld [smem:$0x3FB5]  }
0x2c: {  	s7 =	sld [smem:$0x3FB6]  }
0x2d: {  	s3 =	simm.s32 $0x108;
	s8 =	sld [smem:$0x3FB7]  }
0x2e: {  	s3 =	simm.s32 @!p0 $0x1082;
	s9 =	sld [smem:$0x3FB8]  }
0x2f: {  	lr =	sadd.s32 s0, s3;
	s0 =	sld [smem:$0x3FAF]  }
0x30: {  	s3 =	sld [smem:$0x3FB2]  }
0x31: {  	[smem:$0x3FBB] =	sst s10  }
0x32: {  	s10 =	sld [smem:$0x3FB9];
	_ =	sdelay $0x3  }
0x33: {  	p0 =	seq.s32 s10, $0x1;
	s10 =	sld [smem:$0x3FBB];
	_ =	sdelay $0x3  }
0x34: {  	[smem:$0x3FBB] =	sst s10  }
0x35: {  	s10 =	sld [smem:$0x3FBA];
	_ =	sdelay $0x3  }
0x36: {  	p1 =	seq.s32 s10, $0x1;
	s10 =	sld [smem:$0x3FBB];
	_ =	sdelay $0x3  }
0x37: {  	[smem:$0x3FBB] =	sst s10  }
0x38: {  	s10 =	sld [smem:$0x3FBC]  }
0x39: {  	_ = 	snop;
	(pc) =	sbr.ind lr, $3  }
0x3a: {  	_ = 	snop  }
0x3b: {  	_ = 	snop  }
0x3c: {  	p2 =	seq.s32 s10, $0x1;
	s10 =	sld [smem:$0x3FBB]  }
0x3d: {  	_ =	shalt  }
0x3e: {  	_ =	shalt  }
0x3f: {  	_ =	shalt  }
0x40: {  	_ =	shalt  }
0x41: {  	_ =	shalt  }
0x42: {  	_ =	shalt  }
0x43: {  	_ =	shalt  }
0x44: {  	_ =	shalt  }
0x45: {  	_ =	shalt  }
0x46: {  	_ =	shalt  }
0x47: {  	_ =	shalt  }
0x48: {  	_ =	shalt  }
0x49: {  	_ =	shalt  }
0x4a: {  	_ =	shalt  }
0x4b: {  	_ =	shalt  }
0x4c: {  	_ =	shalt  }
0x4d: {  	_ =	shalt  }
0x4e: {  	_ =	shalt  }
0x4f: {  	_ =	shalt  }
0x50: {  	_ =	shalt  }
0x51: {  	_ =	shalt  }
0x52: {  	_ =	shalt  }
0x53: {  	_ =	shalt  }
0x54: {  	_ =	shalt  }
0x55: {  	_ =	shalt  }
0x56: {  	_ =	shalt  }
0x57: {  	_ =	shalt  }
0x58: {  	_ =	shalt  }
0x59: {  	_ =	shalt  }
0x5a: {  	_ =	shalt  }
0x5b: {  	_ =	shalt  }
0x5c: {  	_ =	shalt  }
0x5d: {  	_ =	shalt  }
0x5e: {  	_ =	shalt  }
0x5f: {  	_ =	shalt  }
0x60: {  	_ =	shalt  }
0x61: {  	_ =	shalt  }
0x62: {  	_ =	shalt  }
0x63: {  	_ =	shalt  }
0x64: {  	_ =	shalt  }
0x65: {  	_ =	shalt  }
0x66: {  	_ =	shalt  }
0x67: {  	_ =	shalt  }
0x68: {  	_ =	shalt  }
0x69: {  	_ =	shalt  }
0x6a: {  	_ =	shalt  }
0x6b: {  	_ =	shalt  }
0x6c: {  	_ =	shalt  }
0x6d: {  	_ =	shalt  }
0x6e: {  	_ =	shalt  }
0x6f: {  	_ =	shalt  }
0x70: {  	_ =	shalt  }
0x71: {  	_ =	shalt  }
0x72: {  	_ =	shalt  }
0x73: {  	_ =	shalt  }
0x74: {  	_ =	shalt  }
0x75: {  	_ =	shalt  }
0x76: {  	_ =	shalt  }
0x77: {  	_ =	shalt  }
0x78: {  	_ =	shalt  }
0x79: {  	_ =	shalt  }
0x7a: {  	_ =	shalt  }
0x7b: {  	_ =	shalt  }
0x7c: {  	_ =	shalt  }
0x7d: {  	_ =	shalt  }
0x7e: {  	_ =	shalt  }
0x7f: {  	_ =	shalt  }
0x80: {  	_ =	shalt  }
0x81: {  	_ =	shalt  }
0x82: {  	_ =	shalt  }
0x83: {  	_ =	shalt  }
0x84: {  	_ =	shalt  }
0x85: {  	_ =	shalt  }
0x86: {  	_ =	shalt  }
0x87: {  	_ =	shalt  }
.Lfunc_end0:
.L_simem_size_0:
called_computation.3_lowered:
.L_overlay_start_0:
0x88: {  	s2 =	sld [smem:$0x3FD9]  }
0x89: {  	s3 =	sld [smem:$0x3FFE];
	_ =	sdelay $0x1  }
0x8a: {  	s1 =	srdreg.scid  }
0x8b: {  	s0 =	sand.u32 $0x1, s1  }
0x8c: {  	s17 =	sshll.u32 s0, $0xA;
	s2 =	sadd.s32 s3, s2  }
0x8d: {  	s2 =	sadd.s32 s2, s17  }
0x8e: {  	[smem:$0x3FC7] =	sst s2  }
0x8f: {  	_ = 	snop  }
0x90: {  	(tm) =	ssettm $0x1  }
0x91: {  	s18 =	sld [smem:$0x3FFB];
	_ =	sdelay $0x3  }
0x92: {  	_ =	strace s18  }
0x93: {  	s2 =	sld [smem:$0x3FFC];
	_ =	sdelay $0x3  }
0x94: {  	_ =	strace s2  }
0x95: {  	s2 =	sld [smem:$0x3FFD];
	_ =	sdelay $0x3  }
0x96: {  	_ =	strace s2  }
0x97: {  	_ =	strace $0x8FFFFFFF  }
0x98: {  	s19 =	sld [smem:$0x3FDB];
	_ =	sdelay $0x1  }
0x99: {  	s20 =	simm.s32 $_scs_section_size  }
0x9a: {  	s4 =	simm.s32 $_size__tile_overlayer_lowered;
	s5 =	simm.s32 $_tile_overlayer_lowered  }
0x9b: {  	s6 =	simm.s32 $0x1BFF;
	s21 =	sshll.u32 s5, $0x1;
	s3 =	sadd.s32 s20, s19  }
0x9c: {  	s22 =	simm.s32 $0x0;
	s4 =	sshll.u32 s4, $0x1;
	s5 =	sadd.s32 s21, s3  }
0x9d: {  	[timem:s22], [sflag:s6] =	dma.local [hbm:s5], s4  }
0x9e: {  	_ =	swait.ge [sflag:s6], s4  }
0x9f: {  	s4 =	ssub.s32 $0x0, s4;
	[sflag:s6] =	ssyncset.done $0x0  }
0xa0: {  	[sflag:s6] =	ssyncadd.s32 s4;
	_ =	sdelay $0x1  }
0xa1: {  	s23 =	simm.s32 $0x1B8B  }
0xa2: {  	_ =	swait.ge [sflag:s23], $0x1  }
0xa3: {  	[sflag:s23] =	ssyncset.done $0x0  }
0xa4: {  	[sflag:s23] =	ssyncadd.s32 $0xFFFFFFFF  }
0xa5: {  	s4 =	sld [smem:$0x0]  }
0xa6: {  	s5 =	sand.u32 $0xFFFFFFFE, s1  }
0xa7: {  	p0 =	sne.s32 s1, s5  }
0xa8: {  	s5 =	sshll.u32 @p0 s5, $0xE  }
0xa9: {  	s5 =	sadd.s32 @p0 $0x11B8D, s5;
	s6 =	sshll.u32 @p0 s4, $0x11  }
0xaa: {  	s5 =	sor.u32 @p0 s6, s5  }
0xab: {  	[sflag:s5] =	ssyncadd.remote.s32 @p0 $0x1;
	_ =	sdelay $0x1  }
0xac: {  	s5 =	simm.s32 @p0 $0x1B8D  }
0xad: {  	_ =	swait.eq @p0 [sflag:s5], $0x1  }
0xae: {  	[sflag:s5] =	ssyncadd.s32 @p0 $0xFFFFFFFF  }
0xaf: {  	s6 =	sshll.u32 @!p0 s1, $0xE  }
0xb0: {  	s6 =	sor.u32 @!p0 $0x4000, s6;
	s5 =	simm.s32 @!p0 $0x1B8D  }
0xb1: {  	s4 =	sshll.u32 @!p0 s4, $0x11;
	s6 =	sadd.s32 @!p0 $0x11B8D, s6;
	_ =	swait.eq @!p0 [sflag:s5], $0x1  }
0xb2: {  	s4 =	sor.u32 @!p0 s4, s6;
	[sflag:s5] =	ssyncadd.s32 @!p0 $0xFFFFFFFF  }
0xb3: {  	s25 =	simm.s32 $0x1B8E;
	s24 =	sld [smem:$0x3FFE];
	[sflag:s4] =	ssyncadd.remote.s32 @!p0 $0x1  }
0xb4: {  	s26 =	simm.s32 $execute0_lowered;
	[smem:$0x3FD2] =	sst s25  }
0xb5: {  	s5 =	sshll.u32 s26, $0x1;
	_ =	strace $0x8000004F;
	[dreg:$0x1] =	wrdreg $0xFFFFFFFF  }
0xb6: {  	s28 =	simm.s32 $_size_execute0_lowered;
	s3 =	sadd.s32 s3, s5;
	[dreg:$0x0] =	wrdreg $0x0  }
0xb7: {  	s5 =	sshll.u32 s28, $0x1;
	[dreg:$0x2] =	wrdreg s3  }
0xb8: {  	[dreg:$0x3] =	wrdreg s5  }
0xb9: {  	[dreg:$0x4] =	wrdreg $0xC0  }
0xba: {  	_ =	task [dreg:s22], $0x5FFFF  }
0xbb: {  	[dreg:$0x1] =	wrdreg $0xFFFFFFFF  }
0xbc: {  	[dreg:$0x0] =	wrdreg $0x60  }
0xbd: {  	[dreg:$0x2] =	wrdreg s24  }
0xbe: {  	[dreg:$0x3] =	wrdreg $0xC  }
0xbf: {  	_ =	task.clear_ibuf [dreg:s22], $0x4FFFF;
	_ =	strace $0x9000004F  }
0xc0: {  	s29 =	simm.s32 $0xC;
	_ =	strace $0x80000051  }
0xc1: {  	_ =	swait.ge [sflag:s29], $0x1  }
0xc2: {  	[sflag:s29] =	ssyncadd.s32 $0xFFFFFFFF  }
0xc3: {  	_ =	strace $0x90000051  }
0xc4: {  	_ =	sfence  }
0xc5: {  	s30 =	sld [smem:$0x0];
	_ =	sdelay $0x2  }
0xc6: {  	s31 =	sshll.u32 s1, $0xD;
	s1 =	sshrl.u32 s1, $0x2  }
0xc7: {  	s4 =	sand.u32 $0x4000, s31;
	s1 =	sadd.s32 s1, s30  }
0xc8: {  	s0 =	sor.u32 s4, s0;
	s1 =	sshll.u32 s1, $0x11  }
0xc9: {  	s0 =	sor.u32 s1, s0  }
0xca: {  	s0 =	sadd.s32 $0x8F2B, s0  }
0xcb: {  	[sflag:s0] =	ssyncadd.remote.s32 $0x1  }
0xcc: {  	_ =	sfence.sel $0xFFFF  }
0xcd: {  	[dreg:$0x0] =	wrdreg $0xFFFFFFFF;
	(pc) =	sbr.abs _section_cstart, $3  }
0xce: {  	[dreg:$0x1] =	wrdreg $0xFFFFFFFF  }
0xcf: {  	_ =	task.clear_ibuf [dreg:s22], $0x2FFFF;
	_ =	strace $0x9FFFFFFF  }
0xd0: {  	(tm) =	ssettm $0x7FFFFFFF  }
0xd1: {  	_ =	shalt  }
tec
execute0_lowered:
.L_overlay_start_1:
0x0: {  	(tag) =	ssettag $0x1  }
0x1: {  	s3 =	rddreg [dreg:$0x0]  }
0x2: {  	s0 =	rddreg [dreg:$0x1];
	s1 =	simm.s32 $0x0  }
0x3: {  	s4 =	srdreg.scid;
	s2 =	stileid.u32;
	s11 =	simm.s32 $0x80  }
0x4: {  	s12 =	simm.s32 $0x400;
	s13 =	simm.s32 $0x3;
	s14 =	simm.s32 $0x2  }
0x5: {  	s15 =	simm.s32 $0x0;
	[smem:$0x7FF] =	sst s1;
	s5 =	sadd.s32 $0x1E9000, s3  }
0x6: {  	s4 =	sand.u32 $0x1, s4;
	s7 =	sshll.u32 s2, $0x2;
	s8 =	sadd.s32 $0x209000, s3  }
0x7: {  	s9 =	sshll.u32 s2, $0xA;
	s6 =	ssub.s32 $0x2, s4;
	s4 =	sshll.u32 s4, $0x1  }
0x8: {  	_ =	strace $0x80000050;
	s26 =	sshrl.u32 s6, $0x1;
	s4 =	sor.u32 s4, s7  }
0x9: {  	s9 =	sand.u32 $0x3800, s9;
	s28 =	ssub.s32 s6, s26;
	s30 =	sor.u32 $0x1, s4  }
0xa: {  	s29 =	sshll.u32 s4, $0xB;
	s4 =	sshll.u32 s4, $0x7;
	s10 =	sshll.u32 s30, $0x7  }
0xb: {  	s4 =	sand.u32 $0x300, s4;
	s3 =	sadd.s32 s5, s29;
	s6 =	sshll.u32 s30, $0xB  }
0xc: {  	s7 =	smax.u32 s28, $0x1;
	s10 =	sand.u32 $0x380, s10;
	s4 =	sor.u32 s9, s4  }
0xd: {  	s9 =	sor.u32 s9, s10;
	s31 =	sshrl.u32 s4, $0x3;
	s4 =	sadd.s32 s5, s6  }
0xe: {  	s10 =	simm.s32 $0x8000;
	s9 =	sshrl.u32 s9, $0x3;
	s5 =	sadd.s32 s8, s31  }
0xf: {  	v0 =	vimm.f32 $0.0e+00;
	v1 =	vlaneseq.u32;
	s6 =	sadd.s32 s8, s9;
	s8 =	simm.s32 $0x4000;
	s9 =	simm.s32 $0x1  }
.LBB2_1:
0x10: {  	[tilespmem:s1], [sflag:$0x1] =	stream.linear.gather [hbm4b:s3+s1], $0x4000, $0x38;
	[tilespmem:$0x8100] =	vst v63  }
0x11: {  	_ = 	snop  }
0x12: {  	[tilespmem:s8], [sflag:$0x2] =	stream.linear.gather [hbm4b:s4+s1], $0x4000, $0x38;
	[tilespmem:$0x8100] =	vst v63  }
0x13: {  	_ =	swait.ge [sflag:s9], $0x4000  }
0x14: {  	[sflag:s9] =	ssyncset.done $0x0  }
0x15: {  	[sflag:s9] =	ssyncadd.s32 $0xFFFFC000  }
0x16: {  	[tilespmem:$0x8000] =	vst v0  }
0x17: {  	[tilespmem:$0x8010] =	vst v0  }
0x18: {  	[tilespmem:$0x8020] =	vst v0  }
0x19: {  	[tilespmem:$0x8030] =	vst v0  }
0x1a: {  	[tilespmem:$0x8040] =	vst v0  }
0x1b: {  	[tilespmem:$0x8050] =	vst v0  }
0x1c: {  	[tilespmem:$0x8060] =	vst v0  }
0x1d: {  	[tilespmem:$0x8070] =	vst v0  }
0x1e: {  	s16 =	simm.s32 $0x0;
	[tilespmem:$0x8080] =	vst v0  }
0x1f: {  	v2 =	vld [tilespmem:s16+$0x10]  }
0x20: {  	v3 =	vld [tilespmem:s16+$0x0]  }
0x21: {  	v4 =	vld [tilespmem:s16+$0x20]  }
0x22: {  	v5 =	vld [tilespmem:s16+$0x30]  }
0x23: {  	v6 =	vld [tilespmem:s16+$0x40]  }
0x24: {  	v10 =	vld [tilespmem:s16+$0x50]  }
0x25: {  	v17 =	vld [tilespmem:s16+$0x80]  }
0x26: {  	v19 =	vld [tilespmem:s16+$0x90]  }
0x27: {  	v26 =	vld [tilespmem:s16+$0xB0]  }
0x28: {  	v7 =	vshll.u32 v3, $0x4;
	v8 =	vshll.u32 v2, $0x4;
	v9 =	vshra.s32 v2, $0x4  }
0x29: {  	v11 =	vshra.s32 v4, $0x4;
	v12 =	vshll.u32 v4, $0x4;
	v3 =	vshra.s32 v3, $0x4  }
0x2a: {  	v14 =	vshll.u32 v5, $0x4;
	v15 =	vshll.u32 v6, $0x4;
	v5 =	vshra.s32 v5, $0x4  }
0x2b: {  	v18 =	vshll.u32 v10, $0x4;
	v6 =	vshra.s32 v6, $0x4;
	v24 =	vshll.u32 v17, $0x4  }
0x2c: {  	v2 =	vld [tilespmem:s16+$0xD0];
	v61 =	vshll.u32 v19, $0x4;
	v17 =	vshra.s32 v17, $0x4;
	v63 =	vshll.u32 v26, $0x4  }
0x2d: {  	v4 =	vld [tilespmem:s16+$0xC0];
	v7 =	vor.u32 v1, v7;
	v8 =	vor.u32 v1, v8;
	v12 =	vor.u32 v1, v12  }
0x2e: {  	v15 =	vor.u32 v1, v15;
	v9 =	vcvt.s32.f32 v9;
	v13 =	vand.u32 $0xFF, v8;
	v8 =	vld [tilespmem:s16+$0x60]  }
0x2f: {  	v14 =	vor.u32 v1, v14;
	v11 =	vcvt.s32.f32 v11;
	v16 =	vand.u32 $0xFF, v7;
	v7 =	vld [tilespmem:s16+$0x70]  }
0x30: {  	v18 =	vor.u32 v1, v18;
	v21 =	vcvt.s32.f32 v5;
	v5 =	vshra.s32 v10, $0x4  }
0x31: {  	v22 =	vcvt.s32.f32 v6;
	v29 =	vcvt.s32.f32 v3;
	v12 =	vand.u32 $0xFF, v12  }
0x32: {  	v23 =	vld [tilespmem:s16+$0xA0];
	v15 =	vand.u32 $0xFF, v15;
	v18 =	vand.u32 $0xFF, v18;
	v14 =	vand.u32 $0xFF, v14  }
0x33: {  	v25 =	vcvt.s32.f32 v5;
	v20 =	vshll.u32 v2, $0x4;
	v6 =	vshll.u32 v4, $0x4  }
0x34: {  	v5 =	vld [tilespmem:s16+$0xF0];
	v6 =	vor.u32 v1, v6;
	v10 =	vshra.s32 v8, $0x4;
	v27 =	vshll.u32 v7, $0x4  }
0x35: {  	v3 =	vld [tilespmem:s16+$0xE0];
	v8 =	vshll.u32 v8, $0x4;
	v28 =	vcvt.s32.f32 v10;
	v10 =	vor.u32 v1, v27  }
0x36: {  	v30 =	vshra.s32 v7, $0x4;
	[tilespmem:v16+s10+$0x0] =	vst.idx.add.f32.msk $0xffff, v29;
	v7 =	vand.u32 $0xFF, v10;
	v10 =	vor.u32 v1, v8  }
0x37: {  	v16 =	vshll.u32 v23, $0x4;
	v27 =	vor.u32 v1, v61;
	[tilespmem:v13+s10+$0x0] =	vst.idx.add.f32.msk $0xffff, v9;
	v62 =	vand.u32 $0xFF, v10  }
0x38: {  	v9 =	vcvt.s32.f32 v17;
	v13 =	vor.u32 v1, v16;
	v16 =	vshra.s32 v26, $0x4;
	[tilespmem:v12+s10+$0x0] =	vst.idx.add.f32.msk $0xffff, v11  }
0x39: {  	v17 =	vor.u32 v1, v20;
	v8 =	vcvt.s32.f32 v30;
	v11 =	vshll.u32 v5, $0x4;
	[tilespmem:v14+s10+$0x0] =	vst.idx.add.f32.msk $0xffff, v21  }
0x3a: {  	v12 =	vand.u32 $0xFF, v27;
	v13 =	vand.u32 $0xFF, v13;
	v14 =	vor.u32 v1, v24;
	[tilespmem:v15+s10+$0x0] =	vst.idx.add.f32.msk $0xffff, v22  }
0x3b: {  	v10 =	vshra.s32 v19, $0x4;
	v19 =	vshra.s32 v23, $0x4;
	v15 =	vand.u32 $0xFF, v14;
	[tilespmem:v18+s10+$0x0] =	vst.idx.add.f32.msk $0xffff, v25  }
0x3c: {  	s16 =	simm.s32 $0x400;
	v10 =	vcvt.s32.f32 v10;
	v14 =	vcvt.s32.f32 v19;
	v18 =	vor.u32 v1, v63;
	[tilespmem:v62+s10+$0x0] =	vst.idx.add.f32.msk $0xffff, v28  }
.LBB2_2:
0x3d: {  	p0 =	sne.s32 s16, $0xFC00;
	v19 =	vshll.u32 v3, $0x4;
	v4 =	vshra.s32 v4, $0x4;
	v18 =	vand.u32 $0xFF, v18;
	s17 =	smov.u32 s16;
	s16 =	sadd.s32 $0x400, s16  }
0x3e: {  	v6 =	vand.u32 $0xFF, v6;
	v17 =	vand.u32 $0xFF, v17;
	v19 =	vor.u32 v1, v19  }
0x3f: {  	v16 =	vcvt.s32.f32 v16;
	v2 =	vshra.s32 v2, $0x4;
	v5 =	vshra.s32 v5, $0x4;
	[tilespmem:v7+s10+$0x0] =	vst.idx.add.f32.msk $0xffff, v8  }
0x40: {  	v3 =	vshra.s32 v3, $0x4;
	v7 =	vor.u32 v1, v11;
	v8 =	vand.u32 $0xFF, v19;
	[tilespmem:v15+s10+$0x0] =	vst.idx.add.f32.msk $0xffff, v9  }
0x41: {  	v4 =	vcvt.s32.f32 v4;
	v7 =	vand.u32 $0xFF, v7;
	[tilespmem:v12+s10+$0x0] =	vst.idx.add.f32.msk $0xffff, v10  }
0x42: {  	v2 =	vcvt.s32.f32 v2;
	[tilespmem:v13+s10+$0x0] =	vst.idx.add.f32.msk $0xffff, v14  }
0x43: {  	[tilespmem:v18+s10+$0x0] =	vst.idx.add.f32.msk $0xffff, v16  }
0x44: {  	v3 =	vcvt.s32.f32 v3;
	[tilespmem:v6+s10+$0x0] =	vst.idx.add.f32.msk $0xffff, v4  }
0x45: {  	v4 =	vcvt.s32.f32 v5;
	[tilespmem:v17+s10+$0x0] =	vst.idx.add.f32.msk $0xffff, v2  }
0x46: {  	[tilespmem:v8+s10+$0x0] =	vst.idx.add.f32.msk $0xffff, v3  }
0x47: {  	s17 =	sshra.s32 s17, $0x2;
	[tilespmem:v7+s10+$0x0] =	vst.idx.add.f32.msk $0xffff, v4  }
0x48: {  	v2 =	vld [tilespmem:s17+$0x10]  }
0x49: {  	v4 =	vld [tilespmem:s17+$0x0]  }
0x4a: {  	v5 =	vld [tilespmem:s17+$0x20]  }
0x4b: {  	v6 =	vld [tilespmem:s17+$0x30]  }
0x4c: {  	v7 =	vld [tilespmem:s17+$0x40]  }
0x4d: {  	v8 =	vld [tilespmem:s17+$0x50]  }
0x4e: {  	v10 =	vshll.u32 v2, $0x4;
	v11 =	vshra.s32 v2, $0x4;
	v3 =	vld [tilespmem:s17+$0xE0];
	v9 =	vshll.u32 v4, $0x4  }
0x4f: {  	v10 =	vor.u32 v1, v10;
	v12 =	vld [tilespmem:s17+$0x60];
	v9 =	vor.u32 v1, v9;
	v13 =	vshra.s32 v5, $0x4  }
0x50: {  	v14 =	vshra.s32 v4, $0x4;
	v5 =	vshll.u32 v5, $0x4;
	v10 =	vand.u32 $0xFF, v10;
	v2 =	vld [tilespmem:s17+$0xD0]  }
0x51: {  	v15 =	vshll.u32 v6, $0x4;
	v6 =	vshra.s32 v6, $0x4;
	v4 =	vld [tilespmem:s17+$0xC0];
	v16 =	vshll.u32 v7, $0x4  }
0x52: {  	v5 =	vor.u32 v1, v5;
	v9 =	vand.u32 $0xFF, v9;
	v17 =	vld [tilespmem:s17+$0x70];
	v16 =	vor.u32 v1, v16  }
0x53: {  	v11 =	vcvt.s32.f32 v11;
	v19 =	vand.u32 $0xFF, v5;
	v18 =	vld [tilespmem:s17+$0x80];
	v16 =	vand.u32 $0xFF, v16  }
0x54: {  	v13 =	vcvt.s32.f32 v13;
	v5 =	vor.u32 v1, v15;
	v15 =	vshll.u32 v8, $0x4;
	v20 =	vld [tilespmem:s17+$0xB0]  }
0x55: {  	v7 =	vshra.s32 v7, $0x4;
	v15 =	vor.u32 v1, v15;
	v21 =	vld [tilespmem:s17+$0x90];
	v22 =	vshll.u32 v2, $0x4  }
0x56: {  	v24 =	vcvt.s32.f32 v6;
	v6 =	vshra.s32 v8, $0x4;
	v15 =	vand.u32 $0xFF, v15;
	v23 =	vld [tilespmem:s17+$0xA0]  }
0x57: {  	v25 =	vcvt.s32.f32 v7;
	v26 =	vand.u32 $0xFF, v5;
	v7 =	vshra.s32 v12, $0x4  }
0x58: {  	v28 =	vcvt.s32.f32 v6;
	v5 =	vshll.u32 v4, $0x4;
	v27 =	vshll.u32 v18, $0x4  }
0x59: {  	v29 =	vcvt.s32.f32 v7;
	v8 =	vshll.u32 v17, $0x4;
	v6 =	vor.u32 v1, v5  }
0x5a: {  	v14 =	vcvt.s32.f32 v14;
	v7 =	vor.u32 v1, v8;
	v5 =	vld [tilespmem:s17+$0xF0];
	v8 =	vshll.u32 v21, $0x4  }
0x5b: {  	v12 =	vshll.u32 v12, $0x4;
	v17 =	vshra.s32 v17, $0x4;
	v7 =	vand.u32 $0xFF, v7  }
0x5c: {  	v12 =	vor.u32 v1, v12;
	v30 =	vor.u32 v1, v8;
	v8 =	vcvt.s32.f32 v17;
	[tilespmem:v9+s10+$0x0] =	vst.idx.add.f32.msk $0xffff, v14  }
0x5d: {  	v31 =	vand.u32 $0xFF, v12;
	v14 =	vshll.u32 v23, $0x4;
	v9 =	vshra.s32 v18, $0x4;
	[tilespmem:v10+s10+$0x0] =	vst.idx.add.f32.msk $0xffff, v11  }
.Ltmp0:
0x5e: {  	v17 =	vshll.u32 v20, $0x4;
	v9 =	vcvt.s32.f32 v9;
	v10 =	vshra.s32 v21, $0x4;
	[tilespmem:v19+s10+$0x0] =	vst.idx.add.f32.msk $0xffff, v13;
	(pc) =	sbr.rel @p0 .LBB2_2-.Ltmp0, $4  }
0x5f: {  	v13 =	vor.u32 v1, v14;
	v10 =	vcvt.s32.f32 v10;
	v11 =	vshll.u32 v5, $0x4;
	[tilespmem:v26+s10+$0x0] =	vst.idx.add.f32.msk $0xffff, v24  }
0x60: {  	v12 =	vand.u32 $0xFF, v30;
	v14 =	vor.u32 v1, v27;
	v19 =	vshra.s32 v23, $0x4;
	[tilespmem:v16+s10+$0x0] =	vst.idx.add.f32.msk $0xffff, v25  }
0x61: {  	v13 =	vand.u32 $0xFF, v13;
	v16 =	vshra.s32 v20, $0x4;
	[tilespmem:v15+s10+$0x0] =	vst.idx.add.f32.msk $0xffff, v28;
	v15 =	vand.u32 $0xFF, v14  }
0x62: {  	v18 =	vor.u32 v1, v17;
	v17 =	vor.u32 v1, v22;
	v14 =	vcvt.s32.f32 v19;
	[tilespmem:v31+s10+$0x0] =	vst.idx.add.f32.msk $0xffff, v29  }
0x63: {  	_ =	sdelay $0x2  }
0x64: {  	v18 =	vand.u32 $0xFF, v18  }
0x65: {  	v19 =	vshll.u32 v3, $0x4;
	v6 =	vand.u32 $0xFF, v6;
	[tilespmem:v7+s10+$0x0] =	vst.idx.add.f32.msk $0xffff, v8  }
0x66: {  	v4 =	vshra.s32 v4, $0x4;
	v8 =	vand.u32 $0xFF, v17;
	v7 =	vor.u32 v1, v19;
	[tilespmem:v15+s10+$0x0] =	vst.idx.add.f32.msk $0xffff, v9  }
0x67: {  	v11 =	vor.u32 v1, v11;
	v9 =	vcvt.s32.f32 v16;
	v7 =	vand.u32 $0xFF, v7;
	[tilespmem:v12+s10+$0x0] =	vst.idx.add.f32.msk $0xffff, v10  }
0x68: {  	v2 =	vshra.s32 v2, $0x4;
	v4 =	vcvt.s32.f32 v4;
	v10 =	vand.u32 $0xFF, v11;
	[tilespmem:v13+s10+$0x0] =	vst.idx.add.f32.msk $0xffff, v14  }
0x69: {  	v3 =	vshra.s32 v3, $0x4;
	v2 =	vcvt.s32.f32 v2;
	[tilespmem:v18+s10+$0x0] =	vst.idx.add.f32.msk $0xffff, v9  }
0x6a: {  	v5 =	vshra.s32 v5, $0x4;
	v3 =	vcvt.s32.f32 v3;
	[tilespmem:v6+s10+$0x0] =	vst.idx.add.f32.msk $0xffff, v4  }
0x6b: {  	v4 =	vcvt.s32.f32 v5;
	[tilespmem:v8+s10+$0x0] =	vst.idx.add.f32.msk $0xffff, v2  }
0x6c: {  	[tilespmem:v7+s10+$0x0] =	vst.idx.add.f32.msk $0xffff, v3  }
0x6d: {  	[tilespmem:v10+s10+$0x0] =	vst.idx.add.f32.msk $0xffff, v4  }
0x6e: {  	[hbm4b:s5+s11] =	stream.strided.scatter [tilespmem:s10], [sflag:$0x3], $0x100, s12, s11, $0x38;
	[tilespmem:$0x8100] =	vst v63  }
0x6f: {  	_ =	swait.ge [sflag:s13], $0x100  }
0x70: {  	[sflag:s13] =	ssyncset.done $0x0  }
0x71: {  	[sflag:s13] =	ssyncadd.s32 $0xFFFFFF00  }
0x72: {  	_ =	swait.ge [sflag:s14], $0x4000  }
0x73: {  	[sflag:s14] =	ssyncset.done $0x0  }
0x74: {  	[sflag:s14] =	ssyncadd.s32 $0xFFFFC000  }
0x75: {  	[tilespmem:$0x8000] =	vst v0  }
0x76: {  	[tilespmem:$0x8010] =	vst v0  }
0x77: {  	[tilespmem:$0x8020] =	vst v0  }
0x78: {  	[tilespmem:$0x8030] =	vst v0  }
0x79: {  	[tilespmem:$0x8040] =	vst v0  }
0x7a: {  	[tilespmem:$0x8050] =	vst v0  }
0x7b: {  	[tilespmem:$0x8060] =	vst v0  }
0x7c: {  	[tilespmem:$0x8070] =	vst v0  }
0x7d: {  	s16 =	simm.s32 $0x0;
	[tilespmem:$0x8080] =	vst v0  }
0x7e: {  	v2 =	vld [tilespmem:s16+$0x4010]  }
0x7f: {  	v3 =	vld [tilespmem:s16+$0x4000]  }
0x80: {  	v4 =	vld [tilespmem:s16+$0x4020]  }
0x81: {  	v5 =	vld [tilespmem:s16+$0x4030]  }
0x82: {  	v6 =	vld [tilespmem:s16+$0x4040]  }
0x83: {  	v10 =	vld [tilespmem:s16+$0x4050]  }
0x84: {  	v17 =	vld [tilespmem:s16+$0x4080]  }
0x85: {  	v19 =	vld [tilespmem:s16+$0x4090]  }
0x86: {  	v26 =	vld [tilespmem:s16+$0x40B0]  }
0x87: {  	v7 =	vshll.u32 v3, $0x4;
	v8 =	vshll.u32 v2, $0x4;
	v9 =	vshra.s32 v2, $0x4  }
0x88: {  	v11 =	vshra.s32 v4, $0x4;
	v12 =	vshll.u32 v4, $0x4;
	v3 =	vshra.s32 v3, $0x4  }
0x89: {  	v14 =	vshll.u32 v5, $0x4;
	v15 =	vshll.u32 v6, $0x4;
	v5 =	vshra.s32 v5, $0x4  }
0x8a: {  	v18 =	vshll.u32 v10, $0x4;
	v6 =	vshra.s32 v6, $0x4;
	v24 =	vshll.u32 v17, $0x4  }
0x8b: {  	v2 =	vld [tilespmem:s16+$0x40D0];
	v61 =	vshll.u32 v19, $0x4;
	v17 =	vshra.s32 v17, $0x4;
	v63 =	vshll.u32 v26, $0x4  }
0x8c: {  	v4 =	vld [tilespmem:s16+$0x40C0];
	v7 =	vor.u32 v1, v7;
	v8 =	vor.u32 v1, v8;
	v12 =	vor.u32 v1, v12  }
0x8d: {  	v15 =	vor.u32 v1, v15;
	v9 =	vcvt.s32.f32 v9;
	v13 =	vand.u32 $0xFF, v8;
	v8 =	vld [tilespmem:s16+$0x4060]  }
0x8e: {  	v14 =	vor.u32 v1, v14;
	v11 =	vcvt.s32.f32 v11;
	v16 =	vand.u32 $0xFF, v7;
	v7 =	vld [tilespmem:s16+$0x4070]  }
0x8f: {  	v18 =	vor.u32 v1, v18;
	v21 =	vcvt.s32.f32 v5;
	v5 =	vshra.s32 v10, $0x4  }
0x90: {  	v22 =	vcvt.s32.f32 v6;
	v29 =	vcvt.s32.f32 v3;
	v12 =	vand.u32 $0xFF, v12  }
0x91: {  	v23 =	vld [tilespmem:s16+$0x40A0];
	v15 =	vand.u32 $0xFF, v15;
	v18 =	vand.u32 $0xFF, v18;
	v14 =	vand.u32 $0xFF, v14  }
0x92: {  	v25 =	vcvt.s32.f32 v5;
	v20 =	vshll.u32 v2, $0x4;
	v6 =	vshll.u32 v4, $0x4  }
0x93: {  	v5 =	vld [tilespmem:s16+$0x40F0];
	v6 =	vor.u32 v1, v6;
	v10 =	vshra.s32 v8, $0x4;
	v27 =	vshll.u32 v7, $0x4  }
0x94: {  	v3 =	vld [tilespmem:s16+$0x40E0];
	v8 =	vshll.u32 v8, $0x4;
	v28 =	vcvt.s32.f32 v10;
	v10 =	vor.u32 v1, v27  }
0x95: {  	v30 =	vshra.s32 v7, $0x4;
	[tilespmem:v16+s10+$0x0] =	vst.idx.add.f32.msk $0xffff, v29;
	v7 =	vand.u32 $0xFF, v10;
	v10 =	vor.u32 v1, v8  }
0x96: {  	v16 =	vshll.u32 v23, $0x4;
	v27 =	vor.u32 v1, v61;
	[tilespmem:v13+s10+$0x0] =	vst.idx.add.f32.msk $0xffff, v9;
	v62 =	vand.u32 $0xFF, v10  }
0x97: {  	v9 =	vcvt.s32.f32 v17;
	v13 =	vor.u32 v1, v16;
	v16 =	vshra.s32 v26, $0x4;
	[tilespmem:v12+s10+$0x0] =	vst.idx.add.f32.msk $0xffff, v11  }
0x98: {  	v17 =	vor.u32 v1, v20;
	v8 =	vcvt.s32.f32 v30;
	v11 =	vshll.u32 v5, $0x4;
	[tilespmem:v14+s10+$0x0] =	vst.idx.add.f32.msk $0xffff, v21  }
0x99: {  	v12 =	vand.u32 $0xFF, v27;
	v13 =	vand.u32 $0xFF, v13;
	v14 =	vor.u32 v1, v24;
	[tilespmem:v15+s10+$0x0] =	vst.idx.add.f32.msk $0xffff, v22  }
0x9a: {  	v10 =	vshra.s32 v19, $0x4;
	v19 =	vshra.s32 v23, $0x4;
	v15 =	vand.u32 $0xFF, v14;
	[tilespmem:v18+s10+$0x0] =	vst.idx.add.f32.msk $0xffff, v25  }
0x9b: {  	s16 =	simm.s32 $0x400;
	v10 =	vcvt.s32.f32 v10;
	v14 =	vcvt.s32.f32 v19;
	v18 =	vor.u32 v1, v63;
	[tilespmem:v62+s10+$0x0] =	vst.idx.add.f32.msk $0xffff, v28  }
.LBB2_4:
0x9c: {  	p0 =	sne.s32 s16, $0xFC00;
	v19 =	vshll.u32 v3, $0x4;
	v4 =	vshra.s32 v4, $0x4;
	v18 =	vand.u32 $0xFF, v18;
	s17 =	smov.u32 s16;
	s16 =	sadd.s32 $0x400, s16  }
0x9d: {  	v6 =	vand.u32 $0xFF, v6;
	v17 =	vand.u32 $0xFF, v17;
	v19 =	vor.u32 v1, v19  }
0x9e: {  	v16 =	vcvt.s32.f32 v16;
	v2 =	vshra.s32 v2, $0x4;
	v5 =	vshra.s32 v5, $0x4;
	[tilespmem:v7+s10+$0x0] =	vst.idx.add.f32.msk $0xffff, v8  }
0x9f: {  	v3 =	vshra.s32 v3, $0x4;
	v7 =	vor.u32 v1, v11;
	v8 =	vand.u32 $0xFF, v19;
	[tilespmem:v15+s10+$0x0] =	vst.idx.add.f32.msk $0xffff, v9  }
0xa0: {  	v4 =	vcvt.s32.f32 v4;
	v7 =	vand.u32 $0xFF, v7;
	[tilespmem:v12+s10+$0x0] =	vst.idx.add.f32.msk $0xffff, v10  }
0xa1: {  	v2 =	vcvt.s32.f32 v2;
	[tilespmem:v13+s10+$0x0] =	vst.idx.add.f32.msk $0xffff, v14  }
0xa2: {  	[tilespmem:v18+s10+$0x0] =	vst.idx.add.f32.msk $0xffff, v16  }
0xa3: {  	v3 =	vcvt.s32.f32 v3;
	[tilespmem:v6+s10+$0x0] =	vst.idx.add.f32.msk $0xffff, v4  }
0xa4: {  	v4 =	vcvt.s32.f32 v5;
	[tilespmem:v17+s10+$0x0] =	vst.idx.add.f32.msk $0xffff, v2  }
0xa5: {  	[tilespmem:v8+s10+$0x0] =	vst.idx.add.f32.msk $0xffff, v3  }
0xa6: {  	s17 =	sshra.s32 s17, $0x2;
	[tilespmem:v7+s10+$0x0] =	vst.idx.add.f32.msk $0xffff, v4  }
0xa7: {  	v2 =	vld [tilespmem:s17+$0x4010]  }
0xa8: {  	v4 =	vld [tilespmem:s17+$0x4000]  }
0xa9: {  	v5 =	vld [tilespmem:s17+$0x4020]  }
0xaa: {  	v6 =	vld [tilespmem:s17+$0x4030]  }
0xab: {  	v7 =	vld [tilespmem:s17+$0x4040]  }
0xac: {  	v8 =	vld [tilespmem:s17+$0x4050]  }
0xad: {  	v10 =	vshll.u32 v2, $0x4;
	v11 =	vshra.s32 v2, $0x4;
	v3 =	vld [tilespmem:s17+$0x40E0];
	v9 =	vshll.u32 v4, $0x4  }
0xae: {  	v10 =	vor.u32 v1, v10;
	v12 =	vld [tilespmem:s17+$0x4060];
	v9 =	vor.u32 v1, v9;
	v13 =	vshra.s32 v5, $0x4  }
0xaf: {  	v14 =	vshra.s32 v4, $0x4;
	v5 =	vshll.u32 v5, $0x4;
	v10 =	vand.u32 $0xFF, v10;
	v2 =	vld [tilespmem:s17+$0x40D0]  }
0xb0: {  	v15 =	vshll.u32 v6, $0x4;
	v6 =	vshra.s32 v6, $0x4;
	v4 =	vld [tilespmem:s17+$0x40C0];
	v16 =	vshll.u32 v7, $0x4  }
0xb1: {  	v5 =	vor.u32 v1, v5;
	v9 =	vand.u32 $0xFF, v9;
	v17 =	vld [tilespmem:s17+$0x4070];
	v16 =	vor.u32 v1, v16  }
0xb2: {  	v11 =	vcvt.s32.f32 v11;
	v19 =	vand.u32 $0xFF, v5;
	v18 =	vld [tilespmem:s17+$0x4080];
	v16 =	vand.u32 $0xFF, v16  }
0xb3: {  	v13 =	vcvt.s32.f32 v13;
	v5 =	vor.u32 v1, v15;
	v15 =	vshll.u32 v8, $0x4;
	v20 =	vld [tilespmem:s17+$0x40B0]  }
0xb4: {  	v7 =	vshra.s32 v7, $0x4;
	v15 =	vor.u32 v1, v15;
	v21 =	vld [tilespmem:s17+$0x4090];
	v22 =	vshll.u32 v2, $0x4  }
0xb5: {  	v24 =	vcvt.s32.f32 v6;
	v6 =	vshra.s32 v8, $0x4;
	v15 =	vand.u32 $0xFF, v15;
	v23 =	vld [tilespmem:s17+$0x40A0]  }
0xb6: {  	v25 =	vcvt.s32.f32 v7;
	v26 =	vand.u32 $0xFF, v5;
	v7 =	vshra.s32 v12, $0x4  }
0xb7: {  	v28 =	vcvt.s32.f32 v6;
	v5 =	vshll.u32 v4, $0x4;
	v27 =	vshll.u32 v18, $0x4  }
0xb8: {  	v29 =	vcvt.s32.f32 v7;
	v8 =	vshll.u32 v17, $0x4;
	v6 =	vor.u32 v1, v5  }
0xb9: {  	v14 =	vcvt.s32.f32 v14;
	v7 =	vor.u32 v1, v8;
	v5 =	vld [tilespmem:s17+$0x40F0];
	v8 =	vshll.u32 v21, $0x4  }
0xba: {  	v12 =	vshll.u32 v12, $0x4;
	v17 =	vshra.s32 v17, $0x4;
	v7 =	vand.u32 $0xFF, v7  }
0xbb: {  	v12 =	vor.u32 v1, v12;
	v30 =	vor.u32 v1, v8;
	v8 =	vcvt.s32.f32 v17;
	[tilespmem:v9+s10+$0x0] =	vst.idx.add.f32.msk $0xffff, v14  }
0xbc: {  	v31 =	vand.u32 $0xFF, v12;
	v14 =	vshll.u32 v23, $0x4;
	v9 =	vshra.s32 v18, $0x4;
	[tilespmem:v10+s10+$0x0] =	vst.idx.add.f32.msk $0xffff, v11  }
.Ltmp1:
0xbd: {  	v17 =	vshll.u32 v20, $0x4;
	v9 =	vcvt.s32.f32 v9;
	v10 =	vshra.s32 v21, $0x4;
	[tilespmem:v19+s10+$0x0] =	vst.idx.add.f32.msk $0xffff, v13;
	(pc) =	sbr.rel @p0 .LBB2_4-.Ltmp1, $4  }
0xbe: {  	v13 =	vor.u32 v1, v14;
	v10 =	vcvt.s32.f32 v10;
	v11 =	vshll.u32 v5, $0x4;
	[tilespmem:v26+s10+$0x0] =	vst.idx.add.f32.msk $0xffff, v24  }
0xbf: {  	v12 =	vand.u32 $0xFF, v30;
	v14 =	vor.u32 v1, v27;
	v19 =	vshra.s32 v23, $0x4;
	[tilespmem:v16+s10+$0x0] =	vst.idx.add.f32.msk $0xffff, v25  }
0xc0: {  	v13 =	vand.u32 $0xFF, v13;
	v16 =	vshra.s32 v20, $0x4;
	[tilespmem:v15+s10+$0x0] =	vst.idx.add.f32.msk $0xffff, v28;
	v15 =	vand.u32 $0xFF, v14  }
0xc1: {  	v18 =	vor.u32 v1, v17;
	v17 =	vor.u32 v1, v22;
	v14 =	vcvt.s32.f32 v19;
	[tilespmem:v31+s10+$0x0] =	vst.idx.add.f32.msk $0xffff, v29  }
0xc2: {  	_ =	sdelay $0x2  }
0xc3: {  	v18 =	vand.u32 $0xFF, v18  }
0xc4: {  	v19 =	vshll.u32 v3, $0x4;
	v6 =	vand.u32 $0xFF, v6;
	[tilespmem:v7+s10+$0x0] =	vst.idx.add.f32.msk $0xffff, v8  }
0xc5: {  	v4 =	vshra.s32 v4, $0x4;
	v60 =	vand.u32 $0xFF, v17;
	v59 =	vor.u32 v1, v19;
	[tilespmem:v15+s10+$0x0] =	vst.idx.add.f32.msk $0xffff, v9  }
0xc6: {  	v61 =	vcvt.s32.f32 v16;
	v11 =	vor.u32 v1, v11;
	v7 =	vand.u32 $0xFF, v59;
	[tilespmem:v12+s10+$0x0] =	vst.idx.add.f32.msk $0xffff, v10  }
0xc7: {  	v2 =	vshra.s32 v2, $0x4;
	v4 =	vcvt.s32.f32 v4;
	v62 =	vand.u32 $0xFF, v11;
	[tilespmem:v13+s10+$0x0] =	vst.idx.add.f32.msk $0xffff, v14  }
0xc8: {  	v3 =	vshra.s32 v3, $0x4;
	v2 =	vcvt.s32.f32 v2;
	[tilespmem:v18+s10+$0x0] =	vst.idx.add.f32.msk $0xffff, v61  }
0xc9: {  	v5 =	vshra.s32 v5, $0x4;
	v3 =	vcvt.s32.f32 v3;
	[tilespmem:v6+s10+$0x0] =	vst.idx.add.f32.msk $0xffff, v4  }
0xca: {  	s15 =	sadd.s32 $0x1, s15;
	v63 =	vcvt.s32.f32 v5;
	[tilespmem:v60+s10+$0x0] =	vst.idx.add.f32.msk $0xffff, v2  }
0xcb: {  	p0 =	sne.s32 s15, s7;
	[tilespmem:v7+s10+$0x0] =	vst.idx.add.f32.msk $0xffff, v3  }
.Ltmp2:
0xcc: {  	[tilespmem:v62+s10+$0x0] =	vst.idx.add.f32.msk $0xffff, v63;
	(pc) =	sbr.rel @p0 .LBB2_1-.Ltmp2, $4  }
0xcd: {  	[hbm4b:s6+s11] =	stream.strided.scatter [tilespmem:s10], [sflag:$0x3], $0x100, s12, s11, $0x38;
	[tilespmem:$0x8100] =	vst v63  }
0xce: {  	_ =	swait.ge [sflag:s13], $0x100  }
0xcf: {  	[sflag:s13] =	ssyncset.done $0x0  }
0xd0: {  	[sflag:s13] =	ssyncadd.s32 $0xFFFFFF00  }
0xd1: {  	_ =	sfence.sel $0x180000  }
0xd2: {  	[bflag:$0x0] =	sbarrier.arrive $0xFFFF  }
0xd3: {  	p0 =	sne.s32 s2, $0x0;
	_ =	strace $0x90000050  }
0xd4: {  	s0 =	sadd.s32 @!p0 $0x100000, s0;
	[bflag:$0x2] =	sbarrier.arrive $0xFFFF  }
0xd5: {  	[sflag:s0] =	ssyncadd.tile.s32 @!p0 $0x1;
	_ =	shalt  }
.Lfunc_end2:
_tile_overlayer_lowered:
.L_overlay_start_2:
0xd6: {  	(tag) =	ssettag $0x2  }
0xd7: {  	s0 =	rddreg [dreg:$0x0];
	s2 =	stileid.u32  }
0xd8: {  	s1 =	rddreg [dreg:$0x1];
	p0 =	sne.s32 s2, $0x0  }
0xd9: {  	s3 =	rddreg [dreg:$0x2];
	[bflag:$0x3] =	sbarrier.arrive $0xFFFF;
	s2 =	simm.s32 @!p0 $0x1C03  }
0xda: {  	[timem:s3], [sflag:s2] =	dma.local @!p0 [hbm:s0], s1  }
0xdb: {  	s0 =	simm.s32 @!p0 $0x3  }
0xdc: {  	_ =	swait.ge @!p0 [sflag:s0], s1  }
0xdd: {  	s1 =	ssub.s32 @!p0 $0x0, s1;
	[sflag:s0] =	ssyncset.done @!p0 $0x0  }
0xde: {  	[sflag:s0] =	ssyncadd.s32 @!p0 s1  }
0xdf: {  	[bflag:$0x3] =	sbarrier.arrive $0xFFFF  }
0xe0: {  	_ =	shalt  }

</sc_bundles>
